<compile_context>
chip_gen: v7x
topology: tpu7x:2x2x1
jax: 0.10.2.dev20260603
libtpu: 0.0.44.dev20260713+nightly
codegen_flags: <defaults>
</compile_context>

<pallas_src>
import functools

import jax
import jax.numpy as jnp
from jax import lax
from jax.experimental import pallas as pl
from jax.experimental.pallas import tpu as pltpu
from jax.experimental.pallas import tpu_sc as plsc

N = 16 * 512 * 512
K_HARD = int(N * 0.3)
NC, NS, L = 2, 16, 16
NW = NC * NS
CHUNK = N // NW
BLK = 16384
NB1 = 256
NB2 = 1024

_MESH = plsc.VectorSubcoreMesh(core_axis_name="c", subcore_axis_name="s")


def _loss_body(x_ref, t_ref, o_ref):
    x = x_ref[...]
    t = t_ref[...]
    o_ref[...] = jnp.maximum(x, 0.0) - x * t + jnp.log1p(jnp.exp(-jnp.abs(x)))


_loss_call = pl.pallas_call(
    _loss_body,
    out_shape=jax.ShapeDtypeStruct((4096, 1024), jnp.float32),
    grid=(8,),
    in_specs=[pl.BlockSpec((512, 1024), lambda i: (i, 0)),
              pl.BlockSpec((512, 1024), lambda i: (i, 0))],
    out_specs=pl.BlockSpec((512, 1024), lambda i: (i, 0)),
)


UNROLL = 8
NBLK = CHUNK // BLK


@functools.partial(
    pl.kernel,
    out_type=jax.ShapeDtypeStruct((NW, L * NB1), jnp.float32),
    mesh=_MESH,
    scratch_types=[pltpu.VMEM((BLK,), jnp.float32),
                   pltpu.VMEM((BLK,), jnp.float32),
                   pltpu.VMEM((L * NB1,), jnp.float32),
                   pltpu.SemaphoreType.DMA,
                   pltpu.SemaphoreType.DMA],
    compiler_params=pltpu.CompilerParams(needs_layout_passes=False),
)
def _sc_hist1(loss_hbm, out_hbm, buf0, buf1, hist, sem0, sem1):
    wid = lax.axis_index("s") * NC + lax.axis_index("c")
    lane_base = lax.broadcasted_iota(jnp.int32, (L,), 0) * NB1
    ones = jnp.ones((L,), jnp.float32)
    bufs, sems = (buf0, buf1), (sem0, sem1)

    def zero_body(i, _):
        for u in range(UNROLL):
            hist[pl.ds((i * UNROLL + u) * L, L)] = jnp.zeros((L,), jnp.float32)
        return 0
    lax.fori_loop(0, NB1 // UNROLL, zero_body, 0)

    base = wid * CHUNK

    def start(b):
        return pltpu.async_copy(loss_hbm.at[pl.ds(base + b * BLK, BLK)],
                                bufs[b % 2], sems[b % 2])

    descs = {0: start(0)}
    for b in range(NBLK):
        if b + 1 < NBLK:
            descs[(b + 1) % 2] = start(b + 1)
        descs[b % 2].wait()
        buf = bufs[b % 2]

        def vec_body(i, _, buf=buf):
            for u in range(UNROLL):
                v = buf[pl.ds((i * UNROLL + u) * L, L)]
                bits = plsc.bitcast(v, jnp.int32)
                b1 = lax.shift_right_logical(bits, 24)
                plsc.addupdate_scatter(hist, [lane_base + b1], ones)
            return 0
        lax.fori_loop(0, BLK // L // UNROLL, vec_body, 0)

    pltpu.sync_copy(hist, out_hbm.at[wid])


def _sel1_body(cnt_ref, o_ref):
    c = jnp.sum(cnt_ref[...], axis=0, keepdims=True)
    row = lax.broadcasted_iota(jnp.int32, (NB1, NB1), 0)
    col = lax.broadcasted_iota(jnp.int32, (NB1, NB1), 1)
    cnt_gt = jnp.sum(jnp.where(col > row, c, 0.0), axis=1, keepdims=True)
    riota = lax.broadcasted_iota(jnp.int32, (NB1, 1), 0)
    kf = jnp.float32(K_HARD)
    p = jnp.min(jnp.where(cnt_gt < kf, riota, jnp.int32(NB1)))
    j = kf - jnp.sum(jnp.where(riota == p, cnt_gt, 0.0))
    ocol = lax.broadcasted_iota(jnp.int32, (1, 128), 1)
    o_ref[...] = jnp.where(ocol == 0, p.astype(jnp.float32),
                           jnp.where(ocol == 1, j, 0.0))


_sel1_call = pl.pallas_call(
    _sel1_body,
    out_shape=jax.ShapeDtypeStruct((1, 128), jnp.float32),
)


@functools.partial(
    pl.kernel,
    out_type=(jax.ShapeDtypeStruct((NW, L * NB2), jnp.float32),
              jax.ShapeDtypeStruct((NW, L * NB2), jnp.float32),
              jax.ShapeDtypeStruct((NW, L), jnp.float32)),
    mesh=_MESH,
    scratch_types=[pltpu.VMEM((BLK,), jnp.float32),
                   pltpu.VMEM((BLK,), jnp.float32),
                   pltpu.VMEM((L * NB2,), jnp.float32),
                   pltpu.VMEM((L * NB2,), jnp.float32),
                   pltpu.VMEM((L,), jnp.int32),
                   pltpu.VMEM((L,), jnp.float32),
                   pltpu.SemaphoreType.DMA,
                   pltpu.SemaphoreType.DMA],
    compiler_params=pltpu.CompilerParams(needs_layout_passes=False),
)
def _sc_hist2(loss_hbm, p_hbm, cnt_hbm, sm_hbm, sgt_hbm,
              buf0, buf1, hcnt, hsm, pv, accv, sem0, sem1):
    wid = lax.axis_index("s") * NC + lax.axis_index("c")
    lane_base = lax.broadcasted_iota(jnp.int32, (L,), 0) * NB2
    ones = jnp.ones((L,), jnp.float32)
    bufs, sems = (buf0, buf1), (sem0, sem1)

    def zero_body(i, _):
        for u in range(UNROLL):
            z = jnp.zeros((L,), jnp.float32)
            hcnt[pl.ds((i * UNROLL + u) * L, L)] = z
            hsm[pl.ds((i * UNROLL + u) * L, L)] = z
        return 0
    lax.fori_loop(0, NB2 // UNROLL, zero_body, 0)

    pltpu.sync_copy(p_hbm, pv)
    p = pv[...]
    base = wid * CHUNK

    def start(b):
        return pltpu.async_copy(loss_hbm.at[pl.ds(base + b * BLK, BLK)],
                                bufs[b % 2], sems[b % 2])

    descs = {0: start(0)}
    acc = jnp.zeros((L,), jnp.float32)
    for b in range(NBLK):
        if b + 1 < NBLK:
            descs[(b + 1) % 2] = start(b + 1)
        descs[b % 2].wait()
        buf = bufs[b % 2]

        def vec_body(i, acc, buf=buf):
            for u in range(UNROLL):
                v = buf[pl.ds((i * UNROLL + u) * L, L)]
                bits = plsc.bitcast(v, jnp.int32)
                b1 = lax.shift_right_logical(bits, 24)
                acc = acc + jnp.where(b1 > p, v, 0.0)
                m_eq = b1 == p
                b2 = jnp.bitwise_and(lax.shift_right_logical(bits, 14),
                                     jnp.int32(NB2 - 1))
                idx = lane_base + b2
                plsc.addupdate_scatter(hcnt, [idx], ones, mask=m_eq)
                plsc.addupdate_scatter(hsm, [idx], v, mask=m_eq)
            return acc
        acc = lax.fori_loop(0, BLK // L // UNROLL, vec_body, acc)

    accv[...] = acc
    pltpu.sync_copy(hcnt, cnt_hbm.at[wid])
    pltpu.sync_copy(hsm, sm_hbm.at[wid])
    pltpu.sync_copy(accv, sgt_hbm.at[wid])


def _fin_body(cnt_ref, sm_ref, sgt_ref, pj_ref, o_ref):
    c2 = jnp.sum(cnt_ref[...], axis=0, keepdims=True)
    s2 = jnp.sum(sm_ref[...], axis=0, keepdims=True)
    s_gt = jnp.sum(sgt_ref[...])
    j = jnp.sum(jnp.where(lax.broadcasted_iota(jnp.int32, (1, 128), 1) == 1,
                          pj_ref[...], 0.0))
    row = lax.broadcasted_iota(jnp.int32, (NB2, NB2), 0)
    col = lax.broadcasted_iota(jnp.int32, (NB2, NB2), 1)
    m_gt = col > row
    cnt2_gt = jnp.sum(jnp.where(m_gt, c2, 0.0), axis=1, keepdims=True)
    sm2_gt = jnp.sum(jnp.where(m_gt, s2, 0.0), axis=1, keepdims=True)
    riota = lax.broadcasted_iota(jnp.int32, (NB2, 1), 0)
    q = jnp.min(jnp.where(cnt2_gt < j, riota, jnp.int32(NB2)))
    sel = riota == q
    j2 = j - jnp.sum(jnp.where(sel, cnt2_gt, 0.0))
    s_gt2 = jnp.sum(jnp.where(sel, sm2_gt, 0.0))
    biota = lax.broadcasted_iota(jnp.int32, (1, NB2), 1)
    cq = jnp.sum(jnp.where(biota == q, c2, 0.0))
    sq = jnp.sum(jnp.where(biota == q, s2, 0.0))
    mean_q = sq / jnp.maximum(cq, 1.0)
    total = s_gt + s_gt2 + j2 * mean_q
    ocol = lax.broadcasted_iota(jnp.int32, (1, 128), 1)
    o_ref[...] = jnp.where(ocol == 0, total / jnp.float32(K_HARD), 0.0)


_fin_call = pl.pallas_call(
    _fin_body,
    out_shape=jax.ShapeDtypeStruct((1, 128), jnp.float32),
)


def kernel(pred, target):
    x = pred.reshape(4096, 1024)
    t = target.reshape(4096, 1024)
    loss = _loss_call(x, t).reshape(N)

    hist1 = _sc_hist1(loss)
    pj = _sel1_call(hist1.reshape(NW * L, NB1))
    p_vec = jnp.broadcast_to(pj[0, 0].astype(jnp.int32), (L,))

    cnt2, sm2, sgt = _sc_hist2(loss, p_vec)
    out = _fin_call(cnt2.reshape(NW * L, NB2), sm2.reshape(NW * L, NB2),
                    sgt.reshape(NW, L), pj)
    return out[0, 0]

# --- scband reference (transcript-rebuilt; emitter-appended) ---
"""Pipeline reference for scband-ohemloss-3659312136383 (READ-ONLY COPY).

The authoritative reference and input builder live on the scoring server;
editing this copy changes nothing except your own understanding.
"""

import jax, jax.numpy as jnp
import numpy as np

TOP_K = 0.3

def setup_inputs(seed: int = 0) -> dict:
    key = jax.random.key(seed)
    k1, k2 = jax.random.split(key)
    pred = jax.random.normal(k1, (16, 1, 512, 512), dtype=jnp.float32)
    target = jax.random.uniform(k2, (16, 1, 512, 512), dtype=jnp.float32)
    return {"pred": pred, "target": target}

def _bce_with_logits(x, t):
    # numerically stable BCE-with-logits, elementwise (reduction='none')
    return jnp.maximum(x, 0.0) - x * t + jnp.log1p(jnp.exp(-jnp.abs(x)))

def reference(pred, target):
    pixel_losses = _bce_with_logits(pred, target)
    flat = pixel_losses.reshape(-1)
    num_pixels = flat.shape[0]
    num_hard = int(num_pixels * TOP_K)
    hard_losses, _ = jax.lax.top_k(flat, num_hard)
    return jnp.mean(hard_losses)

if __name__ == "__main__":
    import jax
    _d = setup_inputs()
    print(jax.jit(kernel)(*tuple(_d.values())))

</pallas_src>

<mosaic_0001>
#map = affine_map<(d0, d1) -> (0)>
#map1 = affine_map<(d0, d1) -> (0, 0)>
module attributes {stable_mosaic.version = 14 : i64} {
  func.func @_sc_hist2(%arg0: i32, %arg1: i32, %arg2: memref<4194304xf32, #tpu.memory_space<hbm>>, %arg3: memref<16xi32, #tpu.memory_space<hbm>>, %arg4: memref<32x16384xf32, #tpu.memory_space<hbm>>, %arg5: memref<32x16384xf32, #tpu.memory_space<hbm>>, %arg6: memref<32x16xf32, #tpu.memory_space<hbm>>, %arg7: memref<16384xf32, #tpu.memory_space<vmem>>, %arg8: memref<16384xf32, #tpu.memory_space<vmem>>, %arg9: memref<16384xf32, #tpu.memory_space<vmem>>, %arg10: memref<16384xf32, #tpu.memory_space<vmem>>, %arg11: memref<16xi32, #tpu.memory_space<vmem>>, %arg12: memref<16xf32, #tpu.memory_space<vmem>>, %arg13: memref<!tpu.dma_semaphore, #tpu.memory_space<semaphore_mem>>, %arg14: memref<!tpu.dma_semaphore, #tpu.memory_space<semaphore_mem>>) attributes {dimension_semantics = [#tpu.dimension_semantics<core_parallel>, #tpu.dimension_semantics<subcore_parallel>], iteration_bounds = array<i64: 2, 16>, scalar_prefetch = 0 : i64, scratch_operands = 8 : i64, tpu.core_type = #tpu.core_type<sc_vector_subcore>, window_params = [{transform_indices = #map}, {transform_indices = #map}, {transform_indices = #map1}, {transform_indices = #map1}, {transform_indices = #map1}]} {
    %mul3A = arith.constant 2 : i32
    %mul3A_0 = arith.muli %arg1, %mul3A : i32
    %add3A = arith.addi %mul3A_0, %arg0 : i32
    %iota3A = tpu.iota {dimensions = array<i32: 0>} : vector<16xi32>
    %mul3A_1 = arith.constant 1024 : i32
    %mul3A_2 = vector.broadcast %mul3A_1 : i32 to vector<16xi32>
    %mul3A_3 = arith.muli %iota3A, %mul3A_2 : vector<16xi32>
    %broadcast_in_dim3A = arith.constant 1.000000e+00 : f32
    %broadcast_in_dim3A_4 = vector.broadcast %broadcast_in_dim3A : f32 to vector<16xf32>
    %scan3A = arith.constant 0 : i32
    %scan3A_5 = arith.constant 0 : i32
    %scan3A_6 = arith.constant 128 : i32
    %scan3A_7 = arith.addi %scan3A_5, %scan3A_6 : i32
    %scan3A_8 = arith.constant 1 : i32
    %scan3A_9 = scf.for %scan3A_111 = %scan3A_5 to %scan3A_7 step %scan3A_8 iter_args(%scan3A_112 = %scan3A) -> (i32)  : i32 {
      %broadcast_in_dim3A_113 = arith.constant 0.000000e+00 : f32
      %broadcast_in_dim3A_114 = vector.broadcast %broadcast_in_dim3A_113 : f32 to vector<16xf32>
      %mul3A_115 = arith.constant 8 : i32
      %mul3A_116 = arith.muli %scan3A_111, %mul3A_115 : i32
      %add3A_117 = arith.constant 0 : i32
      %add3A_118 = arith.addi %mul3A_116, %add3A_117 : i32
      %mul3A_119 = arith.constant 16 : i32
      %mul3A_120 = arith.muli %add3A_118, %mul3A_119 : i32
      %swap3A_121 = arith.index_cast %mul3A_120 : i32 to index
      %swap3A_122 = tpu.vector_load %arg9[%swap3A_121] {strides = array<i32>} : memref<16384xf32, #tpu.memory_space<vmem>>, vector<16xf32>,
      tpu.vector_store %arg9[%swap3A_121], %broadcast_in_dim3A_114 {strides = array<i32>} : memref<16384xf32, #tpu.memory_space<vmem>>, vector<16xf32>,
      %mul3A_123 = arith.constant 8 : i32
      %mul3A_124 = arith.muli %scan3A_111, %mul3A_123 : i32
      %add3A_125 = arith.constant 0 : i32
      %add3A_126 = arith.addi %mul3A_124, %add3A_125 : i32
      %mul3A_127 = arith.constant 16 : i32
      %mul3A_128 = arith.muli %add3A_126, %mul3A_127 : i32
      %swap3A_129 = arith.index_cast %mul3A_128 : i32 to index
      %swap3A_130 = tpu.vector_load %arg10[%swap3A_129] {strides = array<i32>} : memref<16384xf32, #tpu.memory_space<vmem>>, vector<16xf32>,
      tpu.vector_store %arg10[%swap3A_129], %broadcast_in_dim3A_114 {strides = array<i32>} : memref<16384xf32, #tpu.memory_space<vmem>>, vector<16xf32>,
      %broadcast_in_dim3A_131 = arith.constant 0.000000e+00 : f32
      %broadcast_in_dim3A_132 = vector.broadcast %broadcast_in_dim3A_131 : f32 to vector<16xf32>
      %mul3A_133 = arith.constant 8 : i32
      %mul3A_134 = arith.muli %scan3A_111, %mul3A_133 : i32
      %add3A_135 = arith.constant 1 : i32
      %add3A_136 = arith.addi %mul3A_134, %add3A_135 : i32
      %mul3A_137 = arith.constant 16 : i32
      %mul3A_138 = arith.muli %add3A_136, %mul3A_137 : i32
      %swap3A_139 = arith.index_cast %mul3A_138 : i32 to index
      %swap3A_140 = tpu.vector_load %arg9[%swap3A_139] {strides = array<i32>} : memref<16384xf32, #tpu.memory_space<vmem>>, vector<16xf32>,
      tpu.vector_store %arg9[%swap3A_139], %broadcast_in_dim3A_132 {strides = array<i32>} : memref<16384xf32, #tpu.memory_space<vmem>>, vector<16xf32>,
      %mul3A_141 = arith.constant 8 : i32
      %mul3A_142 = arith.muli %scan3A_111, %mul3A_141 : i32
      %add3A_143 = arith.constant 1 : i32
      %add3A_144 = arith.addi %mul3A_142, %add3A_143 : i32
      %mul3A_145 = arith.constant 16 : i32
      %mul3A_146 = arith.muli %add3A_144, %mul3A_145 : i32
      %swap3A_147 = arith.index_cast %mul3A_146 : i32 to index
      %swap3A_148 = tpu.vector_load %arg10[%swap3A_147] {strides = array<i32>} : memref<16384xf32, #tpu.memory_space<vmem>>, vector<16xf32>,
      tpu.vector_store %arg10[%swap3A_147], %broadcast_in_dim3A_132 {strides = array<i32>} : memref<16384xf32, #tpu.memory_space<vmem>>, vector<16xf32>,
      %broadcast_in_dim3A_149 = arith.constant 0.000000e+00 : f32
      %broadcast_in_dim3A_150 = vector.broadcast %broadcast_in_dim3A_149 : f32 to vector<16xf32>
      %mul3A_151 = arith.constant 8 : i32
      %mul3A_152 = arith.muli %scan3A_111, %mul3A_151 : i32
      %add3A_153 = arith.constant 2 : i32
      %add3A_154 = arith.addi %mul3A_152, %add3A_153 : i32
      %mul3A_155 = arith.constant 16 : i32
      %mul3A_156 = arith.muli %add3A_154, %mul3A_155 : i32
      %swap3A_157 = arith.index_cast %mul3A_156 : i32 to index
      %swap3A_158 = tpu.vector_load %arg9[%swap3A_157] {strides = array<i32>} : memref<16384xf32, #tpu.memory_space<vmem>>, vector<16xf32>,
      tpu.vector_store %arg9[%swap3A_157], %broadcast_in_dim3A_150 {strides = array<i32>} : memref<16384xf32, #tpu.memory_space<vmem>>, vector<16xf32>,
      %mul3A_159 = arith.constant 8 : i32
      %mul3A_160 = arith.muli %scan3A_111, %mul3A_159 : i32
      %add3A_161 = arith.constant 2 : i32
      %add3A_162 = arith.addi %mul3A_160, %add3A_161 : i32
      %mul3A_163 = arith.constant 16 : i32
      %mul3A_164 = arith.muli %add3A_162, %mul3A_163 : i32
      %swap3A_165 = arith.index_cast %mul3A_164 : i32 to index
      %swap3A_166 = tpu.vector_load %arg10[%swap3A_165] {strides = array<i32>} : memref<16384xf32, #tpu.memory_space<vmem>>, vector<16xf32>,
      tpu.vector_store %arg10[%swap3A_165], %broadcast_in_dim3A_150 {strides = array<i32>} : memref<16384xf32, #tpu.memory_space<vmem>>, vector<16xf32>,
      %broadcast_in_dim3A_167 = arith.constant 0.000000e+00 : f32
      %broadcast_in_dim3A_168 = vector.broadcast %broadcast_in_dim3A_167 : f32 to vector<16xf32>
      %mul3A_169 = arith.constant 8 : i32
      %mul3A_170 = arith.muli %scan3A_111, %mul3A_169 : i32
      %add3A_171 = arith.constant 3 : i32
      %add3A_172 = arith.addi %mul3A_170, %add3A_171 : i32
      %mul3A_173 = arith.constant 16 : i32
      %mul3A_174 = arith.muli %add3A_172, %mul3A_173 : i32
      %swap3A_175 = arith.index_cast %mul3A_174 : i32 to index
      %swap3A_176 = tpu.vector_load %arg9[%swap3A_175] {strides = array<i32>} : memref<16384xf32, #tpu.memory_space<vmem>>, vector<16xf32>,
      tpu.vector_store %arg9[%swap3A_175], %broadcast_in_dim3A_168 {strides = array<i32>} : memref<16384xf32, #tpu.memory_space<vmem>>, vector<16xf32>,
      %mul3A_177 = arith.constant 8 : i32
      %mul3A_178 = arith.muli %scan3A_111, %mul3A_177 : i32
      %add3A_179 = arith.constant 3 : i32
      %add3A_180 = arith.addi %mul3A_178, %add3A_179 : i32
      %mul3A_181 = arith.constant 16 : i32
      %mul3A_182 = arith.muli %add3A_180, %mul3A_181 : i32
      %swap3A_183 = arith.index_cast %mul3A_182 : i32 to index
      %swap3A_184 = tpu.vector_load %arg10[%swap3A_183] {strides = array<i32>} : memref<16384xf32, #tpu.memory_space<vmem>>, vector<16xf32>,
      tpu.vector_store %arg10[%swap3A_183], %broadcast_in_dim3A_168 {strides = array<i32>} : memref<16384xf32, #tpu.memory_space<vmem>>, vector<16xf32>,
      %broadcast_in_dim3A_185 = arith.constant 0.000000e+00 : f32
      %broadcast_in_dim3A_186 = vector.broadcast %broadcast_in_dim3A_185 : f32 to vector<16xf32>
      %mul3A_187 = arith.constant 8 : i32
      %mul3A_188 = arith.muli %scan3A_111, %mul3A_187 : i32
      %add3A_189 = arith.constant 4 : i32
      %add3A_190 = arith.addi %mul3A_188, %add3A_189 : i32
      %mul3A_191 = arith.constant 16 : i32
      %mul3A_192 = arith.muli %add3A_190, %mul3A_191 : i32
      %swap3A_193 = arith.index_cast %mul3A_192 : i32 to index
      %swap3A_194 = tpu.vector_load %arg9[%swap3A_193] {strides = array<i32>} : memref<16384xf32, #tpu.memory_space<vmem>>, vector<16xf32>,
      tpu.vector_store %arg9[%swap3A_193], %broadcast_in_dim3A_186 {strides = array<i32>} : memref<16384xf32, #tpu.memory_space<vmem>>, vector<16xf32>,
      %mul3A_195 = arith.constant 8 : i32
      %mul3A_196 = arith.muli %scan3A_111, %mul3A_195 : i32
      %add3A_197 = arith.constant 4 : i32
      %add3A_198 = arith.addi %mul3A_196, %add3A_197 : i32
      %mul3A_199 = arith.constant 16 : i32
      %mul3A_200 = arith.muli %add3A_198, %mul3A_199 : i32
      %swap3A_201 = arith.index_cast %mul3A_200 : i32 to index
      %swap3A_202 = tpu.vector_load %arg10[%swap3A_201] {strides = array<i32>} : memref<16384xf32, #tpu.memory_space<vmem>>, vector<16xf32>,
      tpu.vector_store %arg10[%swap3A_201], %broadcast_in_dim3A_186 {strides = array<i32>} : memref<16384xf32, #tpu.memory_space<vmem>>, vector<16xf32>,
      %broadcast_in_dim3A_203 = arith.constant 0.000000e+00 : f32
      %broadcast_in_dim3A_204 = vector.broadcast %broadcast_in_dim3A_203 : f32 to vector<16xf32>
      %mul3A_205 = arith.constant 8 : i32
      %mul3A_206 = arith.muli %scan3A_111, %mul3A_205 : i32
      %add3A_207 = arith.constant 5 : i32
      %add3A_208 = arith.addi %mul3A_206, %add3A_207 : i32
      %mul3A_209 = arith.constant 16 : i32
      %mul3A_210 = arith.muli %add3A_208, %mul3A_209 : i32
      %swap3A_211 = arith.index_cast %mul3A_210 : i32 to index
      %swap3A_212 = tpu.vector_load %arg9[%swap3A_211] {strides = array<i32>} : memref<16384xf32, #tpu.memory_space<vmem>>, vector<16xf32>,
      tpu.vector_store %arg9[%swap3A_211], %broadcast_in_dim3A_204 {strides = array<i32>} : memref<16384xf32, #tpu.memory_space<vmem>>, vector<16xf32>,
      %mul3A_213 = arith.constant 8 : i32
      %mul3A_214 = arith.muli %scan3A_111, %mul3A_213 : i32
      %add3A_215 = arith.constant 5 : i32
      %add3A_216 = arith.addi %mul3A_214, %add3A_215 : i32
      %mul3A_217 = arith.constant 16 : i32
      %mul3A_218 = arith.muli %add3A_216, %mul3A_217 : i32
      %swap3A_219 = arith.index_cast %mul3A_218 : i32 to index
      %swap3A_220 = tpu.vector_load %arg10[%swap3A_219] {strides = array<i32>} : memref<16384xf32, #tpu.memory_space<vmem>>, vector<16xf32>,
      tpu.vector_store %arg10[%swap3A_219], %broadcast_in_dim3A_204 {strides = array<i32>} : memref<16384xf32, #tpu.memory_space<vmem>>, vector<16xf32>,
      %broadcast_in_dim3A_221 = arith.constant 0.000000e+00 : f32
      %broadcast_in_dim3A_222 = vector.broadcast %broadcast_in_dim3A_221 : f32 to vector<16xf32>
      %mul3A_223 = arith.constant 8 : i32
      %mul3A_224 = arith.muli %scan3A_111, %mul3A_223 : i32
      %add3A_225 = arith.constant 6 : i32
      %add3A_226 = arith.addi %mul3A_224, %add3A_225 : i32
      %mul3A_227 = arith.constant 16 : i32
      %mul3A_228 = arith.muli %add3A_226, %mul3A_227 : i32
      %swap3A_229 = arith.index_cast %mul3A_228 : i32 to index
      %swap3A_230 = tpu.vector_load %arg9[%swap3A_229] {strides = array<i32>} : memref<16384xf32, #tpu.memory_space<vmem>>, vector<16xf32>,
      tpu.vector_store %arg9[%swap3A_229], %broadcast_in_dim3A_222 {strides = array<i32>} : memref<16384xf32, #tpu.memory_space<vmem>>, vector<16xf32>,
      %mul3A_231 = arith.constant 8 : i32
      %mul3A_232 = arith.muli %scan3A_111, %mul3A_231 : i32
      %add3A_233 = arith.constant 6 : i32
      %add3A_234 = arith.addi %mul3A_232, %add3A_233 : i32
      %mul3A_235 = arith.constant 16 : i32
      %mul3A_236 = arith.muli %add3A_234, %mul3A_235 : i32
      %swap3A_237 = arith.index_cast %mul3A_236 : i32 to index
      %swap3A_238 = tpu.vector_load %arg10[%swap3A_237] {strides = array<i32>} : memref<16384xf32, #tpu.memory_space<vmem>>, vector<16xf32>,
      tpu.vector_store %arg10[%swap3A_237], %broadcast_in_dim3A_222 {strides = array<i32>} : memref<16384xf32, #tpu.memory_space<vmem>>, vector<16xf32>,
      %broadcast_in_dim3A_239 = arith.constant 0.000000e+00 : f32
      %broadcast_in_dim3A_240 = vector.broadcast %broadcast_in_dim3A_239 : f32 to vector<16xf32>
      %mul3A_241 = arith.constant 8 : i32
      %mul3A_242 = arith.muli %scan3A_111, %mul3A_241 : i32
      %add3A_243 = arith.constant 7 : i32
      %add3A_244 = arith.addi %mul3A_242, %add3A_243 : i32
      %mul3A_245 = arith.constant 16 : i32
      %mul3A_246 = arith.muli %add3A_244, %mul3A_245 : i32
      %swap3A_247 = arith.index_cast %mul3A_246 : i32 to index
      %swap3A_248 = tpu.vector_load %arg9[%swap3A_247] {strides = array<i32>} : memref<16384xf32, #tpu.memory_space<vmem>>, vector<16xf32>,
      tpu.vector_store %arg9[%swap3A_247], %broadcast_in_dim3A_240 {strides = array<i32>} : memref<16384xf32, #tpu.memory_space<vmem>>, vector<16xf32>,
      %mul3A_249 = arith.constant 8 : i32
      %mul3A_250 = arith.muli %scan3A_111, %mul3A_249 : i32
      %add3A_251 = arith.constant 7 : i32
      %add3A_252 = arith.addi %mul3A_250, %add3A_251 : i32
      %mul3A_253 = arith.constant 16 : i32
      %mul3A_254 = arith.muli %add3A_252, %mul3A_253 : i32
      %swap3A_255 = arith.index_cast %mul3A_254 : i32 to index
      %swap3A_256 = tpu.vector_load %arg10[%swap3A_255] {strides = array<i32>} : memref<16384xf32, #tpu.memory_space<vmem>>, vector<16xf32>,
      tpu.vector_store %arg10[%swap3A_255], %broadcast_in_dim3A_240 {strides = array<i32>} : memref<16384xf32, #tpu.memory_space<vmem>>, vector<16xf32>,
      %scan3A_257 = arith.constant 0 : i32
      scf.yield %scan3A_257 : i32
    }
    %scan3A_10 = arith.constant 128 : i32
    "tpu.region"() ({
      %run_scoped3A = tpu.sem_alloc : memref<!tpu.dma_semaphore, #tpu.memory_space<semaphore_mem>>
      tpu.enqueue_dma source(%arg3 : memref<16xi32, #tpu.memory_space<hbm>>) target(%arg11 : memref<16xi32, #tpu.memory_space<vmem>>) target_semaphore(%run_scoped3A : memref<!tpu.dma_semaphore, #tpu.memory_space<semaphore_mem>>)
      tpu.wait_dma2 semaphore(%run_scoped3A : memref<!tpu.dma_semaphore, #tpu.memory_space<semaphore_mem>>) src(%arg3 : memref<16xi32, #tpu.memory_space<hbm>>) dst(%arg11 : memref<16xi32, #tpu.memory_space<vmem>>)
      tpu.yield
    }) : () -> ()
    %get3A = arith.constant 0 : index
    %get3A_11 = tpu.vector_load %arg11[%get3A] {strides = array<i32>} : memref<16xi32, #tpu.memory_space<vmem>>, vector<16xi32>,
    %mul3A_12 = arith.constant 131072 : i32
    %mul3A_13 = arith.muli %add3A, %mul3A_12 : i32
    %add3A_14 = arith.constant 0 : i32
    %add3A_15 = arith.addi %mul3A_13, %add3A_14 : i32
    %dma_start3A = tpu.memref_slice %arg2[%add3A_15] : memref<4194304xf32, #tpu.memory_space<hbm>> -> memref<16384xf32, #tpu.memory_space<hbm>>
    %dma_start3A_16 = tpu.memref_slice %arg2[%add3A_15] : memref<4194304xf32, #tpu.memory_space<hbm>> -> memref<16384xf32, #tpu.memory_space<hbm>>
    tpu.enqueue_dma source(%dma_start3A_16 : memref<16384xf32, #tpu.memory_space<hbm>>) target(%arg7 : memref<16384xf32, #tpu.memory_space<vmem>>) target_semaphore(%arg13 : memref<!tpu.dma_semaphore, #tpu.memory_space<semaphore_mem>>)
    %broadcast_in_dim3A_17 = arith.constant 0.000000e+00 : f32
    %broadcast_in_dim3A_18 = vector.broadcast %broadcast_in_dim3A_17 : f32 to vector<16xf32>
    %add3A_19 = arith.constant 16384 : i32
    %add3A_20 = arith.addi %mul3A_13, %add3A_19 : i32
    %dma_start3A_21 = tpu.memref_slice %arg2[%add3A_20] : memref<4194304xf32, #tpu.memory_space<hbm>> -> memref<16384xf32, #tpu.memory_space<hbm>>
    %dma_start3A_22 = tpu.memref_slice %arg2[%add3A_20] : memref<4194304xf32, #tpu.memory_space<hbm>> -> memref<16384xf32, #tpu.memory_space<hbm>>
    tpu.enqueue_dma source(%dma_start3A_22 : memref<16384xf32, #tpu.memory_space<hbm>>) target(%arg8 : memref<16384xf32, #tpu.memory_space<vmem>>) target_semaphore(%arg14 : memref<!tpu.dma_semaphore, #tpu.memory_space<semaphore_mem>>)
    %dma_wait3A = tpu.memref_slice %arg2[%add3A_15] : memref<4194304xf32, #tpu.memory_space<hbm>> -> memref<16384xf32, #tpu.memory_space<hbm>>
    %dma_wait3A_23 = tpu.memref_slice %arg2[%add3A_15] : memref<4194304xf32, #tpu.memory_space<hbm>> -> memref<16384xf32, #tpu.memory_space<hbm>>
    tpu.wait_dma2 semaphore(%arg13 : memref<!tpu.dma_semaphore, #tpu.memory_space<semaphore_mem>>) src(%dma_wait3A_23 : memref<16384xf32, #tpu.memory_space<hbm>>) dst(%arg7 : memref<16384xf32, #tpu.memory_space<vmem>>)
    %scan3A_24 = arith.constant 0 : i32
    %scan3A_25 = arith.constant 128 : i32
    %scan3A_26 = arith.addi %scan3A_24, %scan3A_25 : i32
    %scan3A_27 = arith.constant 1 : i32
    %scan3A_28 = scf.for %scan3A_111 = %scan3A_24 to %scan3A_26 step %scan3A_27 iter_args(%scan3A_112 = %broadcast_in_dim3A_18) -> (vector<16xf32>)  : i32 {
      %mul3A_113 = arith.constant 8 : i32
      %mul3A_114 = arith.muli %scan3A_111, %mul3A_113 : i32
      %add3A_115 = arith.constant 0 : i32
      %add3A_116 = arith.addi %mul3A_114, %add3A_115 : i32
      %mul3A_117 = arith.constant 16 : i32
      %mul3A_118 = arith.muli %add3A_116, %mul3A_117 : i32
      %get3A_119 = arith.index_cast %mul3A_118 : i32 to index
      %get3A_120 = tpu.vector_load %arg7[%get3A_119] {strides = array<i32>} : memref<16384xf32, #tpu.memory_space<vmem>>, vector<16xf32>,
      %bitcast3A = vector.bitcast %get3A_120 : vector<16xf32> to vector<16xi32>
      %shift_right_logical3A = arith.constant 24 : i32
      %shift_right_logical3A_121 = vector.broadcast %shift_right_logical3A : i32 to vector<16xi32>
      %shift_right_logical3A_122 = arith.shrui %bitcast3A, %shift_right_logical3A_121 : vector<16xi32>
      %gt3A = arith.cmpi sgt, %shift_right_logical3A_122, %get3A_11 : vector<16xi32>
      %jit3A = arith.constant 0.000000e+00 : f32
      %broadcast_in_dim3A_123 = vector.broadcast %jit3A : f32 to vector<16xf32>
      %select_n3A = arith.select %gt3A, %get3A_120, %broadcast_in_dim3A_123 : vector<16xi1>, vector<16xf32>
      %add3A_124 = arith.addf %scan3A_112, %select_n3A : vector<16xf32>
      %eq3A = arith.cmpi eq, %shift_right_logical3A_122, %get3A_11 : vector<16xi32>
      %shift_right_logical3A_125 = arith.constant 14 : i32
      %shift_right_logical3A_126 = vector.broadcast %shift_right_logical3A_125 : i32 to vector<16xi32>
      %shift_right_logical3A_127 = arith.shrui %bitcast3A, %shift_right_logical3A_126 : vector<16xi32>
      %and3A = arith.constant 1023 : i32
      %and3A_128 = vector.broadcast %and3A : i32 to vector<16xi32>
      %and3A_129 = arith.andi %shift_right_logical3A_127, %and3A_128 : vector<16xi32>
      %add3A_130 = arith.addi %mul3A_3, %and3A_129 : vector<16xi32>
      tpu.vector_store_idx %arg9[%add3A_130], %broadcast_in_dim3A_4 masked %eq3A {add = true} : memref<16384xf32, #tpu.memory_space<vmem>>[vector<16xi32>], vector<16xf32>, vector<16xi1>
      tpu.vector_store_idx %arg10[%add3A_130], %get3A_120 masked %eq3A {add = true} : memref<16384xf32, #tpu.memory_space<vmem>>[vector<16xi32>], vector<16xf32>, vector<16xi1>
      %mul3A_131 = arith.constant 8 : i32
      %mul3A_132 = arith.muli %scan3A_111, %mul3A_131 : i32
      %add3A_133 = arith.constant 1 : i32
      %add3A_134 = arith.addi %mul3A_132, %add3A_133 : i32
      %mul3A_135 = arith.constant 16 : i32
      %mul3A_136 = arith.muli %add3A_134, %mul3A_135 : i32
      %get3A_137 = arith.index_cast %mul3A_136 : i32 to index
      %get3A_138 = tpu.vector_load %arg7[%get3A_137] {strides = array<i32>} : memref<16384xf32, #tpu.memory_space<vmem>>, vector<16xf32>,
      %bitcast3A_139 = vector.bitcast %get3A_138 : vector<16xf32> to vector<16xi32>
      %shift_right_logical3A_140 = arith.constant 24 : i32
      %shift_right_logical3A_141 = vector.broadcast %shift_right_logical3A_140 : i32 to vector<16xi32>
      %shift_right_logical3A_142 = arith.shrui %bitcast3A_139, %shift_right_logical3A_141 : vector<16xi32>
      %gt3A_143 = arith.cmpi sgt, %shift_right_logical3A_142, %get3A_11 : vector<16xi32>
      %jit3A_144 = arith.constant 0.000000e+00 : f32
      %broadcast_in_dim3A_145 = vector.broadcast %jit3A_144 : f32 to vector<16xf32>
      %select_n3A_146 = arith.select %gt3A_143, %get3A_138, %broadcast_in_dim3A_145 : vector<16xi1>, vector<16xf32>
      %add3A_147 = arith.addf %add3A_124, %select_n3A_146 : vector<16xf32>
      %eq3A_148 = arith.cmpi eq, %shift_right_logical3A_142, %get3A_11 : vector<16xi32>
      %shift_right_logical3A_149 = arith.constant 14 : i32
      %shift_right_logical3A_150 = vector.broadcast %shift_right_logical3A_149 : i32 to vector<16xi32>
      %shift_right_logical3A_151 = arith.shrui %bitcast3A_139, %shift_right_logical3A_150 : vector<16xi32>
      %and3A_152 = arith.constant 1023 : i32
      %and3A_153 = vector.broadcast %and3A_152 : i32 to vector<16xi32>
      %and3A_154 = arith.andi %shift_right_logical3A_151, %and3A_153 : vector<16xi32>
      %add3A_155 = arith.addi %mul3A_3, %and3A_154 : vector<16xi32>
      tpu.vector_store_idx %arg9[%add3A_155], %broadcast_in_dim3A_4 masked %eq3A_148 {add = true} : memref<16384xf32, #tpu.memory_space<vmem>>[vector<16xi32>], vector<16xf32>, vector<16xi1>
      tpu.vector_store_idx %arg10[%add3A_155], %get3A_138 masked %eq3A_148 {add = true} : memref<16384xf32, #tpu.memory_space<vmem>>[vector<16xi32>], vector<16xf32>, vector<16xi1>
      %mul3A_156 = arith.constant 8 : i32
      %mul3A_157 = arith.muli %scan3A_111, %mul3A_156 : i32
      %add3A_158 = arith.constant 2 : i32
      %add3A_159 = arith.addi %mul3A_157, %add3A_158 : i32
      %mul3A_160 = arith.constant 16 : i32
      %mul3A_161 = arith.muli %add3A_159, %mul3A_160 : i32
      %get3A_162 = arith.index_cast %mul3A_161 : i32 to index
      %get3A_163 = tpu.vector_load %arg7[%get3A_162] {strides = array<i32>} : memref<16384xf32, #tpu.memory_space<vmem>>, vector<16xf32>,
      %bitcast3A_164 = vector.bitcast %get3A_163 : vector<16xf32> to vector<16xi32>
      %shift_right_logical3A_165 = arith.constant 24 : i32
      %shift_right_logical3A_166 = vector.broadcast %shift_right_logical3A_165 : i32 to vector<16xi32>
      %shift_right_logical3A_167 = arith.shrui %bitcast3A_164, %shift_right_logical3A_166 : vector<16xi32>
      %gt3A_168 = arith.cmpi sgt, %shift_right_logical3A_167, %get3A_11 : vector<16xi32>
      %jit3A_169 = arith.constant 0.000000e+00 : f32
      %broadcast_in_dim3A_170 = vector.broadcast %jit3A_169 : f32 to vector<16xf32>
      %select_n3A_171 = arith.select %gt3A_168, %get3A_163, %broadcast_in_dim3A_170 : vector<16xi1>, vector<16xf32>
      %add3A_172 = arith.addf %add3A_147, %select_n3A_171 : vector<16xf32>
      %eq3A_173 = arith.cmpi eq, %shift_right_logical3A_167, %get3A_11 : vector<16xi32>
      %shift_right_logical3A_174 = arith.constant 14 : i32
      %shift_right_logical3A_175 = vector.broadcast %shift_right_logical3A_174 : i32 to vector<16xi32>
      %shift_right_logical3A_176 = arith.shrui %bitcast3A_164, %shift_right_logical3A_175 : vector<16xi32>
      %and3A_177 = arith.constant 1023 : i32
      %and3A_178 = vector.broadcast %and3A_177 : i32 to vector<16xi32>
      %and3A_179 = arith.andi %shift_right_logical3A_176, %and3A_178 : vector<16xi32>
      %add3A_180 = arith.addi %mul3A_3, %and3A_179 : vector<16xi32>
      tpu.vector_store_idx %arg9[%add3A_180], %broadcast_in_dim3A_4 masked %eq3A_173 {add = true} : memref<16384xf32, #tpu.memory_space<vmem>>[vector<16xi32>], vector<16xf32>, vector<16xi1>
      tpu.vector_store_idx %arg10[%add3A_180], %get3A_163 masked %eq3A_173 {add = true} : memref<16384xf32, #tpu.memory_space<vmem>>[vector<16xi32>], vector<16xf32>, vector<16xi1>
      %mul3A_181 = arith.constant 8 : i32
      %mul3A_182 = arith.muli %scan3A_111, %mul3A_181 : i32
      %add3A_183 = arith.constant 3 : i32
      %add3A_184 = arith.addi %mul3A_182, %add3A_183 : i32
      %mul3A_185 = arith.constant 16 : i32
      %mul3A_186 = arith.muli %add3A_184, %mul3A_185 : i32
      %get3A_187 = arith.index_cast %mul3A_186 : i32 to index
      %get3A_188 = tpu.vector_load %arg7[%get3A_187] {strides = array<i32>} : memref<16384xf32, #tpu.memory_space<vmem>>, vector<16xf32>,
      %bitcast3A_189 = vector.bitcast %get3A_188 : vector<16xf32> to vector<16xi32>
      %shift_right_logical3A_190 = arith.constant 24 : i32
      %shift_right_logical3A_191 = vector.broadcast %shift_right_logical3A_190 : i32 to vector<16xi32>
      %shift_right_logical3A_192 = arith.shrui %bitcast3A_189, %shift_right_logical3A_191 : vector<16xi32>
      %gt3A_193 = arith.cmpi sgt, %shift_right_logical3A_192, %get3A_11 : vector<16xi32>
      %jit3A_194 = arith.constant 0.000000e+00 : f32
      %broadcast_in_dim3A_195 = vector.broadcast %jit3A_194 : f32 to vector<16xf32>
      %select_n3A_196 = arith.select %gt3A_193, %get3A_188, %broadcast_in_dim3A_195 : vector<16xi1>, vector<16xf32>
      %add3A_197 = arith.addf %add3A_172, %select_n3A_196 : vector<16xf32>
      %eq3A_198 = arith.cmpi eq, %shift_right_logical3A_192, %get3A_11 : vector<16xi32>
      %shift_right_logical3A_199 = arith.constant 14 : i32
      %shift_right_logical3A_200 = vector.broadcast %shift_right_logical3A_199 : i32 to vector<16xi32>
      %shift_right_logical3A_201 = arith.shrui %bitcast3A_189, %shift_right_logical3A_200 : vector<16xi32>
      %and3A_202 = arith.constant 1023 : i32
      %and3A_203 = vector.broadcast %and3A_202 : i32 to vector<16xi32>
      %and3A_204 = arith.andi %shift_right_logical3A_201, %and3A_203 : vector<16xi32>
      %add3A_205 = arith.addi %mul3A_3, %and3A_204 : vector<16xi32>
      tpu.vector_store_idx %arg9[%add3A_205], %broadcast_in_dim3A_4 masked %eq3A_198 {add = true} : memref<16384xf32, #tpu.memory_space<vmem>>[vector<16xi32>], vector<16xf32>, vector<16xi1>
      tpu.vector_store_idx %arg10[%add3A_205], %get3A_188 masked %eq3A_198 {add = true} : memref<16384xf32, #tpu.memory_space<vmem>>[vector<16xi32>], vector<16xf32>, vector<16xi1>
      %mul3A_206 = arith.constant 8 : i32
      %mul3A_207 = arith.muli %scan3A_111, %mul3A_206 : i32
      %add3A_208 = arith.constant 4 : i32
      %add3A_209 = arith.addi %mul3A_207, %add3A_208 : i32
      %mul3A_210 = arith.constant 16 : i32
      %mul3A_211 = arith.muli %add3A_209, %mul3A_210 : i32
      %get3A_212 = arith.index_cast %mul3A_211 : i32 to index
      %get3A_213 = tpu.vector_load %arg7[%get3A_212] {strides = array<i32>} : memref<16384xf32, #tpu.memory_space<vmem>>, vector<16xf32>,
      %bitcast3A_214 = vector.bitcast %get3A_213 : vector<16xf32> to vector<16xi32>
      %shift_right_logical3A_215 = arith.constant 24 : i32
      %shift_right_logical3A_216 = vector.broadcast %shift_right_logical3A_215 : i32 to vector<16xi32>
      %shift_right_logical3A_217 = arith.shrui %bitcast3A_214, %shift_right_logical3A_216 : vector<16xi32>
      %gt3A_218 = arith.cmpi sgt, %shift_right_logical3A_217, %get3A_11 : vector<16xi32>
      %jit3A_219 = arith.constant 0.000000e+00 : f32
      %broadcast_in_dim3A_220 = vector.broadcast %jit3A_219 : f32 to vector<16xf32>
      %select_n3A_221 = arith.select %gt3A_218, %get3A_213, %broadcast_in_dim3A_220 : vector<16xi1>, vector<16xf32>
      %add3A_222 = arith.addf %add3A_197, %select_n3A_221 : vector<16xf32>
      %eq3A_223 = arith.cmpi eq, %shift_right_logical3A_217, %get3A_11 : vector<16xi32>
      %shift_right_logical3A_224 = arith.constant 14 : i32
      %shift_right_logical3A_225 = vector.broadcast %shift_right_logical3A_224 : i32 to vector<16xi32>
      %shift_right_logical3A_226 = arith.shrui %bitcast3A_214, %shift_right_logical3A_225 : vector<16xi32>
      %and3A_227 = arith.constant 1023 : i32
      %and3A_228 = vector.broadcast %and3A_227 : i32 to vector<16xi32>
      %and3A_229 = arith.andi %shift_right_logical3A_226, %and3A_228 : vector<16xi32>
      %add3A_230 = arith.addi %mul3A_3, %and3A_229 : vector<16xi32>
      tpu.vector_store_idx %arg9[%add3A_230], %broadcast_in_dim3A_4 masked %eq3A_223 {add = true} : memref<16384xf32, #tpu.memory_space<vmem>>[vector<16xi32>], vector<16xf32>, vector<16xi1>
      tpu.vector_store_idx %arg10[%add3A_230], %get3A_213 masked %eq3A_223 {add = true} : memref<16384xf32, #tpu.memory_space<vmem>>[vector<16xi32>], vector<16xf32>, vector<16xi1>
      %mul3A_231 = arith.constant 8 : i32
      %mul3A_232 = arith.muli %scan3A_111, %mul3A_231 : i32
      %add3A_233 = arith.constant 5 : i32
      %add3A_234 = arith.addi %mul3A_232, %add3A_233 : i32
      %mul3A_235 = arith.constant 16 : i32
      %mul3A_236 = arith.muli %add3A_234, %mul3A_235 : i32
      %get3A_237 = arith.index_cast %mul3A_236 : i32 to index
      %get3A_238 = tpu.vector_load %arg7[%get3A_237] {strides = array<i32>} : memref<16384xf32, #tpu.memory_space<vmem>>, vector<16xf32>,
      %bitcast3A_239 = vector.bitcast %get3A_238 : vector<16xf32> to vector<16xi32>
      %shift_right_logical3A_240 = arith.constant 24 : i32
      %shift_right_logical3A_241 = vector.broadcast %shift_right_logical3A_240 : i32 to vector<16xi32>
      %shift_right_logical3A_242 = arith.shrui %bitcast3A_239, %shift_right_logical3A_241 : vector<16xi32>
      %gt3A_243 = arith.cmpi sgt, %shift_right_logical3A_242, %get3A_11 : vector<16xi32>
      %jit3A_244 = arith.constant 0.000000e+00 : f32
      %broadcast_in_dim3A_245 = vector.broadcast %jit3A_244 : f32 to vector<16xf32>
      %select_n3A_246 = arith.select %gt3A_243, %get3A_238, %broadcast_in_dim3A_245 : vector<16xi1>, vector<16xf32>
      %add3A_247 = arith.addf %add3A_222, %select_n3A_246 : vector<16xf32>
      %eq3A_248 = arith.cmpi eq, %shift_right_logical3A_242, %get3A_11 : vector<16xi32>
      %shift_right_logical3A_249 = arith.constant 14 : i32
      %shift_right_logical3A_250 = vector.broadcast %shift_right_logical3A_249 : i32 to vector<16xi32>
      %shift_right_logical3A_251 = arith.shrui %bitcast3A_239, %shift_right_logical3A_250 : vector<16xi32>
      %and3A_252 = arith.constant 1023 : i32
      %and3A_253 = vector.broadcast %and3A_252 : i32 to vector<16xi32>
      %and3A_254 = arith.andi %shift_right_logical3A_251, %and3A_253 : vector<16xi32>
      %add3A_255 = arith.addi %mul3A_3, %and3A_254 : vector<16xi32>
      tpu.vector_store_idx %arg9[%add3A_255], %broadcast_in_dim3A_4 masked %eq3A_248 {add = true} : memref<16384xf32, #tpu.memory_space<vmem>>[vector<16xi32>], vector<16xf32>, vector<16xi1>
      tpu.vector_store_idx %arg10[%add3A_255], %get3A_238 masked %eq3A_248 {add = true} : memref<16384xf32, #tpu.memory_space<vmem>>[vector<16xi32>], vector<16xf32>, vector<16xi1>
      %mul3A_256 = arith.constant 8 : i32
      %mul3A_257 = arith.muli %scan3A_111, %mul3A_256 : i32
      %add3A_258 = arith.constant 6 : i32
      %add3A_259 = arith.addi %mul3A_257, %add3A_258 : i32
      %mul3A_260 = arith.constant 16 : i32
      %mul3A_261 = arith.muli %add3A_259, %mul3A_260 : i32
      %get3A_262 = arith.index_cast %mul3A_261 : i32 to index
      %get3A_263 = tpu.vector_load %arg7[%get3A_262] {strides = array<i32>} : memref<16384xf32, #tpu.memory_space<vmem>>, vector<16xf32>,
      %bitcast3A_264 = vector.bitcast %get3A_263 : vector<16xf32> to vector<16xi32>
      %shift_right_logical3A_265 = arith.constant 24 : i32
      %shift_right_logical3A_266 = vector.broadcast %shift_right_logical3A_265 : i32 to vector<16xi32>
      %shift_right_logical3A_267 = arith.shrui %bitcast3A_264, %shift_right_logical3A_266 : vector<16xi32>
      %gt3A_268 = arith.cmpi sgt, %shift_right_logical3A_267, %get3A_11 : vector<16xi32>
      %jit3A_269 = arith.constant 0.000000e+00 : f32
      %broadcast_in_dim3A_270 = vector.broadcast %jit3A_269 : f32 to vector<16xf32>
      %select_n3A_271 = arith.select %gt3A_268, %get3A_263, %broadcast_in_dim3A_270 : vector<16xi1>, vector<16xf32>
      %add3A_272 = arith.addf %add3A_247, %select_n3A_271 : vector<16xf32>
      %eq3A_273 = arith.cmpi eq, %shift_right_logical3A_267, %get3A_11 : vector<16xi32>
      %shift_right_logical3A_274 = arith.constant 14 : i32
      %shift_right_logical3A_275 = vector.broadcast %shift_right_logical3A_274 : i32 to vector<16xi32>
      %shift_right_logical3A_276 = arith.shrui %bitcast3A_264, %shift_right_logical3A_275 : vector<16xi32>
      %and3A_277 = arith.constant 1023 : i32
      %and3A_278 = vector.broadcast %and3A_277 : i32 to vector<16xi32>
      %and3A_279 = arith.andi %shift_right_logical3A_276, %and3A_278 : vector<16xi32>
      %add3A_280 = arith.addi %mul3A_3, %and3A_279 : vector<16xi32>
      tpu.vector_store_idx %arg9[%add3A_280], %broadcast_in_dim3A_4 masked %eq3A_273 {add = true} : memref<16384xf32, #tpu.memory_space<vmem>>[vector<16xi32>], vector<16xf32>, vector<16xi1>
      tpu.vector_store_idx %arg10[%add3A_280], %get3A_263 masked %eq3A_273 {add = true} : memref<16384xf32, #tpu.memory_space<vmem>>[vector<16xi32>], vector<16xf32>, vector<16xi1>
      %mul3A_281 = arith.constant 8 : i32
      %mul3A_282 = arith.muli %scan3A_111, %mul3A_281 : i32
      %add3A_283 = arith.constant 7 : i32
      %add3A_284 = arith.addi %mul3A_282, %add3A_283 : i32
      %mul3A_285 = arith.constant 16 : i32
      %mul3A_286 = arith.muli %add3A_284, %mul3A_285 : i32
      %get3A_287 = arith.index_cast %mul3A_286 : i32 to index
      %get3A_288 = tpu.vector_load %arg7[%get3A_287] {strides = array<i32>} : memref<16384xf32, #tpu.memory_space<vmem>>, vector<16xf32>,
      %bitcast3A_289 = vector.bitcast %get3A_288 : vector<16xf32> to vector<16xi32>
      %shift_right_logical3A_290 = arith.constant 24 : i32
      %shift_right_logical3A_291 = vector.broadcast %shift_right_logical3A_290 : i32 to vector<16xi32>
      %shift_right_logical3A_292 = arith.shrui %bitcast3A_289, %shift_right_logical3A_291 : vector<16xi32>
      %gt3A_293 = arith.cmpi sgt, %shift_right_logical3A_292, %get3A_11 : vector<16xi32>
      %jit3A_294 = arith.constant 0.000000e+00 : f32
      %broadcast_in_dim3A_295 = vector.broadcast %jit3A_294 : f32 to vector<16xf32>
      %select_n3A_296 = arith.select %gt3A_293, %get3A_288, %broadcast_in_dim3A_295 : vector<16xi1>, vector<16xf32>
      %add3A_297 = arith.addf %add3A_272, %select_n3A_296 : vector<16xf32>
      %eq3A_298 = arith.cmpi eq, %shift_right_logical3A_292, %get3A_11 : vector<16xi32>
      %shift_right_logical3A_299 = arith.constant 14 : i32
      %shift_right_logical3A_300 = vector.broadcast %shift_right_logical3A_299 : i32 to vector<16xi32>
      %shift_right_logical3A_301 = arith.shrui %bitcast3A_289, %shift_right_logical3A_300 : vector<16xi32>
      %and3A_302 = arith.constant 1023 : i32
      %and3A_303 = vector.broadcast %and3A_302 : i32 to vector<16xi32>
      %and3A_304 = arith.andi %shift_right_logical3A_301, %and3A_303 : vector<16xi32>
      %add3A_305 = arith.addi %mul3A_3, %and3A_304 : vector<16xi32>
      tpu.vector_store_idx %arg9[%add3A_305], %broadcast_in_dim3A_4 masked %eq3A_298 {add = true} : memref<16384xf32, #tpu.memory_space<vmem>>[vector<16xi32>], vector<16xf32>, vector<16xi1>
      tpu.vector_store_idx %arg10[%add3A_305], %get3A_288 masked %eq3A_298 {add = true} : memref<16384xf32, #tpu.memory_space<vmem>>[vector<16xi32>], vector<16xf32>, vector<16xi1>
      scf.yield %add3A_297 : vector<16xf32>
    }
    %scan3A_29 = arith.constant 128 : i32
    %add3A_30 = arith.constant 32768 : i32
    %add3A_31 = arith.addi %mul3A_13, %add3A_30 : i32
    %dma_start3A_32 = tpu.memref_slice %arg2[%add3A_31] : memref<4194304xf32, #tpu.memory_space<hbm>> -> memref<16384xf32, #tpu.memory_space<hbm>>
    %dma_start3A_33 = tpu.memref_slice %arg2[%add3A_31] : memref<4194304xf32, #tpu.memory_space<hbm>> -> memref<16384xf32, #tpu.memory_space<hbm>>
    tpu.enqueue_dma source(%dma_start3A_33 : memref<16384xf32, #tpu.memory_space<hbm>>) target(%arg7 : memref<16384xf32, #tpu.memory_space<vmem>>) target_semaphore(%arg13 : memref<!tpu.dma_semaphore, #tpu.memory_space<semaphore_mem>>)
    %dma_wait3A_34 = tpu.memref_slice %arg2[%add3A_20] : memref<4194304xf32, #tpu.memory_space<hbm>> -> memref<16384xf32, #tpu.memory_space<hbm>>
    %dma_wait3A_35 = tpu.memref_slice %arg2[%add3A_20] : memref<4194304xf32, #tpu.memory_space<hbm>> -> memref<16384xf32, #tpu.memory_space<hbm>>
    tpu.wait_dma2 semaphore(%arg14 : memref<!tpu.dma_semaphore, #tpu.memory_space<semaphore_mem>>) src(%dma_wait3A_35 : memref<16384xf32, #tpu.memory_space<hbm>>) dst(%arg8 : memref<16384xf32, #tpu.memory_space<vmem>>)
    %scan3A_36 = arith.constant 0 : i32
    %scan3A_37 = arith.constant 128 : i32
    %scan3A_38 = arith.addi %scan3A_36, %scan3A_37 : i32
    %scan3A_39 = arith.constant 1 : i32
    %scan3A_40 = scf.for %scan3A_111 = %scan3A_36 to %scan3A_38 step %scan3A_39 iter_args(%scan3A_112 = %scan3A_28) -> (vector<16xf32>)  : i32 {
      %mul3A_113 = arith.constant 8 : i32
      %mul3A_114 = arith.muli %scan3A_111, %mul3A_113 : i32
      %add3A_115 = arith.constant 0 : i32
      %add3A_116 = arith.addi %mul3A_114, %add3A_115 : i32
      %mul3A_117 = arith.constant 16 : i32
      %mul3A_118 = arith.muli %add3A_116, %mul3A_117 : i32
      %get3A_119 = arith.index_cast %mul3A_118 : i32 to index
      %get3A_120 = tpu.vector_load %arg8[%get3A_119] {strides = array<i32>} : memref<16384xf32, #tpu.memory_space<vmem>>, vector<16xf32>,
      %bitcast3A = vector.bitcast %get3A_120 : vector<16xf32> to vector<16xi32>
      %shift_right_logical3A = arith.constant 24 : i32
      %shift_right_logical3A_121 = vector.broadcast %shift_right_logical3A : i32 to vector<16xi32>
      %shift_right_logical3A_122 = arith.shrui %bitcast3A, %shift_right_logical3A_121 : vector<16xi32>
      %gt3A = arith.cmpi sgt, %shift_right_logical3A_122, %get3A_11 : vector<16xi32>
      %jit3A = arith.constant 0.000000e+00 : f32
      %broadcast_in_dim3A_123 = vector.broadcast %jit3A : f32 to vector<16xf32>
      %select_n3A = arith.select %gt3A, %get3A_120, %broadcast_in_dim3A_123 : vector<16xi1>, vector<16xf32>
      %add3A_124 = arith.addf %scan3A_112, %select_n3A : vector<16xf32>
      %eq3A = arith.cmpi eq, %shift_right_logical3A_122, %get3A_11 : vector<16xi32>
      %shift_right_logical3A_125 = arith.constant 14 : i32
      %shift_right_logical3A_126 = vector.broadcast %shift_right_logical3A_125 : i32 to vector<16xi32>
      %shift_right_logical3A_127 = arith.shrui %bitcast3A, %shift_right_logical3A_126 : vector<16xi32>
      %and3A = arith.constant 1023 : i32
      %and3A_128 = vector.broadcast %and3A : i32 to vector<16xi32>
      %and3A_129 = arith.andi %shift_right_logical3A_127, %and3A_128 : vector<16xi32>
      %add3A_130 = arith.addi %mul3A_3, %and3A_129 : vector<16xi32>
      tpu.vector_store_idx %arg9[%add3A_130], %broadcast_in_dim3A_4 masked %eq3A {add = true} : memref<16384xf32, #tpu.memory_space<vmem>>[vector<16xi32>], vector<16xf32>, vector<16xi1>
      tpu.vector_store_idx %arg10[%add3A_130], %get3A_120 masked %eq3A {add = true} : memref<16384xf32, #tpu.memory_space<vmem>>[vector<16xi32>], vector<16xf32>, vector<16xi1>
      %mul3A_131 = arith.constant 8 : i32
      %mul3A_132 = arith.muli %scan3A_111, %mul3A_131 : i32
      %add3A_133 = arith.constant 1 : i32
      %add3A_134 = arith.addi %mul3A_132, %add3A_133 : i32
      %mul3A_135 = arith.constant 16 : i32
      %mul3A_136 = arith.muli %add3A_134, %mul3A_135 : i32
      %get3A_137 = arith.index_cast %mul3A_136 : i32 to index
      %get3A_138 = tpu.vector_load %arg8[%get3A_137] {strides = array<i32>} : memref<16384xf32, #tpu.memory_space<vmem>>, vector<16xf32>,
      %bitcast3A_139 = vector.bitcast %get3A_138 : vector<16xf32> to vector<16xi32>
      %shift_right_logical3A_140 = arith.constant 24 : i32
      %shift_right_logical3A_141 = vector.broadcast %shift_right_logical3A_140 : i32 to vector<16xi32>
      %shift_right_logical3A_142 = arith.shrui %bitcast3A_139, %shift_right_logical3A_141 : vector<16xi32>
      %gt3A_143 = arith.cmpi sgt, %shift_right_logical3A_142, %get3A_11 : vector<16xi32>
      %jit3A_144 = arith.constant 0.000000e+00 : f32
      %broadcast_in_dim3A_145 = vector.broadcast %jit3A_144 : f32 to vector<16xf32>
      %select_n3A_146 = arith.select %gt3A_143, %get3A_138, %broadcast_in_dim3A_145 : vector<16xi1>, vector<16xf32>
      %add3A_147 = arith.addf %add3A_124, %select_n3A_146 : vector<16xf32>
      %eq3A_148 = arith.cmpi eq, %shift_right_logical3A_142, %get3A_11 : vector<16xi32>
      %shift_right_logical3A_149 = arith.constant 14 : i32
      %shift_right_logical3A_150 = vector.broadcast %shift_right_logical3A_149 : i32 to vector<16xi32>
      %shift_right_logical3A_151 = arith.shrui %bitcast3A_139, %shift_right_logical3A_150 : vector<16xi32>
      %and3A_152 = arith.constant 1023 : i32
      %and3A_153 = vector.broadcast %and3A_152 : i32 to vector<16xi32>
      %and3A_154 = arith.andi %shift_right_logical3A_151, %and3A_153 : vector<16xi32>
      %add3A_155 = arith.addi %mul3A_3, %and3A_154 : vector<16xi32>
      tpu.vector_store_idx %arg9[%add3A_155], %broadcast_in_dim3A_4 masked %eq3A_148 {add = true} : memref<16384xf32, #tpu.memory_space<vmem>>[vector<16xi32>], vector<16xf32>, vector<16xi1>
      tpu.vector_store_idx %arg10[%add3A_155], %get3A_138 masked %eq3A_148 {add = true} : memref<16384xf32, #tpu.memory_space<vmem>>[vector<16xi32>], vector<16xf32>, vector<16xi1>
      %mul3A_156 = arith.constant 8 : i32
      %mul3A_157 = arith.muli %scan3A_111, %mul3A_156 : i32
      %add3A_158 = arith.constant 2 : i32
      %add3A_159 = arith.addi %mul3A_157, %add3A_158 : i32
      %mul3A_160 = arith.constant 16 : i32
      %mul3A_161 = arith.muli %add3A_159, %mul3A_160 : i32
      %get3A_162 = arith.index_cast %mul3A_161 : i32 to index
      %get3A_163 = tpu.vector_load %arg8[%get3A_162] {strides = array<i32>} : memref<16384xf32, #tpu.memory_space<vmem>>, vector<16xf32>,
      %bitcast3A_164 = vector.bitcast %get3A_163 : vector<16xf32> to vector<16xi32>
      %shift_right_logical3A_165 = arith.constant 24 : i32
      %shift_right_logical3A_166 = vector.broadcast %shift_right_logical3A_165 : i32 to vector<16xi32>
      %shift_right_logical3A_167 = arith.shrui %bitcast3A_164, %shift_right_logical3A_166 : vector<16xi32>
      %gt3A_168 = arith.cmpi sgt, %shift_right_logical3A_167, %get3A_11 : vector<16xi32>
      %jit3A_169 = arith.constant 0.000000e+00 : f32
      %broadcast_in_dim3A_170 = vector.broadcast %jit3A_169 : f32 to vector<16xf32>
      %select_n3A_171 = arith.select %gt3A_168, %get3A_163, %broadcast_in_dim3A_170 : vector<16xi1>, vector<16xf32>
      %add3A_172 = arith.addf %add3A_147, %select_n3A_171 : vector<16xf32>
      %eq3A_173 = arith.cmpi eq, %shift_right_logical3A_167, %get3A_11 : vector<16xi32>
      %shift_right_logical3A_174 = arith.constant 14 : i32
      %shift_right_logical3A_175 = vector.broadcast %shift_right_logical3A_174 : i32 to vector<16xi32>
      %shift_right_logical3A_176 = arith.shrui %bitcast3A_164, %shift_right_logical3A_175 : vector<16xi32>
      %and3A_177 = arith.constant 1023 : i32
      %and3A_178 = vector.broadcast %and3A_177 : i32 to vector<16xi32>
      %and3A_179 = arith.andi %shift_right_logical3A_176, %and3A_178 : vector<16xi32>
      %add3A_180 = arith.addi %mul3A_3, %and3A_179 : vector<16xi32>
      tpu.vector_store_idx %arg9[%add3A_180], %broadcast_in_dim3A_4 masked %eq3A_173 {add = true} : memref<16384xf32, #tpu.memory_space<vmem>>[vector<16xi32>], vector<16xf32>, vector<16xi1>
      tpu.vector_store_idx %arg10[%add3A_180], %get3A_163 masked %eq3A_173 {add = true} : memref<16384xf32, #tpu.memory_space<vmem>>[vector<16xi32>], vector<16xf32>, vector<16xi1>
      %mul3A_181 = arith.constant 8 : i32
      %mul3A_182 = arith.muli %scan3A_111, %mul3A_181 : i32
      %add3A_183 = arith.constant 3 : i32
      %add3A_184 = arith.addi %mul3A_182, %add3A_183 : i32
      %mul3A_185 = arith.constant 16 : i32
      %mul3A_186 = arith.muli %add3A_184, %mul3A_185 : i32
      %get3A_187 = arith.index_cast %mul3A_186 : i32 to index
      %get3A_188 = tpu.vector_load %arg8[%get3A_187] {strides = array<i32>} : memref<16384xf32, #tpu.memory_space<vmem>>, vector<16xf32>,
      %bitcast3A_189 = vector.bitcast %get3A_188 : vector<16xf32> to vector<16xi32>
      %shift_right_logical3A_190 = arith.constant 24 : i32
      %shift_right_logical3A_191 = vector.broadcast %shift_right_logical3A_190 : i32 to vector<16xi32>
      %shift_right_logical3A_192 = arith.shrui %bitcast3A_189, %shift_right_logical3A_191 : vector<16xi32>
      %gt3A_193 = arith.cmpi sgt, %shift_right_logical3A_192, %get3A_11 : vector<16xi32>
      %jit3A_194 = arith.constant 0.000000e+00 : f32
      %broadcast_in_dim3A_195 = vector.broadcast %jit3A_194 : f32 to vector<16xf32>
      %select_n3A_196 = arith.select %gt3A_193, %get3A_188, %broadcast_in_dim3A_195 : vector<16xi1>, vector<16xf32>
      %add3A_197 = arith.addf %add3A_172, %select_n3A_196 : vector<16xf32>
      %eq3A_198 = arith.cmpi eq, %shift_right_logical3A_192, %get3A_11 : vector<16xi32>
      %shift_right_logical3A_199 = arith.constant 14 : i32
      %shift_right_logical3A_200 = vector.broadcast %shift_right_logical3A_199 : i32 to vector<16xi32>
      %shift_right_logical3A_201 = arith.shrui %bitcast3A_189, %shift_right_logical3A_200 : vector<16xi32>
      %and3A_202 = arith.constant 1023 : i32
      %and3A_203 = vector.broadcast %and3A_202 : i32 to vector<16xi32>
      %and3A_204 = arith.andi %shift_right_logical3A_201, %and3A_203 : vector<16xi32>
      %add3A_205 = arith.addi %mul3A_3, %and3A_204 : vector<16xi32>
      tpu.vector_store_idx %arg9[%add3A_205], %broadcast_in_dim3A_4 masked %eq3A_198 {add = true} : memref<16384xf32, #tpu.memory_space<vmem>>[vector<16xi32>], vector<16xf32>, vector<16xi1>
      tpu.vector_store_idx %arg10[%add3A_205], %get3A_188 masked %eq3A_198 {add = true} : memref<16384xf32, #tpu.memory_space<vmem>>[vector<16xi32>], vector<16xf32>, vector<16xi1>
      %mul3A_206 = arith.constant 8 : i32
      %mul3A_207 = arith.muli %scan3A_111, %mul3A_206 : i32
      %add3A_208 = arith.constant 4 : i32
      %add3A_209 = arith.addi %mul3A_207, %add3A_208 : i32
      %mul3A_210 = arith.constant 16 : i32
      %mul3A_211 = arith.muli %add3A_209, %mul3A_210 : i32
      %get3A_212 = arith.index_cast %mul3A_211 : i32 to index
      %get3A_213 = tpu.vector_load %arg8[%get3A_212] {strides = array<i32>} : memref<16384xf32, #tpu.memory_space<vmem>>, vector<16xf32>,
      %bitcast3A_214 = vector.bitcast %get3A_213 : vector<16xf32> to vector<16xi32>
      %shift_right_logical3A_215 = arith.constant 24 : i32
      %shift_right_logical3A_216 = vector.broadcast %shift_right_logical3A_215 : i32 to vector<16xi32>
      %shift_right_logical3A_217 = arith.shrui %bitcast3A_214, %shift_right_logical3A_216 : vector<16xi32>
      %gt3A_218 = arith.cmpi sgt, %shift_right_logical3A_217, %get3A_11 : vector<16xi32>
      %jit3A_219 = arith.constant 0.000000e+00 : f32
      %broadcast_in_dim3A_220 = vector.broadcast %jit3A_219 : f32 to vector<16xf32>
      %select_n3A_221 = arith.select %gt3A_218, %get3A_213, %broadcast_in_dim3A_220 : vector<16xi1>, vector<16xf32>
      %add3A_222 = arith.addf %add3A_197, %select_n3A_221 : vector<16xf32>
      %eq3A_223 = arith.cmpi eq, %shift_right_logical3A_217, %get3A_11 : vector<16xi32>
      %shift_right_logical3A_224 = arith.constant 14 : i32
      %shift_right_logical3A_225 = vector.broadcast %shift_right_logical3A_224 : i32 to vector<16xi32>
      %shift_right_logical3A_226 = arith.shrui %bitcast3A_214, %shift_right_logical3A_225 : vector<16xi32>
      %and3A_227 = arith.constant 1023 : i32
      %and3A_228 = vector.broadcast %and3A_227 : i32 to vector<16xi32>
      %and3A_229 = arith.andi %shift_right_logical3A_226, %and3A_228 : vector<16xi32>
      %add3A_230 = arith.addi %mul3A_3, %and3A_229 : vector<16xi32>
      tpu.vector_store_idx %arg9[%add3A_230], %broadcast_in_dim3A_4 masked %eq3A_223 {add = true} : memref<16384xf32, #tpu.memory_space<vmem>>[vector<16xi32>], vector<16xf32>, vector<16xi1>
      tpu.vector_store_idx %arg10[%add3A_230], %get3A_213 masked %eq3A_223 {add = true} : memref<16384xf32, #tpu.memory_space<vmem>>[vector<16xi32>], vector<16xf32>, vector<16xi1>
      %mul3A_231 = arith.constant 8 : i32
      %mul3A_232 = arith.muli %scan3A_111, %mul3A_231 : i32
      %add3A_233 = arith.constant 5 : i32
      %add3A_234 = arith.addi %mul3A_232, %add3A_233 : i32
      %mul3A_235 = arith.constant 16 : i32
      %mul3A_236 = arith.muli %add3A_234, %mul3A_235 : i32
      %get3A_237 = arith.index_cast %mul3A_236 : i32 to index
      %get3A_238 = tpu.vector_load %arg8[%get3A_237] {strides = array<i32>} : memref<16384xf32, #tpu.memory_space<vmem>>, vector<16xf32>,
      %bitcast3A_239 = vector.bitcast %get3A_238 : vector<16xf32> to vector<16xi32>
      %shift_right_logical3A_240 = arith.constant 24 : i32
      %shift_right_logical3A_241 = vector.broadcast %shift_right_logical3A_240 : i32 to vector<16xi32>
      %shift_right_logical3A_242 = arith.shrui %bitcast3A_239, %shift_right_logical3A_241 : vector<16xi32>
      %gt3A_243 = arith.cmpi sgt, %shift_right_logical3A_242, %get3A_11 : vector<16xi32>
      %jit3A_244 = arith.constant 0.000000e+00 : f32
      %broadcast_in_dim3A_245 = vector.broadcast %jit3A_244 : f32 to vector<16xf32>
      %select_n3A_246 = arith.select %gt3A_243, %get3A_238, %broadcast_in_dim3A_245 : vector<16xi1>, vector<16xf32>
      %add3A_247 = arith.addf %add3A_222, %select_n3A_246 : vector<16xf32>
      %eq3A_248 = arith.cmpi eq, %shift_right_logical3A_242, %get3A_11 : vector<16xi32>
      %shift_right_logical3A_249 = arith.constant 14 : i32
      %shift_right_logical3A_250 = vector.broadcast %shift_right_logical3A_249 : i32 to vector<16xi32>
      %shift_right_logical3A_251 = arith.shrui %bitcast3A_239, %shift_right_logical3A_250 : vector<16xi32>
      %and3A_252 = arith.constant 1023 : i32
      %and3A_253 = vector.broadcast %and3A_252 : i32 to vector<16xi32>
      %and3A_254 = arith.andi %shift_right_logical3A_251, %and3A_253 : vector<16xi32>
      %add3A_255 = arith.addi %mul3A_3, %and3A_254 : vector<16xi32>
      tpu.vector_store_idx %arg9[%add3A_255], %broadcast_in_dim3A_4 masked %eq3A_248 {add = true} : memref<16384xf32, #tpu.memory_space<vmem>>[vector<16xi32>], vector<16xf32>, vector<16xi1>
      tpu.vector_store_idx %arg10[%add3A_255], %get3A_238 masked %eq3A_248 {add = true} : memref<16384xf32, #tpu.memory_space<vmem>>[vector<16xi32>], vector<16xf32>, vector<16xi1>
      %mul3A_256 = arith.constant 8 : i32
      %mul3A_257 = arith.muli %scan3A_111, %mul3A_256 : i32
      %add3A_258 = arith.constant 6 : i32
      %add3A_259 = arith.addi %mul3A_257, %add3A_258 : i32
      %mul3A_260 = arith.constant 16 : i32
      %mul3A_261 = arith.muli %add3A_259, %mul3A_260 : i32
      %get3A_262 = arith.index_cast %mul3A_261 : i32 to index
      %get3A_263 = tpu.vector_load %arg8[%get3A_262] {strides = array<i32>} : memref<16384xf32, #tpu.memory_space<vmem>>, vector<16xf32>,
      %bitcast3A_264 = vector.bitcast %get3A_263 : vector<16xf32> to vector<16xi32>
      %shift_right_logical3A_265 = arith.constant 24 : i32
      %shift_right_logical3A_266 = vector.broadcast %shift_right_logical3A_265 : i32 to vector<16xi32>
      %shift_right_logical3A_267 = arith.shrui %bitcast3A_264, %shift_right_logical3A_266 : vector<16xi32>
      %gt3A_268 = arith.cmpi sgt, %shift_right_logical3A_267, %get3A_11 : vector<16xi32>
      %jit3A_269 = arith.constant 0.000000e+00 : f32
      %broadcast_in_dim3A_270 = vector.broadcast %jit3A_269 : f32 to vector<16xf32>
      %select_n3A_271 = arith.select %gt3A_268, %get3A_263, %broadcast_in_dim3A_270 : vector<16xi1>, vector<16xf32>
      %add3A_272 = arith.addf %add3A_247, %select_n3A_271 : vector<16xf32>
      %eq3A_273 = arith.cmpi eq, %shift_right_logical3A_267, %get3A_11 : vector<16xi32>
      %shift_right_logical3A_274 = arith.constant 14 : i32
      %shift_right_logical3A_275 = vector.broadcast %shift_right_logical3A_274 : i32 to vector<16xi32>
      %shift_right_logical3A_276 = arith.shrui %bitcast3A_264, %shift_right_logical3A_275 : vector<16xi32>
      %and3A_277 = arith.constant 1023 : i32
      %and3A_278 = vector.broadcast %and3A_277 : i32 to vector<16xi32>
      %and3A_279 = arith.andi %shift_right_logical3A_276, %and3A_278 : vector<16xi32>
      %add3A_280 = arith.addi %mul3A_3, %and3A_279 : vector<16xi32>
      tpu.vector_store_idx %arg9[%add3A_280], %broadcast_in_dim3A_4 masked %eq3A_273 {add = true} : memref<16384xf32, #tpu.memory_space<vmem>>[vector<16xi32>], vector<16xf32>, vector<16xi1>
      tpu.vector_store_idx %arg10[%add3A_280], %get3A_263 masked %eq3A_273 {add = true} : memref<16384xf32, #tpu.memory_space<vmem>>[vector<16xi32>], vector<16xf32>, vector<16xi1>
      %mul3A_281 = arith.constant 8 : i32
      %mul3A_282 = arith.muli %scan3A_111, %mul3A_281 : i32
      %add3A_283 = arith.constant 7 : i32
      %add3A_284 = arith.addi %mul3A_282, %add3A_283 : i32
      %mul3A_285 = arith.constant 16 : i32
      %mul3A_286 = arith.muli %add3A_284, %mul3A_285 : i32
      %get3A_287 = arith.index_cast %mul3A_286 : i32 to index
      %get3A_288 = tpu.vector_load %arg8[%get3A_287] {strides = array<i32>} : memref<16384xf32, #tpu.memory_space<vmem>>, vector<16xf32>,
      %bitcast3A_289 = vector.bitcast %get3A_288 : vector<16xf32> to vector<16xi32>
      %shift_right_logical3A_290 = arith.constant 24 : i32
      %shift_right_logical3A_291 = vector.broadcast %shift_right_logical3A_290 : i32 to vector<16xi32>
      %shift_right_logical3A_292 = arith.shrui %bitcast3A_289, %shift_right_logical3A_291 : vector<16xi32>
      %gt3A_293 = arith.cmpi sgt, %shift_right_logical3A_292, %get3A_11 : vector<16xi32>
      %jit3A_294 = arith.constant 0.000000e+00 : f32
      %broadcast_in_dim3A_295 = vector.broadcast %jit3A_294 : f32 to vector<16xf32>
      %select_n3A_296 = arith.select %gt3A_293, %get3A_288, %broadcast_in_dim3A_295 : vector<16xi1>, vector<16xf32>
      %add3A_297 = arith.addf %add3A_272, %select_n3A_296 : vector<16xf32>
      %eq3A_298 = arith.cmpi eq, %shift_right_logical3A_292, %get3A_11 : vector<16xi32>
      %shift_right_logical3A_299 = arith.constant 14 : i32
      %shift_right_logical3A_300 = vector.broadcast %shift_right_logical3A_299 : i32 to vector<16xi32>
      %shift_right_logical3A_301 = arith.shrui %bitcast3A_289, %shift_right_logical3A_300 : vector<16xi32>
      %and3A_302 = arith.constant 1023 : i32
      %and3A_303 = vector.broadcast %and3A_302 : i32 to vector<16xi32>
      %and3A_304 = arith.andi %shift_right_logical3A_301, %and3A_303 : vector<16xi32>
      %add3A_305 = arith.addi %mul3A_3, %and3A_304 : vector<16xi32>
      tpu.vector_store_idx %arg9[%add3A_305], %broadcast_in_dim3A_4 masked %eq3A_298 {add = true} : memref<16384xf32, #tpu.memory_space<vmem>>[vector<16xi32>], vector<16xf32>, vector<16xi1>
      tpu.vector_store_idx %arg10[%add3A_305], %get3A_288 masked %eq3A_298 {add = true} : memref<16384xf32, #tpu.memory_space<vmem>>[vector<16xi32>], vector<16xf32>, vector<16xi1>
      scf.yield %add3A_297 : vector<16xf32>
    }
    %scan3A_41 = arith.constant 128 : i32
    %add3A_42 = arith.constant 49152 : i32
    %add3A_43 = arith.addi %mul3A_13, %add3A_42 : i32
    %dma_start3A_44 = tpu.memref_slice %arg2[%add3A_43] : memref<4194304xf32, #tpu.memory_space<hbm>> -> memref<16384xf32, #tpu.memory_space<hbm>>
    %dma_start3A_45 = tpu.memref_slice %arg2[%add3A_43] : memref<4194304xf32, #tpu.memory_space<hbm>> -> memref<16384xf32, #tpu.memory_space<hbm>>
    tpu.enqueue_dma source(%dma_start3A_45 : memref<16384xf32, #tpu.memory_space<hbm>>) target(%arg8 : memref<16384xf32, #tpu.memory_space<vmem>>) target_semaphore(%arg14 : memref<!tpu.dma_semaphore, #tpu.memory_space<semaphore_mem>>)
    %dma_wait3A_46 = tpu.memref_slice %arg2[%add3A_31] : memref<4194304xf32, #tpu.memory_space<hbm>> -> memref<16384xf32, #tpu.memory_space<hbm>>
    %dma_wait3A_47 = tpu.memref_slice %arg2[%add3A_31] : memref<4194304xf32, #tpu.memory_space<hbm>> -> memref<16384xf32, #tpu.memory_space<hbm>>
    tpu.wait_dma2 semaphore(%arg13 : memref<!tpu.dma_semaphore, #tpu.memory_space<semaphore_mem>>) src(%dma_wait3A_47 : memref<16384xf32, #tpu.memory_space<hbm>>) dst(%arg7 : memref<16384xf32, #tpu.memory_space<vmem>>)
    %scan3A_48 = arith.constant 0 : i32
    %scan3A_49 = arith.constant 128 : i32
    %scan3A_50 = arith.addi %scan3A_48, %scan3A_49 : i32
    %scan3A_51 = arith.constant 1 : i32
    %scan3A_52 = scf.for %scan3A_111 = %scan3A_48 to %scan3A_50 step %scan3A_51 iter_args(%scan3A_112 = %scan3A_40) -> (vector<16xf32>)  : i32 {
      %mul3A_113 = arith.constant 8 : i32
      %mul3A_114 = arith.muli %scan3A_111, %mul3A_113 : i32
      %add3A_115 = arith.constant 0 : i32
      %add3A_116 = arith.addi %mul3A_114, %add3A_115 : i32
      %mul3A_117 = arith.constant 16 : i32
      %mul3A_118 = arith.muli %add3A_116, %mul3A_117 : i32
      %get3A_119 = arith.index_cast %mul3A_118 : i32 to index
      %get3A_120 = tpu.vector_load %arg7[%get3A_119] {strides = array<i32>} : memref<16384xf32, #tpu.memory_space<vmem>>, vector<16xf32>,
      %bitcast3A = vector.bitcast %get3A_120 : vector<16xf32> to vector<16xi32>
      %shift_right_logical3A = arith.constant 24 : i32
      %shift_right_logical3A_121 = vector.broadcast %shift_right_logical3A : i32 to vector<16xi32>
      %shift_right_logical3A_122 = arith.shrui %bitcast3A, %shift_right_logical3A_121 : vector<16xi32>
      %gt3A = arith.cmpi sgt, %shift_right_logical3A_122, %get3A_11 : vector<16xi32>
      %jit3A = arith.constant 0.000000e+00 : f32
      %broadcast_in_dim3A_123 = vector.broadcast %jit3A : f32 to vector<16xf32>
      %select_n3A = arith.select %gt3A, %get3A_120, %broadcast_in_dim3A_123 : vector<16xi1>, vector<16xf32>
      %add3A_124 = arith.addf %scan3A_112, %select_n3A : vector<16xf32>
      %eq3A = arith.cmpi eq, %shift_right_logical3A_122, %get3A_11 : vector<16xi32>
      %shift_right_logical3A_125 = arith.constant 14 : i32
      %shift_right_logical3A_126 = vector.broadcast %shift_right_logical3A_125 : i32 to vector<16xi32>
      %shift_right_logical3A_127 = arith.shrui %bitcast3A, %shift_right_logical3A_126 : vector<16xi32>
      %and3A = arith.constant 1023 : i32
      %and3A_128 = vector.broadcast %and3A : i32 to vector<16xi32>
      %and3A_129 = arith.andi %shift_right_logical3A_127, %and3A_128 : vector<16xi32>
      %add3A_130 = arith.addi %mul3A_3, %and3A_129 : vector<16xi32>
      tpu.vector_store_idx %arg9[%add3A_130], %broadcast_in_dim3A_4 masked %eq3A {add = true} : memref<16384xf32, #tpu.memory_space<vmem>>[vector<16xi32>], vector<16xf32>, vector<16xi1>
      tpu.vector_store_idx %arg10[%add3A_130], %get3A_120 masked %eq3A {add = true} : memref<16384xf32, #tpu.memory_space<vmem>>[vector<16xi32>], vector<16xf32>, vector<16xi1>
      %mul3A_131 = arith.constant 8 : i32
      %mul3A_132 = arith.muli %scan3A_111, %mul3A_131 : i32
      %add3A_133 = arith.constant 1 : i32
      %add3A_134 = arith.addi %mul3A_132, %add3A_133 : i32
      %mul3A_135 = arith.constant 16 : i32
      %mul3A_136 = arith.muli %add3A_134, %mul3A_135 : i32
      %get3A_137 = arith.index_cast %mul3A_136 : i32 to index
      %get3A_138 = tpu.vector_load %arg7[%get3A_137] {strides = array<i32>} : memref<16384xf32, #tpu.memory_space<vmem>>, vector<16xf32>,
      %bitcast3A_139 = vector.bitcast %get3A_138 : vector<16xf32> to vector<16xi32>
      %shift_right_logical3A_140 = arith.constant 24 : i32
      %shift_right_logical3A_141 = vector.broadcast %shift_right_logical3A_140 : i32 to vector<16xi32>
      %shift_right_logical3A_142 = arith.shrui %bitcast3A_139, %shift_right_logical3A_141 : vector<16xi32>
      %gt3A_143 = arith.cmpi sgt, %shift_right_logical3A_142, %get3A_11 : vector<16xi32>
      %jit3A_144 = arith.constant 0.000000e+00 : f32
      %broadcast_in_dim3A_145 = vector.broadcast %jit3A_144 : f32 to vector<16xf32>
      %select_n3A_146 = arith.select %gt3A_143, %get3A_138, %broadcast_in_dim3A_145 : vector<16xi1>, vector<16xf32>
      %add3A_147 = arith.addf %add3A_124, %select_n3A_146 : vector<16xf32>
      %eq3A_148 = arith.cmpi eq, %shift_right_logical3A_142, %get3A_11 : vector<16xi32>
      %shift_right_logical3A_149 = arith.constant 14 : i32
      %shift_right_logical3A_150 = vector.broadcast %shift_right_logical3A_149 : i32 to vector<16xi32>
      %shift_right_logical3A_151 = arith.shrui %bitcast3A_139, %shift_right_logical3A_150 : vector<16xi32>
      %and3A_152 = arith.constant 1023 : i32
      %and3A_153 = vector.broadcast %and3A_152 : i32 to vector<16xi32>
      %and3A_154 = arith.andi %shift_right_logical3A_151, %and3A_153 : vector<16xi32>
      %add3A_155 = arith.addi %mul3A_3, %and3A_154 : vector<16xi32>
      tpu.vector_store_idx %arg9[%add3A_155], %broadcast_in_dim3A_4 masked %eq3A_148 {add = true} : memref<16384xf32, #tpu.memory_space<vmem>>[vector<16xi32>], vector<16xf32>, vector<16xi1>
      tpu.vector_store_idx %arg10[%add3A_155], %get3A_138 masked %eq3A_148 {add = true} : memref<16384xf32, #tpu.memory_space<vmem>>[vector<16xi32>], vector<16xf32>, vector<16xi1>
      %mul3A_156 = arith.constant 8 : i32
      %mul3A_157 = arith.muli %scan3A_111, %mul3A_156 : i32
      %add3A_158 = arith.constant 2 : i32
      %add3A_159 = arith.addi %mul3A_157, %add3A_158 : i32
      %mul3A_160 = arith.constant 16 : i32
      %mul3A_161 = arith.muli %add3A_159, %mul3A_160 : i32
      %get3A_162 = arith.index_cast %mul3A_161 : i32 to index
      %get3A_163 = tpu.vector_load %arg7[%get3A_162] {strides = array<i32>} : memref<16384xf32, #tpu.memory_space<vmem>>, vector<16xf32>,
      %bitcast3A_164 = vector.bitcast %get3A_163 : vector<16xf32> to vector<16xi32>
      %shift_right_logical3A_165 = arith.constant 24 : i32
      %shift_right_logical3A_166 = vector.broadcast %shift_right_logical3A_165 : i32 to vector<16xi32>
      %shift_right_logical3A_167 = arith.shrui %bitcast3A_164, %shift_right_logical3A_166 : vector<16xi32>
      %gt3A_168 = arith.cmpi sgt, %shift_right_logical3A_167, %get3A_11 : vector<16xi32>
      %jit3A_169 = arith.constant 0.000000e+00 : f32
      %broadcast_in_dim3A_170 = vector.broadcast %jit3A_169 : f32 to vector<16xf32>
      %select_n3A_171 = arith.select %gt3A_168, %get3A_163, %broadcast_in_dim3A_170 : vector<16xi1>, vector<16xf32>
      %add3A_172 = arith.addf %add3A_147, %select_n3A_171 : vector<16xf32>
      %eq3A_173 = arith.cmpi eq, %shift_right_logical3A_167, %get3A_11 : vector<16xi32>
      %shift_right_logical3A_174 = arith.constant 14 : i32
      %shift_right_logical3A_175 = vector.broadcast %shift_right_logical3A_174 : i32 to vector<16xi32>
      %shift_right_logical3A_176 = arith.shrui %bitcast3A_164, %shift_right_logical3A_175 : vector<16xi32>
      %and3A_177 = arith.constant 1023 : i32
      %and3A_178 = vector.broadcast %and3A_177 : i32 to vector<16xi32>
      %and3A_179 = arith.andi %shift_right_logical3A_176, %and3A_178 : vector<16xi32>
      %add3A_180 = arith.addi %mul3A_3, %and3A_179 : vector<16xi32>
      tpu.vector_store_idx %arg9[%add3A_180], %broadcast_in_dim3A_4 masked %eq3A_173 {add = true} : memref<16384xf32, #tpu.memory_space<vmem>>[vector<16xi32>], vector<16xf32>, vector<16xi1>
      tpu.vector_store_idx %arg10[%add3A_180], %get3A_163 masked %eq3A_173 {add = true} : memref<16384xf32, #tpu.memory_space<vmem>>[vector<16xi32>], vector<16xf32>, vector<16xi1>
      %mul3A_181 = arith.constant 8 : i32
      %mul3A_182 = arith.muli %scan3A_111, %mul3A_181 : i32
      %add3A_183 = arith.constant 3 : i32
      %add3A_184 = arith.addi %mul3A_182, %add3A_183 : i32
      %mul3A_185 = arith.constant 16 : i32
      %mul3A_186 = arith.muli %add3A_184, %mul3A_185 : i32
      %get3A_187 = arith.index_cast %mul3A_186 : i32 to index
      %get3A_188 = tpu.vector_load %arg7[%get3A_187] {strides = array<i32>} : memref<16384xf32, #tpu.memory_space<vmem>>, vector<16xf32>,
      %bitcast3A_189 = vector.bitcast %get3A_188 : vector<16xf32> to vector<16xi32>
      %shift_right_logical3A_190 = arith.constant 24 : i32
      %shift_right_logical3A_191 = vector.broadcast %shift_right_logical3A_190 : i32 to vector<16xi32>
      %shift_right_logical3A_192 = arith.shrui %bitcast3A_189, %shift_right_logical3A_191 : vector<16xi32>
      %gt3A_193 = arith.cmpi sgt, %shift_right_logical3A_192, %get3A_11 : vector<16xi32>
      %jit3A_194 = arith.constant 0.000000e+00 : f32
      %broadcast_in_dim3A_195 = vector.broadcast %jit3A_194 : f32 to vector<16xf32>
      %select_n3A_196 = arith.select %gt3A_193, %get3A_188, %broadcast_in_dim3A_195 : vector<16xi1>, vector<16xf32>
      %add3A_197 = arith.addf %add3A_172, %select_n3A_196 : vector<16xf32>
      %eq3A_198 = arith.cmpi eq, %shift_right_logical3A_192, %get3A_11 : vector<16xi32>
      %shift_right_logical3A_199 = arith.constant 14 : i32
      %shift_right_logical3A_200 = vector.broadcast %shift_right_logical3A_199 : i32 to vector<16xi32>
      %shift_right_logical3A_201 = arith.shrui %bitcast3A_189, %shift_right_logical3A_200 : vector<16xi32>
      %and3A_202 = arith.constant 1023 : i32
      %and3A_203 = vector.broadcast %and3A_202 : i32 to vector<16xi32>
      %and3A_204 = arith.andi %shift_right_logical3A_201, %and3A_203 : vector<16xi32>
      %add3A_205 = arith.addi %mul3A_3, %and3A_204 : vector<16xi32>
      tpu.vector_store_idx %arg9[%add3A_205], %broadcast_in_dim3A_4 masked %eq3A_198 {add = true} : memref<16384xf32, #tpu.memory_space<vmem>>[vector<16xi32>], vector<16xf32>, vector<16xi1>
      tpu.vector_store_idx %arg10[%add3A_205], %get3A_188 masked %eq3A_198 {add = true} : memref<16384xf32, #tpu.memory_space<vmem>>[vector<16xi32>], vector<16xf32>, vector<16xi1>
      %mul3A_206 = arith.constant 8 : i32
      %mul3A_207 = arith.muli %scan3A_111, %mul3A_206 : i32
      %add3A_208 = arith.constant 4 : i32
      %add3A_209 = arith.addi %mul3A_207, %add3A_208 : i32
      %mul3A_210 = arith.constant 16 : i32
      %mul3A_211 = arith.muli %add3A_209, %mul3A_210 : i32
      %get3A_212 = arith.index_cast %mul3A_211 : i32 to index
      %get3A_213 = tpu.vector_load %arg7[%get3A_212] {strides = array<i32>} : memref<16384xf32, #tpu.memory_space<vmem>>, vector<16xf32>,
      %bitcast3A_214 = vector.bitcast %get3A_213 : vector<16xf32> to vector<16xi32>
      %shift_right_logical3A_215 = arith.constant 24 : i32
      %shift_right_logical3A_216 = vector.broadcast %shift_right_logical3A_215 : i32 to vector<16xi32>
      %shift_right_logical3A_217 = arith.shrui %bitcast3A_214, %shift_right_logical3A_216 : vector<16xi32>
      %gt3A_218 = arith.cmpi sgt, %shift_right_logical3A_217, %get3A_11 : vector<16xi32>
      %jit3A_219 = arith.constant 0.000000e+00 : f32
      %broadcast_in_dim3A_220 = vector.broadcast %jit3A_219 : f32 to vector<16xf32>
      %select_n3A_221 = arith.select %gt3A_218, %get3A_213, %broadcast_in_dim3A_220 : vector<16xi1>, vector<16xf32>
      %add3A_222 = arith.addf %add3A_197, %select_n3A_221 : vector<16xf32>
      %eq3A_223 = arith.cmpi eq, %shift_right_logical3A_217, %get3A_11 : vector<16xi32>
      %shift_right_logical3A_224 = arith.constant 14 : i32
      %shift_right_logical3A_225 = vector.broadcast %shift_right_logical3A_224 : i32 to vector<16xi32>
      %shift_right_logical3A_226 = arith.shrui %bitcast3A_214, %shift_right_logical3A_225 : vector<16xi32>
      %and3A_227 = arith.constant 1023 : i32
      %and3A_228 = vector.broadcast %and3A_227 : i32 to vector<16xi32>
      %and3A_229 = arith.andi %shift_right_logical3A_226, %and3A_228 : vector<16xi32>
      %add3A_230 = arith.addi %mul3A_3, %and3A_229 : vector<16xi32>
      tpu.vector_store_idx %arg9[%add3A_230], %broadcast_in_dim3A_4 masked %eq3A_223 {add = true} : memref<16384xf32, #tpu.memory_space<vmem>>[vector<16xi32>], vector<16xf32>, vector<16xi1>
      tpu.vector_store_idx %arg10[%add3A_230], %get3A_213 masked %eq3A_223 {add = true} : memref<16384xf32, #tpu.memory_space<vmem>>[vector<16xi32>], vector<16xf32>, vector<16xi1>
      %mul3A_231 = arith.constant 8 : i32
      %mul3A_232 = arith.muli %scan3A_111, %mul3A_231 : i32
      %add3A_233 = arith.constant 5 : i32
      %add3A_234 = arith.addi %mul3A_232, %add3A_233 : i32
      %mul3A_235 = arith.constant 16 : i32
      %mul3A_236 = arith.muli %add3A_234, %mul3A_235 : i32
      %get3A_237 = arith.index_cast %mul3A_236 : i32 to index
      %get3A_238 = tpu.vector_load %arg7[%get3A_237] {strides = array<i32>} : memref<16384xf32, #tpu.memory_space<vmem>>, vector<16xf32>,
      %bitcast3A_239 = vector.bitcast %get3A_238 : vector<16xf32> to vector<16xi32>
      %shift_right_logical3A_240 = arith.constant 24 : i32
      %shift_right_logical3A_241 = vector.broadcast %shift_right_logical3A_240 : i32 to vector<16xi32>
      %shift_right_logical3A_242 = arith.shrui %bitcast3A_239, %shift_right_logical3A_241 : vector<16xi32>
      %gt3A_243 = arith.cmpi sgt, %shift_right_logical3A_242, %get3A_11 : vector<16xi32>
      %jit3A_244 = arith.constant 0.000000e+00 : f32
      %broadcast_in_dim3A_245 = vector.broadcast %jit3A_244 : f32 to vector<16xf32>
      %select_n3A_246 = arith.select %gt3A_243, %get3A_238, %broadcast_in_dim3A_245 : vector<16xi1>, vector<16xf32>
      %add3A_247 = arith.addf %add3A_222, %select_n3A_246 : vector<16xf32>
      %eq3A_248 = arith.cmpi eq, %shift_right_logical3A_242, %get3A_11 : vector<16xi32>
      %shift_right_logical3A_249 = arith.constant 14 : i32
      %shift_right_logical3A_250 = vector.broadcast %shift_right_logical3A_249 : i32 to vector<16xi32>
      %shift_right_logical3A_251 = arith.shrui %bitcast3A_239, %shift_right_logical3A_250 : vector<16xi32>
      %and3A_252 = arith.constant 1023 : i32
      %and3A_253 = vector.broadcast %and3A_252 : i32 to vector<16xi32>
      %and3A_254 = arith.andi %shift_right_logical3A_251, %and3A_253 : vector<16xi32>
      %add3A_255 = arith.addi %mul3A_3, %and3A_254 : vector<16xi32>
      tpu.vector_store_idx %arg9[%add3A_255], %broadcast_in_dim3A_4 masked %eq3A_248 {add = true} : memref<16384xf32, #tpu.memory_space<vmem>>[vector<16xi32>], vector<16xf32>, vector<16xi1>
      tpu.vector_store_idx %arg10[%add3A_255], %get3A_238 masked %eq3A_248 {add = true} : memref<16384xf32, #tpu.memory_space<vmem>>[vector<16xi32>], vector<16xf32>, vector<16xi1>
      %mul3A_256 = arith.constant 8 : i32
      %mul3A_257 = arith.muli %scan3A_111, %mul3A_256 : i32
      %add3A_258 = arith.constant 6 : i32
      %add3A_259 = arith.addi %mul3A_257, %add3A_258 : i32
      %mul3A_260 = arith.constant 16 : i32
      %mul3A_261 = arith.muli %add3A_259, %mul3A_260 : i32
      %get3A_262 = arith.index_cast %mul3A_261 : i32 to index
      %get3A_263 = tpu.vector_load %arg7[%get3A_262] {strides = array<i32>} : memref<16384xf32, #tpu.memory_space<vmem>>, vector<16xf32>,
      %bitcast3A_264 = vector.bitcast %get3A_263 : vector<16xf32> to vector<16xi32>
      %shift_right_logical3A_265 = arith.constant 24 : i32
      %shift_right_logical3A_266 = vector.broadcast %shift_right_logical3A_265 : i32 to vector<16xi32>
      %shift_right_logical3A_267 = arith.shrui %bitcast3A_264, %shift_right_logical3A_266 : vector<16xi32>
      %gt3A_268 = arith.cmpi sgt, %shift_right_logical3A_267, %get3A_11 : vector<16xi32>
      %jit3A_269 = arith.constant 0.000000e+00 : f32
      %broadcast_in_dim3A_270 = vector.broadcast %jit3A_269 : f32 to vector<16xf32>
      %select_n3A_271 = arith.select %gt3A_268, %get3A_263, %broadcast_in_dim3A_270 : vector<16xi1>, vector<16xf32>
      %add3A_272 = arith.addf %add3A_247, %select_n3A_271 : vector<16xf32>
      %eq3A_273 = arith.cmpi eq, %shift_right_logical3A_267, %get3A_11 : vector<16xi32>
      %shift_right_logical3A_274 = arith.constant 14 : i32
      %shift_right_logical3A_275 = vector.broadcast %shift_right_logical3A_274 : i32 to vector<16xi32>
      %shift_right_logical3A_276 = arith.shrui %bitcast3A_264, %shift_right_logical3A_275 : vector<16xi32>
      %and3A_277 = arith.constant 1023 : i32
      %and3A_278 = vector.broadcast %and3A_277 : i32 to vector<16xi32>
      %and3A_279 = arith.andi %shift_right_logical3A_276, %and3A_278 : vector<16xi32>
      %add3A_280 = arith.addi %mul3A_3, %and3A_279 : vector<16xi32>
      tpu.vector_store_idx %arg9[%add3A_280], %broadcast_in_dim3A_4 masked %eq3A_273 {add = true} : memref<16384xf32, #tpu.memory_space<vmem>>[vector<16xi32>], vector<16xf32>, vector<16xi1>
      tpu.vector_store_idx %arg10[%add3A_280], %get3A_263 masked %eq3A_273 {add = true} : memref<16384xf32, #tpu.memory_space<vmem>>[vector<16xi32>], vector<16xf32>, vector<16xi1>
      %mul3A_281 = arith.constant 8 : i32
      %mul3A_282 = arith.muli %scan3A_111, %mul3A_281 : i32
      %add3A_283 = arith.constant 7 : i32
      %add3A_284 = arith.addi %mul3A_282, %add3A_283 : i32
      %mul3A_285 = arith.constant 16 : i32
      %mul3A_286 = arith.muli %add3A_284, %mul3A_285 : i32
      %get3A_287 = arith.index_cast %mul3A_286 : i32 to index
      %get3A_288 = tpu.vector_load %arg7[%get3A_287] {strides = array<i32>} : memref<16384xf32, #tpu.memory_space<vmem>>, vector<16xf32>,
      %bitcast3A_289 = vector.bitcast %get3A_288 : vector<16xf32> to vector<16xi32>
      %shift_right_logical3A_290 = arith.constant 24 : i32
      %shift_right_logical3A_291 = vector.broadcast %shift_right_logical3A_290 : i32 to vector<16xi32>
      %shift_right_logical3A_292 = arith.shrui %bitcast3A_289, %shift_right_logical3A_291 : vector<16xi32>
      %gt3A_293 = arith.cmpi sgt, %shift_right_logical3A_292, %get3A_11 : vector<16xi32>
      %jit3A_294 = arith.constant 0.000000e+00 : f32
      %broadcast_in_dim3A_295 = vector.broadcast %jit3A_294 : f32 to vector<16xf32>
      %select_n3A_296 = arith.select %gt3A_293, %get3A_288, %broadcast_in_dim3A_295 : vector<16xi1>, vector<16xf32>
      %add3A_297 = arith.addf %add3A_272, %select_n3A_296 : vector<16xf32>
      %eq3A_298 = arith.cmpi eq, %shift_right_logical3A_292, %get3A_11 : vector<16xi32>
      %shift_right_logical3A_299 = arith.constant 14 : i32
      %shift_right_logical3A_300 = vector.broadcast %shift_right_logical3A_299 : i32 to vector<16xi32>
      %shift_right_logical3A_301 = arith.shrui %bitcast3A_289, %shift_right_logical3A_300 : vector<16xi32>
      %and3A_302 = arith.constant 1023 : i32
      %and3A_303 = vector.broadcast %and3A_302 : i32 to vector<16xi32>
      %and3A_304 = arith.andi %shift_right_logical3A_301, %and3A_303 : vector<16xi32>
      %add3A_305 = arith.addi %mul3A_3, %and3A_304 : vector<16xi32>
      tpu.vector_store_idx %arg9[%add3A_305], %broadcast_in_dim3A_4 masked %eq3A_298 {add = true} : memref<16384xf32, #tpu.memory_space<vmem>>[vector<16xi32>], vector<16xf32>, vector<16xi1>
      tpu.vector_store_idx %arg10[%add3A_305], %get3A_288 masked %eq3A_298 {add = true} : memref<16384xf32, #tpu.memory_space<vmem>>[vector<16xi32>], vector<16xf32>, vector<16xi1>
      scf.yield %add3A_297 : vector<16xf32>
    }
    %scan3A_53 = arith.constant 128 : i32
    %add3A_54 = arith.constant 65536 : i32
    %add3A_55 = arith.addi %mul3A_13, %add3A_54 : i32
    %dma_start3A_56 = tpu.memref_slice %arg2[%add3A_55] : memref<4194304xf32, #tpu.memory_space<hbm>> -> memref<16384xf32, #tpu.memory_space<hbm>>
    %dma_start3A_57 = tpu.memref_slice %arg2[%add3A_55] : memref<4194304xf32, #tpu.memory_space<hbm>> -> memref<16384xf32, #tpu.memory_space<hbm>>
    tpu.enqueue_dma source(%dma_start3A_57 : memref<16384xf32, #tpu.memory_space<hbm>>) target(%arg7 : memref<16384xf32, #tpu.memory_space<vmem>>) target_semaphore(%arg13 : memref<!tpu.dma_semaphore, #tpu.memory_space<semaphore_mem>>)
    %dma_wait3A_58 = tpu.memref_slice %arg2[%add3A_43] : memref<4194304xf32, #tpu.memory_space<hbm>> -> memref<16384xf32, #tpu.memory_space<hbm>>
    %dma_wait3A_59 = tpu.memref_slice %arg2[%add3A_43] : memref<4194304xf32, #tpu.memory_space<hbm>> -> memref<16384xf32, #tpu.memory_space<hbm>>
    tpu.wait_dma2 semaphore(%arg14 : memref<!tpu.dma_semaphore, #tpu.memory_space<semaphore_mem>>) src(%dma_wait3A_59 : memref<16384xf32, #tpu.memory_space<hbm>>) dst(%arg8 : memref<16384xf32, #tpu.memory_space<vmem>>)
    %scan3A_60 = arith.constant 0 : i32
    %scan3A_61 = arith.constant 128 : i32
    %scan3A_62 = arith.addi %scan3A_60, %scan3A_61 : i32
    %scan3A_63 = arith.constant 1 : i32
    %scan3A_64 = scf.for %scan3A_111 = %scan3A_60 to %scan3A_62 step %scan3A_63 iter_args(%scan3A_112 = %scan3A_52) -> (vector<16xf32>)  : i32 {
      %mul3A_113 = arith.constant 8 : i32
      %mul3A_114 = arith.muli %scan3A_111, %mul3A_113 : i32
      %add3A_115 = arith.constant 0 : i32
      %add3A_116 = arith.addi %mul3A_114, %add3A_115 : i32
      %mul3A_117 = arith.constant 16 : i32
      %mul3A_118 = arith.muli %add3A_116, %mul3A_117 : i32
      %get3A_119 = arith.index_cast %mul3A_118 : i32 to index
      %get3A_120 = tpu.vector_load %arg8[%get3A_119] {strides = array<i32>} : memref<16384xf32, #tpu.memory_space<vmem>>, vector<16xf32>,
      %bitcast3A = vector.bitcast %get3A_120 : vector<16xf32> to vector<16xi32>
      %shift_right_logical3A = arith.constant 24 : i32
      %shift_right_logical3A_121 = vector.broadcast %shift_right_logical3A : i32 to vector<16xi32>
      %shift_right_logical3A_122 = arith.shrui %bitcast3A, %shift_right_logical3A_121 : vector<16xi32>
      %gt3A = arith.cmpi sgt, %shift_right_logical3A_122, %get3A_11 : vector<16xi32>
      %jit3A = arith.constant 0.000000e+00 : f32
      %broadcast_in_dim3A_123 = vector.broadcast %jit3A : f32 to vector<16xf32>
      %select_n3A = arith.select %gt3A, %get3A_120, %broadcast_in_dim3A_123 : vector<16xi1>, vector<16xf32>
      %add3A_124 = arith.addf %scan3A_112, %select_n3A : vector<16xf32>
      %eq3A = arith.cmpi eq, %shift_right_logical3A_122, %get3A_11 : vector<16xi32>
      %shift_right_logical3A_125 = arith.constant 14 : i32
      %shift_right_logical3A_126 = vector.broadcast %shift_right_logical3A_125 : i32 to vector<16xi32>
      %shift_right_logical3A_127 = arith.shrui %bitcast3A, %shift_right_logical3A_126 : vector<16xi32>
      %and3A = arith.constant 1023 : i32
      %and3A_128 = vector.broadcast %and3A : i32 to vector<16xi32>
      %and3A_129 = arith.andi %shift_right_logical3A_127, %and3A_128 : vector<16xi32>
      %add3A_130 = arith.addi %mul3A_3, %and3A_129 : vector<16xi32>
      tpu.vector_store_idx %arg9[%add3A_130], %broadcast_in_dim3A_4 masked %eq3A {add = true} : memref<16384xf32, #tpu.memory_space<vmem>>[vector<16xi32>], vector<16xf32>, vector<16xi1>
      tpu.vector_store_idx %arg10[%add3A_130], %get3A_120 masked %eq3A {add = true} : memref<16384xf32, #tpu.memory_space<vmem>>[vector<16xi32>], vector<16xf32>, vector<16xi1>
      %mul3A_131 = arith.constant 8 : i32
      %mul3A_132 = arith.muli %scan3A_111, %mul3A_131 : i32
      %add3A_133 = arith.constant 1 : i32
      %add3A_134 = arith.addi %mul3A_132, %add3A_133 : i32
      %mul3A_135 = arith.constant 16 : i32
      %mul3A_136 = arith.muli %add3A_134, %mul3A_135 : i32
      %get3A_137 = arith.index_cast %mul3A_136 : i32 to index
      %get3A_138 = tpu.vector_load %arg8[%get3A_137] {strides = array<i32>} : memref<16384xf32, #tpu.memory_space<vmem>>, vector<16xf32>,
      %bitcast3A_139 = vector.bitcast %get3A_138 : vector<16xf32> to vector<16xi32>
      %shift_right_logical3A_140 = arith.constant 24 : i32
      %shift_right_logical3A_141 = vector.broadcast %shift_right_logical3A_140 : i32 to vector<16xi32>
      %shift_right_logical3A_142 = arith.shrui %bitcast3A_139, %shift_right_logical3A_141 : vector<16xi32>
      %gt3A_143 = arith.cmpi sgt, %shift_right_logical3A_142, %get3A_11 : vector<16xi32>
      %jit3A_144 = arith.constant 0.000000e+00 : f32
      %broadcast_in_dim3A_145 = vector.broadcast %jit3A_144 : f32 to vector<16xf32>
      %select_n3A_146 = arith.select %gt3A_143, %get3A_138, %broadcast_in_dim3A_145 : vector<16xi1>, vector<16xf32>
      %add3A_147 = arith.addf %add3A_124, %select_n3A_146 : vector<16xf32>
      %eq3A_148 = arith.cmpi eq, %shift_right_logical3A_142, %get3A_11 : vector<16xi32>
      %shift_right_logical3A_149 = arith.constant 14 : i32
      %shift_right_logical3A_150 = vector.broadcast %shift_right_logical3A_149 : i32 to vector<16xi32>
      %shift_right_logical3A_151 = arith.shrui %bitcast3A_139, %shift_right_logical3A_150 : vector<16xi32>
      %and3A_152 = arith.constant 1023 : i32
      %and3A_153 = vector.broadcast %and3A_152 : i32 to vector<16xi32>
      %and3A_154 = arith.andi %shift_right_logical3A_151, %and3A_153 : vector<16xi32>
      %add3A_155 = arith.addi %mul3A_3, %and3A_154 : vector<16xi32>
      tpu.vector_store_idx %arg9[%add3A_155], %broadcast_in_dim3A_4 masked %eq3A_148 {add = true} : memref<16384xf32, #tpu.memory_space<vmem>>[vector<16xi32>], vector<16xf32>, vector<16xi1>
      tpu.vector_store_idx %arg10[%add3A_155], %get3A_138 masked %eq3A_148 {add = true} : memref<16384xf32, #tpu.memory_space<vmem>>[vector<16xi32>], vector<16xf32>, vector<16xi1>
      %mul3A_156 = arith.constant 8 : i32
      %mul3A_157 = arith.muli %scan3A_111, %mul3A_156 : i32
      %add3A_158 = arith.constant 2 : i32
      %add3A_159 = arith.addi %mul3A_157, %add3A_158 : i32
      %mul3A_160 = arith.constant 16 : i32
      %mul3A_161 = arith.muli %add3A_159, %mul3A_160 : i32
      %get3A_162 = arith.index_cast %mul3A_161 : i32 to index
      %get3A_163 = tpu.vector_load %arg8[%get3A_162] {strides = array<i32>} : memref<16384xf32, #tpu.memory_space<vmem>>, vector<16xf32>,
      %bitcast3A_164 = vector.bitcast %get3A_163 : vector<16xf32> to vector<16xi32>
      %shift_right_logical3A_165 = arith.constant 24 : i32
      %shift_right_logical3A_166 = vector.broadcast %shift_right_logical3A_165 : i32 to vector<16xi32>
      %shift_right_logical3A_167 = arith.shrui %bitcast3A_164, %shift_right_logical3A_166 : vector<16xi32>
      %gt3A_168 = arith.cmpi sgt, %shift_right_logical3A_167, %get3A_11 : vector<16xi32>
      %jit3A_169 = arith.constant 0.000000e+00 : f32
      %broadcast_in_dim3A_170 = vector.broadcast %jit3A_169 : f32 to vector<16xf32>
      %select_n3A_171 = arith.select %gt3A_168, %get3A_163, %broadcast_in_dim3A_170 : vector<16xi1>, vector<16xf32>
      %add3A_172 = arith.addf %add3A_147, %select_n3A_171 : vector<16xf32>
      %eq3A_173 = arith.cmpi eq, %shift_right_logical3A_167, %get3A_11 : vector<16xi32>
      %shift_right_logical3A_174 = arith.constant 14 : i32
      %shift_right_logical3A_175 = vector.broadcast %shift_right_logical3A_174 : i32 to vector<16xi32>
      %shift_right_logical3A_176 = arith.shrui %bitcast3A_164, %shift_right_logical3A_175 : vector<16xi32>
      %and3A_177 = arith.constant 1023 : i32
      %and3A_178 = vector.broadcast %and3A_177 : i32 to vector<16xi32>
      %and3A_179 = arith.andi %shift_right_logical3A_176, %and3A_178 : vector<16xi32>
      %add3A_180 = arith.addi %mul3A_3, %and3A_179 : vector<16xi32>
      tpu.vector_store_idx %arg9[%add3A_180], %broadcast_in_dim3A_4 masked %eq3A_173 {add = true} : memref<16384xf32, #tpu.memory_space<vmem>>[vector<16xi32>], vector<16xf32>, vector<16xi1>
      tpu.vector_store_idx %arg10[%add3A_180], %get3A_163 masked %eq3A_173 {add = true} : memref<16384xf32, #tpu.memory_space<vmem>>[vector<16xi32>], vector<16xf32>, vector<16xi1>
      %mul3A_181 = arith.constant 8 : i32
      %mul3A_182 = arith.muli %scan3A_111, %mul3A_181 : i32
      %add3A_183 = arith.constant 3 : i32
      %add3A_184 = arith.addi %mul3A_182, %add3A_183 : i32
      %mul3A_185 = arith.constant 16 : i32
      %mul3A_186 = arith.muli %add3A_184, %mul3A_185 : i32
      %get3A_187 = arith.index_cast %mul3A_186 : i32 to index
      %get3A_188 = tpu.vector_load %arg8[%get3A_187] {strides = array<i32>} : memref<16384xf32, #tpu.memory_space<vmem>>, vector<16xf32>,
      %bitcast3A_189 = vector.bitcast %get3A_188 : vector<16xf32> to vector<16xi32>
      %shift_right_logical3A_190 = arith.constant 24 : i32
      %shift_right_logical3A_191 = vector.broadcast %shift_right_logical3A_190 : i32 to vector<16xi32>
      %shift_right_logical3A_192 = arith.shrui %bitcast3A_189, %shift_right_logical3A_191 : vector<16xi32>
      %gt3A_193 = arith.cmpi sgt, %shift_right_logical3A_192, %get3A_11 : vector<16xi32>
      %jit3A_194 = arith.constant 0.000000e+00 : f32
      %broadcast_in_dim3A_195 = vector.broadcast %jit3A_194 : f32 to vector<16xf32>
      %select_n3A_196 = arith.select %gt3A_193, %get3A_188, %broadcast_in_dim3A_195 : vector<16xi1>, vector<16xf32>
      %add3A_197 = arith.addf %add3A_172, %select_n3A_196 : vector<16xf32>
      %eq3A_198 = arith.cmpi eq, %shift_right_logical3A_192, %get3A_11 : vector<16xi32>
      %shift_right_logical3A_199 = arith.constant 14 : i32
      %shift_right_logical3A_200 = vector.broadcast %shift_right_logical3A_199 : i32 to vector<16xi32>
      %shift_right_logical3A_201 = arith.shrui %bitcast3A_189, %shift_right_logical3A_200 : vector<16xi32>
      %and3A_202 = arith.constant 1023 : i32
      %and3A_203 = vector.broadcast %and3A_202 : i32 to vector<16xi32>
      %and3A_204 = arith.andi %shift_right_logical3A_201, %and3A_203 : vector<16xi32>
      %add3A_205 = arith.addi %mul3A_3, %and3A_204 : vector<16xi32>
      tpu.vector_store_idx %arg9[%add3A_205], %broadcast_in_dim3A_4 masked %eq3A_198 {add = true} : memref<16384xf32, #tpu.memory_space<vmem>>[vector<16xi32>], vector<16xf32>, vector<16xi1>
      tpu.vector_store_idx %arg10[%add3A_205], %get3A_188 masked %eq3A_198 {add = true} : memref<16384xf32, #tpu.memory_space<vmem>>[vector<16xi32>], vector<16xf32>, vector<16xi1>
      %mul3A_206 = arith.constant 8 : i32
      %mul3A_207 = arith.muli %scan3A_111, %mul3A_206 : i32
      %add3A_208 = arith.constant 4 : i32
      %add3A_209 = arith.addi %mul3A_207, %add3A_208 : i32
      %mul3A_210 = arith.constant 16 : i32
      %mul3A_211 = arith.muli %add3A_209, %mul3A_210 : i32
      %get3A_212 = arith.index_cast %mul3A_211 : i32 to index
      %get3A_213 = tpu.vector_load %arg8[%get3A_212] {strides = array<i32>} : memref<16384xf32, #tpu.memory_space<vmem>>, vector<16xf32>,
      %bitcast3A_214 = vector.bitcast %get3A_213 : vector<16xf32> to vector<16xi32>
      %shift_right_logical3A_215 = arith.constant 24 : i32
      %shift_right_logical3A_216 = vector.broadcast %shift_right_logical3A_215 : i32 to vector<16xi32>
      %shift_right_logical3A_217 = arith.shrui %bitcast3A_214, %shift_right_logical3A_216 : vector<16xi32>
      %gt3A_218 = arith.cmpi sgt, %shift_right_logical3A_217, %get3A_11 : vector<16xi32>
      %jit3A_219 = arith.constant 0.000000e+00 : f32
      %broadcast_in_dim3A_220 = vector.broadcast %jit3A_219 : f32 to vector<16xf32>
      %select_n3A_221 = arith.select %gt3A_218, %get3A_213, %broadcast_in_dim3A_220 : vector<16xi1>, vector<16xf32>
      %add3A_222 = arith.addf %add3A_197, %select_n3A_221 : vector<16xf32>
      %eq3A_223 = arith.cmpi eq, %shift_right_logical3A_217, %get3A_11 : vector<16xi32>
      %shift_right_logical3A_224 = arith.constant 14 : i32
      %shift_right_logical3A_225 = vector.broadcast %shift_right_logical3A_224 : i32 to vector<16xi32>
      %shift_right_logical3A_226 = arith.shrui %bitcast3A_214, %shift_right_logical3A_225 : vector<16xi32>
      %and3A_227 = arith.constant 1023 : i32
      %and3A_228 = vector.broadcast %and3A_227 : i32 to vector<16xi32>
      %and3A_229 = arith.andi %shift_right_logical3A_226, %and3A_228 : vector<16xi32>
      %add3A_230 = arith.addi %mul3A_3, %and3A_229 : vector<16xi32>
      tpu.vector_store_idx %arg9[%add3A_230], %broadcast_in_dim3A_4 masked %eq3A_223 {add = true} : memref<16384xf32, #tpu.memory_space<vmem>>[vector<16xi32>], vector<16xf32>, vector<16xi1>
      tpu.vector_store_idx %arg10[%add3A_230], %get3A_213 masked %eq3A_223 {add = true} : memref<16384xf32, #tpu.memory_space<vmem>>[vector<16xi32>], vector<16xf32>, vector<16xi1>
      %mul3A_231 = arith.constant 8 : i32
      %mul3A_232 = arith.muli %scan3A_111, %mul3A_231 : i32
      %add3A_233 = arith.constant 5 : i32
      %add3A_234 = arith.addi %mul3A_232, %add3A_233 : i32
      %mul3A_235 = arith.constant 16 : i32
      %mul3A_236 = arith.muli %add3A_234, %mul3A_235 : i32
      %get3A_237 = arith.index_cast %mul3A_236 : i32 to index
      %get3A_238 = tpu.vector_load %arg8[%get3A_237] {strides = array<i32>} : memref<16384xf32, #tpu.memory_space<vmem>>, vector<16xf32>,
      %bitcast3A_239 = vector.bitcast %get3A_238 : vector<16xf32> to vector<16xi32>
      %shift_right_logical3A_240 = arith.constant 24 : i32
      %shift_right_logical3A_241 = vector.broadcast %shift_right_logical3A_240 : i32 to vector<16xi32>
      %shift_right_logical3A_242 = arith.shrui %bitcast3A_239, %shift_right_logical3A_241 : vector<16xi32>
      %gt3A_243 = arith.cmpi sgt, %shift_right_logical3A_242, %get3A_11 : vector<16xi32>
      %jit3A_244 = arith.constant 0.000000e+00 : f32
      %broadcast_in_dim3A_245 = vector.broadcast %jit3A_244 : f32 to vector<16xf32>
      %select_n3A_246 = arith.select %gt3A_243, %get3A_238, %broadcast_in_dim3A_245 : vector<16xi1>, vector<16xf32>
      %add3A_247 = arith.addf %add3A_222, %select_n3A_246 : vector<16xf32>
      %eq3A_248 = arith.cmpi eq, %shift_right_logical3A_242, %get3A_11 : vector<16xi32>
      %shift_right_logical3A_249 = arith.constant 14 : i32
      %shift_right_logical3A_250 = vector.broadcast %shift_right_logical3A_249 : i32 to vector<16xi32>
      %shift_right_logical3A_251 = arith.shrui %bitcast3A_239, %shift_right_logical3A_250 : vector<16xi32>
      %and3A_252 = arith.constant 1023 : i32
      %and3A_253 = vector.broadcast %and3A_252 : i32 to vector<16xi32>
      %and3A_254 = arith.andi %shift_right_logical3A_251, %and3A_253 : vector<16xi32>
      %add3A_255 = arith.addi %mul3A_3, %and3A_254 : vector<16xi32>
      tpu.vector_store_idx %arg9[%add3A_255], %broadcast_in_dim3A_4 masked %eq3A_248 {add = true} : memref<16384xf32, #tpu.memory_space<vmem>>[vector<16xi32>], vector<16xf32>, vector<16xi1>
      tpu.vector_store_idx %arg10[%add3A_255], %get3A_238 masked %eq3A_248 {add = true} : memref<16384xf32, #tpu.memory_space<vmem>>[vector<16xi32>], vector<16xf32>, vector<16xi1>
      %mul3A_256 = arith.constant 8 : i32
      %mul3A_257 = arith.muli %scan3A_111, %mul3A_256 : i32
      %add3A_258 = arith.constant 6 : i32
      %add3A_259 = arith.addi %mul3A_257, %add3A_258 : i32
      %mul3A_260 = arith.constant 16 : i32
      %mul3A_261 = arith.muli %add3A_259, %mul3A_260 : i32
      %get3A_262 = arith.index_cast %mul3A_261 : i32 to index
      %get3A_263 = tpu.vector_load %arg8[%get3A_262] {strides = array<i32>} : memref<16384xf32, #tpu.memory_space<vmem>>, vector<16xf32>,
      %bitcast3A_264 = vector.bitcast %get3A_263 : vector<16xf32> to vector<16xi32>
      %shift_right_logical3A_265 = arith.constant 24 : i32
      %shift_right_logical3A_266 = vector.broadcast %shift_right_logical3A_265 : i32 to vector<16xi32>
      %shift_right_logical3A_267 = arith.shrui %bitcast3A_264, %shift_right_logical3A_266 : vector<16xi32>
      %gt3A_268 = arith.cmpi sgt, %shift_right_logical3A_267, %get3A_11 : vector<16xi32>
      %jit3A_269 = arith.constant 0.000000e+00 : f32
      %broadcast_in_dim3A_270 = vector.broadcast %jit3A_269 : f32 to vector<16xf32>
      %select_n3A_271 = arith.select %gt3A_268, %get3A_263, %broadcast_in_dim3A_270 : vector<16xi1>, vector<16xf32>
      %add3A_272 = arith.addf %add3A_247, %select_n3A_271 : vector<16xf32>
      %eq3A_273 = arith.cmpi eq, %shift_right_logical3A_267, %get3A_11 : vector<16xi32>
      %shift_right_logical3A_274 = arith.constant 14 : i32
      %shift_right_logical3A_275 = vector.broadcast %shift_right_logical3A_274 : i32 to vector<16xi32>
      %shift_right_logical3A_276 = arith.shrui %bitcast3A_264, %shift_right_logical3A_275 : vector<16xi32>
      %and3A_277 = arith.constant 1023 : i32
      %and3A_278 = vector.broadcast %and3A_277 : i32 to vector<16xi32>
      %and3A_279 = arith.andi %shift_right_logical3A_276, %and3A_278 : vector<16xi32>
      %add3A_280 = arith.addi %mul3A_3, %and3A_279 : vector<16xi32>
      tpu.vector_store_idx %arg9[%add3A_280], %broadcast_in_dim3A_4 masked %eq3A_273 {add = true} : memref<16384xf32, #tpu.memory_space<vmem>>[vector<16xi32>], vector<16xf32>, vector<16xi1>
      tpu.vector_store_idx %arg10[%add3A_280], %get3A_263 masked %eq3A_273 {add = true} : memref<16384xf32, #tpu.memory_space<vmem>>[vector<16xi32>], vector<16xf32>, vector<16xi1>
      %mul3A_281 = arith.constant 8 : i32
      %mul3A_282 = arith.muli %scan3A_111, %mul3A_281 : i32
      %add3A_283 = arith.constant 7 : i32
      %add3A_284 = arith.addi %mul3A_282, %add3A_283 : i32
      %mul3A_285 = arith.constant 16 : i32
      %mul3A_286 = arith.muli %add3A_284, %mul3A_285 : i32
      %get3A_287 = arith.index_cast %mul3A_286 : i32 to index
      %get3A_288 = tpu.vector_load %arg8[%get3A_287] {strides = array<i32>} : memref<16384xf32, #tpu.memory_space<vmem>>, vector<16xf32>,
      %bitcast3A_289 = vector.bitcast %get3A_288 : vector<16xf32> to vector<16xi32>
      %shift_right_logical3A_290 = arith.constant 24 : i32
      %shift_right_logical3A_291 = vector.broadcast %shift_right_logical3A_290 : i32 to vector<16xi32>
      %shift_right_logical3A_292 = arith.shrui %bitcast3A_289, %shift_right_logical3A_291 : vector<16xi32>
      %gt3A_293 = arith.cmpi sgt, %shift_right_logical3A_292, %get3A_11 : vector<16xi32>
      %jit3A_294 = arith.constant 0.000000e+00 : f32
      %broadcast_in_dim3A_295 = vector.broadcast %jit3A_294 : f32 to vector<16xf32>
      %select_n3A_296 = arith.select %gt3A_293, %get3A_288, %broadcast_in_dim3A_295 : vector<16xi1>, vector<16xf32>
      %add3A_297 = arith.addf %add3A_272, %select_n3A_296 : vector<16xf32>
      %eq3A_298 = arith.cmpi eq, %shift_right_logical3A_292, %get3A_11 : vector<16xi32>
      %shift_right_logical3A_299 = arith.constant 14 : i32
      %shift_right_logical3A_300 = vector.broadcast %shift_right_logical3A_299 : i32 to vector<16xi32>
      %shift_right_logical3A_301 = arith.shrui %bitcast3A_289, %shift_right_logical3A_300 : vector<16xi32>
      %and3A_302 = arith.constant 1023 : i32
      %and3A_303 = vector.broadcast %and3A_302 : i32 to vector<16xi32>
      %and3A_304 = arith.andi %shift_right_logical3A_301, %and3A_303 : vector<16xi32>
      %add3A_305 = arith.addi %mul3A_3, %and3A_304 : vector<16xi32>
      tpu.vector_store_idx %arg9[%add3A_305], %broadcast_in_dim3A_4 masked %eq3A_298 {add = true} : memref<16384xf32, #tpu.memory_space<vmem>>[vector<16xi32>], vector<16xf32>, vector<16xi1>
      tpu.vector_store_idx %arg10[%add3A_305], %get3A_288 masked %eq3A_298 {add = true} : memref<16384xf32, #tpu.memory_space<vmem>>[vector<16xi32>], vector<16xf32>, vector<16xi1>
      scf.yield %add3A_297 : vector<16xf32>
    }
    %scan3A_65 = arith.constant 128 : i32
    %add3A_66 = arith.constant 81920 : i32
    %add3A_67 = arith.addi %mul3A_13, %add3A_66 : i32
    %dma_start3A_68 = tpu.memref_slice %arg2[%add3A_67] : memref<4194304xf32, #tpu.memory_space<hbm>> -> memref<16384xf32, #tpu.memory_space<hbm>>
    %dma_start3A_69 = tpu.memref_slice %arg2[%add3A_67] : memref<4194304xf32, #tpu.memory_space<hbm>> -> memref<16384xf32, #tpu.memory_space<hbm>>
    tpu.enqueue_dma source(%dma_start3A_69 : memref<16384xf32, #tpu.memory_space<hbm>>) target(%arg8 : memref<16384xf32, #tpu.memory_space<vmem>>) target_semaphore(%arg14 : memref<!tpu.dma_semaphore, #tpu.memory_space<semaphore_mem>>)
    %dma_wait3A_70 = tpu.memref_slice %arg2[%add3A_55] : memref<4194304xf32, #tpu.memory_space<hbm>> -> memref<16384xf32, #tpu.memory_space<hbm>>
    %dma_wait3A_71 = tpu.memref_slice %arg2[%add3A_55] : memref<4194304xf32, #tpu.memory_space<hbm>> -> memref<16384xf32, #tpu.memory_space<hbm>>
    tpu.wait_dma2 semaphore(%arg13 : memref<!tpu.dma_semaphore, #tpu.memory_space<semaphore_mem>>) src(%dma_wait3A_71 : memref<16384xf32, #tpu.memory_space<hbm>>) dst(%arg7 : memref<16384xf32, #tpu.memory_space<vmem>>)
    %scan3A_72 = arith.constant 0 : i32
    %scan3A_73 = arith.constant 128 : i32
    %scan3A_74 = arith.addi %scan3A_72, %scan3A_73 : i32
    %scan3A_75 = arith.constant 1 : i32
    %scan3A_76 = scf.for %scan3A_111 = %scan3A_72 to %scan3A_74 step %scan3A_75 iter_args(%scan3A_112 = %scan3A_64) -> (vector<16xf32>)  : i32 {
      %mul3A_113 = arith.constant 8 : i32
      %mul3A_114 = arith.muli %scan3A_111, %mul3A_113 : i32
      %add3A_115 = arith.constant 0 : i32
      %add3A_116 = arith.addi %mul3A_114, %add3A_115 : i32
      %mul3A_117 = arith.constant 16 : i32
      %mul3A_118 = arith.muli %add3A_116, %mul3A_117 : i32
      %get3A_119 = arith.index_cast %mul3A_118 : i32 to index
      %get3A_120 = tpu.vector_load %arg7[%get3A_119] {strides = array<i32>} : memref<16384xf32, #tpu.memory_space<vmem>>, vector<16xf32>,
      %bitcast3A = vector.bitcast %get3A_120 : vector<16xf32> to vector<16xi32>
      %shift_right_logical3A = arith.constant 24 : i32
      %shift_right_logical3A_121 = vector.broadcast %shift_right_logical3A : i32 to vector<16xi32>
      %shift_right_logical3A_122 = arith.shrui %bitcast3A, %shift_right_logical3A_121 : vector<16xi32>
      %gt3A = arith.cmpi sgt, %shift_right_logical3A_122, %get3A_11 : vector<16xi32>
      %jit3A = arith.constant 0.000000e+00 : f32
      %broadcast_in_dim3A_123 = vector.broadcast %jit3A : f32 to vector<16xf32>
      %select_n3A = arith.select %gt3A, %get3A_120, %broadcast_in_dim3A_123 : vector<16xi1>, vector<16xf32>
      %add3A_124 = arith.addf %scan3A_112, %select_n3A : vector<16xf32>
      %eq3A = arith.cmpi eq, %shift_right_logical3A_122, %get3A_11 : vector<16xi32>
      %shift_right_logical3A_125 = arith.constant 14 : i32
      %shift_right_logical3A_126 = vector.broadcast %shift_right_logical3A_125 : i32 to vector<16xi32>
      %shift_right_logical3A_127 = arith.shrui %bitcast3A, %shift_right_logical3A_126 : vector<16xi32>
      %and3A = arith.constant 1023 : i32
      %and3A_128 = vector.broadcast %and3A : i32 to vector<16xi32>
      %and3A_129 = arith.andi %shift_right_logical3A_127, %and3A_128 : vector<16xi32>
      %add3A_130 = arith.addi %mul3A_3, %and3A_129 : vector<16xi32>
      tpu.vector_store_idx %arg9[%add3A_130], %broadcast_in_dim3A_4 masked %eq3A {add = true} : memref<16384xf32, #tpu.memory_space<vmem>>[vector<16xi32>], vector<16xf32>, vector<16xi1>
      tpu.vector_store_idx %arg10[%add3A_130], %get3A_120 masked %eq3A {add = true} : memref<16384xf32, #tpu.memory_space<vmem>>[vector<16xi32>], vector<16xf32>, vector<16xi1>
      %mul3A_131 = arith.constant 8 : i32
      %mul3A_132 = arith.muli %scan3A_111, %mul3A_131 : i32
      %add3A_133 = arith.constant 1 : i32
      %add3A_134 = arith.addi %mul3A_132, %add3A_133 : i32
      %mul3A_135 = arith.constant 16 : i32
      %mul3A_136 = arith.muli %add3A_134, %mul3A_135 : i32
      %get3A_137 = arith.index_cast %mul3A_136 : i32 to index
      %get3A_138 = tpu.vector_load %arg7[%get3A_137] {strides = array<i32>} : memref<16384xf32, #tpu.memory_space<vmem>>, vector<16xf32>,
      %bitcast3A_139 = vector.bitcast %get3A_138 : vector<16xf32> to vector<16xi32>
      %shift_right_logical3A_140 = arith.constant 24 : i32
      %shift_right_logical3A_141 = vector.broadcast %shift_right_logical3A_140 : i32 to vector<16xi32>
      %shift_right_logical3A_142 = arith.shrui %bitcast3A_139, %shift_right_logical3A_141 : vector<16xi32>
      %gt3A_143 = arith.cmpi sgt, %shift_right_logical3A_142, %get3A_11 : vector<16xi32>
      %jit3A_144 = arith.constant 0.000000e+00 : f32
      %broadcast_in_dim3A_145 = vector.broadcast %jit3A_144 : f32 to vector<16xf32>
      %select_n3A_146 = arith.select %gt3A_143, %get3A_138, %broadcast_in_dim3A_145 : vector<16xi1>, vector<16xf32>
      %add3A_147 = arith.addf %add3A_124, %select_n3A_146 : vector<16xf32>
      %eq3A_148 = arith.cmpi eq, %shift_right_logical3A_142, %get3A_11 : vector<16xi32>
      %shift_right_logical3A_149 = arith.constant 14 : i32
      %shift_right_logical3A_150 = vector.broadcast %shift_right_logical3A_149 : i32 to vector<16xi32>
      %shift_right_logical3A_151 = arith.shrui %bitcast3A_139, %shift_right_logical3A_150 : vector<16xi32>
      %and3A_152 = arith.constant 1023 : i32
      %and3A_153 = vector.broadcast %and3A_152 : i32 to vector<16xi32>
      %and3A_154 = arith.andi %shift_right_logical3A_151, %and3A_153 : vector<16xi32>
      %add3A_155 = arith.addi %mul3A_3, %and3A_154 : vector<16xi32>
      tpu.vector_store_idx %arg9[%add3A_155], %broadcast_in_dim3A_4 masked %eq3A_148 {add = true} : memref<16384xf32, #tpu.memory_space<vmem>>[vector<16xi32>], vector<16xf32>, vector<16xi1>
      tpu.vector_store_idx %arg10[%add3A_155], %get3A_138 masked %eq3A_148 {add = true} : memref<16384xf32, #tpu.memory_space<vmem>>[vector<16xi32>], vector<16xf32>, vector<16xi1>
      %mul3A_156 = arith.constant 8 : i32
      %mul3A_157 = arith.muli %scan3A_111, %mul3A_156 : i32
      %add3A_158 = arith.constant 2 : i32
      %add3A_159 = arith.addi %mul3A_157, %add3A_158 : i32
      %mul3A_160 = arith.constant 16 : i32
      %mul3A_161 = arith.muli %add3A_159, %mul3A_160 : i32
      %get3A_162 = arith.index_cast %mul3A_161 : i32 to index
      %get3A_163 = tpu.vector_load %arg7[%get3A_162] {strides = array<i32>} : memref<16384xf32, #tpu.memory_space<vmem>>, vector<16xf32>,
      %bitcast3A_164 = vector.bitcast %get3A_163 : vector<16xf32> to vector<16xi32>
      %shift_right_logical3A_165 = arith.constant 24 : i32
      %shift_right_logical3A_166 = vector.broadcast %shift_right_logical3A_165 : i32 to vector<16xi32>
      %shift_right_logical3A_167 = arith.shrui %bitcast3A_164, %shift_right_logical3A_166 : vector<16xi32>
      %gt3A_168 = arith.cmpi sgt, %shift_right_logical3A_167, %get3A_11 : vector<16xi32>
      %jit3A_169 = arith.constant 0.000000e+00 : f32
      %broadcast_in_dim3A_170 = vector.broadcast %jit3A_169 : f32 to vector<16xf32>
      %select_n3A_171 = arith.select %gt3A_168, %get3A_163, %broadcast_in_dim3A_170 : vector<16xi1>, vector<16xf32>
      %add3A_172 = arith.addf %add3A_147, %select_n3A_171 : vector<16xf32>
      %eq3A_173 = arith.cmpi eq, %shift_right_logical3A_167, %get3A_11 : vector<16xi32>
      %shift_right_logical3A_174 = arith.constant 14 : i32
      %shift_right_logical3A_175 = vector.broadcast %shift_right_logical3A_174 : i32 to vector<16xi32>
      %shift_right_logical3A_176 = arith.shrui %bitcast3A_164, %shift_right_logical3A_175 : vector<16xi32>
      %and3A_177 = arith.constant 1023 : i32
      %and3A_178 = vector.broadcast %and3A_177 : i32 to vector<16xi32>
      %and3A_179 = arith.andi %shift_right_logical3A_176, %and3A_178 : vector<16xi32>
      %add3A_180 = arith.addi %mul3A_3, %and3A_179 : vector<16xi32>
      tpu.vector_store_idx %arg9[%add3A_180], %broadcast_in_dim3A_4 masked %eq3A_173 {add = true} : memref<16384xf32, #tpu.memory_space<vmem>>[vector<16xi32>], vector<16xf32>, vector<16xi1>
      tpu.vector_store_idx %arg10[%add3A_180], %get3A_163 masked %eq3A_173 {add = true} : memref<16384xf32, #tpu.memory_space<vmem>>[vector<16xi32>], vector<16xf32>, vector<16xi1>
      %mul3A_181 = arith.constant 8 : i32
      %mul3A_182 = arith.muli %scan3A_111, %mul3A_181 : i32
      %add3A_183 = arith.constant 3 : i32
      %add3A_184 = arith.addi %mul3A_182, %add3A_183 : i32
      %mul3A_185 = arith.constant 16 : i32
      %mul3A_186 = arith.muli %add3A_184, %mul3A_185 : i32
      %get3A_187 = arith.index_cast %mul3A_186 : i32 to index
      %get3A_188 = tpu.vector_load %arg7[%get3A_187] {strides = array<i32>} : memref<16384xf32, #tpu.memory_space<vmem>>, vector<16xf32>,
      %bitcast3A_189 = vector.bitcast %get3A_188 : vector<16xf32> to vector<16xi32>
      %shift_right_logical3A_190 = arith.constant 24 : i32
      %shift_right_logical3A_191 = vector.broadcast %shift_right_logical3A_190 : i32 to vector<16xi32>
      %shift_right_logical3A_192 = arith.shrui %bitcast3A_189, %shift_right_logical3A_191 : vector<16xi32>
      %gt3A_193 = arith.cmpi sgt, %shift_right_logical3A_192, %get3A_11 : vector<16xi32>
      %jit3A_194 = arith.constant 0.000000e+00 : f32
      %broadcast_in_dim3A_195 = vector.broadcast %jit3A_194 : f32 to vector<16xf32>
      %select_n3A_196 = arith.select %gt3A_193, %get3A_188, %broadcast_in_dim3A_195 : vector<16xi1>, vector<16xf32>
      %add3A_197 = arith.addf %add3A_172, %select_n3A_196 : vector<16xf32>
      %eq3A_198 = arith.cmpi eq, %shift_right_logical3A_192, %get3A_11 : vector<16xi32>
      %shift_right_logical3A_199 = arith.constant 14 : i32
      %shift_right_logical3A_200 = vector.broadcast %shift_right_logical3A_199 : i32 to vector<16xi32>
      %shift_right_logical3A_201 = arith.shrui %bitcast3A_189, %shift_right_logical3A_200 : vector<16xi32>
      %and3A_202 = arith.constant 1023 : i32
      %and3A_203 = vector.broadcast %and3A_202 : i32 to vector<16xi32>
      %and3A_204 = arith.andi %shift_right_logical3A_201, %and3A_203 : vector<16xi32>
      %add3A_205 = arith.addi %mul3A_3, %and3A_204 : vector<16xi32>
      tpu.vector_store_idx %arg9[%add3A_205], %broadcast_in_dim3A_4 masked %eq3A_198 {add = true} : memref<16384xf32, #tpu.memory_space<vmem>>[vector<16xi32>], vector<16xf32>, vector<16xi1>
      tpu.vector_store_idx %arg10[%add3A_205], %get3A_188 masked %eq3A_198 {add = true} : memref<16384xf32, #tpu.memory_space<vmem>>[vector<16xi32>], vector<16xf32>, vector<16xi1>
      %mul3A_206 = arith.constant 8 : i32
      %mul3A_207 = arith.muli %scan3A_111, %mul3A_206 : i32
      %add3A_208 = arith.constant 4 : i32
      %add3A_209 = arith.addi %mul3A_207, %add3A_208 : i32
      %mul3A_210 = arith.constant 16 : i32
      %mul3A_211 = arith.muli %add3A_209, %mul3A_210 : i32
      %get3A_212 = arith.index_cast %mul3A_211 : i32 to index
      %get3A_213 = tpu.vector_load %arg7[%get3A_212] {strides = array<i32>} : memref<16384xf32, #tpu.memory_space<vmem>>, vector<16xf32>,
      %bitcast3A_214 = vector.bitcast %get3A_213 : vector<16xf32> to vector<16xi32>
      %shift_right_logical3A_215 = arith.constant 24 : i32
      %shift_right_logical3A_216 = vector.broadcast %shift_right_logical3A_215 : i32 to vector<16xi32>
      %shift_right_logical3A_217 = arith.shrui %bitcast3A_214, %shift_right_logical3A_216 : vector<16xi32>
      %gt3A_218 = arith.cmpi sgt, %shift_right_logical3A_217, %get3A_11 : vector<16xi32>
      %jit3A_219 = arith.constant 0.000000e+00 : f32
      %broadcast_in_dim3A_220 = vector.broadcast %jit3A_219 : f32 to vector<16xf32>
      %select_n3A_221 = arith.select %gt3A_218, %get3A_213, %broadcast_in_dim3A_220 : vector<16xi1>, vector<16xf32>
      %add3A_222 = arith.addf %add3A_197, %select_n3A_221 : vector<16xf32>
      %eq3A_223 = arith.cmpi eq, %shift_right_logical3A_217, %get3A_11 : vector<16xi32>
      %shift_right_logical3A_224 = arith.constant 14 : i32
      %shift_right_logical3A_225 = vector.broadcast %shift_right_logical3A_224 : i32 to vector<16xi32>
      %shift_right_logical3A_226 = arith.shrui %bitcast3A_214, %shift_right_logical3A_225 : vector<16xi32>
      %and3A_227 = arith.constant 1023 : i32
      %and3A_228 = vector.broadcast %and3A_227 : i32 to vector<16xi32>
      %and3A_229 = arith.andi %shift_right_logical3A_226, %and3A_228 : vector<16xi32>
      %add3A_230 = arith.addi %mul3A_3, %and3A_229 : vector<16xi32>
      tpu.vector_store_idx %arg9[%add3A_230], %broadcast_in_dim3A_4 masked %eq3A_223 {add = true} : memref<16384xf32, #tpu.memory_space<vmem>>[vector<16xi32>], vector<16xf32>, vector<16xi1>
      tpu.vector_store_idx %arg10[%add3A_230], %get3A_213 masked %eq3A_223 {add = true} : memref<16384xf32, #tpu.memory_space<vmem>>[vector<16xi32>], vector<16xf32>, vector<16xi1>
      %mul3A_231 = arith.constant 8 : i32
      %mul3A_232 = arith.muli %scan3A_111, %mul3A_231 : i32
      %add3A_233 = arith.constant 5 : i32
      %add3A_234 = arith.addi %mul3A_232, %add3A_233 : i32
      %mul3A_235 = arith.constant 16 : i32
      %mul3A_236 = arith.muli %add3A_234, %mul3A_235 : i32
      %get3A_237 = arith.index_cast %mul3A_236 : i32 to index
      %get3A_238 = tpu.vector_load %arg7[%get3A_237] {strides = array<i32>} : memref<16384xf32, #tpu.memory_space<vmem>>, vector<16xf32>,
      %bitcast3A_239 = vector.bitcast %get3A_238 : vector<16xf32> to vector<16xi32>
      %shift_right_logical3A_240 = arith.constant 24 : i32
      %shift_right_logical3A_241 = vector.broadcast %shift_right_logical3A_240 : i32 to vector<16xi32>
      %shift_right_logical3A_242 = arith.shrui %bitcast3A_239, %shift_right_logical3A_241 : vector<16xi32>
      %gt3A_243 = arith.cmpi sgt, %shift_right_logical3A_242, %get3A_11 : vector<16xi32>
      %jit3A_244 = arith.constant 0.000000e+00 : f32
      %broadcast_in_dim3A_245 = vector.broadcast %jit3A_244 : f32 to vector<16xf32>
      %select_n3A_246 = arith.select %gt3A_243, %get3A_238, %broadcast_in_dim3A_245 : vector<16xi1>, vector<16xf32>
      %add3A_247 = arith.addf %add3A_222, %select_n3A_246 : vector<16xf32>
      %eq3A_248 = arith.cmpi eq, %shift_right_logical3A_242, %get3A_11 : vector<16xi32>
      %shift_right_logical3A_249 = arith.constant 14 : i32
      %shift_right_logical3A_250 = vector.broadcast %shift_right_logical3A_249 : i32 to vector<16xi32>
      %shift_right_logical3A_251 = arith.shrui %bitcast3A_239, %shift_right_logical3A_250 : vector<16xi32>
      %and3A_252 = arith.constant 1023 : i32
      %and3A_253 = vector.broadcast %and3A_252 : i32 to vector<16xi32>
      %and3A_254 = arith.andi %shift_right_logical3A_251, %and3A_253 : vector<16xi32>
      %add3A_255 = arith.addi %mul3A_3, %and3A_254 : vector<16xi32>
      tpu.vector_store_idx %arg9[%add3A_255], %broadcast_in_dim3A_4 masked %eq3A_248 {add = true} : memref<16384xf32, #tpu.memory_space<vmem>>[vector<16xi32>], vector<16xf32>, vector<16xi1>
      tpu.vector_store_idx %arg10[%add3A_255], %get3A_238 masked %eq3A_248 {add = true} : memref<16384xf32, #tpu.memory_space<vmem>>[vector<16xi32>], vector<16xf32>, vector<16xi1>
      %mul3A_256 = arith.constant 8 : i32
      %mul3A_257 = arith.muli %scan3A_111, %mul3A_256 : i32
      %add3A_258 = arith.constant 6 : i32
      %add3A_259 = arith.addi %mul3A_257, %add3A_258 : i32
      %mul3A_260 = arith.constant 16 : i32
      %mul3A_261 = arith.muli %add3A_259, %mul3A_260 : i32
      %get3A_262 = arith.index_cast %mul3A_261 : i32 to index
      %get3A_263 = tpu.vector_load %arg7[%get3A_262] {strides = array<i32>} : memref<16384xf32, #tpu.memory_space<vmem>>, vector<16xf32>,
      %bitcast3A_264 = vector.bitcast %get3A_263 : vector<16xf32> to vector<16xi32>
      %shift_right_logical3A_265 = arith.constant 24 : i32
      %shift_right_logical3A_266 = vector.broadcast %shift_right_logical3A_265 : i32 to vector<16xi32>
      %shift_right_logical3A_267 = arith.shrui %bitcast3A_264, %shift_right_logical3A_266 : vector<16xi32>
      %gt3A_268 = arith.cmpi sgt, %shift_right_logical3A_267, %get3A_11 : vector<16xi32>
      %jit3A_269 = arith.constant 0.000000e+00 : f32
      %broadcast_in_dim3A_270 = vector.broadcast %jit3A_269 : f32 to vector<16xf32>
      %select_n3A_271 = arith.select %gt3A_268, %get3A_263, %broadcast_in_dim3A_270 : vector<16xi1>, vector<16xf32>
      %add3A_272 = arith.addf %add3A_247, %select_n3A_271 : vector<16xf32>
      %eq3A_273 = arith.cmpi eq, %shift_right_logical3A_267, %get3A_11 : vector<16xi32>
      %shift_right_logical3A_274 = arith.constant 14 : i32
      %shift_right_logical3A_275 = vector.broadcast %shift_right_logical3A_274 : i32 to vector<16xi32>
      %shift_right_logical3A_276 = arith.shrui %bitcast3A_264, %shift_right_logical3A_275 : vector<16xi32>
      %and3A_277 = arith.constant 1023 : i32
      %and3A_278 = vector.broadcast %and3A_277 : i32 to vector<16xi32>
      %and3A_279 = arith.andi %shift_right_logical3A_276, %and3A_278 : vector<16xi32>
      %add3A_280 = arith.addi %mul3A_3, %and3A_279 : vector<16xi32>
      tpu.vector_store_idx %arg9[%add3A_280], %broadcast_in_dim3A_4 masked %eq3A_273 {add = true} : memref<16384xf32, #tpu.memory_space<vmem>>[vector<16xi32>], vector<16xf32>, vector<16xi1>
      tpu.vector_store_idx %arg10[%add3A_280], %get3A_263 masked %eq3A_273 {add = true} : memref<16384xf32, #tpu.memory_space<vmem>>[vector<16xi32>], vector<16xf32>, vector<16xi1>
      %mul3A_281 = arith.constant 8 : i32
      %mul3A_282 = arith.muli %scan3A_111, %mul3A_281 : i32
      %add3A_283 = arith.constant 7 : i32
      %add3A_284 = arith.addi %mul3A_282, %add3A_283 : i32
      %mul3A_285 = arith.constant 16 : i32
      %mul3A_286 = arith.muli %add3A_284, %mul3A_285 : i32
      %get3A_287 = arith.index_cast %mul3A_286 : i32 to index
      %get3A_288 = tpu.vector_load %arg7[%get3A_287] {strides = array<i32>} : memref<16384xf32, #tpu.memory_space<vmem>>, vector<16xf32>,
      %bitcast3A_289 = vector.bitcast %get3A_288 : vector<16xf32> to vector<16xi32>
      %shift_right_logical3A_290 = arith.constant 24 : i32
      %shift_right_logical3A_291 = vector.broadcast %shift_right_logical3A_290 : i32 to vector<16xi32>
      %shift_right_logical3A_292 = arith.shrui %bitcast3A_289, %shift_right_logical3A_291 : vector<16xi32>
      %gt3A_293 = arith.cmpi sgt, %shift_right_logical3A_292, %get3A_11 : vector<16xi32>
      %jit3A_294 = arith.constant 0.000000e+00 : f32
      %broadcast_in_dim3A_295 = vector.broadcast %jit3A_294 : f32 to vector<16xf32>
      %select_n3A_296 = arith.select %gt3A_293, %get3A_288, %broadcast_in_dim3A_295 : vector<16xi1>, vector<16xf32>
      %add3A_297 = arith.addf %add3A_272, %select_n3A_296 : vector<16xf32>
      %eq3A_298 = arith.cmpi eq, %shift_right_logical3A_292, %get3A_11 : vector<16xi32>
      %shift_right_logical3A_299 = arith.constant 14 : i32
      %shift_right_logical3A_300 = vector.broadcast %shift_right_logical3A_299 : i32 to vector<16xi32>
      %shift_right_logical3A_301 = arith.shrui %bitcast3A_289, %shift_right_logical3A_300 : vector<16xi32>
      %and3A_302 = arith.constant 1023 : i32
      %and3A_303 = vector.broadcast %and3A_302 : i32 to vector<16xi32>
      %and3A_304 = arith.andi %shift_right_logical3A_301, %and3A_303 : vector<16xi32>
      %add3A_305 = arith.addi %mul3A_3, %and3A_304 : vector<16xi32>
      tpu.vector_store_idx %arg9[%add3A_305], %broadcast_in_dim3A_4 masked %eq3A_298 {add = true} : memref<16384xf32, #tpu.memory_space<vmem>>[vector<16xi32>], vector<16xf32>, vector<16xi1>
      tpu.vector_store_idx %arg10[%add3A_305], %get3A_288 masked %eq3A_298 {add = true} : memref<16384xf32, #tpu.memory_space<vmem>>[vector<16xi32>], vector<16xf32>, vector<16xi1>
      scf.yield %add3A_297 : vector<16xf32>
    }
    %scan3A_77 = arith.constant 128 : i32
    %add3A_78 = arith.constant 98304 : i32
    %add3A_79 = arith.addi %mul3A_13, %add3A_78 : i32
    %dma_start3A_80 = tpu.memref_slice %arg2[%add3A_79] : memref<4194304xf32, #tpu.memory_space<hbm>> -> memref<16384xf32, #tpu.memory_space<hbm>>
    %dma_start3A_81 = tpu.memref_slice %arg2[%add3A_79] : memref<4194304xf32, #tpu.memory_space<hbm>> -> memref<16384xf32, #tpu.memory_space<hbm>>
    tpu.enqueue_dma source(%dma_start3A_81 : memref<16384xf32, #tpu.memory_space<hbm>>) target(%arg7 : memref<16384xf32, #tpu.memory_space<vmem>>) target_semaphore(%arg13 : memref<!tpu.dma_semaphore, #tpu.memory_space<semaphore_mem>>)
    %dma_wait3A_82 = tpu.memref_slice %arg2[%add3A_67] : memref<4194304xf32, #tpu.memory_space<hbm>> -> memref<16384xf32, #tpu.memory_space<hbm>>
    %dma_wait3A_83 = tpu.memref_slice %arg2[%add3A_67] : memref<4194304xf32, #tpu.memory_space<hbm>> -> memref<16384xf32, #tpu.memory_space<hbm>>
    tpu.wait_dma2 semaphore(%arg14 : memref<!tpu.dma_semaphore, #tpu.memory_space<semaphore_mem>>) src(%dma_wait3A_83 : memref<16384xf32, #tpu.memory_space<hbm>>) dst(%arg8 : memref<16384xf32, #tpu.memory_space<vmem>>)
    %scan3A_84 = arith.constant 0 : i32
    %scan3A_85 = arith.constant 128 : i32
    %scan3A_86 = arith.addi %scan3A_84, %scan3A_85 : i32
    %scan3A_87 = arith.constant 1 : i32
    %scan3A_88 = scf.for %scan3A_111 = %scan3A_84 to %scan3A_86 step %scan3A_87 iter_args(%scan3A_112 = %scan3A_76) -> (vector<16xf32>)  : i32 {
      %mul3A_113 = arith.constant 8 : i32
      %mul3A_114 = arith.muli %scan3A_111, %mul3A_113 : i32
      %add3A_115 = arith.constant 0 : i32
      %add3A_116 = arith.addi %mul3A_114, %add3A_115 : i32
      %mul3A_117 = arith.constant 16 : i32
      %mul3A_118 = arith.muli %add3A_116, %mul3A_117 : i32
      %get3A_119 = arith.index_cast %mul3A_118 : i32 to index
      %get3A_120 = tpu.vector_load %arg8[%get3A_119] {strides = array<i32>} : memref<16384xf32, #tpu.memory_space<vmem>>, vector<16xf32>,
      %bitcast3A = vector.bitcast %get3A_120 : vector<16xf32> to vector<16xi32>
      %shift_right_logical3A = arith.constant 24 : i32
      %shift_right_logical3A_121 = vector.broadcast %shift_right_logical3A : i32 to vector<16xi32>
      %shift_right_logical3A_122 = arith.shrui %bitcast3A, %shift_right_logical3A_121 : vector<16xi32>
      %gt3A = arith.cmpi sgt, %shift_right_logical3A_122, %get3A_11 : vector<16xi32>
      %jit3A = arith.constant 0.000000e+00 : f32
      %broadcast_in_dim3A_123 = vector.broadcast %jit3A : f32 to vector<16xf32>
      %select_n3A = arith.select %gt3A, %get3A_120, %broadcast_in_dim3A_123 : vector<16xi1>, vector<16xf32>
      %add3A_124 = arith.addf %scan3A_112, %select_n3A : vector<16xf32>
      %eq3A = arith.cmpi eq, %shift_right_logical3A_122, %get3A_11 : vector<16xi32>
      %shift_right_logical3A_125 = arith.constant 14 : i32
      %shift_right_logical3A_126 = vector.broadcast %shift_right_logical3A_125 : i32 to vector<16xi32>
      %shift_right_logical3A_127 = arith.shrui %bitcast3A, %shift_right_logical3A_126 : vector<16xi32>
      %and3A = arith.constant 1023 : i32
      %and3A_128 = vector.broadcast %and3A : i32 to vector<16xi32>
      %and3A_129 = arith.andi %shift_right_logical3A_127, %and3A_128 : vector<16xi32>
      %add3A_130 = arith.addi %mul3A_3, %and3A_129 : vector<16xi32>
      tpu.vector_store_idx %arg9[%add3A_130], %broadcast_in_dim3A_4 masked %eq3A {add = true} : memref<16384xf32, #tpu.memory_space<vmem>>[vector<16xi32>], vector<16xf32>, vector<16xi1>
      tpu.vector_store_idx %arg10[%add3A_130], %get3A_120 masked %eq3A {add = true} : memref<16384xf32, #tpu.memory_space<vmem>>[vector<16xi32>], vector<16xf32>, vector<16xi1>
      %mul3A_131 = arith.constant 8 : i32
      %mul3A_132 = arith.muli %scan3A_111, %mul3A_131 : i32
      %add3A_133 = arith.constant 1 : i32
      %add3A_134 = arith.addi %mul3A_132, %add3A_133 : i32
      %mul3A_135 = arith.constant 16 : i32
      %mul3A_136 = arith.muli %add3A_134, %mul3A_135 : i32
      %get3A_137 = arith.index_cast %mul3A_136 : i32 to index
      %get3A_138 = tpu.vector_load %arg8[%get3A_137] {strides = array<i32>} : memref<16384xf32, #tpu.memory_space<vmem>>, vector<16xf32>,
      %bitcast3A_139 = vector.bitcast %get3A_138 : vector<16xf32> to vector<16xi32>
      %shift_right_logical3A_140 = arith.constant 24 : i32
      %shift_right_logical3A_141 = vector.broadcast %shift_right_logical3A_140 : i32 to vector<16xi32>
      %shift_right_logical3A_142 = arith.shrui %bitcast3A_139, %shift_right_logical3A_141 : vector<16xi32>
      %gt3A_143 = arith.cmpi sgt, %shift_right_logical3A_142, %get3A_11 : vector<16xi32>
      %jit3A_144 = arith.constant 0.000000e+00 : f32
      %broadcast_in_dim3A_145 = vector.broadcast %jit3A_144 : f32 to vector<16xf32>
      %select_n3A_146 = arith.select %gt3A_143, %get3A_138, %broadcast_in_dim3A_145 : vector<16xi1>, vector<16xf32>
      %add3A_147 = arith.addf %add3A_124, %select_n3A_146 : vector<16xf32>
      %eq3A_148 = arith.cmpi eq, %shift_right_logical3A_142, %get3A_11 : vector<16xi32>
      %shift_right_logical3A_149 = arith.constant 14 : i32
      %shift_right_logical3A_150 = vector.broadcast %shift_right_logical3A_149 : i32 to vector<16xi32>
      %shift_right_logical3A_151 = arith.shrui %bitcast3A_139, %shift_right_logical3A_150 : vector<16xi32>
      %and3A_152 = arith.constant 1023 : i32
      %and3A_153 = vector.broadcast %and3A_152 : i32 to vector<16xi32>
      %and3A_154 = arith.andi %shift_right_logical3A_151, %and3A_153 : vector<16xi32>
      %add3A_155 = arith.addi %mul3A_3, %and3A_154 : vector<16xi32>
      tpu.vector_store_idx %arg9[%add3A_155], %broadcast_in_dim3A_4 masked %eq3A_148 {add = true} : memref<16384xf32, #tpu.memory_space<vmem>>[vector<16xi32>], vector<16xf32>, vector<16xi1>
      tpu.vector_store_idx %arg10[%add3A_155], %get3A_138 masked %eq3A_148 {add = true} : memref<16384xf32, #tpu.memory_space<vmem>>[vector<16xi32>], vector<16xf32>, vector<16xi1>
      %mul3A_156 = arith.constant 8 : i32
      %mul3A_157 = arith.muli %scan3A_111, %mul3A_156 : i32
      %add3A_158 = arith.constant 2 : i32
      %add3A_159 = arith.addi %mul3A_157, %add3A_158 : i32
      %mul3A_160 = arith.constant 16 : i32
      %mul3A_161 = arith.muli %add3A_159, %mul3A_160 : i32
      %get3A_162 = arith.index_cast %mul3A_161 : i32 to index
      %get3A_163 = tpu.vector_load %arg8[%get3A_162] {strides = array<i32>} : memref<16384xf32, #tpu.memory_space<vmem>>, vector<16xf32>,
      %bitcast3A_164 = vector.bitcast %get3A_163 : vector<16xf32> to vector<16xi32>
      %shift_right_logical3A_165 = arith.constant 24 : i32
      %shift_right_logical3A_166 = vector.broadcast %shift_right_logical3A_165 : i32 to vector<16xi32>
      %shift_right_logical3A_167 = arith.shrui %bitcast3A_164, %shift_right_logical3A_166 : vector<16xi32>
      %gt3A_168 = arith.cmpi sgt, %shift_right_logical3A_167, %get3A_11 : vector<16xi32>
      %jit3A_169 = arith.constant 0.000000e+00 : f32
      %broadcast_in_dim3A_170 = vector.broadcast %jit3A_169 : f32 to vector<16xf32>
      %select_n3A_171 = arith.select %gt3A_168, %get3A_163, %broadcast_in_dim3A_170 : vector<16xi1>, vector<16xf32>
      %add3A_172 = arith.addf %add3A_147, %select_n3A_171 : vector<16xf32>
      %eq3A_173 = arith.cmpi eq, %shift_right_logical3A_167, %get3A_11 : vector<16xi32>
      %shift_right_logical3A_174 = arith.constant 14 : i32
      %shift_right_logical3A_175 = vector.broadcast %shift_right_logical3A_174 : i32 to vector<16xi32>
      %shift_right_logical3A_176 = arith.shrui %bitcast3A_164, %shift_right_logical3A_175 : vector<16xi32>
      %and3A_177 = arith.constant 1023 : i32
      %and3A_178 = vector.broadcast %and3A_177 : i32 to vector<16xi32>
      %and3A_179 = arith.andi %shift_right_logical3A_176, %and3A_178 : vector<16xi32>
      %add3A_180 = arith.addi %mul3A_3, %and3A_179 : vector<16xi32>
      tpu.vector_store_idx %arg9[%add3A_180], %broadcast_in_dim3A_4 masked %eq3A_173 {add = true} : memref<16384xf32, #tpu.memory_space<vmem>>[vector<16xi32>], vector<16xf32>, vector<16xi1>
      tpu.vector_store_idx %arg10[%add3A_180], %get3A_163 masked %eq3A_173 {add = true} : memref<16384xf32, #tpu.memory_space<vmem>>[vector<16xi32>], vector<16xf32>, vector<16xi1>
      %mul3A_181 = arith.constant 8 : i32
      %mul3A_182 = arith.muli %scan3A_111, %mul3A_181 : i32
      %add3A_183 = arith.constant 3 : i32
      %add3A_184 = arith.addi %mul3A_182, %add3A_183 : i32
      %mul3A_185 = arith.constant 16 : i32
      %mul3A_186 = arith.muli %add3A_184, %mul3A_185 : i32
      %get3A_187 = arith.index_cast %mul3A_186 : i32 to index
      %get3A_188 = tpu.vector_load %arg8[%get3A_187] {strides = array<i32>} : memref<16384xf32, #tpu.memory_space<vmem>>, vector<16xf32>,
      %bitcast3A_189 = vector.bitcast %get3A_188 : vector<16xf32> to vector<16xi32>
      %shift_right_logical3A_190 = arith.constant 24 : i32
      %shift_right_logical3A_191 = vector.broadcast %shift_right_logical3A_190 : i32 to vector<16xi32>
      %shift_right_logical3A_192 = arith.shrui %bitcast3A_189, %shift_right_logical3A_191 : vector<16xi32>
      %gt3A_193 = arith.cmpi sgt, %shift_right_logical3A_192, %get3A_11 : vector<16xi32>
      %jit3A_194 = arith.constant 0.000000e+00 : f32
      %broadcast_in_dim3A_195 = vector.broadcast %jit3A_194 : f32 to vector<16xf32>
      %select_n3A_196 = arith.select %gt3A_193, %get3A_188, %broadcast_in_dim3A_195 : vector<16xi1>, vector<16xf32>
      %add3A_197 = arith.addf %add3A_172, %select_n3A_196 : vector<16xf32>
      %eq3A_198 = arith.cmpi eq, %shift_right_logical3A_192, %get3A_11 : vector<16xi32>
      %shift_right_logical3A_199 = arith.constant 14 : i32
      %shift_right_logical3A_200 = vector.broadcast %shift_right_logical3A_199 : i32 to vector<16xi32>
      %shift_right_logical3A_201 = arith.shrui %bitcast3A_189, %shift_right_logical3A_200 : vector<16xi32>
      %and3A_202 = arith.constant 1023 : i32
      %and3A_203 = vector.broadcast %and3A_202 : i32 to vector<16xi32>
      %and3A_204 = arith.andi %shift_right_logical3A_201, %and3A_203 : vector<16xi32>
      %add3A_205 = arith.addi %mul3A_3, %and3A_204 : vector<16xi32>
      tpu.vector_store_idx %arg9[%add3A_205], %broadcast_in_dim3A_4 masked %eq3A_198 {add = true} : memref<16384xf32, #tpu.memory_space<vmem>>[vector<16xi32>], vector<16xf32>, vector<16xi1>
      tpu.vector_store_idx %arg10[%add3A_205], %get3A_188 masked %eq3A_198 {add = true} : memref<16384xf32, #tpu.memory_space<vmem>>[vector<16xi32>], vector<16xf32>, vector<16xi1>
      %mul3A_206 = arith.constant 8 : i32
      %mul3A_207 = arith.muli %scan3A_111, %mul3A_206 : i32
      %add3A_208 = arith.constant 4 : i32
      %add3A_209 = arith.addi %mul3A_207, %add3A_208 : i32
      %mul3A_210 = arith.constant 16 : i32
      %mul3A_211 = arith.muli %add3A_209, %mul3A_210 : i32
      %get3A_212 = arith.index_cast %mul3A_211 : i32 to index
      %get3A_213 = tpu.vector_load %arg8[%get3A_212] {strides = array<i32>} : memref<16384xf32, #tpu.memory_space<vmem>>, vector<16xf32>,
      %bitcast3A_214 = vector.bitcast %get3A_213 : vector<16xf32> to vector<16xi32>
      %shift_right_logical3A_215 = arith.constant 24 : i32
      %shift_right_logical3A_216 = vector.broadcast %shift_right_logical3A_215 : i32 to vector<16xi32>
      %shift_right_logical3A_217 = arith.shrui %bitcast3A_214, %shift_right_logical3A_216 : vector<16xi32>
      %gt3A_218 = arith.cmpi sgt, %shift_right_logical3A_217, %get3A_11 : vector<16xi32>
      %jit3A_219 = arith.constant 0.000000e+00 : f32
      %broadcast_in_dim3A_220 = vector.broadcast %jit3A_219 : f32 to vector<16xf32>
      %select_n3A_221 = arith.select %gt3A_218, %get3A_213, %broadcast_in_dim3A_220 : vector<16xi1>, vector<16xf32>
      %add3A_222 = arith.addf %add3A_197, %select_n3A_221 : vector<16xf32>
      %eq3A_223 = arith.cmpi eq, %shift_right_logical3A_217, %get3A_11 : vector<16xi32>
      %shift_right_logical3A_224 = arith.constant 14 : i32
      %shift_right_logical3A_225 = vector.broadcast %shift_right_logical3A_224 : i32 to vector<16xi32>
      %shift_right_logical3A_226 = arith.shrui %bitcast3A_214, %shift_right_logical3A_225 : vector<16xi32>
      %and3A_227 = arith.constant 1023 : i32
      %and3A_228 = vector.broadcast %and3A_227 : i32 to vector<16xi32>
      %and3A_229 = arith.andi %shift_right_logical3A_226, %and3A_228 : vector<16xi32>
      %add3A_230 = arith.addi %mul3A_3, %and3A_229 : vector<16xi32>
      tpu.vector_store_idx %arg9[%add3A_230], %broadcast_in_dim3A_4 masked %eq3A_223 {add = true} : memref<16384xf32, #tpu.memory_space<vmem>>[vector<16xi32>], vector<16xf32>, vector<16xi1>
      tpu.vector_store_idx %arg10[%add3A_230], %get3A_213 masked %eq3A_223 {add = true} : memref<16384xf32, #tpu.memory_space<vmem>>[vector<16xi32>], vector<16xf32>, vector<16xi1>
      %mul3A_231 = arith.constant 8 : i32
      %mul3A_232 = arith.muli %scan3A_111, %mul3A_231 : i32
      %add3A_233 = arith.constant 5 : i32
      %add3A_234 = arith.addi %mul3A_232, %add3A_233 : i32
      %mul3A_235 = arith.constant 16 : i32
      %mul3A_236 = arith.muli %add3A_234, %mul3A_235 : i32
      %get3A_237 = arith.index_cast %mul3A_236 : i32 to index
      %get3A_238 = tpu.vector_load %arg8[%get3A_237] {strides = array<i32>} : memref<16384xf32, #tpu.memory_space<vmem>>, vector<16xf32>,
      %bitcast3A_239 = vector.bitcast %get3A_238 : vector<16xf32> to vector<16xi32>
      %shift_right_logical3A_240 = arith.constant 24 : i32
      %shift_right_logical3A_241 = vector.broadcast %shift_right_logical3A_240 : i32 to vector<16xi32>
      %shift_right_logical3A_242 = arith.shrui %bitcast3A_239, %shift_right_logical3A_241 : vector<16xi32>
      %gt3A_243 = arith.cmpi sgt, %shift_right_logical3A_242, %get3A_11 : vector<16xi32>
      %jit3A_244 = arith.constant 0.000000e+00 : f32
      %broadcast_in_dim3A_245 = vector.broadcast %jit3A_244 : f32 to vector<16xf32>
      %select_n3A_246 = arith.select %gt3A_243, %get3A_238, %broadcast_in_dim3A_245 : vector<16xi1>, vector<16xf32>
      %add3A_247 = arith.addf %add3A_222, %select_n3A_246 : vector<16xf32>
      %eq3A_248 = arith.cmpi eq, %shift_right_logical3A_242, %get3A_11 : vector<16xi32>
      %shift_right_logical3A_249 = arith.constant 14 : i32
      %shift_right_logical3A_250 = vector.broadcast %shift_right_logical3A_249 : i32 to vector<16xi32>
      %shift_right_logical3A_251 = arith.shrui %bitcast3A_239, %shift_right_logical3A_250 : vector<16xi32>
      %and3A_252 = arith.constant 1023 : i32
      %and3A_253 = vector.broadcast %and3A_252 : i32 to vector<16xi32>
      %and3A_254 = arith.andi %shift_right_logical3A_251, %and3A_253 : vector<16xi32>
      %add3A_255 = arith.addi %mul3A_3, %and3A_254 : vector<16xi32>
      tpu.vector_store_idx %arg9[%add3A_255], %broadcast_in_dim3A_4 masked %eq3A_248 {add = true} : memref<16384xf32, #tpu.memory_space<vmem>>[vector<16xi32>], vector<16xf32>, vector<16xi1>
      tpu.vector_store_idx %arg10[%add3A_255], %get3A_238 masked %eq3A_248 {add = true} : memref<16384xf32, #tpu.memory_space<vmem>>[vector<16xi32>], vector<16xf32>, vector<16xi1>
      %mul3A_256 = arith.constant 8 : i32
      %mul3A_257 = arith.muli %scan3A_111, %mul3A_256 : i32
      %add3A_258 = arith.constant 6 : i32
      %add3A_259 = arith.addi %mul3A_257, %add3A_258 : i32
      %mul3A_260 = arith.constant 16 : i32
      %mul3A_261 = arith.muli %add3A_259, %mul3A_260 : i32
      %get3A_262 = arith.index_cast %mul3A_261 : i32 to index
      %get3A_263 = tpu.vector_load %arg8[%get3A_262] {strides = array<i32>} : memref<16384xf32, #tpu.memory_space<vmem>>, vector<16xf32>,
      %bitcast3A_264 = vector.bitcast %get3A_263 : vector<16xf32> to vector<16xi32>
      %shift_right_logical3A_265 = arith.constant 24 : i32
      %shift_right_logical3A_266 = vector.broadcast %shift_right_logical3A_265 : i32 to vector<16xi32>
      %shift_right_logical3A_267 = arith.shrui %bitcast3A_264, %shift_right_logical3A_266 : vector<16xi32>
      %gt3A_268 = arith.cmpi sgt, %shift_right_logical3A_267, %get3A_11 : vector<16xi32>
      %jit3A_269 = arith.constant 0.000000e+00 : f32
      %broadcast_in_dim3A_270 = vector.broadcast %jit3A_269 : f32 to vector<16xf32>
      %select_n3A_271 = arith.select %gt3A_268, %get3A_263, %broadcast_in_dim3A_270 : vector<16xi1>, vector<16xf32>
      %add3A_272 = arith.addf %add3A_247, %select_n3A_271 : vector<16xf32>
      %eq3A_273 = arith.cmpi eq, %shift_right_logical3A_267, %get3A_11 : vector<16xi32>
      %shift_right_logical3A_274 = arith.constant 14 : i32
      %shift_right_logical3A_275 = vector.broadcast %shift_right_logical3A_274 : i32 to vector<16xi32>
      %shift_right_logical3A_276 = arith.shrui %bitcast3A_264, %shift_right_logical3A_275 : vector<16xi32>
      %and3A_277 = arith.constant 1023 : i32
      %and3A_278 = vector.broadcast %and3A_277 : i32 to vector<16xi32>
      %and3A_279 = arith.andi %shift_right_logical3A_276, %and3A_278 : vector<16xi32>
      %add3A_280 = arith.addi %mul3A_3, %and3A_279 : vector<16xi32>
      tpu.vector_store_idx %arg9[%add3A_280], %broadcast_in_dim3A_4 masked %eq3A_273 {add = true} : memref<16384xf32, #tpu.memory_space<vmem>>[vector<16xi32>], vector<16xf32>, vector<16xi1>
      tpu.vector_store_idx %arg10[%add3A_280], %get3A_263 masked %eq3A_273 {add = true} : memref<16384xf32, #tpu.memory_space<vmem>>[vector<16xi32>], vector<16xf32>, vector<16xi1>
      %mul3A_281 = arith.constant 8 : i32
      %mul3A_282 = arith.muli %scan3A_111, %mul3A_281 : i32
      %add3A_283 = arith.constant 7 : i32
      %add3A_284 = arith.addi %mul3A_282, %add3A_283 : i32
      %mul3A_285 = arith.constant 16 : i32
      %mul3A_286 = arith.muli %add3A_284, %mul3A_285 : i32
      %get3A_287 = arith.index_cast %mul3A_286 : i32 to index
      %get3A_288 = tpu.vector_load %arg8[%get3A_287] {strides = array<i32>} : memref<16384xf32, #tpu.memory_space<vmem>>, vector<16xf32>,
      %bitcast3A_289 = vector.bitcast %get3A_288 : vector<16xf32> to vector<16xi32>
      %shift_right_logical3A_290 = arith.constant 24 : i32
      %shift_right_logical3A_291 = vector.broadcast %shift_right_logical3A_290 : i32 to vector<16xi32>
      %shift_right_logical3A_292 = arith.shrui %bitcast3A_289, %shift_right_logical3A_291 : vector<16xi32>
      %gt3A_293 = arith.cmpi sgt, %shift_right_logical3A_292, %get3A_11 : vector<16xi32>
      %jit3A_294 = arith.constant 0.000000e+00 : f32
      %broadcast_in_dim3A_295 = vector.broadcast %jit3A_294 : f32 to vector<16xf32>
      %select_n3A_296 = arith.select %gt3A_293, %get3A_288, %broadcast_in_dim3A_295 : vector<16xi1>, vector<16xf32>
      %add3A_297 = arith.addf %add3A_272, %select_n3A_296 : vector<16xf32>
      %eq3A_298 = arith.cmpi eq, %shift_right_logical3A_292, %get3A_11 : vector<16xi32>
      %shift_right_logical3A_299 = arith.constant 14 : i32
      %shift_right_logical3A_300 = vector.broadcast %shift_right_logical3A_299 : i32 to vector<16xi32>
      %shift_right_logical3A_301 = arith.shrui %bitcast3A_289, %shift_right_logical3A_300 : vector<16xi32>
      %and3A_302 = arith.constant 1023 : i32
      %and3A_303 = vector.broadcast %and3A_302 : i32 to vector<16xi32>
      %and3A_304 = arith.andi %shift_right_logical3A_301, %and3A_303 : vector<16xi32>
      %add3A_305 = arith.addi %mul3A_3, %and3A_304 : vector<16xi32>
      tpu.vector_store_idx %arg9[%add3A_305], %broadcast_in_dim3A_4 masked %eq3A_298 {add = true} : memref<16384xf32, #tpu.memory_space<vmem>>[vector<16xi32>], vector<16xf32>, vector<16xi1>
      tpu.vector_store_idx %arg10[%add3A_305], %get3A_288 masked %eq3A_298 {add = true} : memref<16384xf32, #tpu.memory_space<vmem>>[vector<16xi32>], vector<16xf32>, vector<16xi1>
      scf.yield %add3A_297 : vector<16xf32>
    }
    %scan3A_89 = arith.constant 128 : i32
    %add3A_90 = arith.constant 114688 : i32
    %add3A_91 = arith.addi %mul3A_13, %add3A_90 : i32
    %dma_start3A_92 = tpu.memref_slice %arg2[%add3A_91] : memref<4194304xf32, #tpu.memory_space<hbm>> -> memref<16384xf32, #tpu.memory_space<hbm>>
    %dma_start3A_93 = tpu.memref_slice %arg2[%add3A_91] : memref<4194304xf32, #tpu.memory_space<hbm>> -> memref<16384xf32, #tpu.memory_space<hbm>>
    tpu.enqueue_dma source(%dma_start3A_93 : memref<16384xf32, #tpu.memory_space<hbm>>) target(%arg8 : memref<16384xf32, #tpu.memory_space<vmem>>) target_semaphore(%arg14 : memref<!tpu.dma_semaphore, #tpu.memory_space<semaphore_mem>>)
    %dma_wait3A_94 = tpu.memref_slice %arg2[%add3A_79] : memref<4194304xf32, #tpu.memory_space<hbm>> -> memref<16384xf32, #tpu.memory_space<hbm>>
    %dma_wait3A_95 = tpu.memref_slice %arg2[%add3A_79] : memref<4194304xf32, #tpu.memory_space<hbm>> -> memref<16384xf32, #tpu.memory_space<hbm>>
    tpu.wait_dma2 semaphore(%arg13 : memref<!tpu.dma_semaphore, #tpu.memory_space<semaphore_mem>>) src(%dma_wait3A_95 : memref<16384xf32, #tpu.memory_space<hbm>>) dst(%arg7 : memref<16384xf32, #tpu.memory_space<vmem>>)
    %scan3A_96 = arith.constant 0 : i32
    %scan3A_97 = arith.constant 128 : i32
    %scan3A_98 = arith.addi %scan3A_96, %scan3A_97 : i32
    %scan3A_99 = arith.constant 1 : i32
    %scan3A_100 = scf.for %scan3A_111 = %scan3A_96 to %scan3A_98 step %scan3A_99 iter_args(%scan3A_112 = %scan3A_88) -> (vector<16xf32>)  : i32 {
      %mul3A_113 = arith.constant 8 : i32
      %mul3A_114 = arith.muli %scan3A_111, %mul3A_113 : i32
      %add3A_115 = arith.constant 0 : i32
      %add3A_116 = arith.addi %mul3A_114, %add3A_115 : i32
      %mul3A_117 = arith.constant 16 : i32
      %mul3A_118 = arith.muli %add3A_116, %mul3A_117 : i32
      %get3A_119 = arith.index_cast %mul3A_118 : i32 to index
      %get3A_120 = tpu.vector_load %arg7[%get3A_119] {strides = array<i32>} : memref<16384xf32, #tpu.memory_space<vmem>>, vector<16xf32>,
      %bitcast3A = vector.bitcast %get3A_120 : vector<16xf32> to vector<16xi32>
      %shift_right_logical3A = arith.constant 24 : i32
      %shift_right_logical3A_121 = vector.broadcast %shift_right_logical3A : i32 to vector<16xi32>
      %shift_right_logical3A_122 = arith.shrui %bitcast3A, %shift_right_logical3A_121 : vector<16xi32>
      %gt3A = arith.cmpi sgt, %shift_right_logical3A_122, %get3A_11 : vector<16xi32>
      %jit3A = arith.constant 0.000000e+00 : f32
      %broadcast_in_dim3A_123 = vector.broadcast %jit3A : f32 to vector<16xf32>
      %select_n3A = arith.select %gt3A, %get3A_120, %broadcast_in_dim3A_123 : vector<16xi1>, vector<16xf32>
      %add3A_124 = arith.addf %scan3A_112, %select_n3A : vector<16xf32>
      %eq3A = arith.cmpi eq, %shift_right_logical3A_122, %get3A_11 : vector<16xi32>
      %shift_right_logical3A_125 = arith.constant 14 : i32
      %shift_right_logical3A_126 = vector.broadcast %shift_right_logical3A_125 : i32 to vector<16xi32>
      %shift_right_logical3A_127 = arith.shrui %bitcast3A, %shift_right_logical3A_126 : vector<16xi32>
      %and3A = arith.constant 1023 : i32
      %and3A_128 = vector.broadcast %and3A : i32 to vector<16xi32>
      %and3A_129 = arith.andi %shift_right_logical3A_127, %and3A_128 : vector<16xi32>
      %add3A_130 = arith.addi %mul3A_3, %and3A_129 : vector<16xi32>
      tpu.vector_store_idx %arg9[%add3A_130], %broadcast_in_dim3A_4 masked %eq3A {add = true} : memref<16384xf32, #tpu.memory_space<vmem>>[vector<16xi32>], vector<16xf32>, vector<16xi1>
      tpu.vector_store_idx %arg10[%add3A_130], %get3A_120 masked %eq3A {add = true} : memref<16384xf32, #tpu.memory_space<vmem>>[vector<16xi32>], vector<16xf32>, vector<16xi1>
      %mul3A_131 = arith.constant 8 : i32
      %mul3A_132 = arith.muli %scan3A_111, %mul3A_131 : i32
      %add3A_133 = arith.constant 1 : i32
      %add3A_134 = arith.addi %mul3A_132, %add3A_133 : i32
      %mul3A_135 = arith.constant 16 : i32
      %mul3A_136 = arith.muli %add3A_134, %mul3A_135 : i32
      %get3A_137 = arith.index_cast %mul3A_136 : i32 to index
      %get3A_138 = tpu.vector_load %arg7[%get3A_137] {strides = array<i32>} : memref<16384xf32, #tpu.memory_space<vmem>>, vector<16xf32>,
      %bitcast3A_139 = vector.bitcast %get3A_138 : vector<16xf32> to vector<16xi32>
      %shift_right_logical3A_140 = arith.constant 24 : i32
      %shift_right_logical3A_141 = vector.broadcast %shift_right_logical3A_140 : i32 to vector<16xi32>
      %shift_right_logical3A_142 = arith.shrui %bitcast3A_139, %shift_right_logical3A_141 : vector<16xi32>
      %gt3A_143 = arith.cmpi sgt, %shift_right_logical3A_142, %get3A_11 : vector<16xi32>
      %jit3A_144 = arith.constant 0.000000e+00 : f32
      %broadcast_in_dim3A_145 = vector.broadcast %jit3A_144 : f32 to vector<16xf32>
      %select_n3A_146 = arith.select %gt3A_143, %get3A_138, %broadcast_in_dim3A_145 : vector<16xi1>, vector<16xf32>
      %add3A_147 = arith.addf %add3A_124, %select_n3A_146 : vector<16xf32>
      %eq3A_148 = arith.cmpi eq, %shift_right_logical3A_142, %get3A_11 : vector<16xi32>
      %shift_right_logical3A_149 = arith.constant 14 : i32
      %shift_right_logical3A_150 = vector.broadcast %shift_right_logical3A_149 : i32 to vector<16xi32>
      %shift_right_logical3A_151 = arith.shrui %bitcast3A_139, %shift_right_logical3A_150 : vector<16xi32>
      %and3A_152 = arith.constant 1023 : i32
      %and3A_153 = vector.broadcast %and3A_152 : i32 to vector<16xi32>
      %and3A_154 = arith.andi %shift_right_logical3A_151, %and3A_153 : vector<16xi32>
      %add3A_155 = arith.addi %mul3A_3, %and3A_154 : vector<16xi32>
      tpu.vector_store_idx %arg9[%add3A_155], %broadcast_in_dim3A_4 masked %eq3A_148 {add = true} : memref<16384xf32, #tpu.memory_space<vmem>>[vector<16xi32>], vector<16xf32>, vector<16xi1>
      tpu.vector_store_idx %arg10[%add3A_155], %get3A_138 masked %eq3A_148 {add = true} : memref<16384xf32, #tpu.memory_space<vmem>>[vector<16xi32>], vector<16xf32>, vector<16xi1>
      %mul3A_156 = arith.constant 8 : i32
      %mul3A_157 = arith.muli %scan3A_111, %mul3A_156 : i32
      %add3A_158 = arith.constant 2 : i32
      %add3A_159 = arith.addi %mul3A_157, %add3A_158 : i32
      %mul3A_160 = arith.constant 16 : i32
      %mul3A_161 = arith.muli %add3A_159, %mul3A_160 : i32
      %get3A_162 = arith.index_cast %mul3A_161 : i32 to index
      %get3A_163 = tpu.vector_load %arg7[%get3A_162] {strides = array<i32>} : memref<16384xf32, #tpu.memory_space<vmem>>, vector<16xf32>,
      %bitcast3A_164 = vector.bitcast %get3A_163 : vector<16xf32> to vector<16xi32>
      %shift_right_logical3A_165 = arith.constant 24 : i32
      %shift_right_logical3A_166 = vector.broadcast %shift_right_logical3A_165 : i32 to vector<16xi32>
      %shift_right_logical3A_167 = arith.shrui %bitcast3A_164, %shift_right_logical3A_166 : vector<16xi32>
      %gt3A_168 = arith.cmpi sgt, %shift_right_logical3A_167, %get3A_11 : vector<16xi32>
      %jit3A_169 = arith.constant 0.000000e+00 : f32
      %broadcast_in_dim3A_170 = vector.broadcast %jit3A_169 : f32 to vector<16xf32>
      %select_n3A_171 = arith.select %gt3A_168, %get3A_163, %broadcast_in_dim3A_170 : vector<16xi1>, vector<16xf32>
      %add3A_172 = arith.addf %add3A_147, %select_n3A_171 : vector<16xf32>
      %eq3A_173 = arith.cmpi eq, %shift_right_logical3A_167, %get3A_11 : vector<16xi32>
      %shift_right_logical3A_174 = arith.constant 14 : i32
      %shift_right_logical3A_175 = vector.broadcast %shift_right_logical3A_174 : i32 to vector<16xi32>
      %shift_right_logical3A_176 = arith.shrui %bitcast3A_164, %shift_right_logical3A_175 : vector<16xi32>
      %and3A_177 = arith.constant 1023 : i32
      %and3A_178 = vector.broadcast %and3A_177 : i32 to vector<16xi32>
      %and3A_179 = arith.andi %shift_right_logical3A_176, %and3A_178 : vector<16xi32>
      %add3A_180 = arith.addi %mul3A_3, %and3A_179 : vector<16xi32>
      tpu.vector_store_idx %arg9[%add3A_180], %broadcast_in_dim3A_4 masked %eq3A_173 {add = true} : memref<16384xf32, #tpu.memory_space<vmem>>[vector<16xi32>], vector<16xf32>, vector<16xi1>
      tpu.vector_store_idx %arg10[%add3A_180], %get3A_163 masked %eq3A_173 {add = true} : memref<16384xf32, #tpu.memory_space<vmem>>[vector<16xi32>], vector<16xf32>, vector<16xi1>
      %mul3A_181 = arith.constant 8 : i32
      %mul3A_182 = arith.muli %scan3A_111, %mul3A_181 : i32
      %add3A_183 = arith.constant 3 : i32
      %add3A_184 = arith.addi %mul3A_182, %add3A_183 : i32
      %mul3A_185 = arith.constant 16 : i32
      %mul3A_186 = arith.muli %add3A_184, %mul3A_185 : i32
      %get3A_187 = arith.index_cast %mul3A_186 : i32 to index
      %get3A_188 = tpu.vector_load %arg7[%get3A_187] {strides = array<i32>} : memref<16384xf32, #tpu.memory_space<vmem>>, vector<16xf32>,
      %bitcast3A_189 = vector.bitcast %get3A_188 : vector<16xf32> to vector<16xi32>
      %shift_right_logical3A_190 = arith.constant 24 : i32
      %shift_right_logical3A_191 = vector.broadcast %shift_right_logical3A_190 : i32 to vector<16xi32>
      %shift_right_logical3A_192 = arith.shrui %bitcast3A_189, %shift_right_logical3A_191 : vector<16xi32>
      %gt3A_193 = arith.cmpi sgt, %shift_right_logical3A_192, %get3A_11 : vector<16xi32>
      %jit3A_194 = arith.constant 0.000000e+00 : f32
      %broadcast_in_dim3A_195 = vector.broadcast %jit3A_194 : f32 to vector<16xf32>
      %select_n3A_196 = arith.select %gt3A_193, %get3A_188, %broadcast_in_dim3A_195 : vector<16xi1>, vector<16xf32>
      %add3A_197 = arith.addf %add3A_172, %select_n3A_196 : vector<16xf32>
      %eq3A_198 = arith.cmpi eq, %shift_right_logical3A_192, %get3A_11 : vector<16xi32>
      %shift_right_logical3A_199 = arith.constant 14 : i32
      %shift_right_logical3A_200 = vector.broadcast %shift_right_logical3A_199 : i32 to vector<16xi32>
      %shift_right_logical3A_201 = arith.shrui %bitcast3A_189, %shift_right_logical3A_200 : vector<16xi32>
      %and3A_202 = arith.constant 1023 : i32
      %and3A_203 = vector.broadcast %and3A_202 : i32 to vector<16xi32>
      %and3A_204 = arith.andi %shift_right_logical3A_201, %and3A_203 : vector<16xi32>
      %add3A_205 = arith.addi %mul3A_3, %and3A_204 : vector<16xi32>
      tpu.vector_store_idx %arg9[%add3A_205], %broadcast_in_dim3A_4 masked %eq3A_198 {add = true} : memref<16384xf32, #tpu.memory_space<vmem>>[vector<16xi32>], vector<16xf32>, vector<16xi1>
      tpu.vector_store_idx %arg10[%add3A_205], %get3A_188 masked %eq3A_198 {add = true} : memref<16384xf32, #tpu.memory_space<vmem>>[vector<16xi32>], vector<16xf32>, vector<16xi1>
      %mul3A_206 = arith.constant 8 : i32
      %mul3A_207 = arith.muli %scan3A_111, %mul3A_206 : i32
      %add3A_208 = arith.constant 4 : i32
      %add3A_209 = arith.addi %mul3A_207, %add3A_208 : i32
      %mul3A_210 = arith.constant 16 : i32
      %mul3A_211 = arith.muli %add3A_209, %mul3A_210 : i32
      %get3A_212 = arith.index_cast %mul3A_211 : i32 to index
      %get3A_213 = tpu.vector_load %arg7[%get3A_212] {strides = array<i32>} : memref<16384xf32, #tpu.memory_space<vmem>>, vector<16xf32>,
      %bitcast3A_214 = vector.bitcast %get3A_213 : vector<16xf32> to vector<16xi32>
      %shift_right_logical3A_215 = arith.constant 24 : i32
      %shift_right_logical3A_216 = vector.broadcast %shift_right_logical3A_215 : i32 to vector<16xi32>
      %shift_right_logical3A_217 = arith.shrui %bitcast3A_214, %shift_right_logical3A_216 : vector<16xi32>
      %gt3A_218 = arith.cmpi sgt, %shift_right_logical3A_217, %get3A_11 : vector<16xi32>
      %jit3A_219 = arith.constant 0.000000e+00 : f32
      %broadcast_in_dim3A_220 = vector.broadcast %jit3A_219 : f32 to vector<16xf32>
      %select_n3A_221 = arith.select %gt3A_218, %get3A_213, %broadcast_in_dim3A_220 : vector<16xi1>, vector<16xf32>
      %add3A_222 = arith.addf %add3A_197, %select_n3A_221 : vector<16xf32>
      %eq3A_223 = arith.cmpi eq, %shift_right_logical3A_217, %get3A_11 : vector<16xi32>
      %shift_right_logical3A_224 = arith.constant 14 : i32
      %shift_right_logical3A_225 = vector.broadcast %shift_right_logical3A_224 : i32 to vector<16xi32>
      %shift_right_logical3A_226 = arith.shrui %bitcast3A_214, %shift_right_logical3A_225 : vector<16xi32>
      %and3A_227 = arith.constant 1023 : i32
      %and3A_228 = vector.broadcast %and3A_227 : i32 to vector<16xi32>
      %and3A_229 = arith.andi %shift_right_logical3A_226, %and3A_228 : vector<16xi32>
      %add3A_230 = arith.addi %mul3A_3, %and3A_229 : vector<16xi32>
      tpu.vector_store_idx %arg9[%add3A_230], %broadcast_in_dim3A_4 masked %eq3A_223 {add = true} : memref<16384xf32, #tpu.memory_space<vmem>>[vector<16xi32>], vector<16xf32>, vector<16xi1>
      tpu.vector_store_idx %arg10[%add3A_230], %get3A_213 masked %eq3A_223 {add = true} : memref<16384xf32, #tpu.memory_space<vmem>>[vector<16xi32>], vector<16xf32>, vector<16xi1>
      %mul3A_231 = arith.constant 8 : i32
      %mul3A_232 = arith.muli %scan3A_111, %mul3A_231 : i32
      %add3A_233 = arith.constant 5 : i32
      %add3A_234 = arith.addi %mul3A_232, %add3A_233 : i32
      %mul3A_235 = arith.constant 16 : i32
      %mul3A_236 = arith.muli %add3A_234, %mul3A_235 : i32
      %get3A_237 = arith.index_cast %mul3A_236 : i32 to index
      %get3A_238 = tpu.vector_load %arg7[%get3A_237] {strides = array<i32>} : memref<16384xf32, #tpu.memory_space<vmem>>, vector<16xf32>,
      %bitcast3A_239 = vector.bitcast %get3A_238 : vector<16xf32> to vector<16xi32>
      %shift_right_logical3A_240 = arith.constant 24 : i32
      %shift_right_logical3A_241 = vector.broadcast %shift_right_logical3A_240 : i32 to vector<16xi32>
      %shift_right_logical3A_242 = arith.shrui %bitcast3A_239, %shift_right_logical3A_241 : vector<16xi32>
      %gt3A_243 = arith.cmpi sgt, %shift_right_logical3A_242, %get3A_11 : vector<16xi32>
      %jit3A_244 = arith.constant 0.000000e+00 : f32
      %broadcast_in_dim3A_245 = vector.broadcast %jit3A_244 : f32 to vector<16xf32>
      %select_n3A_246 = arith.select %gt3A_243, %get3A_238, %broadcast_in_dim3A_245 : vector<16xi1>, vector<16xf32>
      %add3A_247 = arith.addf %add3A_222, %select_n3A_246 : vector<16xf32>
      %eq3A_248 = arith.cmpi eq, %shift_right_logical3A_242, %get3A_11 : vector<16xi32>
      %shift_right_logical3A_249 = arith.constant 14 : i32
      %shift_right_logical3A_250 = vector.broadcast %shift_right_logical3A_249 : i32 to vector<16xi32>
      %shift_right_logical3A_251 = arith.shrui %bitcast3A_239, %shift_right_logical3A_250 : vector<16xi32>
      %and3A_252 = arith.constant 1023 : i32
      %and3A_253 = vector.broadcast %and3A_252 : i32 to vector<16xi32>
      %and3A_254 = arith.andi %shift_right_logical3A_251, %and3A_253 : vector<16xi32>
      %add3A_255 = arith.addi %mul3A_3, %and3A_254 : vector<16xi32>
      tpu.vector_store_idx %arg9[%add3A_255], %broadcast_in_dim3A_4 masked %eq3A_248 {add = true} : memref<16384xf32, #tpu.memory_space<vmem>>[vector<16xi32>], vector<16xf32>, vector<16xi1>
      tpu.vector_store_idx %arg10[%add3A_255], %get3A_238 masked %eq3A_248 {add = true} : memref<16384xf32, #tpu.memory_space<vmem>>[vector<16xi32>], vector<16xf32>, vector<16xi1>
      %mul3A_256 = arith.constant 8 : i32
      %mul3A_257 = arith.muli %scan3A_111, %mul3A_256 : i32
      %add3A_258 = arith.constant 6 : i32
      %add3A_259 = arith.addi %mul3A_257, %add3A_258 : i32
      %mul3A_260 = arith.constant 16 : i32
      %mul3A_261 = arith.muli %add3A_259, %mul3A_260 : i32
      %get3A_262 = arith.index_cast %mul3A_261 : i32 to index
      %get3A_263 = tpu.vector_load %arg7[%get3A_262] {strides = array<i32>} : memref<16384xf32, #tpu.memory_space<vmem>>, vector<16xf32>,
      %bitcast3A_264 = vector.bitcast %get3A_263 : vector<16xf32> to vector<16xi32>
      %shift_right_logical3A_265 = arith.constant 24 : i32
      %shift_right_logical3A_266 = vector.broadcast %shift_right_logical3A_265 : i32 to vector<16xi32>
      %shift_right_logical3A_267 = arith.shrui %bitcast3A_264, %shift_right_logical3A_266 : vector<16xi32>
      %gt3A_268 = arith.cmpi sgt, %shift_right_logical3A_267, %get3A_11 : vector<16xi32>
      %jit3A_269 = arith.constant 0.000000e+00 : f32
      %broadcast_in_dim3A_270 = vector.broadcast %jit3A_269 : f32 to vector<16xf32>
      %select_n3A_271 = arith.select %gt3A_268, %get3A_263, %broadcast_in_dim3A_270 : vector<16xi1>, vector<16xf32>
      %add3A_272 = arith.addf %add3A_247, %select_n3A_271 : vector<16xf32>
      %eq3A_273 = arith.cmpi eq, %shift_right_logical3A_267, %get3A_11 : vector<16xi32>
      %shift_right_logical3A_274 = arith.constant 14 : i32
      %shift_right_logical3A_275 = vector.broadcast %shift_right_logical3A_274 : i32 to vector<16xi32>
      %shift_right_logical3A_276 = arith.shrui %bitcast3A_264, %shift_right_logical3A_275 : vector<16xi32>
      %and3A_277 = arith.constant 1023 : i32
      %and3A_278 = vector.broadcast %and3A_277 : i32 to vector<16xi32>
      %and3A_279 = arith.andi %shift_right_logical3A_276, %and3A_278 : vector<16xi32>
      %add3A_280 = arith.addi %mul3A_3, %and3A_279 : vector<16xi32>
      tpu.vector_store_idx %arg9[%add3A_280], %broadcast_in_dim3A_4 masked %eq3A_273 {add = true} : memref<16384xf32, #tpu.memory_space<vmem>>[vector<16xi32>], vector<16xf32>, vector<16xi1>
      tpu.vector_store_idx %arg10[%add3A_280], %get3A_263 masked %eq3A_273 {add = true} : memref<16384xf32, #tpu.memory_space<vmem>>[vector<16xi32>], vector<16xf32>, vector<16xi1>
      %mul3A_281 = arith.constant 8 : i32
      %mul3A_282 = arith.muli %scan3A_111, %mul3A_281 : i32
      %add3A_283 = arith.constant 7 : i32
      %add3A_284 = arith.addi %mul3A_282, %add3A_283 : i32
      %mul3A_285 = arith.constant 16 : i32
      %mul3A_286 = arith.muli %add3A_284, %mul3A_285 : i32
      %get3A_287 = arith.index_cast %mul3A_286 : i32 to index
      %get3A_288 = tpu.vector_load %arg7[%get3A_287] {strides = array<i32>} : memref<16384xf32, #tpu.memory_space<vmem>>, vector<16xf32>,
      %bitcast3A_289 = vector.bitcast %get3A_288 : vector<16xf32> to vector<16xi32>
      %shift_right_logical3A_290 = arith.constant 24 : i32
      %shift_right_logical3A_291 = vector.broadcast %shift_right_logical3A_290 : i32 to vector<16xi32>
      %shift_right_logical3A_292 = arith.shrui %bitcast3A_289, %shift_right_logical3A_291 : vector<16xi32>
      %gt3A_293 = arith.cmpi sgt, %shift_right_logical3A_292, %get3A_11 : vector<16xi32>
      %jit3A_294 = arith.constant 0.000000e+00 : f32
      %broadcast_in_dim3A_295 = vector.broadcast %jit3A_294 : f32 to vector<16xf32>
      %select_n3A_296 = arith.select %gt3A_293, %get3A_288, %broadcast_in_dim3A_295 : vector<16xi1>, vector<16xf32>
      %add3A_297 = arith.addf %add3A_272, %select_n3A_296 : vector<16xf32>
      %eq3A_298 = arith.cmpi eq, %shift_right_logical3A_292, %get3A_11 : vector<16xi32>
      %shift_right_logical3A_299 = arith.constant 14 : i32
      %shift_right_logical3A_300 = vector.broadcast %shift_right_logical3A_299 : i32 to vector<16xi32>
      %shift_right_logical3A_301 = arith.shrui %bitcast3A_289, %shift_right_logical3A_300 : vector<16xi32>
      %and3A_302 = arith.constant 1023 : i32
      %and3A_303 = vector.broadcast %and3A_302 : i32 to vector<16xi32>
      %and3A_304 = arith.andi %shift_right_logical3A_301, %and3A_303 : vector<16xi32>
      %add3A_305 = arith.addi %mul3A_3, %and3A_304 : vector<16xi32>
      tpu.vector_store_idx %arg9[%add3A_305], %broadcast_in_dim3A_4 masked %eq3A_298 {add = true} : memref<16384xf32, #tpu.memory_space<vmem>>[vector<16xi32>], vector<16xf32>, vector<16xi1>
      tpu.vector_store_idx %arg10[%add3A_305], %get3A_288 masked %eq3A_298 {add = true} : memref<16384xf32, #tpu.memory_space<vmem>>[vector<16xi32>], vector<16xf32>, vector<16xi1>
      scf.yield %add3A_297 : vector<16xf32>
    }
    %scan3A_101 = arith.constant 128 : i32
    %dma_wait3A_102 = tpu.memref_slice %arg2[%add3A_91] : memref<4194304xf32, #tpu.memory_space<hbm>> -> memref<16384xf32, #tpu.memory_space<hbm>>
    %dma_wait3A_103 = tpu.memref_slice %arg2[%add3A_91] : memref<4194304xf32, #tpu.memory_space<hbm>> -> memref<16384xf32, #tpu.memory_space<hbm>>
    tpu.wait_dma2 semaphore(%arg14 : memref<!tpu.dma_semaphore, #tpu.memory_space<semaphore_mem>>) src(%dma_wait3A_103 : memref<16384xf32, #tpu.memory_space<hbm>>) dst(%arg8 : memref<16384xf32, #tpu.memory_space<vmem>>)
    %scan3A_104 = arith.constant 0 : i32
    %scan3A_105 = arith.constant 128 : i32
    %scan3A_106 = arith.addi %scan3A_104, %scan3A_105 : i32
    %scan3A_107 = arith.constant 1 : i32
    %scan3A_108 = scf.for %scan3A_111 = %scan3A_104 to %scan3A_106 step %scan3A_107 iter_args(%scan3A_112 = %scan3A_100) -> (vector<16xf32>)  : i32 {
      %mul3A_113 = arith.constant 8 : i32
      %mul3A_114 = arith.muli %scan3A_111, %mul3A_113 : i32
      %add3A_115 = arith.constant 0 : i32
      %add3A_116 = arith.addi %mul3A_114, %add3A_115 : i32
      %mul3A_117 = arith.constant 16 : i32
      %mul3A_118 = arith.muli %add3A_116, %mul3A_117 : i32
      %get3A_119 = arith.index_cast %mul3A_118 : i32 to index
      %get3A_120 = tpu.vector_load %arg8[%get3A_119] {strides = array<i32>} : memref<16384xf32, #tpu.memory_space<vmem>>, vector<16xf32>,
      %bitcast3A = vector.bitcast %get3A_120 : vector<16xf32> to vector<16xi32>
      %shift_right_logical3A = arith.constant 24 : i32
      %shift_right_logical3A_121 = vector.broadcast %shift_right_logical3A : i32 to vector<16xi32>
      %shift_right_logical3A_122 = arith.shrui %bitcast3A, %shift_right_logical3A_121 : vector<16xi32>
      %gt3A = arith.cmpi sgt, %shift_right_logical3A_122, %get3A_11 : vector<16xi32>
      %jit3A = arith.constant 0.000000e+00 : f32
      %broadcast_in_dim3A_123 = vector.broadcast %jit3A : f32 to vector<16xf32>
      %select_n3A = arith.select %gt3A, %get3A_120, %broadcast_in_dim3A_123 : vector<16xi1>, vector<16xf32>
      %add3A_124 = arith.addf %scan3A_112, %select_n3A : vector<16xf32>
      %eq3A = arith.cmpi eq, %shift_right_logical3A_122, %get3A_11 : vector<16xi32>
      %shift_right_logical3A_125 = arith.constant 14 : i32
      %shift_right_logical3A_126 = vector.broadcast %shift_right_logical3A_125 : i32 to vector<16xi32>
      %shift_right_logical3A_127 = arith.shrui %bitcast3A, %shift_right_logical3A_126 : vector<16xi32>
      %and3A = arith.constant 1023 : i32
      %and3A_128 = vector.broadcast %and3A : i32 to vector<16xi32>
      %and3A_129 = arith.andi %shift_right_logical3A_127, %and3A_128 : vector<16xi32>
      %add3A_130 = arith.addi %mul3A_3, %and3A_129 : vector<16xi32>
      tpu.vector_store_idx %arg9[%add3A_130], %broadcast_in_dim3A_4 masked %eq3A {add = true} : memref<16384xf32, #tpu.memory_space<vmem>>[vector<16xi32>], vector<16xf32>, vector<16xi1>
      tpu.vector_store_idx %arg10[%add3A_130], %get3A_120 masked %eq3A {add = true} : memref<16384xf32, #tpu.memory_space<vmem>>[vector<16xi32>], vector<16xf32>, vector<16xi1>
      %mul3A_131 = arith.constant 8 : i32
      %mul3A_132 = arith.muli %scan3A_111, %mul3A_131 : i32
      %add3A_133 = arith.constant 1 : i32
      %add3A_134 = arith.addi %mul3A_132, %add3A_133 : i32
      %mul3A_135 = arith.constant 16 : i32
      %mul3A_136 = arith.muli %add3A_134, %mul3A_135 : i32
      %get3A_137 = arith.index_cast %mul3A_136 : i32 to index
      %get3A_138 = tpu.vector_load %arg8[%get3A_137] {strides = array<i32>} : memref<16384xf32, #tpu.memory_space<vmem>>, vector<16xf32>,
      %bitcast3A_139 = vector.bitcast %get3A_138 : vector<16xf32> to vector<16xi32>
      %shift_right_logical3A_140 = arith.constant 24 : i32
      %shift_right_logical3A_141 = vector.broadcast %shift_right_logical3A_140 : i32 to vector<16xi32>
      %shift_right_logical3A_142 = arith.shrui %bitcast3A_139, %shift_right_logical3A_141 : vector<16xi32>
      %gt3A_143 = arith.cmpi sgt, %shift_right_logical3A_142, %get3A_11 : vector<16xi32>
      %jit3A_144 = arith.constant 0.000000e+00 : f32
      %broadcast_in_dim3A_145 = vector.broadcast %jit3A_144 : f32 to vector<16xf32>
      %select_n3A_146 = arith.select %gt3A_143, %get3A_138, %broadcast_in_dim3A_145 : vector<16xi1>, vector<16xf32>
      %add3A_147 = arith.addf %add3A_124, %select_n3A_146 : vector<16xf32>
      %eq3A_148 = arith.cmpi eq, %shift_right_logical3A_142, %get3A_11 : vector<16xi32>
      %shift_right_logical3A_149 = arith.constant 14 : i32
      %shift_right_logical3A_150 = vector.broadcast %shift_right_logical3A_149 : i32 to vector<16xi32>
      %shift_right_logical3A_151 = arith.shrui %bitcast3A_139, %shift_right_logical3A_150 : vector<16xi32>
      %and3A_152 = arith.constant 1023 : i32
      %and3A_153 = vector.broadcast %and3A_152 : i32 to vector<16xi32>
      %and3A_154 = arith.andi %shift_right_logical3A_151, %and3A_153 : vector<16xi32>
      %add3A_155 = arith.addi %mul3A_3, %and3A_154 : vector<16xi32>
      tpu.vector_store_idx %arg9[%add3A_155], %broadcast_in_dim3A_4 masked %eq3A_148 {add = true} : memref<16384xf32, #tpu.memory_space<vmem>>[vector<16xi32>], vector<16xf32>, vector<16xi1>
      tpu.vector_store_idx %arg10[%add3A_155], %get3A_138 masked %eq3A_148 {add = true} : memref<16384xf32, #tpu.memory_space<vmem>>[vector<16xi32>], vector<16xf32>, vector<16xi1>
      %mul3A_156 = arith.constant 8 : i32
      %mul3A_157 = arith.muli %scan3A_111, %mul3A_156 : i32
      %add3A_158 = arith.constant 2 : i32
      %add3A_159 = arith.addi %mul3A_157, %add3A_158 : i32
      %mul3A_160 = arith.constant 16 : i32
      %mul3A_161 = arith.muli %add3A_159, %mul3A_160 : i32
      %get3A_162 = arith.index_cast %mul3A_161 : i32 to index
      %get3A_163 = tpu.vector_load %arg8[%get3A_162] {strides = array<i32>} : memref<16384xf32, #tpu.memory_space<vmem>>, vector<16xf32>,
      %bitcast3A_164 = vector.bitcast %get3A_163 : vector<16xf32> to vector<16xi32>
      %shift_right_logical3A_165 = arith.constant 24 : i32
      %shift_right_logical3A_166 = vector.broadcast %shift_right_logical3A_165 : i32 to vector<16xi32>
      %shift_right_logical3A_167 = arith.shrui %bitcast3A_164, %shift_right_logical3A_166 : vector<16xi32>
      %gt3A_168 = arith.cmpi sgt, %shift_right_logical3A_167, %get3A_11 : vector<16xi32>
      %jit3A_169 = arith.constant 0.000000e+00 : f32
      %broadcast_in_dim3A_170 = vector.broadcast %jit3A_169 : f32 to vector<16xf32>
      %select_n3A_171 = arith.select %gt3A_168, %get3A_163, %broadcast_in_dim3A_170 : vector<16xi1>, vector<16xf32>
      %add3A_172 = arith.addf %add3A_147, %select_n3A_171 : vector<16xf32>
      %eq3A_173 = arith.cmpi eq, %shift_right_logical3A_167, %get3A_11 : vector<16xi32>
      %shift_right_logical3A_174 = arith.constant 14 : i32
      %shift_right_logical3A_175 = vector.broadcast %shift_right_logical3A_174 : i32 to vector<16xi32>
      %shift_right_logical3A_176 = arith.shrui %bitcast3A_164, %shift_right_logical3A_175 : vector<16xi32>
      %and3A_177 = arith.constant 1023 : i32
      %and3A_178 = vector.broadcast %and3A_177 : i32 to vector<16xi32>
      %and3A_179 = arith.andi %shift_right_logical3A_176, %and3A_178 : vector<16xi32>
      %add3A_180 = arith.addi %mul3A_3, %and3A_179 : vector<16xi32>
      tpu.vector_store_idx %arg9[%add3A_180], %broadcast_in_dim3A_4 masked %eq3A_173 {add = true} : memref<16384xf32, #tpu.memory_space<vmem>>[vector<16xi32>], vector<16xf32>, vector<16xi1>
      tpu.vector_store_idx %arg10[%add3A_180], %get3A_163 masked %eq3A_173 {add = true} : memref<16384xf32, #tpu.memory_space<vmem>>[vector<16xi32>], vector<16xf32>, vector<16xi1>
      %mul3A_181 = arith.constant 8 : i32
      %mul3A_182 = arith.muli %scan3A_111, %mul3A_181 : i32
      %add3A_183 = arith.constant 3 : i32
      %add3A_184 = arith.addi %mul3A_182, %add3A_183 : i32
      %mul3A_185 = arith.constant 16 : i32
      %mul3A_186 = arith.muli %add3A_184, %mul3A_185 : i32
      %get3A_187 = arith.index_cast %mul3A_186 : i32 to index
      %get3A_188 = tpu.vector_load %arg8[%get3A_187] {strides = array<i32>} : memref<16384xf32, #tpu.memory_space<vmem>>, vector<16xf32>,
      %bitcast3A_189 = vector.bitcast %get3A_188 : vector<16xf32> to vector<16xi32>
      %shift_right_logical3A_190 = arith.constant 24 : i32
      %shift_right_logical3A_191 = vector.broadcast %shift_right_logical3A_190 : i32 to vector<16xi32>
      %shift_right_logical3A_192 = arith.shrui %bitcast3A_189, %shift_right_logical3A_191 : vector<16xi32>
      %gt3A_193 = arith.cmpi sgt, %shift_right_logical3A_192, %get3A_11 : vector<16xi32>
      %jit3A_194 = arith.constant 0.000000e+00 : f32
      %broadcast_in_dim3A_195 = vector.broadcast %jit3A_194 : f32 to vector<16xf32>
      %select_n3A_196 = arith.select %gt3A_193, %get3A_188, %broadcast_in_dim3A_195 : vector<16xi1>, vector<16xf32>
      %add3A_197 = arith.addf %add3A_172, %select_n3A_196 : vector<16xf32>
      %eq3A_198 = arith.cmpi eq, %shift_right_logical3A_192, %get3A_11 : vector<16xi32>
      %shift_right_logical3A_199 = arith.constant 14 : i32
      %shift_right_logical3A_200 = vector.broadcast %shift_right_logical3A_199 : i32 to vector<16xi32>
      %shift_right_logical3A_201 = arith.shrui %bitcast3A_189, %shift_right_logical3A_200 : vector<16xi32>
      %and3A_202 = arith.constant 1023 : i32
      %and3A_203 = vector.broadcast %and3A_202 : i32 to vector<16xi32>
      %and3A_204 = arith.andi %shift_right_logical3A_201, %and3A_203 : vector<16xi32>
      %add3A_205 = arith.addi %mul3A_3, %and3A_204 : vector<16xi32>
      tpu.vector_store_idx %arg9[%add3A_205], %broadcast_in_dim3A_4 masked %eq3A_198 {add = true} : memref<16384xf32, #tpu.memory_space<vmem>>[vector<16xi32>], vector<16xf32>, vector<16xi1>
      tpu.vector_store_idx %arg10[%add3A_205], %get3A_188 masked %eq3A_198 {add = true} : memref<16384xf32, #tpu.memory_space<vmem>>[vector<16xi32>], vector<16xf32>, vector<16xi1>
      %mul3A_206 = arith.constant 8 : i32
      %mul3A_207 = arith.muli %scan3A_111, %mul3A_206 : i32
      %add3A_208 = arith.constant 4 : i32
      %add3A_209 = arith.addi %mul3A_207, %add3A_208 : i32
      %mul3A_210 = arith.constant 16 : i32
      %mul3A_211 = arith.muli %add3A_209, %mul3A_210 : i32
      %get3A_212 = arith.index_cast %mul3A_211 : i32 to index
      %get3A_213 = tpu.vector_load %arg8[%get3A_212] {strides = array<i32>} : memref<16384xf32, #tpu.memory_space<vmem>>, vector<16xf32>,
      %bitcast3A_214 = vector.bitcast %get3A_213 : vector<16xf32> to vector<16xi32>
      %shift_right_logical3A_215 = arith.constant 24 : i32
      %shift_right_logical3A_216 = vector.broadcast %shift_right_logical3A_215 : i32 to vector<16xi32>
      %shift_right_logical3A_217 = arith.shrui %bitcast3A_214, %shift_right_logical3A_216 : vector<16xi32>
      %gt3A_218 = arith.cmpi sgt, %shift_right_logical3A_217, %get3A_11 : vector<16xi32>
      %jit3A_219 = arith.constant 0.000000e+00 : f32
      %broadcast_in_dim3A_220 = vector.broadcast %jit3A_219 : f32 to vector<16xf32>
      %select_n3A_221 = arith.select %gt3A_218, %get3A_213, %broadcast_in_dim3A_220 : vector<16xi1>, vector<16xf32>
      %add3A_222 = arith.addf %add3A_197, %select_n3A_221 : vector<16xf32>
      %eq3A_223 = arith.cmpi eq, %shift_right_logical3A_217, %get3A_11 : vector<16xi32>
      %shift_right_logical3A_224 = arith.constant 14 : i32
      %shift_right_logical3A_225 = vector.broadcast %shift_right_logical3A_224 : i32 to vector<16xi32>
      %shift_right_logical3A_226 = arith.shrui %bitcast3A_214, %shift_right_logical3A_225 : vector<16xi32>
      %and3A_227 = arith.constant 1023 : i32
      %and3A_228 = vector.broadcast %and3A_227 : i32 to vector<16xi32>
      %and3A_229 = arith.andi %shift_right_logical3A_226, %and3A_228 : vector<16xi32>
      %add3A_230 = arith.addi %mul3A_3, %and3A_229 : vector<16xi32>
      tpu.vector_store_idx %arg9[%add3A_230], %broadcast_in_dim3A_4 masked %eq3A_223 {add = true} : memref<16384xf32, #tpu.memory_space<vmem>>[vector<16xi32>], vector<16xf32>, vector<16xi1>
      tpu.vector_store_idx %arg10[%add3A_230], %get3A_213 masked %eq3A_223 {add = true} : memref<16384xf32, #tpu.memory_space<vmem>>[vector<16xi32>], vector<16xf32>, vector<16xi1>
      %mul3A_231 = arith.constant 8 : i32
      %mul3A_232 = arith.muli %scan3A_111, %mul3A_231 : i32
      %add3A_233 = arith.constant 5 : i32
      %add3A_234 = arith.addi %mul3A_232, %add3A_233 : i32
      %mul3A_235 = arith.constant 16 : i32
      %mul3A_236 = arith.muli %add3A_234, %mul3A_235 : i32
      %get3A_237 = arith.index_cast %mul3A_236 : i32 to index
      %get3A_238 = tpu.vector_load %arg8[%get3A_237] {strides = array<i32>} : memref<16384xf32, #tpu.memory_space<vmem>>, vector<16xf32>,
      %bitcast3A_239 = vector.bitcast %get3A_238 : vector<16xf32> to vector<16xi32>
      %shift_right_logical3A_240 = arith.constant 24 : i32
      %shift_right_logical3A_241 = vector.broadcast %shift_right_logical3A_240 : i32 to vector<16xi32>
      %shift_right_logical3A_242 = arith.shrui %bitcast3A_239, %shift_right_logical3A_241 : vector<16xi32>
      %gt3A_243 = arith.cmpi sgt, %shift_right_logical3A_242, %get3A_11 : vector<16xi32>
      %jit3A_244 = arith.constant 0.000000e+00 : f32
      %broadcast_in_dim3A_245 = vector.broadcast %jit3A_244 : f32 to vector<16xf32>
      %select_n3A_246 = arith.select %gt3A_243, %get3A_238, %broadcast_in_dim3A_245 : vector<16xi1>, vector<16xf32>
      %add3A_247 = arith.addf %add3A_222, %select_n3A_246 : vector<16xf32>
      %eq3A_248 = arith.cmpi eq, %shift_right_logical3A_242, %get3A_11 : vector<16xi32>
      %shift_right_logical3A_249 = arith.constant 14 : i32
      %shift_right_logical3A_250 = vector.broadcast %shift_right_logical3A_249 : i32 to vector<16xi32>
      %shift_right_logical3A_251 = arith.shrui %bitcast3A_239, %shift_right_logical3A_250 : vector<16xi32>
      %and3A_252 = arith.constant 1023 : i32
      %and3A_253 = vector.broadcast %and3A_252 : i32 to vector<16xi32>
      %and3A_254 = arith.andi %shift_right_logical3A_251, %and3A_253 : vector<16xi32>
      %add3A_255 = arith.addi %mul3A_3, %and3A_254 : vector<16xi32>
      tpu.vector_store_idx %arg9[%add3A_255], %broadcast_in_dim3A_4 masked %eq3A_248 {add = true} : memref<16384xf32, #tpu.memory_space<vmem>>[vector<16xi32>], vector<16xf32>, vector<16xi1>
      tpu.vector_store_idx %arg10[%add3A_255], %get3A_238 masked %eq3A_248 {add = true} : memref<16384xf32, #tpu.memory_space<vmem>>[vector<16xi32>], vector<16xf32>, vector<16xi1>
      %mul3A_256 = arith.constant 8 : i32
      %mul3A_257 = arith.muli %scan3A_111, %mul3A_256 : i32
      %add3A_258 = arith.constant 6 : i32
      %add3A_259 = arith.addi %mul3A_257, %add3A_258 : i32
      %mul3A_260 = arith.constant 16 : i32
      %mul3A_261 = arith.muli %add3A_259, %mul3A_260 : i32
      %get3A_262 = arith.index_cast %mul3A_261 : i32 to index
      %get3A_263 = tpu.vector_load %arg8[%get3A_262] {strides = array<i32>} : memref<16384xf32, #tpu.memory_space<vmem>>, vector<16xf32>,
      %bitcast3A_264 = vector.bitcast %get3A_263 : vector<16xf32> to vector<16xi32>
      %shift_right_logical3A_265 = arith.constant 24 : i32
      %shift_right_logical3A_266 = vector.broadcast %shift_right_logical3A_265 : i32 to vector<16xi32>
      %shift_right_logical3A_267 = arith.shrui %bitcast3A_264, %shift_right_logical3A_266 : vector<16xi32>
      %gt3A_268 = arith.cmpi sgt, %shift_right_logical3A_267, %get3A_11 : vector<16xi32>
      %jit3A_269 = arith.constant 0.000000e+00 : f32
      %broadcast_in_dim3A_270 = vector.broadcast %jit3A_269 : f32 to vector<16xf32>
      %select_n3A_271 = arith.select %gt3A_268, %get3A_263, %broadcast_in_dim3A_270 : vector<16xi1>, vector<16xf32>
      %add3A_272 = arith.addf %add3A_247, %select_n3A_271 : vector<16xf32>
      %eq3A_273 = arith.cmpi eq, %shift_right_logical3A_267, %get3A_11 : vector<16xi32>
      %shift_right_logical3A_274 = arith.constant 14 : i32
      %shift_right_logical3A_275 = vector.broadcast %shift_right_logical3A_274 : i32 to vector<16xi32>
      %shift_right_logical3A_276 = arith.shrui %bitcast3A_264, %shift_right_logical3A_275 : vector<16xi32>
      %and3A_277 = arith.constant 1023 : i32
      %and3A_278 = vector.broadcast %and3A_277 : i32 to vector<16xi32>
      %and3A_279 = arith.andi %shift_right_logical3A_276, %and3A_278 : vector<16xi32>
      %add3A_280 = arith.addi %mul3A_3, %and3A_279 : vector<16xi32>
      tpu.vector_store_idx %arg9[%add3A_280], %broadcast_in_dim3A_4 masked %eq3A_273 {add = true} : memref<16384xf32, #tpu.memory_space<vmem>>[vector<16xi32>], vector<16xf32>, vector<16xi1>
      tpu.vector_store_idx %arg10[%add3A_280], %get3A_263 masked %eq3A_273 {add = true} : memref<16384xf32, #tpu.memory_space<vmem>>[vector<16xi32>], vector<16xf32>, vector<16xi1>
      %mul3A_281 = arith.constant 8 : i32
      %mul3A_282 = arith.muli %scan3A_111, %mul3A_281 : i32
      %add3A_283 = arith.constant 7 : i32
      %add3A_284 = arith.addi %mul3A_282, %add3A_283 : i32
      %mul3A_285 = arith.constant 16 : i32
      %mul3A_286 = arith.muli %add3A_284, %mul3A_285 : i32
      %get3A_287 = arith.index_cast %mul3A_286 : i32 to index
      %get3A_288 = tpu.vector_load %arg8[%get3A_287] {strides = array<i32>} : memref<16384xf32, #tpu.memory_space<vmem>>, vector<16xf32>,
      %bitcast3A_289 = vector.bitcast %get3A_288 : vector<16xf32> to vector<16xi32>
      %shift_right_logical3A_290 = arith.constant 24 : i32
      %shift_right_logical3A_291 = vector.broadcast %shift_right_logical3A_290 : i32 to vector<16xi32>
      %shift_right_logical3A_292 = arith.shrui %bitcast3A_289, %shift_right_logical3A_291 : vector<16xi32>
      %gt3A_293 = arith.cmpi sgt, %shift_right_logical3A_292, %get3A_11 : vector<16xi32>
      %jit3A_294 = arith.constant 0.000000e+00 : f32
      %broadcast_in_dim3A_295 = vector.broadcast %jit3A_294 : f32 to vector<16xf32>
      %select_n3A_296 = arith.select %gt3A_293, %get3A_288, %broadcast_in_dim3A_295 : vector<16xi1>, vector<16xf32>
      %add3A_297 = arith.addf %add3A_272, %select_n3A_296 : vector<16xf32>
      %eq3A_298 = arith.cmpi eq, %shift_right_logical3A_292, %get3A_11 : vector<16xi32>
      %shift_right_logical3A_299 = arith.constant 14 : i32
      %shift_right_logical3A_300 = vector.broadcast %shift_right_logical3A_299 : i32 to vector<16xi32>
      %shift_right_logical3A_301 = arith.shrui %bitcast3A_289, %shift_right_logical3A_300 : vector<16xi32>
      %and3A_302 = arith.constant 1023 : i32
      %and3A_303 = vector.broadcast %and3A_302 : i32 to vector<16xi32>
      %and3A_304 = arith.andi %shift_right_logical3A_301, %and3A_303 : vector<16xi32>
      %add3A_305 = arith.addi %mul3A_3, %and3A_304 : vector<16xi32>
      tpu.vector_store_idx %arg9[%add3A_305], %broadcast_in_dim3A_4 masked %eq3A_298 {add = true} : memref<16384xf32, #tpu.memory_space<vmem>>[vector<16xi32>], vector<16xf32>, vector<16xi1>
      tpu.vector_store_idx %arg10[%add3A_305], %get3A_288 masked %eq3A_298 {add = true} : memref<16384xf32, #tpu.memory_space<vmem>>[vector<16xi32>], vector<16xf32>, vector<16xi1>
      scf.yield %add3A_297 : vector<16xf32>
    }
    %scan3A_109 = arith.constant 128 : i32
    %swap3A = arith.constant 0 : index
    %swap3A_110 = tpu.vector_load %arg12[%swap3A] {strides = array<i32>} : memref<16xf32, #tpu.memory_space<vmem>>, vector<16xf32>,
    tpu.vector_store %arg12[%swap3A], %scan3A_108 {strides = array<i32>} : memref<16xf32, #tpu.memory_space<vmem>>, vector<16xf32>,
    "tpu.region"() ({
      %run_scoped3A = tpu.sem_alloc : memref<!tpu.dma_semaphore, #tpu.memory_space<semaphore_mem>>
      %dma_start3A_111 = arith.constant 0 : i32
      %dma_start3A_112 = tpu.memref_slice %arg4[%add3A, %dma_start3A_111] : memref<32x16384xf32, #tpu.memory_space<hbm>> -> memref<1x16384xf32, #tpu.memory_space<hbm>>
      %dma_start3A_113 = tpu.memref_squeeze %dma_start3A_112 : memref<1x16384xf32, #tpu.memory_space<hbm>> -> memref<16384xf32, #tpu.memory_space<hbm>>
      %dma_start3A_114 = arith.constant 0 : i32
      %dma_start3A_115 = tpu.memref_slice %arg4[%add3A, %dma_start3A_114] : memref<32x16384xf32, #tpu.memory_space<hbm>> -> memref<1x16384xf32, #tpu.memory_space<hbm>>
      %dma_start3A_116 = tpu.memref_squeeze %dma_start3A_115 : memref<1x16384xf32, #tpu.memory_space<hbm>> -> memref<16384xf32, #tpu.memory_space<hbm>>
      tpu.enqueue_dma source(%arg9 : memref<16384xf32, #tpu.memory_space<vmem>>) target(%dma_start3A_116 : memref<16384xf32, #tpu.memory_space<hbm>>) target_semaphore(%run_scoped3A : memref<!tpu.dma_semaphore, #tpu.memory_space<semaphore_mem>>)
      %dma_wait3A_117 = arith.constant 0 : i32
      %dma_wait3A_118 = tpu.memref_slice %arg4[%add3A, %dma_wait3A_117] : memref<32x16384xf32, #tpu.memory_space<hbm>> -> memref<1x16384xf32, #tpu.memory_space<hbm>>
      %dma_wait3A_119 = tpu.memref_squeeze %dma_wait3A_118 : memref<1x16384xf32, #tpu.memory_space<hbm>> -> memref<16384xf32, #tpu.memory_space<hbm>>
      %dma_wait3A_120 = arith.constant 0 : i32
      %dma_wait3A_121 = tpu.memref_slice %arg4[%add3A, %dma_wait3A_120] : memref<32x16384xf32, #tpu.memory_space<hbm>> -> memref<1x16384xf32, #tpu.memory_space<hbm>>
      %dma_wait3A_122 = tpu.memref_squeeze %dma_wait3A_121 : memref<1x16384xf32, #tpu.memory_space<hbm>> -> memref<16384xf32, #tpu.memory_space<hbm>>
      tpu.wait_dma2 semaphore(%run_scoped3A : memref<!tpu.dma_semaphore, #tpu.memory_space<semaphore_mem>>) src(%arg9 : memref<16384xf32, #tpu.memory_space<vmem>>) dst(%dma_wait3A_122 : memref<16384xf32, #tpu.memory_space<hbm>>)
      tpu.yield
    }) : () -> ()
    "tpu.region"() ({
      %run_scoped3A = tpu.sem_alloc : memref<!tpu.dma_semaphore, #tpu.memory_space<semaphore_mem>>
      %dma_start3A_111 = arith.constant 0 : i32
      %dma_start3A_112 = tpu.memref_slice %arg5[%add3A, %dma_start3A_111] : memref<32x16384xf32, #tpu.memory_space<hbm>> -> memref<1x16384xf32, #tpu.memory_space<hbm>>
      %dma_start3A_113 = tpu.memref_squeeze %dma_start3A_112 : memref<1x16384xf32, #tpu.memory_space<hbm>> -> memref<16384xf32, #tpu.memory_space<hbm>>
      %dma_start3A_114 = arith.constant 0 : i32
      %dma_start3A_115 = tpu.memref_slice %arg5[%add3A, %dma_start3A_114] : memref<32x16384xf32, #tpu.memory_space<hbm>> -> memref<1x16384xf32, #tpu.memory_space<hbm>>
      %dma_start3A_116 = tpu.memref_squeeze %dma_start3A_115 : memref<1x16384xf32, #tpu.memory_space<hbm>> -> memref<16384xf32, #tpu.memory_space<hbm>>
      tpu.enqueue_dma source(%arg10 : memref<16384xf32, #tpu.memory_space<vmem>>) target(%dma_start3A_116 : memref<16384xf32, #tpu.memory_space<hbm>>) target_semaphore(%run_scoped3A : memref<!tpu.dma_semaphore, #tpu.memory_space<semaphore_mem>>)
      %dma_wait3A_117 = arith.constant 0 : i32
      %dma_wait3A_118 = tpu.memref_slice %arg5[%add3A, %dma_wait3A_117] : memref<32x16384xf32, #tpu.memory_space<hbm>> -> memref<1x16384xf32, #tpu.memory_space<hbm>>
      %dma_wait3A_119 = tpu.memref_squeeze %dma_wait3A_118 : memref<1x16384xf32, #tpu.memory_space<hbm>> -> memref<16384xf32, #tpu.memory_space<hbm>>
      %dma_wait3A_120 = arith.constant 0 : i32
      %dma_wait3A_121 = tpu.memref_slice %arg5[%add3A, %dma_wait3A_120] : memref<32x16384xf32, #tpu.memory_space<hbm>> -> memref<1x16384xf32, #tpu.memory_space<hbm>>
      %dma_wait3A_122 = tpu.memref_squeeze %dma_wait3A_121 : memref<1x16384xf32, #tpu.memory_space<hbm>> -> memref<16384xf32, #tpu.memory_space<hbm>>
      tpu.wait_dma2 semaphore(%run_scoped3A : memref<!tpu.dma_semaphore, #tpu.memory_space<semaphore_mem>>) src(%arg10 : memref<16384xf32, #tpu.memory_space<vmem>>) dst(%dma_wait3A_122 : memref<16384xf32, #tpu.memory_space<hbm>>)
      tpu.yield
    }) : () -> ()
    "tpu.region"() ({
      %run_scoped3A = tpu.sem_alloc : memref<!tpu.dma_semaphore, #tpu.memory_space<semaphore_mem>>
      %dma_start3A_111 = arith.constant 0 : i32
      %dma_start3A_112 = tpu.memref_slice %arg6[%add3A, %dma_start3A_111] : memref<32x16xf32, #tpu.memory_space<hbm>> -> memref<1x16xf32, #tpu.memory_space<hbm>>
      %dma_start3A_113 = tpu.memref_squeeze %dma_start3A_112 : memref<1x16xf32, #tpu.memory_space<hbm>> -> memref<16xf32, #tpu.memory_space<hbm>>
      %dma_start3A_114 = arith.constant 0 : i32
      %dma_start3A_115 = tpu.memref_slice %arg6[%add3A, %dma_start3A_114] : memref<32x16xf32, #tpu.memory_space<hbm>> -> memref<1x16xf32, #tpu.memory_space<hbm>>
      %dma_start3A_116 = tpu.memref_squeeze %dma_start3A_115 : memref<1x16xf32, #tpu.memory_space<hbm>> -> memref<16xf32, #tpu.memory_space<hbm>>
      tpu.enqueue_dma source(%arg12 : memref<16xf32, #tpu.memory_space<vmem>>) target(%dma_start3A_116 : memref<16xf32, #tpu.memory_space<hbm>>) target_semaphore(%run_scoped3A : memref<!tpu.dma_semaphore, #tpu.memory_space<semaphore_mem>>)
      %dma_wait3A_117 = arith.constant 0 : i32
      %dma_wait3A_118 = tpu.memref_slice %arg6[%add3A, %dma_wait3A_117] : memref<32x16xf32, #tpu.memory_space<hbm>> -> memref<1x16xf32, #tpu.memory_space<hbm>>
      %dma_wait3A_119 = tpu.memref_squeeze %dma_wait3A_118 : memref<1x16xf32, #tpu.memory_space<hbm>> -> memref<16xf32, #tpu.memory_space<hbm>>
      %dma_wait3A_120 = arith.constant 0 : i32
      %dma_wait3A_121 = tpu.memref_slice %arg6[%add3A, %dma_wait3A_120] : memref<32x16xf32, #tpu.memory_space<hbm>> -> memref<1x16xf32, #tpu.memory_space<hbm>>
      %dma_wait3A_122 = tpu.memref_squeeze %dma_wait3A_121 : memref<1x16xf32, #tpu.memory_space<hbm>> -> memref<16xf32, #tpu.memory_space<hbm>>
      tpu.wait_dma2 semaphore(%run_scoped3A : memref<!tpu.dma_semaphore, #tpu.memory_space<semaphore_mem>>) src(%arg12 : memref<16xf32, #tpu.memory_space<vmem>>) dst(%dma_wait3A_122 : memref<16xf32, #tpu.memory_space<hbm>>)
      tpu.yield
    }) : () -> ()
    return
  }
}

#map = affine_map<(d0, d1) -> (0)>
#map1 = affine_map<(d0, d1) -> (0, 0)>
module attributes {stable_mosaic.version = 14 : i64} {
  func.func @_sc_hist1(%arg0: i32, %arg1: i32, %arg2: memref<4194304xf32, #tpu.memory_space<hbm>>, %arg3: memref<32x4096xf32, #tpu.memory_space<hbm>>, %arg4: memref<16384xf32, #tpu.memory_space<vmem>>, %arg5: memref<16384xf32, #tpu.memory_space<vmem>>, %arg6: memref<4096xf32, #tpu.memory_space<vmem>>, %arg7: memref<!tpu.dma_semaphore, #tpu.memory_space<semaphore_mem>>, %arg8: memref<!tpu.dma_semaphore, #tpu.memory_space<semaphore_mem>>) attributes {dimension_semantics = [#tpu.dimension_semantics<core_parallel>, #tpu.dimension_semantics<subcore_parallel>], iteration_bounds = array<i64: 2, 16>, scalar_prefetch = 0 : i64, scratch_operands = 5 : i64, tpu.core_type = #tpu.core_type<sc_vector_subcore>, window_params = [{transform_indices = #map}, {transform_indices = #map1}]} {
    %mul3A = arith.constant 2 : i32
    %mul3A_0 = arith.muli %arg1, %mul3A : i32
    %add3A = arith.addi %mul3A_0, %arg0 : i32
    %iota3A = tpu.iota {dimensions = array<i32: 0>} : vector<16xi32>
    %mul3A_1 = arith.constant 256 : i32
    %mul3A_2 = vector.broadcast %mul3A_1 : i32 to vector<16xi32>
    %mul3A_3 = arith.muli %iota3A, %mul3A_2 : vector<16xi32>
    %broadcast_in_dim3A = arith.constant 1.000000e+00 : f32
    %broadcast_in_dim3A_4 = vector.broadcast %broadcast_in_dim3A : f32 to vector<16xf32>
    %scan3A = arith.constant 0 : i32
    %scan3A_5 = arith.constant 0 : i32
    %scan3A_6 = arith.constant 32 : i32
    %scan3A_7 = arith.addi %scan3A_5, %scan3A_6 : i32
    %scan3A_8 = arith.constant 1 : i32
    %scan3A_9 = scf.for %scan3A_115 = %scan3A_5 to %scan3A_7 step %scan3A_8 iter_args(%scan3A_116 = %scan3A) -> (i32)  : i32 {
      %broadcast_in_dim3A_117 = arith.constant 0.000000e+00 : f32
      %broadcast_in_dim3A_118 = vector.broadcast %broadcast_in_dim3A_117 : f32 to vector<16xf32>
      %mul3A_119 = arith.constant 8 : i32
      %mul3A_120 = arith.muli %scan3A_115, %mul3A_119 : i32
      %add3A_121 = arith.constant 0 : i32
      %add3A_122 = arith.addi %mul3A_120, %add3A_121 : i32
      %mul3A_123 = arith.constant 16 : i32
      %mul3A_124 = arith.muli %add3A_122, %mul3A_123 : i32
      %swap3A = arith.index_cast %mul3A_124 : i32 to index
      %swap3A_125 = tpu.vector_load %arg6[%swap3A] {strides = array<i32>} : memref<4096xf32, #tpu.memory_space<vmem>>, vector<16xf32>,
      tpu.vector_store %arg6[%swap3A], %broadcast_in_dim3A_118 {strides = array<i32>} : memref<4096xf32, #tpu.memory_space<vmem>>, vector<16xf32>,
      %broadcast_in_dim3A_126 = arith.constant 0.000000e+00 : f32
      %broadcast_in_dim3A_127 = vector.broadcast %broadcast_in_dim3A_126 : f32 to vector<16xf32>
      %mul3A_128 = arith.constant 8 : i32
      %mul3A_129 = arith.muli %scan3A_115, %mul3A_128 : i32
      %add3A_130 = arith.constant 1 : i32
      %add3A_131 = arith.addi %mul3A_129, %add3A_130 : i32
      %mul3A_132 = arith.constant 16 : i32
      %mul3A_133 = arith.muli %add3A_131, %mul3A_132 : i32
      %swap3A_134 = arith.index_cast %mul3A_133 : i32 to index
      %swap3A_135 = tpu.vector_load %arg6[%swap3A_134] {strides = array<i32>} : memref<4096xf32, #tpu.memory_space<vmem>>, vector<16xf32>,
      tpu.vector_store %arg6[%swap3A_134], %broadcast_in_dim3A_127 {strides = array<i32>} : memref<4096xf32, #tpu.memory_space<vmem>>, vector<16xf32>,
      %broadcast_in_dim3A_136 = arith.constant 0.000000e+00 : f32
      %broadcast_in_dim3A_137 = vector.broadcast %broadcast_in_dim3A_136 : f32 to vector<16xf32>
      %mul3A_138 = arith.constant 8 : i32
      %mul3A_139 = arith.muli %scan3A_115, %mul3A_138 : i32
      %add3A_140 = arith.constant 2 : i32
      %add3A_141 = arith.addi %mul3A_139, %add3A_140 : i32
      %mul3A_142 = arith.constant 16 : i32
      %mul3A_143 = arith.muli %add3A_141, %mul3A_142 : i32
      %swap3A_144 = arith.index_cast %mul3A_143 : i32 to index
      %swap3A_145 = tpu.vector_load %arg6[%swap3A_144] {strides = array<i32>} : memref<4096xf32, #tpu.memory_space<vmem>>, vector<16xf32>,
      tpu.vector_store %arg6[%swap3A_144], %broadcast_in_dim3A_137 {strides = array<i32>} : memref<4096xf32, #tpu.memory_space<vmem>>, vector<16xf32>,
      %broadcast_in_dim3A_146 = arith.constant 0.000000e+00 : f32
      %broadcast_in_dim3A_147 = vector.broadcast %broadcast_in_dim3A_146 : f32 to vector<16xf32>
      %mul3A_148 = arith.constant 8 : i32
      %mul3A_149 = arith.muli %scan3A_115, %mul3A_148 : i32
      %add3A_150 = arith.constant 3 : i32
      %add3A_151 = arith.addi %mul3A_149, %add3A_150 : i32
      %mul3A_152 = arith.constant 16 : i32
      %mul3A_153 = arith.muli %add3A_151, %mul3A_152 : i32
      %swap3A_154 = arith.index_cast %mul3A_153 : i32 to index
      %swap3A_155 = tpu.vector_load %arg6[%swap3A_154] {strides = array<i32>} : memref<4096xf32, #tpu.memory_space<vmem>>, vector<16xf32>,
      tpu.vector_store %arg6[%swap3A_154], %broadcast_in_dim3A_147 {strides = array<i32>} : memref<4096xf32, #tpu.memory_space<vmem>>, vector<16xf32>,
      %broadcast_in_dim3A_156 = arith.constant 0.000000e+00 : f32
      %broadcast_in_dim3A_157 = vector.broadcast %broadcast_in_dim3A_156 : f32 to vector<16xf32>
      %mul3A_158 = arith.constant 8 : i32
      %mul3A_159 = arith.muli %scan3A_115, %mul3A_158 : i32
      %add3A_160 = arith.constant 4 : i32
      %add3A_161 = arith.addi %mul3A_159, %add3A_160 : i32
      %mul3A_162 = arith.constant 16 : i32
      %mul3A_163 = arith.muli %add3A_161, %mul3A_162 : i32
      %swap3A_164 = arith.index_cast %mul3A_163 : i32 to index
      %swap3A_165 = tpu.vector_load %arg6[%swap3A_164] {strides = array<i32>} : memref<4096xf32, #tpu.memory_space<vmem>>, vector<16xf32>,
      tpu.vector_store %arg6[%swap3A_164], %broadcast_in_dim3A_157 {strides = array<i32>} : memref<4096xf32, #tpu.memory_space<vmem>>, vector<16xf32>,
      %broadcast_in_dim3A_166 = arith.constant 0.000000e+00 : f32
      %broadcast_in_dim3A_167 = vector.broadcast %broadcast_in_dim3A_166 : f32 to vector<16xf32>
      %mul3A_168 = arith.constant 8 : i32
      %mul3A_169 = arith.muli %scan3A_115, %mul3A_168 : i32
      %add3A_170 = arith.constant 5 : i32
      %add3A_171 = arith.addi %mul3A_169, %add3A_170 : i32
      %mul3A_172 = arith.constant 16 : i32
      %mul3A_173 = arith.muli %add3A_171, %mul3A_172 : i32
      %swap3A_174 = arith.index_cast %mul3A_173 : i32 to index
      %swap3A_175 = tpu.vector_load %arg6[%swap3A_174] {strides = array<i32>} : memref<4096xf32, #tpu.memory_space<vmem>>, vector<16xf32>,
      tpu.vector_store %arg6[%swap3A_174], %broadcast_in_dim3A_167 {strides = array<i32>} : memref<4096xf32, #tpu.memory_space<vmem>>, vector<16xf32>,
      %broadcast_in_dim3A_176 = arith.constant 0.000000e+00 : f32
      %broadcast_in_dim3A_177 = vector.broadcast %broadcast_in_dim3A_176 : f32 to vector<16xf32>
      %mul3A_178 = arith.constant 8 : i32
      %mul3A_179 = arith.muli %scan3A_115, %mul3A_178 : i32
      %add3A_180 = arith.constant 6 : i32
      %add3A_181 = arith.addi %mul3A_179, %add3A_180 : i32
      %mul3A_182 = arith.constant 16 : i32
      %mul3A_183 = arith.muli %add3A_181, %mul3A_182 : i32
      %swap3A_184 = arith.index_cast %mul3A_183 : i32 to index
      %swap3A_185 = tpu.vector_load %arg6[%swap3A_184] {strides = array<i32>} : memref<4096xf32, #tpu.memory_space<vmem>>, vector<16xf32>,
      tpu.vector_store %arg6[%swap3A_184], %broadcast_in_dim3A_177 {strides = array<i32>} : memref<4096xf32, #tpu.memory_space<vmem>>, vector<16xf32>,
      %broadcast_in_dim3A_186 = arith.constant 0.000000e+00 : f32
      %broadcast_in_dim3A_187 = vector.broadcast %broadcast_in_dim3A_186 : f32 to vector<16xf32>
      %mul3A_188 = arith.constant 8 : i32
      %mul3A_189 = arith.muli %scan3A_115, %mul3A_188 : i32
      %add3A_190 = arith.constant 7 : i32
      %add3A_191 = arith.addi %mul3A_189, %add3A_190 : i32
      %mul3A_192 = arith.constant 16 : i32
      %mul3A_193 = arith.muli %add3A_191, %mul3A_192 : i32
      %swap3A_194 = arith.index_cast %mul3A_193 : i32 to index
      %swap3A_195 = tpu.vector_load %arg6[%swap3A_194] {strides = array<i32>} : memref<4096xf32, #tpu.memory_space<vmem>>, vector<16xf32>,
      tpu.vector_store %arg6[%swap3A_194], %broadcast_in_dim3A_187 {strides = array<i32>} : memref<4096xf32, #tpu.memory_space<vmem>>, vector<16xf32>,
      %scan3A_196 = arith.constant 0 : i32
      scf.yield %scan3A_196 : i32
    }
    %scan3A_10 = arith.constant 32 : i32
    %mul3A_11 = arith.constant 131072 : i32
    %mul3A_12 = arith.muli %add3A, %mul3A_11 : i32
    %add3A_13 = arith.constant 0 : i32
    %add3A_14 = arith.addi %mul3A_12, %add3A_13 : i32
    %dma_start3A = tpu.memref_slice %arg2[%add3A_14] : memref<4194304xf32, #tpu.memory_space<hbm>> -> memref<16384xf32, #tpu.memory_space<hbm>>
    %dma_start3A_15 = tpu.memref_slice %arg2[%add3A_14] : memref<4194304xf32, #tpu.memory_space<hbm>> -> memref<16384xf32, #tpu.memory_space<hbm>>
    tpu.enqueue_dma source(%dma_start3A_15 : memref<16384xf32, #tpu.memory_space<hbm>>) target(%arg4 : memref<16384xf32, #tpu.memory_space<vmem>>) target_semaphore(%arg7 : memref<!tpu.dma_semaphore, #tpu.memory_space<semaphore_mem>>)
    %add3A_16 = arith.constant 16384 : i32
    %add3A_17 = arith.addi %mul3A_12, %add3A_16 : i32
    %dma_start3A_18 = tpu.memref_slice %arg2[%add3A_17] : memref<4194304xf32, #tpu.memory_space<hbm>> -> memref<16384xf32, #tpu.memory_space<hbm>>
    %dma_start3A_19 = tpu.memref_slice %arg2[%add3A_17] : memref<4194304xf32, #tpu.memory_space<hbm>> -> memref<16384xf32, #tpu.memory_space<hbm>>
    tpu.enqueue_dma source(%dma_start3A_19 : memref<16384xf32, #tpu.memory_space<hbm>>) target(%arg5 : memref<16384xf32, #tpu.memory_space<vmem>>) target_semaphore(%arg8 : memref<!tpu.dma_semaphore, #tpu.memory_space<semaphore_mem>>)
    %dma_wait3A = tpu.memref_slice %arg2[%add3A_14] : memref<4194304xf32, #tpu.memory_space<hbm>> -> memref<16384xf32, #tpu.memory_space<hbm>>
    %dma_wait3A_20 = tpu.memref_slice %arg2[%add3A_14] : memref<4194304xf32, #tpu.memory_space<hbm>> -> memref<16384xf32, #tpu.memory_space<hbm>>
    tpu.wait_dma2 semaphore(%arg7 : memref<!tpu.dma_semaphore, #tpu.memory_space<semaphore_mem>>) src(%dma_wait3A_20 : memref<16384xf32, #tpu.memory_space<hbm>>) dst(%arg4 : memref<16384xf32, #tpu.memory_space<vmem>>)
    %scan3A_21 = arith.constant 0 : i32
    %scan3A_22 = arith.constant 0 : i32
    %scan3A_23 = arith.constant 128 : i32
    %scan3A_24 = arith.addi %scan3A_22, %scan3A_23 : i32
    %scan3A_25 = arith.constant 1 : i32
    %scan3A_26 = scf.for %scan3A_115 = %scan3A_22 to %scan3A_24 step %scan3A_25 iter_args(%scan3A_116 = %scan3A_21) -> (i32)  : i32 {
      %mul3A_117 = arith.constant 8 : i32
      %mul3A_118 = arith.muli %scan3A_115, %mul3A_117 : i32
      %add3A_119 = arith.constant 0 : i32
      %add3A_120 = arith.addi %mul3A_118, %add3A_119 : i32
      %mul3A_121 = arith.constant 16 : i32
      %mul3A_122 = arith.muli %add3A_120, %mul3A_121 : i32
      %get3A = arith.index_cast %mul3A_122 : i32 to index
      %get3A_123 = tpu.vector_load %arg4[%get3A] {strides = array<i32>} : memref<16384xf32, #tpu.memory_space<vmem>>, vector<16xf32>,
      %bitcast3A = vector.bitcast %get3A_123 : vector<16xf32> to vector<16xi32>
      %shift_right_logical3A = arith.constant 24 : i32
      %shift_right_logical3A_124 = vector.broadcast %shift_right_logical3A : i32 to vector<16xi32>
      %shift_right_logical3A_125 = arith.shrui %bitcast3A, %shift_right_logical3A_124 : vector<16xi32>
      %add3A_126 = arith.addi %mul3A_3, %shift_right_logical3A_125 : vector<16xi32>
      tpu.vector_store_idx %arg6[%add3A_126], %broadcast_in_dim3A_4 {add = true} : memref<4096xf32, #tpu.memory_space<vmem>>[vector<16xi32>], vector<16xf32>,
      %mul3A_127 = arith.constant 8 : i32
      %mul3A_128 = arith.muli %scan3A_115, %mul3A_127 : i32
      %add3A_129 = arith.constant 1 : i32
      %add3A_130 = arith.addi %mul3A_128, %add3A_129 : i32
      %mul3A_131 = arith.constant 16 : i32
      %mul3A_132 = arith.muli %add3A_130, %mul3A_131 : i32
      %get3A_133 = arith.index_cast %mul3A_132 : i32 to index
      %get3A_134 = tpu.vector_load %arg4[%get3A_133] {strides = array<i32>} : memref<16384xf32, #tpu.memory_space<vmem>>, vector<16xf32>,
      %bitcast3A_135 = vector.bitcast %get3A_134 : vector<16xf32> to vector<16xi32>
      %shift_right_logical3A_136 = arith.constant 24 : i32
      %shift_right_logical3A_137 = vector.broadcast %shift_right_logical3A_136 : i32 to vector<16xi32>
      %shift_right_logical3A_138 = arith.shrui %bitcast3A_135, %shift_right_logical3A_137 : vector<16xi32>
      %add3A_139 = arith.addi %mul3A_3, %shift_right_logical3A_138 : vector<16xi32>
      tpu.vector_store_idx %arg6[%add3A_139], %broadcast_in_dim3A_4 {add = true} : memref<4096xf32, #tpu.memory_space<vmem>>[vector<16xi32>], vector<16xf32>,
      %mul3A_140 = arith.constant 8 : i32
      %mul3A_141 = arith.muli %scan3A_115, %mul3A_140 : i32
      %add3A_142 = arith.constant 2 : i32
      %add3A_143 = arith.addi %mul3A_141, %add3A_142 : i32
      %mul3A_144 = arith.constant 16 : i32
      %mul3A_145 = arith.muli %add3A_143, %mul3A_144 : i32
      %get3A_146 = arith.index_cast %mul3A_145 : i32 to index
      %get3A_147 = tpu.vector_load %arg4[%get3A_146] {strides = array<i32>} : memref<16384xf32, #tpu.memory_space<vmem>>, vector<16xf32>,
      %bitcast3A_148 = vector.bitcast %get3A_147 : vector<16xf32> to vector<16xi32>
      %shift_right_logical3A_149 = arith.constant 24 : i32
      %shift_right_logical3A_150 = vector.broadcast %shift_right_logical3A_149 : i32 to vector<16xi32>
      %shift_right_logical3A_151 = arith.shrui %bitcast3A_148, %shift_right_logical3A_150 : vector<16xi32>
      %add3A_152 = arith.addi %mul3A_3, %shift_right_logical3A_151 : vector<16xi32>
      tpu.vector_store_idx %arg6[%add3A_152], %broadcast_in_dim3A_4 {add = true} : memref<4096xf32, #tpu.memory_space<vmem>>[vector<16xi32>], vector<16xf32>,
      %mul3A_153 = arith.constant 8 : i32
      %mul3A_154 = arith.muli %scan3A_115, %mul3A_153 : i32
      %add3A_155 = arith.constant 3 : i32
      %add3A_156 = arith.addi %mul3A_154, %add3A_155 : i32
      %mul3A_157 = arith.constant 16 : i32
      %mul3A_158 = arith.muli %add3A_156, %mul3A_157 : i32
      %get3A_159 = arith.index_cast %mul3A_158 : i32 to index
      %get3A_160 = tpu.vector_load %arg4[%get3A_159] {strides = array<i32>} : memref<16384xf32, #tpu.memory_space<vmem>>, vector<16xf32>,
      %bitcast3A_161 = vector.bitcast %get3A_160 : vector<16xf32> to vector<16xi32>
      %shift_right_logical3A_162 = arith.constant 24 : i32
      %shift_right_logical3A_163 = vector.broadcast %shift_right_logical3A_162 : i32 to vector<16xi32>
      %shift_right_logical3A_164 = arith.shrui %bitcast3A_161, %shift_right_logical3A_163 : vector<16xi32>
      %add3A_165 = arith.addi %mul3A_3, %shift_right_logical3A_164 : vector<16xi32>
      tpu.vector_store_idx %arg6[%add3A_165], %broadcast_in_dim3A_4 {add = true} : memref<4096xf32, #tpu.memory_space<vmem>>[vector<16xi32>], vector<16xf32>,
      %mul3A_166 = arith.constant 8 : i32
      %mul3A_167 = arith.muli %scan3A_115, %mul3A_166 : i32
      %add3A_168 = arith.constant 4 : i32
      %add3A_169 = arith.addi %mul3A_167, %add3A_168 : i32
      %mul3A_170 = arith.constant 16 : i32
      %mul3A_171 = arith.muli %add3A_169, %mul3A_170 : i32
      %get3A_172 = arith.index_cast %mul3A_171 : i32 to index
      %get3A_173 = tpu.vector_load %arg4[%get3A_172] {strides = array<i32>} : memref<16384xf32, #tpu.memory_space<vmem>>, vector<16xf32>,
      %bitcast3A_174 = vector.bitcast %get3A_173 : vector<16xf32> to vector<16xi32>
      %shift_right_logical3A_175 = arith.constant 24 : i32
      %shift_right_logical3A_176 = vector.broadcast %shift_right_logical3A_175 : i32 to vector<16xi32>
      %shift_right_logical3A_177 = arith.shrui %bitcast3A_174, %shift_right_logical3A_176 : vector<16xi32>
      %add3A_178 = arith.addi %mul3A_3, %shift_right_logical3A_177 : vector<16xi32>
      tpu.vector_store_idx %arg6[%add3A_178], %broadcast_in_dim3A_4 {add = true} : memref<4096xf32, #tpu.memory_space<vmem>>[vector<16xi32>], vector<16xf32>,
      %mul3A_179 = arith.constant 8 : i32
      %mul3A_180 = arith.muli %scan3A_115, %mul3A_179 : i32
      %add3A_181 = arith.constant 5 : i32
      %add3A_182 = arith.addi %mul3A_180, %add3A_181 : i32
      %mul3A_183 = arith.constant 16 : i32
      %mul3A_184 = arith.muli %add3A_182, %mul3A_183 : i32
      %get3A_185 = arith.index_cast %mul3A_184 : i32 to index
      %get3A_186 = tpu.vector_load %arg4[%get3A_185] {strides = array<i32>} : memref<16384xf32, #tpu.memory_space<vmem>>, vector<16xf32>,
      %bitcast3A_187 = vector.bitcast %get3A_186 : vector<16xf32> to vector<16xi32>
      %shift_right_logical3A_188 = arith.constant 24 : i32
      %shift_right_logical3A_189 = vector.broadcast %shift_right_logical3A_188 : i32 to vector<16xi32>
      %shift_right_logical3A_190 = arith.shrui %bitcast3A_187, %shift_right_logical3A_189 : vector<16xi32>
      %add3A_191 = arith.addi %mul3A_3, %shift_right_logical3A_190 : vector<16xi32>
      tpu.vector_store_idx %arg6[%add3A_191], %broadcast_in_dim3A_4 {add = true} : memref<4096xf32, #tpu.memory_space<vmem>>[vector<16xi32>], vector<16xf32>,
      %mul3A_192 = arith.constant 8 : i32
      %mul3A_193 = arith.muli %scan3A_115, %mul3A_192 : i32
      %add3A_194 = arith.constant 6 : i32
      %add3A_195 = arith.addi %mul3A_193, %add3A_194 : i32
      %mul3A_196 = arith.constant 16 : i32
      %mul3A_197 = arith.muli %add3A_195, %mul3A_196 : i32
      %get3A_198 = arith.index_cast %mul3A_197 : i32 to index
      %get3A_199 = tpu.vector_load %arg4[%get3A_198] {strides = array<i32>} : memref<16384xf32, #tpu.memory_space<vmem>>, vector<16xf32>,
      %bitcast3A_200 = vector.bitcast %get3A_199 : vector<16xf32> to vector<16xi32>
      %shift_right_logical3A_201 = arith.constant 24 : i32
      %shift_right_logical3A_202 = vector.broadcast %shift_right_logical3A_201 : i32 to vector<16xi32>
      %shift_right_logical3A_203 = arith.shrui %bitcast3A_200, %shift_right_logical3A_202 : vector<16xi32>
      %add3A_204 = arith.addi %mul3A_3, %shift_right_logical3A_203 : vector<16xi32>
      tpu.vector_store_idx %arg6[%add3A_204], %broadcast_in_dim3A_4 {add = true} : memref<4096xf32, #tpu.memory_space<vmem>>[vector<16xi32>], vector<16xf32>,
      %mul3A_205 = arith.constant 8 : i32
      %mul3A_206 = arith.muli %scan3A_115, %mul3A_205 : i32
      %add3A_207 = arith.constant 7 : i32
      %add3A_208 = arith.addi %mul3A_206, %add3A_207 : i32
      %mul3A_209 = arith.constant 16 : i32
      %mul3A_210 = arith.muli %add3A_208, %mul3A_209 : i32
      %get3A_211 = arith.index_cast %mul3A_210 : i32 to index
      %get3A_212 = tpu.vector_load %arg4[%get3A_211] {strides = array<i32>} : memref<16384xf32, #tpu.memory_space<vmem>>, vector<16xf32>,
      %bitcast3A_213 = vector.bitcast %get3A_212 : vector<16xf32> to vector<16xi32>
      %shift_right_logical3A_214 = arith.constant 24 : i32
      %shift_right_logical3A_215 = vector.broadcast %shift_right_logical3A_214 : i32 to vector<16xi32>
      %shift_right_logical3A_216 = arith.shrui %bitcast3A_213, %shift_right_logical3A_215 : vector<16xi32>
      %add3A_217 = arith.addi %mul3A_3, %shift_right_logical3A_216 : vector<16xi32>
      tpu.vector_store_idx %arg6[%add3A_217], %broadcast_in_dim3A_4 {add = true} : memref<4096xf32, #tpu.memory_space<vmem>>[vector<16xi32>], vector<16xf32>,
      %scan3A_218 = arith.constant 0 : i32
      scf.yield %scan3A_218 : i32
    }
    %scan3A_27 = arith.constant 128 : i32
    %add3A_28 = arith.constant 32768 : i32
    %add3A_29 = arith.addi %mul3A_12, %add3A_28 : i32
    %dma_start3A_30 = tpu.memref_slice %arg2[%add3A_29] : memref<4194304xf32, #tpu.memory_space<hbm>> -> memref<16384xf32, #tpu.memory_space<hbm>>
    %dma_start3A_31 = tpu.memref_slice %arg2[%add3A_29] : memref<4194304xf32, #tpu.memory_space<hbm>> -> memref<16384xf32, #tpu.memory_space<hbm>>
    tpu.enqueue_dma source(%dma_start3A_31 : memref<16384xf32, #tpu.memory_space<hbm>>) target(%arg4 : memref<16384xf32, #tpu.memory_space<vmem>>) target_semaphore(%arg7 : memref<!tpu.dma_semaphore, #tpu.memory_space<semaphore_mem>>)
    %dma_wait3A_32 = tpu.memref_slice %arg2[%add3A_17] : memref<4194304xf32, #tpu.memory_space<hbm>> -> memref<16384xf32, #tpu.memory_space<hbm>>
    %dma_wait3A_33 = tpu.memref_slice %arg2[%add3A_17] : memref<4194304xf32, #tpu.memory_space<hbm>> -> memref<16384xf32, #tpu.memory_space<hbm>>
    tpu.wait_dma2 semaphore(%arg8 : memref<!tpu.dma_semaphore, #tpu.memory_space<semaphore_mem>>) src(%dma_wait3A_33 : memref<16384xf32, #tpu.memory_space<hbm>>) dst(%arg5 : memref<16384xf32, #tpu.memory_space<vmem>>)
    %scan3A_34 = arith.constant 0 : i32
    %scan3A_35 = arith.constant 0 : i32
    %scan3A_36 = arith.constant 128 : i32
    %scan3A_37 = arith.addi %scan3A_35, %scan3A_36 : i32
    %scan3A_38 = arith.constant 1 : i32
    %scan3A_39 = scf.for %scan3A_115 = %scan3A_35 to %scan3A_37 step %scan3A_38 iter_args(%scan3A_116 = %scan3A_34) -> (i32)  : i32 {
      %mul3A_117 = arith.constant 8 : i32
      %mul3A_118 = arith.muli %scan3A_115, %mul3A_117 : i32
      %add3A_119 = arith.constant 0 : i32
      %add3A_120 = arith.addi %mul3A_118, %add3A_119 : i32
      %mul3A_121 = arith.constant 16 : i32
      %mul3A_122 = arith.muli %add3A_120, %mul3A_121 : i32
      %get3A = arith.index_cast %mul3A_122 : i32 to index
      %get3A_123 = tpu.vector_load %arg5[%get3A] {strides = array<i32>} : memref<16384xf32, #tpu.memory_space<vmem>>, vector<16xf32>,
      %bitcast3A = vector.bitcast %get3A_123 : vector<16xf32> to vector<16xi32>
      %shift_right_logical3A = arith.constant 24 : i32
      %shift_right_logical3A_124 = vector.broadcast %shift_right_logical3A : i32 to vector<16xi32>
      %shift_right_logical3A_125 = arith.shrui %bitcast3A, %shift_right_logical3A_124 : vector<16xi32>
      %add3A_126 = arith.addi %mul3A_3, %shift_right_logical3A_125 : vector<16xi32>
      tpu.vector_store_idx %arg6[%add3A_126], %broadcast_in_dim3A_4 {add = true} : memref<4096xf32, #tpu.memory_space<vmem>>[vector<16xi32>], vector<16xf32>,
      %mul3A_127 = arith.constant 8 : i32
      %mul3A_128 = arith.muli %scan3A_115, %mul3A_127 : i32
      %add3A_129 = arith.constant 1 : i32
      %add3A_130 = arith.addi %mul3A_128, %add3A_129 : i32
      %mul3A_131 = arith.constant 16 : i32
      %mul3A_132 = arith.muli %add3A_130, %mul3A_131 : i32
      %get3A_133 = arith.index_cast %mul3A_132 : i32 to index
      %get3A_134 = tpu.vector_load %arg5[%get3A_133] {strides = array<i32>} : memref<16384xf32, #tpu.memory_space<vmem>>, vector<16xf32>,
      %bitcast3A_135 = vector.bitcast %get3A_134 : vector<16xf32> to vector<16xi32>
      %shift_right_logical3A_136 = arith.constant 24 : i32
      %shift_right_logical3A_137 = vector.broadcast %shift_right_logical3A_136 : i32 to vector<16xi32>
      %shift_right_logical3A_138 = arith.shrui %bitcast3A_135, %shift_right_logical3A_137 : vector<16xi32>
      %add3A_139 = arith.addi %mul3A_3, %shift_right_logical3A_138 : vector<16xi32>
      tpu.vector_store_idx %arg6[%add3A_139], %broadcast_in_dim3A_4 {add = true} : memref<4096xf32, #tpu.memory_space<vmem>>[vector<16xi32>], vector<16xf32>,
      %mul3A_140 = arith.constant 8 : i32
      %mul3A_141 = arith.muli %scan3A_115, %mul3A_140 : i32
      %add3A_142 = arith.constant 2 : i32
      %add3A_143 = arith.addi %mul3A_141, %add3A_142 : i32
      %mul3A_144 = arith.constant 16 : i32
      %mul3A_145 = arith.muli %add3A_143, %mul3A_144 : i32
      %get3A_146 = arith.index_cast %mul3A_145 : i32 to index
      %get3A_147 = tpu.vector_load %arg5[%get3A_146] {strides = array<i32>} : memref<16384xf32, #tpu.memory_space<vmem>>, vector<16xf32>,
      %bitcast3A_148 = vector.bitcast %get3A_147 : vector<16xf32> to vector<16xi32>
      %shift_right_logical3A_149 = arith.constant 24 : i32
      %shift_right_logical3A_150 = vector.broadcast %shift_right_logical3A_149 : i32 to vector<16xi32>
      %shift_right_logical3A_151 = arith.shrui %bitcast3A_148, %shift_right_logical3A_150 : vector<16xi32>
      %add3A_152 = arith.addi %mul3A_3, %shift_right_logical3A_151 : vector<16xi32>
      tpu.vector_store_idx %arg6[%add3A_152], %broadcast_in_dim3A_4 {add = true} : memref<4096xf32, #tpu.memory_space<vmem>>[vector<16xi32>], vector<16xf32>,
      %mul3A_153 = arith.constant 8 : i32
      %mul3A_154 = arith.muli %scan3A_115, %mul3A_153 : i32
      %add3A_155 = arith.constant 3 : i32
      %add3A_156 = arith.addi %mul3A_154, %add3A_155 : i32
      %mul3A_157 = arith.constant 16 : i32
      %mul3A_158 = arith.muli %add3A_156, %mul3A_157 : i32
      %get3A_159 = arith.index_cast %mul3A_158 : i32 to index
      %get3A_160 = tpu.vector_load %arg5[%get3A_159] {strides = array<i32>} : memref<16384xf32, #tpu.memory_space<vmem>>, vector<16xf32>,
      %bitcast3A_161 = vector.bitcast %get3A_160 : vector<16xf32> to vector<16xi32>
      %shift_right_logical3A_162 = arith.constant 24 : i32
      %shift_right_logical3A_163 = vector.broadcast %shift_right_logical3A_162 : i32 to vector<16xi32>
      %shift_right_logical3A_164 = arith.shrui %bitcast3A_161, %shift_right_logical3A_163 : vector<16xi32>
      %add3A_165 = arith.addi %mul3A_3, %shift_right_logical3A_164 : vector<16xi32>
      tpu.vector_store_idx %arg6[%add3A_165], %broadcast_in_dim3A_4 {add = true} : memref<4096xf32, #tpu.memory_space<vmem>>[vector<16xi32>], vector<16xf32>,
      %mul3A_166 = arith.constant 8 : i32
      %mul3A_167 = arith.muli %scan3A_115, %mul3A_166 : i32
      %add3A_168 = arith.constant 4 : i32
      %add3A_169 = arith.addi %mul3A_167, %add3A_168 : i32
      %mul3A_170 = arith.constant 16 : i32
      %mul3A_171 = arith.muli %add3A_169, %mul3A_170 : i32
      %get3A_172 = arith.index_cast %mul3A_171 : i32 to index
      %get3A_173 = tpu.vector_load %arg5[%get3A_172] {strides = array<i32>} : memref<16384xf32, #tpu.memory_space<vmem>>, vector<16xf32>,
      %bitcast3A_174 = vector.bitcast %get3A_173 : vector<16xf32> to vector<16xi32>
      %shift_right_logical3A_175 = arith.constant 24 : i32
      %shift_right_logical3A_176 = vector.broadcast %shift_right_logical3A_175 : i32 to vector<16xi32>
      %shift_right_logical3A_177 = arith.shrui %bitcast3A_174, %shift_right_logical3A_176 : vector<16xi32>
      %add3A_178 = arith.addi %mul3A_3, %shift_right_logical3A_177 : vector<16xi32>
      tpu.vector_store_idx %arg6[%add3A_178], %broadcast_in_dim3A_4 {add = true} : memref<4096xf32, #tpu.memory_space<vmem>>[vector<16xi32>], vector<16xf32>,
      %mul3A_179 = arith.constant 8 : i32
      %mul3A_180 = arith.muli %scan3A_115, %mul3A_179 : i32
      %add3A_181 = arith.constant 5 : i32
      %add3A_182 = arith.addi %mul3A_180, %add3A_181 : i32
      %mul3A_183 = arith.constant 16 : i32
      %mul3A_184 = arith.muli %add3A_182, %mul3A_183 : i32
      %get3A_185 = arith.index_cast %mul3A_184 : i32 to index
      %get3A_186 = tpu.vector_load %arg5[%get3A_185] {strides = array<i32>} : memref<16384xf32, #tpu.memory_space<vmem>>, vector<16xf32>,
      %bitcast3A_187 = vector.bitcast %get3A_186 : vector<16xf32> to vector<16xi32>
      %shift_right_logical3A_188 = arith.constant 24 : i32
      %shift_right_logical3A_189 = vector.broadcast %shift_right_logical3A_188 : i32 to vector<16xi32>
      %shift_right_logical3A_190 = arith.shrui %bitcast3A_187, %shift_right_logical3A_189 : vector<16xi32>
      %add3A_191 = arith.addi %mul3A_3, %shift_right_logical3A_190 : vector<16xi32>
      tpu.vector_store_idx %arg6[%add3A_191], %broadcast_in_dim3A_4 {add = true} : memref<4096xf32, #tpu.memory_space<vmem>>[vector<16xi32>], vector<16xf32>,
      %mul3A_192 = arith.constant 8 : i32
      %mul3A_193 = arith.muli %scan3A_115, %mul3A_192 : i32
      %add3A_194 = arith.constant 6 : i32
      %add3A_195 = arith.addi %mul3A_193, %add3A_194 : i32
      %mul3A_196 = arith.constant 16 : i32
      %mul3A_197 = arith.muli %add3A_195, %mul3A_196 : i32
      %get3A_198 = arith.index_cast %mul3A_197 : i32 to index
      %get3A_199 = tpu.vector_load %arg5[%get3A_198] {strides = array<i32>} : memref<16384xf32, #tpu.memory_space<vmem>>, vector<16xf32>,
      %bitcast3A_200 = vector.bitcast %get3A_199 : vector<16xf32> to vector<16xi32>
      %shift_right_logical3A_201 = arith.constant 24 : i32
      %shift_right_logical3A_202 = vector.broadcast %shift_right_logical3A_201 : i32 to vector<16xi32>
      %shift_right_logical3A_203 = arith.shrui %bitcast3A_200, %shift_right_logical3A_202 : vector<16xi32>
      %add3A_204 = arith.addi %mul3A_3, %shift_right_logical3A_203 : vector<16xi32>
      tpu.vector_store_idx %arg6[%add3A_204], %broadcast_in_dim3A_4 {add = true} : memref<4096xf32, #tpu.memory_space<vmem>>[vector<16xi32>], vector<16xf32>,
      %mul3A_205 = arith.constant 8 : i32
      %mul3A_206 = arith.muli %scan3A_115, %mul3A_205 : i32
      %add3A_207 = arith.constant 7 : i32
      %add3A_208 = arith.addi %mul3A_206, %add3A_207 : i32
      %mul3A_209 = arith.constant 16 : i32
      %mul3A_210 = arith.muli %add3A_208, %mul3A_209 : i32
      %get3A_211 = arith.index_cast %mul3A_210 : i32 to index
      %get3A_212 = tpu.vector_load %arg5[%get3A_211] {strides = array<i32>} : memref<16384xf32, #tpu.memory_space<vmem>>, vector<16xf32>,
      %bitcast3A_213 = vector.bitcast %get3A_212 : vector<16xf32> to vector<16xi32>
      %shift_right_logical3A_214 = arith.constant 24 : i32
      %shift_right_logical3A_215 = vector.broadcast %shift_right_logical3A_214 : i32 to vector<16xi32>
      %shift_right_logical3A_216 = arith.shrui %bitcast3A_213, %shift_right_logical3A_215 : vector<16xi32>
      %add3A_217 = arith.addi %mul3A_3, %shift_right_logical3A_216 : vector<16xi32>
      tpu.vector_store_idx %arg6[%add3A_217], %broadcast_in_dim3A_4 {add = true} : memref<4096xf32, #tpu.memory_space<vmem>>[vector<16xi32>], vector<16xf32>,
      %scan3A_218 = arith.constant 0 : i32
      scf.yield %scan3A_218 : i32
    }
    %scan3A_40 = arith.constant 128 : i32
    %add3A_41 = arith.constant 49152 : i32
    %add3A_42 = arith.addi %mul3A_12, %add3A_41 : i32
    %dma_start3A_43 = tpu.memref_slice %arg2[%add3A_42] : memref<4194304xf32, #tpu.memory_space<hbm>> -> memref<16384xf32, #tpu.memory_space<hbm>>
    %dma_start3A_44 = tpu.memref_slice %arg2[%add3A_42] : memref<4194304xf32, #tpu.memory_space<hbm>> -> memref<16384xf32, #tpu.memory_space<hbm>>
    tpu.enqueue_dma source(%dma_start3A_44 : memref<16384xf32, #tpu.memory_space<hbm>>) target(%arg5 : memref<16384xf32, #tpu.memory_space<vmem>>) target_semaphore(%arg8 : memref<!tpu.dma_semaphore, #tpu.memory_space<semaphore_mem>>)
    %dma_wait3A_45 = tpu.memref_slice %arg2[%add3A_29] : memref<4194304xf32, #tpu.memory_space<hbm>> -> memref<16384xf32, #tpu.memory_space<hbm>>
    %dma_wait3A_46 = tpu.memref_slice %arg2[%add3A_29] : memref<4194304xf32, #tpu.memory_space<hbm>> -> memref<16384xf32, #tpu.memory_space<hbm>>
    tpu.wait_dma2 semaphore(%arg7 : memref<!tpu.dma_semaphore, #tpu.memory_space<semaphore_mem>>) src(%dma_wait3A_46 : memref<16384xf32, #tpu.memory_space<hbm>>) dst(%arg4 : memref<16384xf32, #tpu.memory_space<vmem>>)
    %scan3A_47 = arith.constant 0 : i32
    %scan3A_48 = arith.constant 0 : i32
    %scan3A_49 = arith.constant 128 : i32
    %scan3A_50 = arith.addi %scan3A_48, %scan3A_49 : i32
    %scan3A_51 = arith.constant 1 : i32
    %scan3A_52 = scf.for %scan3A_115 = %scan3A_48 to %scan3A_50 step %scan3A_51 iter_args(%scan3A_116 = %scan3A_47) -> (i32)  : i32 {
      %mul3A_117 = arith.constant 8 : i32
      %mul3A_118 = arith.muli %scan3A_115, %mul3A_117 : i32
      %add3A_119 = arith.constant 0 : i32
      %add3A_120 = arith.addi %mul3A_118, %add3A_119 : i32
      %mul3A_121 = arith.constant 16 : i32
      %mul3A_122 = arith.muli %add3A_120, %mul3A_121 : i32
      %get3A = arith.index_cast %mul3A_122 : i32 to index
      %get3A_123 = tpu.vector_load %arg4[%get3A] {strides = array<i32>} : memref<16384xf32, #tpu.memory_space<vmem>>, vector<16xf32>,
      %bitcast3A = vector.bitcast %get3A_123 : vector<16xf32> to vector<16xi32>
      %shift_right_logical3A = arith.constant 24 : i32
      %shift_right_logical3A_124 = vector.broadcast %shift_right_logical3A : i32 to vector<16xi32>
      %shift_right_logical3A_125 = arith.shrui %bitcast3A, %shift_right_logical3A_124 : vector<16xi32>
      %add3A_126 = arith.addi %mul3A_3, %shift_right_logical3A_125 : vector<16xi32>
      tpu.vector_store_idx %arg6[%add3A_126], %broadcast_in_dim3A_4 {add = true} : memref<4096xf32, #tpu.memory_space<vmem>>[vector<16xi32>], vector<16xf32>,
      %mul3A_127 = arith.constant 8 : i32
      %mul3A_128 = arith.muli %scan3A_115, %mul3A_127 : i32
      %add3A_129 = arith.constant 1 : i32
      %add3A_130 = arith.addi %mul3A_128, %add3A_129 : i32
      %mul3A_131 = arith.constant 16 : i32
      %mul3A_132 = arith.muli %add3A_130, %mul3A_131 : i32
      %get3A_133 = arith.index_cast %mul3A_132 : i32 to index
      %get3A_134 = tpu.vector_load %arg4[%get3A_133] {strides = array<i32>} : memref<16384xf32, #tpu.memory_space<vmem>>, vector<16xf32>,
      %bitcast3A_135 = vector.bitcast %get3A_134 : vector<16xf32> to vector<16xi32>
      %shift_right_logical3A_136 = arith.constant 24 : i32
      %shift_right_logical3A_137 = vector.broadcast %shift_right_logical3A_136 : i32 to vector<16xi32>
      %shift_right_logical3A_138 = arith.shrui %bitcast3A_135, %shift_right_logical3A_137 : vector<16xi32>
      %add3A_139 = arith.addi %mul3A_3, %shift_right_logical3A_138 : vector<16xi32>
      tpu.vector_store_idx %arg6[%add3A_139], %broadcast_in_dim3A_4 {add = true} : memref<4096xf32, #tpu.memory_space<vmem>>[vector<16xi32>], vector<16xf32>,
      %mul3A_140 = arith.constant 8 : i32
      %mul3A_141 = arith.muli %scan3A_115, %mul3A_140 : i32
      %add3A_142 = arith.constant 2 : i32
      %add3A_143 = arith.addi %mul3A_141, %add3A_142 : i32
      %mul3A_144 = arith.constant 16 : i32
      %mul3A_145 = arith.muli %add3A_143, %mul3A_144 : i32
      %get3A_146 = arith.index_cast %mul3A_145 : i32 to index
      %get3A_147 = tpu.vector_load %arg4[%get3A_146] {strides = array<i32>} : memref<16384xf32, #tpu.memory_space<vmem>>, vector<16xf32>,
      %bitcast3A_148 = vector.bitcast %get3A_147 : vector<16xf32> to vector<16xi32>
      %shift_right_logical3A_149 = arith.constant 24 : i32
      %shift_right_logical3A_150 = vector.broadcast %shift_right_logical3A_149 : i32 to vector<16xi32>
      %shift_right_logical3A_151 = arith.shrui %bitcast3A_148, %shift_right_logical3A_150 : vector<16xi32>
      %add3A_152 = arith.addi %mul3A_3, %shift_right_logical3A_151 : vector<16xi32>
      tpu.vector_store_idx %arg6[%add3A_152], %broadcast_in_dim3A_4 {add = true} : memref<4096xf32, #tpu.memory_space<vmem>>[vector<16xi32>], vector<16xf32>,
      %mul3A_153 = arith.constant 8 : i32
      %mul3A_154 = arith.muli %scan3A_115, %mul3A_153 : i32
      %add3A_155 = arith.constant 3 : i32
      %add3A_156 = arith.addi %mul3A_154, %add3A_155 : i32
      %mul3A_157 = arith.constant 16 : i32
      %mul3A_158 = arith.muli %add3A_156, %mul3A_157 : i32
      %get3A_159 = arith.index_cast %mul3A_158 : i32 to index
      %get3A_160 = tpu.vector_load %arg4[%get3A_159] {strides = array<i32>} : memref<16384xf32, #tpu.memory_space<vmem>>, vector<16xf32>,
      %bitcast3A_161 = vector.bitcast %get3A_160 : vector<16xf32> to vector<16xi32>
      %shift_right_logical3A_162 = arith.constant 24 : i32
      %shift_right_logical3A_163 = vector.broadcast %shift_right_logical3A_162 : i32 to vector<16xi32>
      %shift_right_logical3A_164 = arith.shrui %bitcast3A_161, %shift_right_logical3A_163 : vector<16xi32>
      %add3A_165 = arith.addi %mul3A_3, %shift_right_logical3A_164 : vector<16xi32>
      tpu.vector_store_idx %arg6[%add3A_165], %broadcast_in_dim3A_4 {add = true} : memref<4096xf32, #tpu.memory_space<vmem>>[vector<16xi32>], vector<16xf32>,
      %mul3A_166 = arith.constant 8 : i32
      %mul3A_167 = arith.muli %scan3A_115, %mul3A_166 : i32
      %add3A_168 = arith.constant 4 : i32
      %add3A_169 = arith.addi %mul3A_167, %add3A_168 : i32
      %mul3A_170 = arith.constant 16 : i32
      %mul3A_171 = arith.muli %add3A_169, %mul3A_170 : i32
      %get3A_172 = arith.index_cast %mul3A_171 : i32 to index
      %get3A_173 = tpu.vector_load %arg4[%get3A_172] {strides = array<i32>} : memref<16384xf32, #tpu.memory_space<vmem>>, vector<16xf32>,
      %bitcast3A_174 = vector.bitcast %get3A_173 : vector<16xf32> to vector<16xi32>
      %shift_right_logical3A_175 = arith.constant 24 : i32
      %shift_right_logical3A_176 = vector.broadcast %shift_right_logical3A_175 : i32 to vector<16xi32>
      %shift_right_logical3A_177 = arith.shrui %bitcast3A_174, %shift_right_logical3A_176 : vector<16xi32>
      %add3A_178 = arith.addi %mul3A_3, %shift_right_logical3A_177 : vector<16xi32>
      tpu.vector_store_idx %arg6[%add3A_178], %broadcast_in_dim3A_4 {add = true} : memref<4096xf32, #tpu.memory_space<vmem>>[vector<16xi32>], vector<16xf32>,
      %mul3A_179 = arith.constant 8 : i32
      %mul3A_180 = arith.muli %scan3A_115, %mul3A_179 : i32
      %add3A_181 = arith.constant 5 : i32
      %add3A_182 = arith.addi %mul3A_180, %add3A_181 : i32
      %mul3A_183 = arith.constant 16 : i32
      %mul3A_184 = arith.muli %add3A_182, %mul3A_183 : i32
      %get3A_185 = arith.index_cast %mul3A_184 : i32 to index
      %get3A_186 = tpu.vector_load %arg4[%get3A_185] {strides = array<i32>} : memref<16384xf32, #tpu.memory_space<vmem>>, vector<16xf32>,
      %bitcast3A_187 = vector.bitcast %get3A_186 : vector<16xf32> to vector<16xi32>
      %shift_right_logical3A_188 = arith.constant 24 : i32
      %shift_right_logical3A_189 = vector.broadcast %shift_right_logical3A_188 : i32 to vector<16xi32>
      %shift_right_logical3A_190 = arith.shrui %bitcast3A_187, %shift_right_logical3A_189 : vector<16xi32>
      %add3A_191 = arith.addi %mul3A_3, %shift_right_logical3A_190 : vector<16xi32>
      tpu.vector_store_idx %arg6[%add3A_191], %broadcast_in_dim3A_4 {add = true} : memref<4096xf32, #tpu.memory_space<vmem>>[vector<16xi32>], vector<16xf32>,
      %mul3A_192 = arith.constant 8 : i32
      %mul3A_193 = arith.muli %scan3A_115, %mul3A_192 : i32
      %add3A_194 = arith.constant 6 : i32
      %add3A_195 = arith.addi %mul3A_193, %add3A_194 : i32
      %mul3A_196 = arith.constant 16 : i32
      %mul3A_197 = arith.muli %add3A_195, %mul3A_196 : i32
      %get3A_198 = arith.index_cast %mul3A_197 : i32 to index
      %get3A_199 = tpu.vector_load %arg4[%get3A_198] {strides = array<i32>} : memref<16384xf32, #tpu.memory_space<vmem>>, vector<16xf32>,
      %bitcast3A_200 = vector.bitcast %get3A_199 : vector<16xf32> to vector<16xi32>
      %shift_right_logical3A_201 = arith.constant 24 : i32
      %shift_right_logical3A_202 = vector.broadcast %shift_right_logical3A_201 : i32 to vector<16xi32>
      %shift_right_logical3A_203 = arith.shrui %bitcast3A_200, %shift_right_logical3A_202 : vector<16xi32>
      %add3A_204 = arith.addi %mul3A_3, %shift_right_logical3A_203 : vector<16xi32>
      tpu.vector_store_idx %arg6[%add3A_204], %broadcast_in_dim3A_4 {add = true} : memref<4096xf32, #tpu.memory_space<vmem>>[vector<16xi32>], vector<16xf32>,
      %mul3A_205 = arith.constant 8 : i32
      %mul3A_206 = arith.muli %scan3A_115, %mul3A_205 : i32
      %add3A_207 = arith.constant 7 : i32
      %add3A_208 = arith.addi %mul3A_206, %add3A_207 : i32
      %mul3A_209 = arith.constant 16 : i32
      %mul3A_210 = arith.muli %add3A_208, %mul3A_209 : i32
      %get3A_211 = arith.index_cast %mul3A_210 : i32 to index
      %get3A_212 = tpu.vector_load %arg4[%get3A_211] {strides = array<i32>} : memref<16384xf32, #tpu.memory_space<vmem>>, vector<16xf32>,
      %bitcast3A_213 = vector.bitcast %get3A_212 : vector<16xf32> to vector<16xi32>
      %shift_right_logical3A_214 = arith.constant 24 : i32
      %shift_right_logical3A_215 = vector.broadcast %shift_right_logical3A_214 : i32 to vector<16xi32>
      %shift_right_logical3A_216 = arith.shrui %bitcast3A_213, %shift_right_logical3A_215 : vector<16xi32>
      %add3A_217 = arith.addi %mul3A_3, %shift_right_logical3A_216 : vector<16xi32>
      tpu.vector_store_idx %arg6[%add3A_217], %broadcast_in_dim3A_4 {add = true} : memref<4096xf32, #tpu.memory_space<vmem>>[vector<16xi32>], vector<16xf32>,
      %scan3A_218 = arith.constant 0 : i32
      scf.yield %scan3A_218 : i32
    }
    %scan3A_53 = arith.constant 128 : i32
    %add3A_54 = arith.constant 65536 : i32
    %add3A_55 = arith.addi %mul3A_12, %add3A_54 : i32
    %dma_start3A_56 = tpu.memref_slice %arg2[%add3A_55] : memref<4194304xf32, #tpu.memory_space<hbm>> -> memref<16384xf32, #tpu.memory_space<hbm>>
    %dma_start3A_57 = tpu.memref_slice %arg2[%add3A_55] : memref<4194304xf32, #tpu.memory_space<hbm>> -> memref<16384xf32, #tpu.memory_space<hbm>>
    tpu.enqueue_dma source(%dma_start3A_57 : memref<16384xf32, #tpu.memory_space<hbm>>) target(%arg4 : memref<16384xf32, #tpu.memory_space<vmem>>) target_semaphore(%arg7 : memref<!tpu.dma_semaphore, #tpu.memory_space<semaphore_mem>>)
    %dma_wait3A_58 = tpu.memref_slice %arg2[%add3A_42] : memref<4194304xf32, #tpu.memory_space<hbm>> -> memref<16384xf32, #tpu.memory_space<hbm>>
    %dma_wait3A_59 = tpu.memref_slice %arg2[%add3A_42] : memref<4194304xf32, #tpu.memory_space<hbm>> -> memref<16384xf32, #tpu.memory_space<hbm>>
    tpu.wait_dma2 semaphore(%arg8 : memref<!tpu.dma_semaphore, #tpu.memory_space<semaphore_mem>>) src(%dma_wait3A_59 : memref<16384xf32, #tpu.memory_space<hbm>>) dst(%arg5 : memref<16384xf32, #tpu.memory_space<vmem>>)
    %scan3A_60 = arith.constant 0 : i32
    %scan3A_61 = arith.constant 0 : i32
    %scan3A_62 = arith.constant 128 : i32
    %scan3A_63 = arith.addi %scan3A_61, %scan3A_62 : i32
    %scan3A_64 = arith.constant 1 : i32
    %scan3A_65 = scf.for %scan3A_115 = %scan3A_61 to %scan3A_63 step %scan3A_64 iter_args(%scan3A_116 = %scan3A_60) -> (i32)  : i32 {
      %mul3A_117 = arith.constant 8 : i32
      %mul3A_118 = arith.muli %scan3A_115, %mul3A_117 : i32
      %add3A_119 = arith.constant 0 : i32
      %add3A_120 = arith.addi %mul3A_118, %add3A_119 : i32
      %mul3A_121 = arith.constant 16 : i32
      %mul3A_122 = arith.muli %add3A_120, %mul3A_121 : i32
      %get3A = arith.index_cast %mul3A_122 : i32 to index
      %get3A_123 = tpu.vector_load %arg5[%get3A] {strides = array<i32>} : memref<16384xf32, #tpu.memory_space<vmem>>, vector<16xf32>,
      %bitcast3A = vector.bitcast %get3A_123 : vector<16xf32> to vector<16xi32>
      %shift_right_logical3A = arith.constant 24 : i32
      %shift_right_logical3A_124 = vector.broadcast %shift_right_logical3A : i32 to vector<16xi32>
      %shift_right_logical3A_125 = arith.shrui %bitcast3A, %shift_right_logical3A_124 : vector<16xi32>
      %add3A_126 = arith.addi %mul3A_3, %shift_right_logical3A_125 : vector<16xi32>
      tpu.vector_store_idx %arg6[%add3A_126], %broadcast_in_dim3A_4 {add = true} : memref<4096xf32, #tpu.memory_space<vmem>>[vector<16xi32>], vector<16xf32>,
      %mul3A_127 = arith.constant 8 : i32
      %mul3A_128 = arith.muli %scan3A_115, %mul3A_127 : i32
      %add3A_129 = arith.constant 1 : i32
      %add3A_130 = arith.addi %mul3A_128, %add3A_129 : i32
      %mul3A_131 = arith.constant 16 : i32
      %mul3A_132 = arith.muli %add3A_130, %mul3A_131 : i32
      %get3A_133 = arith.index_cast %mul3A_132 : i32 to index
      %get3A_134 = tpu.vector_load %arg5[%get3A_133] {strides = array<i32>} : memref<16384xf32, #tpu.memory_space<vmem>>, vector<16xf32>,
      %bitcast3A_135 = vector.bitcast %get3A_134 : vector<16xf32> to vector<16xi32>
      %shift_right_logical3A_136 = arith.constant 24 : i32
      %shift_right_logical3A_137 = vector.broadcast %shift_right_logical3A_136 : i32 to vector<16xi32>
      %shift_right_logical3A_138 = arith.shrui %bitcast3A_135, %shift_right_logical3A_137 : vector<16xi32>
      %add3A_139 = arith.addi %mul3A_3, %shift_right_logical3A_138 : vector<16xi32>
      tpu.vector_store_idx %arg6[%add3A_139], %broadcast_in_dim3A_4 {add = true} : memref<4096xf32, #tpu.memory_space<vmem>>[vector<16xi32>], vector<16xf32>,
      %mul3A_140 = arith.constant 8 : i32
      %mul3A_141 = arith.muli %scan3A_115, %mul3A_140 : i32
      %add3A_142 = arith.constant 2 : i32
      %add3A_143 = arith.addi %mul3A_141, %add3A_142 : i32
      %mul3A_144 = arith.constant 16 : i32
      %mul3A_145 = arith.muli %add3A_143, %mul3A_144 : i32
      %get3A_146 = arith.index_cast %mul3A_145 : i32 to index
      %get3A_147 = tpu.vector_load %arg5[%get3A_146] {strides = array<i32>} : memref<16384xf32, #tpu.memory_space<vmem>>, vector<16xf32>,
      %bitcast3A_148 = vector.bitcast %get3A_147 : vector<16xf32> to vector<16xi32>
      %shift_right_logical3A_149 = arith.constant 24 : i32
      %shift_right_logical3A_150 = vector.broadcast %shift_right_logical3A_149 : i32 to vector<16xi32>
      %shift_right_logical3A_151 = arith.shrui %bitcast3A_148, %shift_right_logical3A_150 : vector<16xi32>
      %add3A_152 = arith.addi %mul3A_3, %shift_right_logical3A_151 : vector<16xi32>
      tpu.vector_store_idx %arg6[%add3A_152], %broadcast_in_dim3A_4 {add = true} : memref<4096xf32, #tpu.memory_space<vmem>>[vector<16xi32>], vector<16xf32>,
      %mul3A_153 = arith.constant 8 : i32
      %mul3A_154 = arith.muli %scan3A_115, %mul3A_153 : i32
      %add3A_155 = arith.constant 3 : i32
      %add3A_156 = arith.addi %mul3A_154, %add3A_155 : i32
      %mul3A_157 = arith.constant 16 : i32
      %mul3A_158 = arith.muli %add3A_156, %mul3A_157 : i32
      %get3A_159 = arith.index_cast %mul3A_158 : i32 to index
      %get3A_160 = tpu.vector_load %arg5[%get3A_159] {strides = array<i32>} : memref<16384xf32, #tpu.memory_space<vmem>>, vector<16xf32>,
      %bitcast3A_161 = vector.bitcast %get3A_160 : vector<16xf32> to vector<16xi32>
      %shift_right_logical3A_162 = arith.constant 24 : i32
      %shift_right_logical3A_163 = vector.broadcast %shift_right_logical3A_162 : i32 to vector<16xi32>
      %shift_right_logical3A_164 = arith.shrui %bitcast3A_161, %shift_right_logical3A_163 : vector<16xi32>
      %add3A_165 = arith.addi %mul3A_3, %shift_right_logical3A_164 : vector<16xi32>
      tpu.vector_store_idx %arg6[%add3A_165], %broadcast_in_dim3A_4 {add = true} : memref<4096xf32, #tpu.memory_space<vmem>>[vector<16xi32>], vector<16xf32>,
      %mul3A_166 = arith.constant 8 : i32
      %mul3A_167 = arith.muli %scan3A_115, %mul3A_166 : i32
      %add3A_168 = arith.constant 4 : i32
      %add3A_169 = arith.addi %mul3A_167, %add3A_168 : i32
      %mul3A_170 = arith.constant 16 : i32
      %mul3A_171 = arith.muli %add3A_169, %mul3A_170 : i32
      %get3A_172 = arith.index_cast %mul3A_171 : i32 to index
      %get3A_173 = tpu.vector_load %arg5[%get3A_172] {strides = array<i32>} : memref<16384xf32, #tpu.memory_space<vmem>>, vector<16xf32>,
      %bitcast3A_174 = vector.bitcast %get3A_173 : vector<16xf32> to vector<16xi32>
      %shift_right_logical3A_175 = arith.constant 24 : i32
      %shift_right_logical3A_176 = vector.broadcast %shift_right_logical3A_175 : i32 to vector<16xi32>
      %shift_right_logical3A_177 = arith.shrui %bitcast3A_174, %shift_right_logical3A_176 : vector<16xi32>
      %add3A_178 = arith.addi %mul3A_3, %shift_right_logical3A_177 : vector<16xi32>
      tpu.vector_store_idx %arg6[%add3A_178], %broadcast_in_dim3A_4 {add = true} : memref<4096xf32, #tpu.memory_space<vmem>>[vector<16xi32>], vector<16xf32>,
      %mul3A_179 = arith.constant 8 : i32
      %mul3A_180 = arith.muli %scan3A_115, %mul3A_179 : i32
      %add3A_181 = arith.constant 5 : i32
      %add3A_182 = arith.addi %mul3A_180, %add3A_181 : i32
      %mul3A_183 = arith.constant 16 : i32
      %mul3A_184 = arith.muli %add3A_182, %mul3A_183 : i32
      %get3A_185 = arith.index_cast %mul3A_184 : i32 to index
      %get3A_186 = tpu.vector_load %arg5[%get3A_185] {strides = array<i32>} : memref<16384xf32, #tpu.memory_space<vmem>>, vector<16xf32>,
      %bitcast3A_187 = vector.bitcast %get3A_186 : vector<16xf32> to vector<16xi32>
      %shift_right_logical3A_188 = arith.constant 24 : i32
      %shift_right_logical3A_189 = vector.broadcast %shift_right_logical3A_188 : i32 to vector<16xi32>
      %shift_right_logical3A_190 = arith.shrui %bitcast3A_187, %shift_right_logical3A_189 : vector<16xi32>
      %add3A_191 = arith.addi %mul3A_3, %shift_right_logical3A_190 : vector<16xi32>
      tpu.vector_store_idx %arg6[%add3A_191], %broadcast_in_dim3A_4 {add = true} : memref<4096xf32, #tpu.memory_space<vmem>>[vector<16xi32>], vector<16xf32>,
      %mul3A_192 = arith.constant 8 : i32
      %mul3A_193 = arith.muli %scan3A_115, %mul3A_192 : i32
      %add3A_194 = arith.constant 6 : i32
      %add3A_195 = arith.addi %mul3A_193, %add3A_194 : i32
      %mul3A_196 = arith.constant 16 : i32
      %mul3A_197 = arith.muli %add3A_195, %mul3A_196 : i32
      %get3A_198 = arith.index_cast %mul3A_197 : i32 to index
      %get3A_199 = tpu.vector_load %arg5[%get3A_198] {strides = array<i32>} : memref<16384xf32, #tpu.memory_space<vmem>>, vector<16xf32>,
      %bitcast3A_200 = vector.bitcast %get3A_199 : vector<16xf32> to vector<16xi32>
      %shift_right_logical3A_201 = arith.constant 24 : i32
      %shift_right_logical3A_202 = vector.broadcast %shift_right_logical3A_201 : i32 to vector<16xi32>
      %shift_right_logical3A_203 = arith.shrui %bitcast3A_200, %shift_right_logical3A_202 : vector<16xi32>
      %add3A_204 = arith.addi %mul3A_3, %shift_right_logical3A_203 : vector<16xi32>
      tpu.vector_store_idx %arg6[%add3A_204], %broadcast_in_dim3A_4 {add = true} : memref<4096xf32, #tpu.memory_space<vmem>>[vector<16xi32>], vector<16xf32>,
      %mul3A_205 = arith.constant 8 : i32
      %mul3A_206 = arith.muli %scan3A_115, %mul3A_205 : i32
      %add3A_207 = arith.constant 7 : i32
      %add3A_208 = arith.addi %mul3A_206, %add3A_207 : i32
      %mul3A_209 = arith.constant 16 : i32
      %mul3A_210 = arith.muli %add3A_208, %mul3A_209 : i32
      %get3A_211 = arith.index_cast %mul3A_210 : i32 to index
      %get3A_212 = tpu.vector_load %arg5[%get3A_211] {strides = array<i32>} : memref<16384xf32, #tpu.memory_space<vmem>>, vector<16xf32>,
      %bitcast3A_213 = vector.bitcast %get3A_212 : vector<16xf32> to vector<16xi32>
      %shift_right_logical3A_214 = arith.constant 24 : i32
      %shift_right_logical3A_215 = vector.broadcast %shift_right_logical3A_214 : i32 to vector<16xi32>
      %shift_right_logical3A_216 = arith.shrui %bitcast3A_213, %shift_right_logical3A_215 : vector<16xi32>
      %add3A_217 = arith.addi %mul3A_3, %shift_right_logical3A_216 : vector<16xi32>
      tpu.vector_store_idx %arg6[%add3A_217], %broadcast_in_dim3A_4 {add = true} : memref<4096xf32, #tpu.memory_space<vmem>>[vector<16xi32>], vector<16xf32>,
      %scan3A_218 = arith.constant 0 : i32
      scf.yield %scan3A_218 : i32
    }
    %scan3A_66 = arith.constant 128 : i32
    %add3A_67 = arith.constant 81920 : i32
    %add3A_68 = arith.addi %mul3A_12, %add3A_67 : i32
    %dma_start3A_69 = tpu.memref_slice %arg2[%add3A_68] : memref<4194304xf32, #tpu.memory_space<hbm>> -> memref<16384xf32, #tpu.memory_space<hbm>>
    %dma_start3A_70 = tpu.memref_slice %arg2[%add3A_68] : memref<4194304xf32, #tpu.memory_space<hbm>> -> memref<16384xf32, #tpu.memory_space<hbm>>
    tpu.enqueue_dma source(%dma_start3A_70 : memref<16384xf32, #tpu.memory_space<hbm>>) target(%arg5 : memref<16384xf32, #tpu.memory_space<vmem>>) target_semaphore(%arg8 : memref<!tpu.dma_semaphore, #tpu.memory_space<semaphore_mem>>)
    %dma_wait3A_71 = tpu.memref_slice %arg2[%add3A_55] : memref<4194304xf32, #tpu.memory_space<hbm>> -> memref<16384xf32, #tpu.memory_space<hbm>>
    %dma_wait3A_72 = tpu.memref_slice %arg2[%add3A_55] : memref<4194304xf32, #tpu.memory_space<hbm>> -> memref<16384xf32, #tpu.memory_space<hbm>>
    tpu.wait_dma2 semaphore(%arg7 : memref<!tpu.dma_semaphore, #tpu.memory_space<semaphore_mem>>) src(%dma_wait3A_72 : memref<16384xf32, #tpu.memory_space<hbm>>) dst(%arg4 : memref<16384xf32, #tpu.memory_space<vmem>>)
    %scan3A_73 = arith.constant 0 : i32
    %scan3A_74 = arith.constant 0 : i32
    %scan3A_75 = arith.constant 128 : i32
    %scan3A_76 = arith.addi %scan3A_74, %scan3A_75 : i32
    %scan3A_77 = arith.constant 1 : i32
    %scan3A_78 = scf.for %scan3A_115 = %scan3A_74 to %scan3A_76 step %scan3A_77 iter_args(%scan3A_116 = %scan3A_73) -> (i32)  : i32 {
      %mul3A_117 = arith.constant 8 : i32
      %mul3A_118 = arith.muli %scan3A_115, %mul3A_117 : i32
      %add3A_119 = arith.constant 0 : i32
      %add3A_120 = arith.addi %mul3A_118, %add3A_119 : i32
      %mul3A_121 = arith.constant 16 : i32
      %mul3A_122 = arith.muli %add3A_120, %mul3A_121 : i32
      %get3A = arith.index_cast %mul3A_122 : i32 to index
      %get3A_123 = tpu.vector_load %arg4[%get3A] {strides = array<i32>} : memref<16384xf32, #tpu.memory_space<vmem>>, vector<16xf32>,
      %bitcast3A = vector.bitcast %get3A_123 : vector<16xf32> to vector<16xi32>
      %shift_right_logical3A = arith.constant 24 : i32
      %shift_right_logical3A_124 = vector.broadcast %shift_right_logical3A : i32 to vector<16xi32>
      %shift_right_logical3A_125 = arith.shrui %bitcast3A, %shift_right_logical3A_124 : vector<16xi32>
      %add3A_126 = arith.addi %mul3A_3, %shift_right_logical3A_125 : vector<16xi32>
      tpu.vector_store_idx %arg6[%add3A_126], %broadcast_in_dim3A_4 {add = true} : memref<4096xf32, #tpu.memory_space<vmem>>[vector<16xi32>], vector<16xf32>,
      %mul3A_127 = arith.constant 8 : i32
      %mul3A_128 = arith.muli %scan3A_115, %mul3A_127 : i32
      %add3A_129 = arith.constant 1 : i32
      %add3A_130 = arith.addi %mul3A_128, %add3A_129 : i32
      %mul3A_131 = arith.constant 16 : i32
      %mul3A_132 = arith.muli %add3A_130, %mul3A_131 : i32
      %get3A_133 = arith.index_cast %mul3A_132 : i32 to index
      %get3A_134 = tpu.vector_load %arg4[%get3A_133] {strides = array<i32>} : memref<16384xf32, #tpu.memory_space<vmem>>, vector<16xf32>,
      %bitcast3A_135 = vector.bitcast %get3A_134 : vector<16xf32> to vector<16xi32>
      %shift_right_logical3A_136 = arith.constant 24 : i32
      %shift_right_logical3A_137 = vector.broadcast %shift_right_logical3A_136 : i32 to vector<16xi32>
      %shift_right_logical3A_138 = arith.shrui %bitcast3A_135, %shift_right_logical3A_137 : vector<16xi32>
      %add3A_139 = arith.addi %mul3A_3, %shift_right_logical3A_138 : vector<16xi32>
      tpu.vector_store_idx %arg6[%add3A_139], %broadcast_in_dim3A_4 {add = true} : memref<4096xf32, #tpu.memory_space<vmem>>[vector<16xi32>], vector<16xf32>,
      %mul3A_140 = arith.constant 8 : i32
      %mul3A_141 = arith.muli %scan3A_115, %mul3A_140 : i32
      %add3A_142 = arith.constant 2 : i32
      %add3A_143 = arith.addi %mul3A_141, %add3A_142 : i32
      %mul3A_144 = arith.constant 16 : i32
      %mul3A_145 = arith.muli %add3A_143, %mul3A_144 : i32
      %get3A_146 = arith.index_cast %mul3A_145 : i32 to index
      %get3A_147 = tpu.vector_load %arg4[%get3A_146] {strides = array<i32>} : memref<16384xf32, #tpu.memory_space<vmem>>, vector<16xf32>,
      %bitcast3A_148 = vector.bitcast %get3A_147 : vector<16xf32> to vector<16xi32>
      %shift_right_logical3A_149 = arith.constant 24 : i32
      %shift_right_logical3A_150 = vector.broadcast %shift_right_logical3A_149 : i32 to vector<16xi32>
      %shift_right_logical3A_151 = arith.shrui %bitcast3A_148, %shift_right_logical3A_150 : vector<16xi32>
      %add3A_152 = arith.addi %mul3A_3, %shift_right_logical3A_151 : vector<16xi32>
      tpu.vector_store_idx %arg6[%add3A_152], %broadcast_in_dim3A_4 {add = true} : memref<4096xf32, #tpu.memory_space<vmem>>[vector<16xi32>], vector<16xf32>,
      %mul3A_153 = arith.constant 8 : i32
      %mul3A_154 = arith.muli %scan3A_115, %mul3A_153 : i32
      %add3A_155 = arith.constant 3 : i32
      %add3A_156 = arith.addi %mul3A_154, %add3A_155 : i32
      %mul3A_157 = arith.constant 16 : i32
      %mul3A_158 = arith.muli %add3A_156, %mul3A_157 : i32
      %get3A_159 = arith.index_cast %mul3A_158 : i32 to index
      %get3A_160 = tpu.vector_load %arg4[%get3A_159] {strides = array<i32>} : memref<16384xf32, #tpu.memory_space<vmem>>, vector<16xf32>,
      %bitcast3A_161 = vector.bitcast %get3A_160 : vector<16xf32> to vector<16xi32>
      %shift_right_logical3A_162 = arith.constant 24 : i32
      %shift_right_logical3A_163 = vector.broadcast %shift_right_logical3A_162 : i32 to vector<16xi32>
      %shift_right_logical3A_164 = arith.shrui %bitcast3A_161, %shift_right_logical3A_163 : vector<16xi32>
      %add3A_165 = arith.addi %mul3A_3, %shift_right_logical3A_164 : vector<16xi32>
      tpu.vector_store_idx %arg6[%add3A_165], %broadcast_in_dim3A_4 {add = true} : memref<4096xf32, #tpu.memory_space<vmem>>[vector<16xi32>], vector<16xf32>,
      %mul3A_166 = arith.constant 8 : i32
      %mul3A_167 = arith.muli %scan3A_115, %mul3A_166 : i32
      %add3A_168 = arith.constant 4 : i32
      %add3A_169 = arith.addi %mul3A_167, %add3A_168 : i32
      %mul3A_170 = arith.constant 16 : i32
      %mul3A_171 = arith.muli %add3A_169, %mul3A_170 : i32
      %get3A_172 = arith.index_cast %mul3A_171 : i32 to index
      %get3A_173 = tpu.vector_load %arg4[%get3A_172] {strides = array<i32>} : memref<16384xf32, #tpu.memory_space<vmem>>, vector<16xf32>,
      %bitcast3A_174 = vector.bitcast %get3A_173 : vector<16xf32> to vector<16xi32>
      %shift_right_logical3A_175 = arith.constant 24 : i32
      %shift_right_logical3A_176 = vector.broadcast %shift_right_logical3A_175 : i32 to vector<16xi32>
      %shift_right_logical3A_177 = arith.shrui %bitcast3A_174, %shift_right_logical3A_176 : vector<16xi32>
      %add3A_178 = arith.addi %mul3A_3, %shift_right_logical3A_177 : vector<16xi32>
      tpu.vector_store_idx %arg6[%add3A_178], %broadcast_in_dim3A_4 {add = true} : memref<4096xf32, #tpu.memory_space<vmem>>[vector<16xi32>], vector<16xf32>,
      %mul3A_179 = arith.constant 8 : i32
      %mul3A_180 = arith.muli %scan3A_115, %mul3A_179 : i32
      %add3A_181 = arith.constant 5 : i32
      %add3A_182 = arith.addi %mul3A_180, %add3A_181 : i32
      %mul3A_183 = arith.constant 16 : i32
      %mul3A_184 = arith.muli %add3A_182, %mul3A_183 : i32
      %get3A_185 = arith.index_cast %mul3A_184 : i32 to index
      %get3A_186 = tpu.vector_load %arg4[%get3A_185] {strides = array<i32>} : memref<16384xf32, #tpu.memory_space<vmem>>, vector<16xf32>,
      %bitcast3A_187 = vector.bitcast %get3A_186 : vector<16xf32> to vector<16xi32>
      %shift_right_logical3A_188 = arith.constant 24 : i32
      %shift_right_logical3A_189 = vector.broadcast %shift_right_logical3A_188 : i32 to vector<16xi32>
      %shift_right_logical3A_190 = arith.shrui %bitcast3A_187, %shift_right_logical3A_189 : vector<16xi32>
      %add3A_191 = arith.addi %mul3A_3, %shift_right_logical3A_190 : vector<16xi32>
      tpu.vector_store_idx %arg6[%add3A_191], %broadcast_in_dim3A_4 {add = true} : memref<4096xf32, #tpu.memory_space<vmem>>[vector<16xi32>], vector<16xf32>,
      %mul3A_192 = arith.constant 8 : i32
      %mul3A_193 = arith.muli %scan3A_115, %mul3A_192 : i32
      %add3A_194 = arith.constant 6 : i32
      %add3A_195 = arith.addi %mul3A_193, %add3A_194 : i32
      %mul3A_196 = arith.constant 16 : i32
      %mul3A_197 = arith.muli %add3A_195, %mul3A_196 : i32
      %get3A_198 = arith.index_cast %mul3A_197 : i32 to index
      %get3A_199 = tpu.vector_load %arg4[%get3A_198] {strides = array<i32>} : memref<16384xf32, #tpu.memory_space<vmem>>, vector<16xf32>,
      %bitcast3A_200 = vector.bitcast %get3A_199 : vector<16xf32> to vector<16xi32>
      %shift_right_logical3A_201 = arith.constant 24 : i32
      %shift_right_logical3A_202 = vector.broadcast %shift_right_logical3A_201 : i32 to vector<16xi32>
      %shift_right_logical3A_203 = arith.shrui %bitcast3A_200, %shift_right_logical3A_202 : vector<16xi32>
      %add3A_204 = arith.addi %mul3A_3, %shift_right_logical3A_203 : vector<16xi32>
      tpu.vector_store_idx %arg6[%add3A_204], %broadcast_in_dim3A_4 {add = true} : memref<4096xf32, #tpu.memory_space<vmem>>[vector<16xi32>], vector<16xf32>,
      %mul3A_205 = arith.constant 8 : i32
      %mul3A_206 = arith.muli %scan3A_115, %mul3A_205 : i32
      %add3A_207 = arith.constant 7 : i32
      %add3A_208 = arith.addi %mul3A_206, %add3A_207 : i32
      %mul3A_209 = arith.constant 16 : i32
      %mul3A_210 = arith.muli %add3A_208, %mul3A_209 : i32
      %get3A_211 = arith.index_cast %mul3A_210 : i32 to index
      %get3A_212 = tpu.vector_load %arg4[%get3A_211] {strides = array<i32>} : memref<16384xf32, #tpu.memory_space<vmem>>, vector<16xf32>,
      %bitcast3A_213 = vector.bitcast %get3A_212 : vector<16xf32> to vector<16xi32>
      %shift_right_logical3A_214 = arith.constant 24 : i32
      %shift_right_logical3A_215 = vector.broadcast %shift_right_logical3A_214 : i32 to vector<16xi32>
      %shift_right_logical3A_216 = arith.shrui %bitcast3A_213, %shift_right_logical3A_215 : vector<16xi32>
      %add3A_217 = arith.addi %mul3A_3, %shift_right_logical3A_216 : vector<16xi32>
      tpu.vector_store_idx %arg6[%add3A_217], %broadcast_in_dim3A_4 {add = true} : memref<4096xf32, #tpu.memory_space<vmem>>[vector<16xi32>], vector<16xf32>,
      %scan3A_218 = arith.constant 0 : i32
      scf.yield %scan3A_218 : i32
    }
    %scan3A_79 = arith.constant 128 : i32
    %add3A_80 = arith.constant 98304 : i32
    %add3A_81 = arith.addi %mul3A_12, %add3A_80 : i32
    %dma_start3A_82 = tpu.memref_slice %arg2[%add3A_81] : memref<4194304xf32, #tpu.memory_space<hbm>> -> memref<16384xf32, #tpu.memory_space<hbm>>
    %dma_start3A_83 = tpu.memref_slice %arg2[%add3A_81] : memref<4194304xf32, #tpu.memory_space<hbm>> -> memref<16384xf32, #tpu.memory_space<hbm>>
    tpu.enqueue_dma source(%dma_start3A_83 : memref<16384xf32, #tpu.memory_space<hbm>>) target(%arg4 : memref<16384xf32, #tpu.memory_space<vmem>>) target_semaphore(%arg7 : memref<!tpu.dma_semaphore, #tpu.memory_space<semaphore_mem>>)
    %dma_wait3A_84 = tpu.memref_slice %arg2[%add3A_68] : memref<4194304xf32, #tpu.memory_space<hbm>> -> memref<16384xf32, #tpu.memory_space<hbm>>
    %dma_wait3A_85 = tpu.memref_slice %arg2[%add3A_68] : memref<4194304xf32, #tpu.memory_space<hbm>> -> memref<16384xf32, #tpu.memory_space<hbm>>
    tpu.wait_dma2 semaphore(%arg8 : memref<!tpu.dma_semaphore, #tpu.memory_space<semaphore_mem>>) src(%dma_wait3A_85 : memref<16384xf32, #tpu.memory_space<hbm>>) dst(%arg5 : memref<16384xf32, #tpu.memory_space<vmem>>)
    %scan3A_86 = arith.constant 0 : i32
    %scan3A_87 = arith.constant 0 : i32
    %scan3A_88 = arith.constant 128 : i32
    %scan3A_89 = arith.addi %scan3A_87, %scan3A_88 : i32
    %scan3A_90 = arith.constant 1 : i32
    %scan3A_91 = scf.for %scan3A_115 = %scan3A_87 to %scan3A_89 step %scan3A_90 iter_args(%scan3A_116 = %scan3A_86) -> (i32)  : i32 {
      %mul3A_117 = arith.constant 8 : i32
      %mul3A_118 = arith.muli %scan3A_115, %mul3A_117 : i32
      %add3A_119 = arith.constant 0 : i32
      %add3A_120 = arith.addi %mul3A_118, %add3A_119 : i32
      %mul3A_121 = arith.constant 16 : i32
      %mul3A_122 = arith.muli %add3A_120, %mul3A_121 : i32
      %get3A = arith.index_cast %mul3A_122 : i32 to index
      %get3A_123 = tpu.vector_load %arg5[%get3A] {strides = array<i32>} : memref<16384xf32, #tpu.memory_space<vmem>>, vector<16xf32>,
      %bitcast3A = vector.bitcast %get3A_123 : vector<16xf32> to vector<16xi32>
      %shift_right_logical3A = arith.constant 24 : i32
      %shift_right_logical3A_124 = vector.broadcast %shift_right_logical3A : i32 to vector<16xi32>
      %shift_right_logical3A_125 = arith.shrui %bitcast3A, %shift_right_logical3A_124 : vector<16xi32>
      %add3A_126 = arith.addi %mul3A_3, %shift_right_logical3A_125 : vector<16xi32>
      tpu.vector_store_idx %arg6[%add3A_126], %broadcast_in_dim3A_4 {add = true} : memref<4096xf32, #tpu.memory_space<vmem>>[vector<16xi32>], vector<16xf32>,
      %mul3A_127 = arith.constant 8 : i32
      %mul3A_128 = arith.muli %scan3A_115, %mul3A_127 : i32
      %add3A_129 = arith.constant 1 : i32
      %add3A_130 = arith.addi %mul3A_128, %add3A_129 : i32
      %mul3A_131 = arith.constant 16 : i32
      %mul3A_132 = arith.muli %add3A_130, %mul3A_131 : i32
      %get3A_133 = arith.index_cast %mul3A_132 : i32 to index
      %get3A_134 = tpu.vector_load %arg5[%get3A_133] {strides = array<i32>} : memref<16384xf32, #tpu.memory_space<vmem>>, vector<16xf32>,
      %bitcast3A_135 = vector.bitcast %get3A_134 : vector<16xf32> to vector<16xi32>
      %shift_right_logical3A_136 = arith.constant 24 : i32
      %shift_right_logical3A_137 = vector.broadcast %shift_right_logical3A_136 : i32 to vector<16xi32>
      %shift_right_logical3A_138 = arith.shrui %bitcast3A_135, %shift_right_logical3A_137 : vector<16xi32>
      %add3A_139 = arith.addi %mul3A_3, %shift_right_logical3A_138 : vector<16xi32>
      tpu.vector_store_idx %arg6[%add3A_139], %broadcast_in_dim3A_4 {add = true} : memref<4096xf32, #tpu.memory_space<vmem>>[vector<16xi32>], vector<16xf32>,
      %mul3A_140 = arith.constant 8 : i32
      %mul3A_141 = arith.muli %scan3A_115, %mul3A_140 : i32
      %add3A_142 = arith.constant 2 : i32
      %add3A_143 = arith.addi %mul3A_141, %add3A_142 : i32
      %mul3A_144 = arith.constant 16 : i32
      %mul3A_145 = arith.muli %add3A_143, %mul3A_144 : i32
      %get3A_146 = arith.index_cast %mul3A_145 : i32 to index
      %get3A_147 = tpu.vector_load %arg5[%get3A_146] {strides = array<i32>} : memref<16384xf32, #tpu.memory_space<vmem>>, vector<16xf32>,
      %bitcast3A_148 = vector.bitcast %get3A_147 : vector<16xf32> to vector<16xi32>
      %shift_right_logical3A_149 = arith.constant 24 : i32
      %shift_right_logical3A_150 = vector.broadcast %shift_right_logical3A_149 : i32 to vector<16xi32>
      %shift_right_logical3A_151 = arith.shrui %bitcast3A_148, %shift_right_logical3A_150 : vector<16xi32>
      %add3A_152 = arith.addi %mul3A_3, %shift_right_logical3A_151 : vector<16xi32>
      tpu.vector_store_idx %arg6[%add3A_152], %broadcast_in_dim3A_4 {add = true} : memref<4096xf32, #tpu.memory_space<vmem>>[vector<16xi32>], vector<16xf32>,
      %mul3A_153 = arith.constant 8 : i32
      %mul3A_154 = arith.muli %scan3A_115, %mul3A_153 : i32
      %add3A_155 = arith.constant 3 : i32
      %add3A_156 = arith.addi %mul3A_154, %add3A_155 : i32
      %mul3A_157 = arith.constant 16 : i32
      %mul3A_158 = arith.muli %add3A_156, %mul3A_157 : i32
      %get3A_159 = arith.index_cast %mul3A_158 : i32 to index
      %get3A_160 = tpu.vector_load %arg5[%get3A_159] {strides = array<i32>} : memref<16384xf32, #tpu.memory_space<vmem>>, vector<16xf32>,
      %bitcast3A_161 = vector.bitcast %get3A_160 : vector<16xf32> to vector<16xi32>
      %shift_right_logical3A_162 = arith.constant 24 : i32
      %shift_right_logical3A_163 = vector.broadcast %shift_right_logical3A_162 : i32 to vector<16xi32>
      %shift_right_logical3A_164 = arith.shrui %bitcast3A_161, %shift_right_logical3A_163 : vector<16xi32>
      %add3A_165 = arith.addi %mul3A_3, %shift_right_logical3A_164 : vector<16xi32>
      tpu.vector_store_idx %arg6[%add3A_165], %broadcast_in_dim3A_4 {add = true} : memref<4096xf32, #tpu.memory_space<vmem>>[vector<16xi32>], vector<16xf32>,
      %mul3A_166 = arith.constant 8 : i32
      %mul3A_167 = arith.muli %scan3A_115, %mul3A_166 : i32
      %add3A_168 = arith.constant 4 : i32
      %add3A_169 = arith.addi %mul3A_167, %add3A_168 : i32
      %mul3A_170 = arith.constant 16 : i32
      %mul3A_171 = arith.muli %add3A_169, %mul3A_170 : i32
      %get3A_172 = arith.index_cast %mul3A_171 : i32 to index
      %get3A_173 = tpu.vector_load %arg5[%get3A_172] {strides = array<i32>} : memref<16384xf32, #tpu.memory_space<vmem>>, vector<16xf32>,
      %bitcast3A_174 = vector.bitcast %get3A_173 : vector<16xf32> to vector<16xi32>
      %shift_right_logical3A_175 = arith.constant 24 : i32
      %shift_right_logical3A_176 = vector.broadcast %shift_right_logical3A_175 : i32 to vector<16xi32>
      %shift_right_logical3A_177 = arith.shrui %bitcast3A_174, %shift_right_logical3A_176 : vector<16xi32>
      %add3A_178 = arith.addi %mul3A_3, %shift_right_logical3A_177 : vector<16xi32>
      tpu.vector_store_idx %arg6[%add3A_178], %broadcast_in_dim3A_4 {add = true} : memref<4096xf32, #tpu.memory_space<vmem>>[vector<16xi32>], vector<16xf32>,
      %mul3A_179 = arith.constant 8 : i32
      %mul3A_180 = arith.muli %scan3A_115, %mul3A_179 : i32
      %add3A_181 = arith.constant 5 : i32
      %add3A_182 = arith.addi %mul3A_180, %add3A_181 : i32
      %mul3A_183 = arith.constant 16 : i32
      %mul3A_184 = arith.muli %add3A_182, %mul3A_183 : i32
      %get3A_185 = arith.index_cast %mul3A_184 : i32 to index
      %get3A_186 = tpu.vector_load %arg5[%get3A_185] {strides = array<i32>} : memref<16384xf32, #tpu.memory_space<vmem>>, vector<16xf32>,
      %bitcast3A_187 = vector.bitcast %get3A_186 : vector<16xf32> to vector<16xi32>
      %shift_right_logical3A_188 = arith.constant 24 : i32
      %shift_right_logical3A_189 = vector.broadcast %shift_right_logical3A_188 : i32 to vector<16xi32>
      %shift_right_logical3A_190 = arith.shrui %bitcast3A_187, %shift_right_logical3A_189 : vector<16xi32>
      %add3A_191 = arith.addi %mul3A_3, %shift_right_logical3A_190 : vector<16xi32>
      tpu.vector_store_idx %arg6[%add3A_191], %broadcast_in_dim3A_4 {add = true} : memref<4096xf32, #tpu.memory_space<vmem>>[vector<16xi32>], vector<16xf32>,
      %mul3A_192 = arith.constant 8 : i32
      %mul3A_193 = arith.muli %scan3A_115, %mul3A_192 : i32
      %add3A_194 = arith.constant 6 : i32
      %add3A_195 = arith.addi %mul3A_193, %add3A_194 : i32
      %mul3A_196 = arith.constant 16 : i32
      %mul3A_197 = arith.muli %add3A_195, %mul3A_196 : i32
      %get3A_198 = arith.index_cast %mul3A_197 : i32 to index
      %get3A_199 = tpu.vector_load %arg5[%get3A_198] {strides = array<i32>} : memref<16384xf32, #tpu.memory_space<vmem>>, vector<16xf32>,
      %bitcast3A_200 = vector.bitcast %get3A_199 : vector<16xf32> to vector<16xi32>
      %shift_right_logical3A_201 = arith.constant 24 : i32
      %shift_right_logical3A_202 = vector.broadcast %shift_right_logical3A_201 : i32 to vector<16xi32>
      %shift_right_logical3A_203 = arith.shrui %bitcast3A_200, %shift_right_logical3A_202 : vector<16xi32>
      %add3A_204 = arith.addi %mul3A_3, %shift_right_logical3A_203 : vector<16xi32>
      tpu.vector_store_idx %arg6[%add3A_204], %broadcast_in_dim3A_4 {add = true} : memref<4096xf32, #tpu.memory_space<vmem>>[vector<16xi32>], vector<16xf32>,
      %mul3A_205 = arith.constant 8 : i32
      %mul3A_206 = arith.muli %scan3A_115, %mul3A_205 : i32
      %add3A_207 = arith.constant 7 : i32
      %add3A_208 = arith.addi %mul3A_206, %add3A_207 : i32
      %mul3A_209 = arith.constant 16 : i32
      %mul3A_210 = arith.muli %add3A_208, %mul3A_209 : i32
      %get3A_211 = arith.index_cast %mul3A_210 : i32 to index
      %get3A_212 = tpu.vector_load %arg5[%get3A_211] {strides = array<i32>} : memref<16384xf32, #tpu.memory_space<vmem>>, vector<16xf32>,
      %bitcast3A_213 = vector.bitcast %get3A_212 : vector<16xf32> to vector<16xi32>
      %shift_right_logical3A_214 = arith.constant 24 : i32
      %shift_right_logical3A_215 = vector.broadcast %shift_right_logical3A_214 : i32 to vector<16xi32>
      %shift_right_logical3A_216 = arith.shrui %bitcast3A_213, %shift_right_logical3A_215 : vector<16xi32>
      %add3A_217 = arith.addi %mul3A_3, %shift_right_logical3A_216 : vector<16xi32>
      tpu.vector_store_idx %arg6[%add3A_217], %broadcast_in_dim3A_4 {add = true} : memref<4096xf32, #tpu.memory_space<vmem>>[vector<16xi32>], vector<16xf32>,
      %scan3A_218 = arith.constant 0 : i32
      scf.yield %scan3A_218 : i32
    }
    %scan3A_92 = arith.constant 128 : i32
    %add3A_93 = arith.constant 114688 : i32
    %add3A_94 = arith.addi %mul3A_12, %add3A_93 : i32
    %dma_start3A_95 = tpu.memref_slice %arg2[%add3A_94] : memref<4194304xf32, #tpu.memory_space<hbm>> -> memref<16384xf32, #tpu.memory_space<hbm>>
    %dma_start3A_96 = tpu.memref_slice %arg2[%add3A_94] : memref<4194304xf32, #tpu.memory_space<hbm>> -> memref<16384xf32, #tpu.memory_space<hbm>>
    tpu.enqueue_dma source(%dma_start3A_96 : memref<16384xf32, #tpu.memory_space<hbm>>) target(%arg5 : memref<16384xf32, #tpu.memory_space<vmem>>) target_semaphore(%arg8 : memref<!tpu.dma_semaphore, #tpu.memory_space<semaphore_mem>>)
    %dma_wait3A_97 = tpu.memref_slice %arg2[%add3A_81] : memref<4194304xf32, #tpu.memory_space<hbm>> -> memref<16384xf32, #tpu.memory_space<hbm>>
    %dma_wait3A_98 = tpu.memref_slice %arg2[%add3A_81] : memref<4194304xf32, #tpu.memory_space<hbm>> -> memref<16384xf32, #tpu.memory_space<hbm>>
    tpu.wait_dma2 semaphore(%arg7 : memref<!tpu.dma_semaphore, #tpu.memory_space<semaphore_mem>>) src(%dma_wait3A_98 : memref<16384xf32, #tpu.memory_space<hbm>>) dst(%arg4 : memref<16384xf32, #tpu.memory_space<vmem>>)
    %scan3A_99 = arith.constant 0 : i32
    %scan3A_100 = arith.constant 0 : i32
    %scan3A_101 = arith.constant 128 : i32
    %scan3A_102 = arith.addi %scan3A_100, %scan3A_101 : i32
    %scan3A_103 = arith.constant 1 : i32
    %scan3A_104 = scf.for %scan3A_115 = %scan3A_100 to %scan3A_102 step %scan3A_103 iter_args(%scan3A_116 = %scan3A_99) -> (i32)  : i32 {
      %mul3A_117 = arith.constant 8 : i32
      %mul3A_118 = arith.muli %scan3A_115, %mul3A_117 : i32
      %add3A_119 = arith.constant 0 : i32
      %add3A_120 = arith.addi %mul3A_118, %add3A_119 : i32
      %mul3A_121 = arith.constant 16 : i32
      %mul3A_122 = arith.muli %add3A_120, %mul3A_121 : i32
      %get3A = arith.index_cast %mul3A_122 : i32 to index
      %get3A_123 = tpu.vector_load %arg4[%get3A] {strides = array<i32>} : memref<16384xf32, #tpu.memory_space<vmem>>, vector<16xf32>,
      %bitcast3A = vector.bitcast %get3A_123 : vector<16xf32> to vector<16xi32>
      %shift_right_logical3A = arith.constant 24 : i32
      %shift_right_logical3A_124 = vector.broadcast %shift_right_logical3A : i32 to vector<16xi32>
      %shift_right_logical3A_125 = arith.shrui %bitcast3A, %shift_right_logical3A_124 : vector<16xi32>
      %add3A_126 = arith.addi %mul3A_3, %shift_right_logical3A_125 : vector<16xi32>
      tpu.vector_store_idx %arg6[%add3A_126], %broadcast_in_dim3A_4 {add = true} : memref<4096xf32, #tpu.memory_space<vmem>>[vector<16xi32>], vector<16xf32>,
      %mul3A_127 = arith.constant 8 : i32
      %mul3A_128 = arith.muli %scan3A_115, %mul3A_127 : i32
      %add3A_129 = arith.constant 1 : i32
      %add3A_130 = arith.addi %mul3A_128, %add3A_129 : i32
      %mul3A_131 = arith.constant 16 : i32
      %mul3A_132 = arith.muli %add3A_130, %mul3A_131 : i32
      %get3A_133 = arith.index_cast %mul3A_132 : i32 to index
      %get3A_134 = tpu.vector_load %arg4[%get3A_133] {strides = array<i32>} : memref<16384xf32, #tpu.memory_space<vmem>>, vector<16xf32>,
      %bitcast3A_135 = vector.bitcast %get3A_134 : vector<16xf32> to vector<16xi32>
      %shift_right_logical3A_136 = arith.constant 24 : i32
      %shift_right_logical3A_137 = vector.broadcast %shift_right_logical3A_136 : i32 to vector<16xi32>
      %shift_right_logical3A_138 = arith.shrui %bitcast3A_135, %shift_right_logical3A_137 : vector<16xi32>
      %add3A_139 = arith.addi %mul3A_3, %shift_right_logical3A_138 : vector<16xi32>
      tpu.vector_store_idx %arg6[%add3A_139], %broadcast_in_dim3A_4 {add = true} : memref<4096xf32, #tpu.memory_space<vmem>>[vector<16xi32>], vector<16xf32>,
      %mul3A_140 = arith.constant 8 : i32
      %mul3A_141 = arith.muli %scan3A_115, %mul3A_140 : i32
      %add3A_142 = arith.constant 2 : i32
      %add3A_143 = arith.addi %mul3A_141, %add3A_142 : i32
      %mul3A_144 = arith.constant 16 : i32
      %mul3A_145 = arith.muli %add3A_143, %mul3A_144 : i32
      %get3A_146 = arith.index_cast %mul3A_145 : i32 to index
      %get3A_147 = tpu.vector_load %arg4[%get3A_146] {strides = array<i32>} : memref<16384xf32, #tpu.memory_space<vmem>>, vector<16xf32>,
      %bitcast3A_148 = vector.bitcast %get3A_147 : vector<16xf32> to vector<16xi32>
      %shift_right_logical3A_149 = arith.constant 24 : i32
      %shift_right_logical3A_150 = vector.broadcast %shift_right_logical3A_149 : i32 to vector<16xi32>
      %shift_right_logical3A_151 = arith.shrui %bitcast3A_148, %shift_right_logical3A_150 : vector<16xi32>
      %add3A_152 = arith.addi %mul3A_3, %shift_right_logical3A_151 : vector<16xi32>
      tpu.vector_store_idx %arg6[%add3A_152], %broadcast_in_dim3A_4 {add = true} : memref<4096xf32, #tpu.memory_space<vmem>>[vector<16xi32>], vector<16xf32>,
      %mul3A_153 = arith.constant 8 : i32
      %mul3A_154 = arith.muli %scan3A_115, %mul3A_153 : i32
      %add3A_155 = arith.constant 3 : i32
      %add3A_156 = arith.addi %mul3A_154, %add3A_155 : i32
      %mul3A_157 = arith.constant 16 : i32
      %mul3A_158 = arith.muli %add3A_156, %mul3A_157 : i32
      %get3A_159 = arith.index_cast %mul3A_158 : i32 to index
      %get3A_160 = tpu.vector_load %arg4[%get3A_159] {strides = array<i32>} : memref<16384xf32, #tpu.memory_space<vmem>>, vector<16xf32>,
      %bitcast3A_161 = vector.bitcast %get3A_160 : vector<16xf32> to vector<16xi32>
      %shift_right_logical3A_162 = arith.constant 24 : i32
      %shift_right_logical3A_163 = vector.broadcast %shift_right_logical3A_162 : i32 to vector<16xi32>
      %shift_right_logical3A_164 = arith.shrui %bitcast3A_161, %shift_right_logical3A_163 : vector<16xi32>
      %add3A_165 = arith.addi %mul3A_3, %shift_right_logical3A_164 : vector<16xi32>
      tpu.vector_store_idx %arg6[%add3A_165], %broadcast_in_dim3A_4 {add = true} : memref<4096xf32, #tpu.memory_space<vmem>>[vector<16xi32>], vector<16xf32>,
      %mul3A_166 = arith.constant 8 : i32
      %mul3A_167 = arith.muli %scan3A_115, %mul3A_166 : i32
      %add3A_168 = arith.constant 4 : i32
      %add3A_169 = arith.addi %mul3A_167, %add3A_168 : i32
      %mul3A_170 = arith.constant 16 : i32
      %mul3A_171 = arith.muli %add3A_169, %mul3A_170 : i32
      %get3A_172 = arith.index_cast %mul3A_171 : i32 to index
      %get3A_173 = tpu.vector_load %arg4[%get3A_172] {strides = array<i32>} : memref<16384xf32, #tpu.memory_space<vmem>>, vector<16xf32>,
      %bitcast3A_174 = vector.bitcast %get3A_173 : vector<16xf32> to vector<16xi32>
      %shift_right_logical3A_175 = arith.constant 24 : i32
      %shift_right_logical3A_176 = vector.broadcast %shift_right_logical3A_175 : i32 to vector<16xi32>
      %shift_right_logical3A_177 = arith.shrui %bitcast3A_174, %shift_right_logical3A_176 : vector<16xi32>
      %add3A_178 = arith.addi %mul3A_3, %shift_right_logical3A_177 : vector<16xi32>
      tpu.vector_store_idx %arg6[%add3A_178], %broadcast_in_dim3A_4 {add = true} : memref<4096xf32, #tpu.memory_space<vmem>>[vector<16xi32>], vector<16xf32>,
      %mul3A_179 = arith.constant 8 : i32
      %mul3A_180 = arith.muli %scan3A_115, %mul3A_179 : i32
      %add3A_181 = arith.constant 5 : i32
      %add3A_182 = arith.addi %mul3A_180, %add3A_181 : i32
      %mul3A_183 = arith.constant 16 : i32
      %mul3A_184 = arith.muli %add3A_182, %mul3A_183 : i32
      %get3A_185 = arith.index_cast %mul3A_184 : i32 to index
      %get3A_186 = tpu.vector_load %arg4[%get3A_185] {strides = array<i32>} : memref<16384xf32, #tpu.memory_space<vmem>>, vector<16xf32>,
      %bitcast3A_187 = vector.bitcast %get3A_186 : vector<16xf32> to vector<16xi32>
      %shift_right_logical3A_188 = arith.constant 24 : i32
      %shift_right_logical3A_189 = vector.broadcast %shift_right_logical3A_188 : i32 to vector<16xi32>
      %shift_right_logical3A_190 = arith.shrui %bitcast3A_187, %shift_right_logical3A_189 : vector<16xi32>
      %add3A_191 = arith.addi %mul3A_3, %shift_right_logical3A_190 : vector<16xi32>
      tpu.vector_store_idx %arg6[%add3A_191], %broadcast_in_dim3A_4 {add = true} : memref<4096xf32, #tpu.memory_space<vmem>>[vector<16xi32>], vector<16xf32>,
      %mul3A_192 = arith.constant 8 : i32
      %mul3A_193 = arith.muli %scan3A_115, %mul3A_192 : i32
      %add3A_194 = arith.constant 6 : i32
      %add3A_195 = arith.addi %mul3A_193, %add3A_194 : i32
      %mul3A_196 = arith.constant 16 : i32
      %mul3A_197 = arith.muli %add3A_195, %mul3A_196 : i32
      %get3A_198 = arith.index_cast %mul3A_197 : i32 to index
      %get3A_199 = tpu.vector_load %arg4[%get3A_198] {strides = array<i32>} : memref<16384xf32, #tpu.memory_space<vmem>>, vector<16xf32>,
      %bitcast3A_200 = vector.bitcast %get3A_199 : vector<16xf32> to vector<16xi32>
      %shift_right_logical3A_201 = arith.constant 24 : i32
      %shift_right_logical3A_202 = vector.broadcast %shift_right_logical3A_201 : i32 to vector<16xi32>
      %shift_right_logical3A_203 = arith.shrui %bitcast3A_200, %shift_right_logical3A_202 : vector<16xi32>
      %add3A_204 = arith.addi %mul3A_3, %shift_right_logical3A_203 : vector<16xi32>
      tpu.vector_store_idx %arg6[%add3A_204], %broadcast_in_dim3A_4 {add = true} : memref<4096xf32, #tpu.memory_space<vmem>>[vector<16xi32>], vector<16xf32>,
      %mul3A_205 = arith.constant 8 : i32
      %mul3A_206 = arith.muli %scan3A_115, %mul3A_205 : i32
      %add3A_207 = arith.constant 7 : i32
      %add3A_208 = arith.addi %mul3A_206, %add3A_207 : i32
      %mul3A_209 = arith.constant 16 : i32
      %mul3A_210 = arith.muli %add3A_208, %mul3A_209 : i32
      %get3A_211 = arith.index_cast %mul3A_210 : i32 to index
      %get3A_212 = tpu.vector_load %arg4[%get3A_211] {strides = array<i32>} : memref<16384xf32, #tpu.memory_space<vmem>>, vector<16xf32>,
      %bitcast3A_213 = vector.bitcast %get3A_212 : vector<16xf32> to vector<16xi32>
      %shift_right_logical3A_214 = arith.constant 24 : i32
      %shift_right_logical3A_215 = vector.broadcast %shift_right_logical3A_214 : i32 to vector<16xi32>
      %shift_right_logical3A_216 = arith.shrui %bitcast3A_213, %shift_right_logical3A_215 : vector<16xi32>
      %add3A_217 = arith.addi %mul3A_3, %shift_right_logical3A_216 : vector<16xi32>
      tpu.vector_store_idx %arg6[%add3A_217], %broadcast_in_dim3A_4 {add = true} : memref<4096xf32, #tpu.memory_space<vmem>>[vector<16xi32>], vector<16xf32>,
      %scan3A_218 = arith.constant 0 : i32
      scf.yield %scan3A_218 : i32
    }
    %scan3A_105 = arith.constant 128 : i32
    %dma_wait3A_106 = tpu.memref_slice %arg2[%add3A_94] : memref<4194304xf32, #tpu.memory_space<hbm>> -> memref<16384xf32, #tpu.memory_space<hbm>>
    %dma_wait3A_107 = tpu.memref_slice %arg2[%add3A_94] : memref<4194304xf32, #tpu.memory_space<hbm>> -> memref<16384xf32, #tpu.memory_space<hbm>>
    tpu.wait_dma2 semaphore(%arg8 : memref<!tpu.dma_semaphore, #tpu.memory_space<semaphore_mem>>) src(%dma_wait3A_107 : memref<16384xf32, #tpu.memory_space<hbm>>) dst(%arg5 : memref<16384xf32, #tpu.memory_space<vmem>>)
    %scan3A_108 = arith.constant 0 : i32
    %scan3A_109 = arith.constant 0 : i32
    %scan3A_110 = arith.constant 128 : i32
    %scan3A_111 = arith.addi %scan3A_109, %scan3A_110 : i32
    %scan3A_112 = arith.constant 1 : i32
    %scan3A_113 = scf.for %scan3A_115 = %scan3A_109 to %scan3A_111 step %scan3A_112 iter_args(%scan3A_116 = %scan3A_108) -> (i32)  : i32 {
      %mul3A_117 = arith.constant 8 : i32
      %mul3A_118 = arith.muli %scan3A_115, %mul3A_117 : i32
      %add3A_119 = arith.constant 0 : i32
      %add3A_120 = arith.addi %mul3A_118, %add3A_119 : i32
      %mul3A_121 = arith.constant 16 : i32
      %mul3A_122 = arith.muli %add3A_120, %mul3A_121 : i32
      %get3A = arith.index_cast %mul3A_122 : i32 to index
      %get3A_123 = tpu.vector_load %arg5[%get3A] {strides = array<i32>} : memref<16384xf32, #tpu.memory_space<vmem>>, vector<16xf32>,
      %bitcast3A = vector.bitcast %get3A_123 : vector<16xf32> to vector<16xi32>
      %shift_right_logical3A = arith.constant 24 : i32
      %shift_right_logical3A_124 = vector.broadcast %shift_right_logical3A : i32 to vector<16xi32>
      %shift_right_logical3A_125 = arith.shrui %bitcast3A, %shift_right_logical3A_124 : vector<16xi32>
      %add3A_126 = arith.addi %mul3A_3, %shift_right_logical3A_125 : vector<16xi32>
      tpu.vector_store_idx %arg6[%add3A_126], %broadcast_in_dim3A_4 {add = true} : memref<4096xf32, #tpu.memory_space<vmem>>[vector<16xi32>], vector<16xf32>,
      %mul3A_127 = arith.constant 8 : i32
      %mul3A_128 = arith.muli %scan3A_115, %mul3A_127 : i32
      %add3A_129 = arith.constant 1 : i32
      %add3A_130 = arith.addi %mul3A_128, %add3A_129 : i32
      %mul3A_131 = arith.constant 16 : i32
      %mul3A_132 = arith.muli %add3A_130, %mul3A_131 : i32
      %get3A_133 = arith.index_cast %mul3A_132 : i32 to index
      %get3A_134 = tpu.vector_load %arg5[%get3A_133] {strides = array<i32>} : memref<16384xf32, #tpu.memory_space<vmem>>, vector<16xf32>,
      %bitcast3A_135 = vector.bitcast %get3A_134 : vector<16xf32> to vector<16xi32>
      %shift_right_logical3A_136 = arith.constant 24 : i32
      %shift_right_logical3A_137 = vector.broadcast %shift_right_logical3A_136 : i32 to vector<16xi32>
      %shift_right_logical3A_138 = arith.shrui %bitcast3A_135, %shift_right_logical3A_137 : vector<16xi32>
      %add3A_139 = arith.addi %mul3A_3, %shift_right_logical3A_138 : vector<16xi32>
      tpu.vector_store_idx %arg6[%add3A_139], %broadcast_in_dim3A_4 {add = true} : memref<4096xf32, #tpu.memory_space<vmem>>[vector<16xi32>], vector<16xf32>,
      %mul3A_140 = arith.constant 8 : i32
      %mul3A_141 = arith.muli %scan3A_115, %mul3A_140 : i32
      %add3A_142 = arith.constant 2 : i32
      %add3A_143 = arith.addi %mul3A_141, %add3A_142 : i32
      %mul3A_144 = arith.constant 16 : i32
      %mul3A_145 = arith.muli %add3A_143, %mul3A_144 : i32
      %get3A_146 = arith.index_cast %mul3A_145 : i32 to index
      %get3A_147 = tpu.vector_load %arg5[%get3A_146] {strides = array<i32>} : memref<16384xf32, #tpu.memory_space<vmem>>, vector<16xf32>,
      %bitcast3A_148 = vector.bitcast %get3A_147 : vector<16xf32> to vector<16xi32>
      %shift_right_logical3A_149 = arith.constant 24 : i32
      %shift_right_logical3A_150 = vector.broadcast %shift_right_logical3A_149 : i32 to vector<16xi32>
      %shift_right_logical3A_151 = arith.shrui %bitcast3A_148, %shift_right_logical3A_150 : vector<16xi32>
      %add3A_152 = arith.addi %mul3A_3, %shift_right_logical3A_151 : vector<16xi32>
      tpu.vector_store_idx %arg6[%add3A_152], %broadcast_in_dim3A_4 {add = true} : memref<4096xf32, #tpu.memory_space<vmem>>[vector<16xi32>], vector<16xf32>,
      %mul3A_153 = arith.constant 8 : i32
      %mul3A_154 = arith.muli %scan3A_115, %mul3A_153 : i32
      %add3A_155 = arith.constant 3 : i32
      %add3A_156 = arith.addi %mul3A_154, %add3A_155 : i32
      %mul3A_157 = arith.constant 16 : i32
      %mul3A_158 = arith.muli %add3A_156, %mul3A_157 : i32
      %get3A_159 = arith.index_cast %mul3A_158 : i32 to index
      %get3A_160 = tpu.vector_load %arg5[%get3A_159] {strides = array<i32>} : memref<16384xf32, #tpu.memory_space<vmem>>, vector<16xf32>,
      %bitcast3A_161 = vector.bitcast %get3A_160 : vector<16xf32> to vector<16xi32>
      %shift_right_logical3A_162 = arith.constant 24 : i32
      %shift_right_logical3A_163 = vector.broadcast %shift_right_logical3A_162 : i32 to vector<16xi32>
      %shift_right_logical3A_164 = arith.shrui %bitcast3A_161, %shift_right_logical3A_163 : vector<16xi32>
      %add3A_165 = arith.addi %mul3A_3, %shift_right_logical3A_164 : vector<16xi32>
      tpu.vector_store_idx %arg6[%add3A_165], %broadcast_in_dim3A_4 {add = true} : memref<4096xf32, #tpu.memory_space<vmem>>[vector<16xi32>], vector<16xf32>,
      %mul3A_166 = arith.constant 8 : i32
      %mul3A_167 = arith.muli %scan3A_115, %mul3A_166 : i32
      %add3A_168 = arith.constant 4 : i32
      %add3A_169 = arith.addi %mul3A_167, %add3A_168 : i32
      %mul3A_170 = arith.constant 16 : i32
      %mul3A_171 = arith.muli %add3A_169, %mul3A_170 : i32
      %get3A_172 = arith.index_cast %mul3A_171 : i32 to index
      %get3A_173 = tpu.vector_load %arg5[%get3A_172] {strides = array<i32>} : memref<16384xf32, #tpu.memory_space<vmem>>, vector<16xf32>,
      %bitcast3A_174 = vector.bitcast %get3A_173 : vector<16xf32> to vector<16xi32>
      %shift_right_logical3A_175 = arith.constant 24 : i32
      %shift_right_logical3A_176 = vector.broadcast %shift_right_logical3A_175 : i32 to vector<16xi32>
      %shift_right_logical3A_177 = arith.shrui %bitcast3A_174, %shift_right_logical3A_176 : vector<16xi32>
      %add3A_178 = arith.addi %mul3A_3, %shift_right_logical3A_177 : vector<16xi32>
      tpu.vector_store_idx %arg6[%add3A_178], %broadcast_in_dim3A_4 {add = true} : memref<4096xf32, #tpu.memory_space<vmem>>[vector<16xi32>], vector<16xf32>,
      %mul3A_179 = arith.constant 8 : i32
      %mul3A_180 = arith.muli %scan3A_115, %mul3A_179 : i32
      %add3A_181 = arith.constant 5 : i32
      %add3A_182 = arith.addi %mul3A_180, %add3A_181 : i32
      %mul3A_183 = arith.constant 16 : i32
      %mul3A_184 = arith.muli %add3A_182, %mul3A_183 : i32
      %get3A_185 = arith.index_cast %mul3A_184 : i32 to index
      %get3A_186 = tpu.vector_load %arg5[%get3A_185] {strides = array<i32>} : memref<16384xf32, #tpu.memory_space<vmem>>, vector<16xf32>,
      %bitcast3A_187 = vector.bitcast %get3A_186 : vector<16xf32> to vector<16xi32>
      %shift_right_logical3A_188 = arith.constant 24 : i32
      %shift_right_logical3A_189 = vector.broadcast %shift_right_logical3A_188 : i32 to vector<16xi32>
      %shift_right_logical3A_190 = arith.shrui %bitcast3A_187, %shift_right_logical3A_189 : vector<16xi32>
      %add3A_191 = arith.addi %mul3A_3, %shift_right_logical3A_190 : vector<16xi32>
      tpu.vector_store_idx %arg6[%add3A_191], %broadcast_in_dim3A_4 {add = true} : memref<4096xf32, #tpu.memory_space<vmem>>[vector<16xi32>], vector<16xf32>,
      %mul3A_192 = arith.constant 8 : i32
      %mul3A_193 = arith.muli %scan3A_115, %mul3A_192 : i32
      %add3A_194 = arith.constant 6 : i32
      %add3A_195 = arith.addi %mul3A_193, %add3A_194 : i32
      %mul3A_196 = arith.constant 16 : i32
      %mul3A_197 = arith.muli %add3A_195, %mul3A_196 : i32
      %get3A_198 = arith.index_cast %mul3A_197 : i32 to index
      %get3A_199 = tpu.vector_load %arg5[%get3A_198] {strides = array<i32>} : memref<16384xf32, #tpu.memory_space<vmem>>, vector<16xf32>,
      %bitcast3A_200 = vector.bitcast %get3A_199 : vector<16xf32> to vector<16xi32>
      %shift_right_logical3A_201 = arith.constant 24 : i32
      %shift_right_logical3A_202 = vector.broadcast %shift_right_logical3A_201 : i32 to vector<16xi32>
      %shift_right_logical3A_203 = arith.shrui %bitcast3A_200, %shift_right_logical3A_202 : vector<16xi32>
      %add3A_204 = arith.addi %mul3A_3, %shift_right_logical3A_203 : vector<16xi32>
      tpu.vector_store_idx %arg6[%add3A_204], %broadcast_in_dim3A_4 {add = true} : memref<4096xf32, #tpu.memory_space<vmem>>[vector<16xi32>], vector<16xf32>,
      %mul3A_205 = arith.constant 8 : i32
      %mul3A_206 = arith.muli %scan3A_115, %mul3A_205 : i32
      %add3A_207 = arith.constant 7 : i32
      %add3A_208 = arith.addi %mul3A_206, %add3A_207 : i32
      %mul3A_209 = arith.constant 16 : i32
      %mul3A_210 = arith.muli %add3A_208, %mul3A_209 : i32
      %get3A_211 = arith.index_cast %mul3A_210 : i32 to index
      %get3A_212 = tpu.vector_load %arg5[%get3A_211] {strides = array<i32>} : memref<16384xf32, #tpu.memory_space<vmem>>, vector<16xf32>,
      %bitcast3A_213 = vector.bitcast %get3A_212 : vector<16xf32> to vector<16xi32>
      %shift_right_logical3A_214 = arith.constant 24 : i32
      %shift_right_logical3A_215 = vector.broadcast %shift_right_logical3A_214 : i32 to vector<16xi32>
      %shift_right_logical3A_216 = arith.shrui %bitcast3A_213, %shift_right_logical3A_215 : vector<16xi32>
      %add3A_217 = arith.addi %mul3A_3, %shift_right_logical3A_216 : vector<16xi32>
      tpu.vector_store_idx %arg6[%add3A_217], %broadcast_in_dim3A_4 {add = true} : memref<4096xf32, #tpu.memory_space<vmem>>[vector<16xi32>], vector<16xf32>,
      %scan3A_218 = arith.constant 0 : i32
      scf.yield %scan3A_218 : i32
    }
    %scan3A_114 = arith.constant 128 : i32
    "tpu.region"() ({
      %run_scoped3A = tpu.sem_alloc : memref<!tpu.dma_semaphore, #tpu.memory_space<semaphore_mem>>
      %dma_start3A_115 = arith.constant 0 : i32
      %dma_start3A_116 = tpu.memref_slice %arg3[%add3A, %dma_start3A_115] : memref<32x4096xf32, #tpu.memory_space<hbm>> -> memref<1x4096xf32, #tpu.memory_space<hbm>>
      %dma_start3A_117 = tpu.memref_squeeze %dma_start3A_116 : memref<1x4096xf32, #tpu.memory_space<hbm>> -> memref<4096xf32, #tpu.memory_space<hbm>>
      %dma_start3A_118 = arith.constant 0 : i32
      %dma_start3A_119 = tpu.memref_slice %arg3[%add3A, %dma_start3A_118] : memref<32x4096xf32, #tpu.memory_space<hbm>> -> memref<1x4096xf32, #tpu.memory_space<hbm>>
      %dma_start3A_120 = tpu.memref_squeeze %dma_start3A_119 : memref<1x4096xf32, #tpu.memory_space<hbm>> -> memref<4096xf32, #tpu.memory_space<hbm>>
      tpu.enqueue_dma source(%arg6 : memref<4096xf32, #tpu.memory_space<vmem>>) target(%dma_start3A_120 : memref<4096xf32, #tpu.memory_space<hbm>>) target_semaphore(%run_scoped3A : memref<!tpu.dma_semaphore, #tpu.memory_space<semaphore_mem>>)
      %dma_wait3A_121 = arith.constant 0 : i32
      %dma_wait3A_122 = tpu.memref_slice %arg3[%add3A, %dma_wait3A_121] : memref<32x4096xf32, #tpu.memory_space<hbm>> -> memref<1x4096xf32, #tpu.memory_space<hbm>>
      %dma_wait3A_123 = tpu.memref_squeeze %dma_wait3A_122 : memref<1x4096xf32, #tpu.memory_space<hbm>> -> memref<4096xf32, #tpu.memory_space<hbm>>
      %dma_wait3A_124 = arith.constant 0 : i32
      %dma_wait3A_125 = tpu.memref_slice %arg3[%add3A, %dma_wait3A_124] : memref<32x4096xf32, #tpu.memory_space<hbm>> -> memref<1x4096xf32, #tpu.memory_space<hbm>>
      %dma_wait3A_126 = tpu.memref_squeeze %dma_wait3A_125 : memref<1x4096xf32, #tpu.memory_space<hbm>> -> memref<4096xf32, #tpu.memory_space<hbm>>
      tpu.wait_dma2 semaphore(%run_scoped3A : memref<!tpu.dma_semaphore, #tpu.memory_space<semaphore_mem>>) src(%arg6 : memref<4096xf32, #tpu.memory_space<vmem>>) dst(%dma_wait3A_126 : memref<4096xf32, #tpu.memory_space<hbm>>)
      tpu.yield
    }) : () -> ()
    return
  }
}

module attributes {stable_mosaic.version = 14 : i64} {
  func.func @_loss_body(%arg0: i32, %arg1: memref<512x1024xf32, #tpu.memory_space<vmem>>, %arg2: memref<512x1024xf32, #tpu.memory_space<vmem>>, %arg3: memref<512x1024xf32, #tpu.memory_space<vmem>>) attributes {dimension_semantics = [#tpu.dimension_semantics<arbitrary>], iteration_bounds = array<i64: 8>, scalar_prefetch = 0 : i64, scratch_operands = 0 : i64, tpu.core_type = #tpu.core_type<tc>, window_params = [{transform_indices = @transform_0, window_bounds = array<i64: 512, 1024>}, {transform_indices = @transform_1, window_bounds = array<i64: 512, 1024>}, {transform_indices = @transform_2, window_bounds = array<i64: 512, 1024>}]} {
    %get3A = arith.constant 0 : index
    %get3A_0 = arith.constant 0 : index
    %get3A_1 = vector.load %arg1[%get3A, %get3A_0] : memref<512x1024xf32, #tpu.memory_space<vmem>>, vector<512x1024xf32>
    %get3A_2 = arith.constant 0 : index
    %get3A_3 = arith.constant 0 : index
    %get3A_4 = vector.load %arg2[%get3A_2, %get3A_3] : memref<512x1024xf32, #tpu.memory_space<vmem>>, vector<512x1024xf32>
    %max3A = arith.constant 0.000000e+00 : f32
    %max3A_5 = vector.broadcast %max3A : f32 to vector<512x1024xf32>
    %max3A_6 = arith.maximumf %get3A_1, %max3A_5 : vector<512x1024xf32>
    %mul3A = arith.mulf %get3A_1, %get3A_4 : vector<512x1024xf32>
    %sub3A = arith.subf %max3A_6, %mul3A : vector<512x1024xf32>
    %abs3A = math.absf %get3A_1 : vector<512x1024xf32>
    %neg3A = arith.constant 0.000000e+00 : f32
    %neg3A_7 = vector.broadcast %neg3A : f32 to vector<512x1024xf32>
    %neg3A_8 = arith.subf %neg3A_7, %abs3A : vector<512x1024xf32>
    %exp3A = math.exp %neg3A_8 : vector<512x1024xf32>
    %log1p3A = math.log1p %exp3A : vector<512x1024xf32>
    %add3A = arith.addf %sub3A, %log1p3A : vector<512x1024xf32>
    %swap3A = arith.constant 0 : index
    %swap3A_9 = arith.constant 0 : index
    %swap3A_10 = vector.load %arg3[%swap3A, %swap3A_9] : memref<512x1024xf32, #tpu.memory_space<vmem>>, vector<512x1024xf32>
    tpu.vector_store %arg3[%swap3A, %swap3A_9], %add3A {strides = array<i32>} : memref<512x1024xf32, #tpu.memory_space<vmem>>, vector<512x1024xf32>,
    return
  }
  func.func @transform_0(%arg0: i32) -> (i32, i32) {
    %c0_i32 = arith.constant 0 : i32
    %c0_i32_0 = arith.constant 0 : i32
    return %arg0, %c0_i32 : i32, i32
  }
  func.func @transform_1(%arg0: i32) -> (i32, i32) {
    %c0_i32 = arith.constant 0 : i32
    %c0_i32_0 = arith.constant 0 : i32
    return %arg0, %c0_i32 : i32, i32
  }
  func.func @transform_2(%arg0: i32) -> (i32, i32) {
    %c0_i32 = arith.constant 0 : i32
    %c0_i32_0 = arith.constant 0 : i32
    return %arg0, %c0_i32 : i32, i32
  }
}

module attributes {stable_mosaic.version = 14 : i64} {
  func.func @_sel1_body(%arg0: memref<512x256xf32, #tpu.memory_space<vmem>>, %arg1: memref<1x128xf32, #tpu.memory_space<vmem>>) attributes {dimension_semantics = [], scalar_prefetch = 0 : i64, scratch_operands = 0 : i64, tpu.core_type = #tpu.core_type<tc>} {
    %get3A = arith.constant 0 : index
    %get3A_0 = arith.constant 0 : index
    %get3A_1 = vector.load %arg0[%get3A, %get3A_0] : memref<512x256xf32, #tpu.memory_space<vmem>>, vector<512x256xf32>
    %reduce_sum3A = arith.constant dense<0.000000e+00> : vector<256xf32>
    %reduce_sum3A_2 = vector.multi_reduction <add>, %get3A_1, %reduce_sum3A [0] : vector<512x256xf32> to vector<256xf32>
    %broadcast_in_dim3A = vector.shape_cast %reduce_sum3A_2 : vector<256xf32> to vector<1x256xf32>
    %iota3A = tpu.iota {dimensions = array<i32: 0>} : vector<256x256xi32>
    %iota3A_3 = tpu.iota {dimensions = array<i32: 1>} : vector<256x256xi32>
    %gt3A = arith.cmpi sgt, %iota3A_3, %iota3A : vector<256x256xi32>
    %jit3A = arith.constant 0.000000e+00 : f32
    %broadcast_in_dim3A_4 = vector.shape_cast %broadcast_in_dim3A : vector<1x256xf32> to vector<1x256xf32>
    %broadcast_in_dim3A_5 = vector.broadcast %broadcast_in_dim3A_4 : vector<1x256xf32> to vector<256x256xf32>
    %broadcast_in_dim3A_6 = vector.broadcast %jit3A : f32 to vector<256x256xf32>
    %select_n3A = arith.select %gt3A, %broadcast_in_dim3A_5, %broadcast_in_dim3A_6 : vector<256x256xi1>, vector<256x256xf32>
    %reduce_sum3A_7 = arith.constant dense<0.000000e+00> : vector<256xf32>
    %reduce_sum3A_8 = vector.multi_reduction <add>, %select_n3A, %reduce_sum3A_7 [1] : vector<256x256xf32> to vector<256xf32>
    %broadcast_in_dim3A_9 = vector.shape_cast %reduce_sum3A_8 : vector<256xf32> to vector<256x1xf32>
    %iota3A_10 = tpu.iota {dimensions = array<i32: 0>} : vector<256x1xi32>
    %lt3A = arith.constant 0x49999998 : f32
    %lt3A_11 = vector.broadcast %lt3A : f32 to vector<256x1xf32>
    %lt3A_12 = arith.cmpf olt, %broadcast_in_dim3A_9, %lt3A_11 : vector<256x1xf32>
    %jit3A_13 = arith.constant 256 : i32
    %broadcast_in_dim3A_14 = vector.broadcast %jit3A_13 : i32 to vector<256x1xi32>
    %select_n3A_15 = arith.select %lt3A_12, %iota3A_10, %broadcast_in_dim3A_14 : vector<256x1xi1>, vector<256x1xi32>
    %reduce_min3A = vector.shape_cast %select_n3A_15 : vector<256x1xi32> to vector<1x256x1xi32>
    %reduce_min3A_16 = arith.constant dense<2147483647> : vector<1xi32>
    %reduce_min3A_17 = vector.multi_reduction <minsi>, %reduce_min3A, %reduce_min3A_16 [1, 2] : vector<1x256x1xi32> to vector<1xi32>
    %reduce_min3A_18 = vector.shape_cast %reduce_min3A_17 : vector<1xi32> to vector<1x1x1xi32>
    %reduce_min3A_19 = vector.extract %reduce_min3A_18[0, 0, 0] : i32 from vector<1x1x1xi32>
    %eq3A = vector.broadcast %reduce_min3A_19 : i32 to vector<256x1xi32>
    %eq3A_20 = arith.cmpi eq, %iota3A_10, %eq3A : vector<256x1xi32>
    %jit3A_21 = arith.constant 0.000000e+00 : f32
    %broadcast_in_dim3A_22 = vector.broadcast %jit3A_21 : f32 to vector<256x1xf32>
    %select_n3A_23 = arith.select %eq3A_20, %broadcast_in_dim3A_9, %broadcast_in_dim3A_22 : vector<256x1xi1>, vector<256x1xf32>
    %reduce_sum3A_24 = vector.shape_cast %select_n3A_23 : vector<256x1xf32> to vector<1x256x1xf32>
    %reduce_sum3A_25 = arith.constant dense<0.000000e+00> : vector<1xf32>
    %reduce_sum3A_26 = vector.multi_reduction <add>, %reduce_sum3A_24, %reduce_sum3A_25 [1, 2] : vector<1x256x1xf32> to vector<1xf32>
    %reduce_sum3A_27 = vector.shape_cast %reduce_sum3A_26 : vector<1xf32> to vector<1x1x1xf32>
    %reduce_sum3A_28 = vector.extract %reduce_sum3A_27[0, 0, 0] : f32 from vector<1x1x1xf32>
    %sub3A = arith.constant 0x49999998 : f32
    %sub3A_29 = arith.subf %sub3A, %reduce_sum3A_28 : f32
    %iota3A_30 = tpu.iota {dimensions = array<i32: 1>} : vector<1x128xi32>
    %eq3A_31 = arith.constant 0 : i32
    %eq3A_32 = vector.broadcast %eq3A_31 : i32 to vector<1x128xi32>
    %eq3A_33 = arith.cmpi eq, %iota3A_30, %eq3A_32 : vector<1x128xi32>
    %convert_element_type3A = arith.sitofp %reduce_min3A_19 : i32 to f32
    %eq3A_34 = arith.constant 1 : i32
    %eq3A_35 = vector.broadcast %eq3A_34 : i32 to vector<1x128xi32>
    %eq3A_36 = arith.cmpi eq, %iota3A_30, %eq3A_35 : vector<1x128xi32>
    %jit3A_37 = arith.constant 0.000000e+00 : f32
    %broadcast_in_dim3A_38 = vector.broadcast %sub3A_29 : f32 to vector<1x128xf32>
    %broadcast_in_dim3A_39 = vector.broadcast %jit3A_37 : f32 to vector<1x128xf32>
    %select_n3A_40 = arith.select %eq3A_36, %broadcast_in_dim3A_38, %broadcast_in_dim3A_39 : vector<1x128xi1>, vector<1x128xf32>
    %broadcast_in_dim3A_41 = vector.broadcast %convert_element_type3A : f32 to vector<1x128xf32>
    %select_n3A_42 = arith.select %eq3A_33, %broadcast_in_dim3A_41, %select_n3A_40 : vector<1x128xi1>, vector<1x128xf32>
    %swap3A = arith.constant 0 : index
    %swap3A_43 = arith.constant 0 : index
    %swap3A_44 = vector.load %arg1[%swap3A, %swap3A_43] : memref<1x128xf32, #tpu.memory_space<vmem>>, vector<1x128xf32>
    tpu.vector_store %arg1[%swap3A, %swap3A_43], %select_n3A_42 {strides = array<i32>} : memref<1x128xf32, #tpu.memory_space<vmem>>, vector<1x128xf32>,
    return
  }
}

module attributes {stable_mosaic.version = 14 : i64} {
  func.func @_fin_body(%arg0: memref<512x1024xf32, #tpu.memory_space<vmem>>, %arg1: memref<512x1024xf32, #tpu.memory_space<vmem>>, %arg2: memref<32x16xf32, #tpu.memory_space<vmem>>, %arg3: memref<1x128xf32, #tpu.memory_space<vmem>>, %arg4: memref<1x128xf32, #tpu.memory_space<vmem>>) attributes {dimension_semantics = [], scalar_prefetch = 0 : i64, scratch_operands = 0 : i64, tpu.core_type = #tpu.core_type<tc>} {
    %get3A = arith.constant 0 : index
    %get3A_0 = arith.constant 0 : index
    %get3A_1 = vector.load %arg0[%get3A, %get3A_0] : memref<512x1024xf32, #tpu.memory_space<vmem>>, vector<512x1024xf32>
    %reduce_sum3A = arith.constant dense<0.000000e+00> : vector<1024xf32>
    %reduce_sum3A_2 = vector.multi_reduction <add>, %get3A_1, %reduce_sum3A [0] : vector<512x1024xf32> to vector<1024xf32>
    %broadcast_in_dim3A = vector.shape_cast %reduce_sum3A_2 : vector<1024xf32> to vector<1x1024xf32>
    %get3A_3 = arith.constant 0 : index
    %get3A_4 = arith.constant 0 : index
    %get3A_5 = vector.load %arg1[%get3A_3, %get3A_4] : memref<512x1024xf32, #tpu.memory_space<vmem>>, vector<512x1024xf32>
    %reduce_sum3A_6 = arith.constant dense<0.000000e+00> : vector<1024xf32>
    %reduce_sum3A_7 = vector.multi_reduction <add>, %get3A_5, %reduce_sum3A_6 [0] : vector<512x1024xf32> to vector<1024xf32>
    %broadcast_in_dim3A_8 = vector.shape_cast %reduce_sum3A_7 : vector<1024xf32> to vector<1x1024xf32>
    %get3A_9 = arith.constant 0 : index
    %get3A_10 = arith.constant 0 : index
    %get3A_11 = vector.load %arg2[%get3A_9, %get3A_10] : memref<32x16xf32, #tpu.memory_space<vmem>>, vector<32x16xf32>
    %reduce_sum3A_12 = vector.shape_cast %get3A_11 : vector<32x16xf32> to vector<1x32x16xf32>
    %reduce_sum3A_13 = arith.constant dense<0.000000e+00> : vector<1xf32>
    %reduce_sum3A_14 = vector.multi_reduction <add>, %reduce_sum3A_12, %reduce_sum3A_13 [1, 2] : vector<1x32x16xf32> to vector<1xf32>
    %reduce_sum3A_15 = vector.shape_cast %reduce_sum3A_14 : vector<1xf32> to vector<1x1x1xf32>
    %reduce_sum3A_16 = vector.extract %reduce_sum3A_15[0, 0, 0] : f32 from vector<1x1x1xf32>
    %iota3A = tpu.iota {dimensions = array<i32: 1>} : vector<1x128xi32>
    %eq3A = arith.constant 1 : i32
    %eq3A_17 = vector.broadcast %eq3A : i32 to vector<1x128xi32>
    %eq3A_18 = arith.cmpi eq, %iota3A, %eq3A_17 : vector<1x128xi32>
    %get3A_19 = arith.constant 0 : index
    %get3A_20 = arith.constant 0 : index
    %get3A_21 = vector.load %arg3[%get3A_19, %get3A_20] : memref<1x128xf32, #tpu.memory_space<vmem>>, vector<1x128xf32>
    %jit3A = arith.constant 0.000000e+00 : f32
    %broadcast_in_dim3A_22 = vector.broadcast %jit3A : f32 to vector<1x128xf32>
    %select_n3A = arith.select %eq3A_18, %get3A_21, %broadcast_in_dim3A_22 : vector<1x128xi1>, vector<1x128xf32>
    %reduce_sum3A_23 = vector.shape_cast %select_n3A : vector<1x128xf32> to vector<1x1x128xf32>
    %reduce_sum3A_24 = arith.constant dense<0.000000e+00> : vector<1xf32>
    %reduce_sum3A_25 = vector.multi_reduction <add>, %reduce_sum3A_23, %reduce_sum3A_24 [1, 2] : vector<1x1x128xf32> to vector<1xf32>
    %reduce_sum3A_26 = vector.shape_cast %reduce_sum3A_25 : vector<1xf32> to vector<1x1x1xf32>
    %reduce_sum3A_27 = vector.extract %reduce_sum3A_26[0, 0, 0] : f32 from vector<1x1x1xf32>
    %iota3A_28 = tpu.iota {dimensions = array<i32: 0>} : vector<1024x1024xi32>
    %iota3A_29 = tpu.iota {dimensions = array<i32: 1>} : vector<1024x1024xi32>
    %gt3A = arith.cmpi sgt, %iota3A_29, %iota3A_28 : vector<1024x1024xi32>
    %jit3A_30 = arith.constant 0.000000e+00 : f32
    %broadcast_in_dim3A_31 = vector.shape_cast %broadcast_in_dim3A : vector<1x1024xf32> to vector<1x1024xf32>
    %broadcast_in_dim3A_32 = vector.broadcast %broadcast_in_dim3A_31 : vector<1x1024xf32> to vector<1024x1024xf32>
    %broadcast_in_dim3A_33 = vector.broadcast %jit3A_30 : f32 to vector<1024x1024xf32>
    %select_n3A_34 = arith.select %gt3A, %broadcast_in_dim3A_32, %broadcast_in_dim3A_33 : vector<1024x1024xi1>, vector<1024x1024xf32>
    %reduce_sum3A_35 = arith.constant dense<0.000000e+00> : vector<1024xf32>
    %reduce_sum3A_36 = vector.multi_reduction <add>, %select_n3A_34, %reduce_sum3A_35 [1] : vector<1024x1024xf32> to vector<1024xf32>
    %broadcast_in_dim3A_37 = vector.shape_cast %reduce_sum3A_36 : vector<1024xf32> to vector<1024x1xf32>
    %jit3A_38 = arith.constant 0.000000e+00 : f32
    %broadcast_in_dim3A_39 = vector.shape_cast %broadcast_in_dim3A_8 : vector<1x1024xf32> to vector<1x1024xf32>
    %broadcast_in_dim3A_40 = vector.broadcast %broadcast_in_dim3A_39 : vector<1x1024xf32> to vector<1024x1024xf32>
    %broadcast_in_dim3A_41 = vector.broadcast %jit3A_38 : f32 to vector<1024x1024xf32>
    %select_n3A_42 = arith.select %gt3A, %broadcast_in_dim3A_40, %broadcast_in_dim3A_41 : vector<1024x1024xi1>, vector<1024x1024xf32>
    %reduce_sum3A_43 = arith.constant dense<0.000000e+00> : vector<1024xf32>
    %reduce_sum3A_44 = vector.multi_reduction <add>, %select_n3A_42, %reduce_sum3A_43 [1] : vector<1024x1024xf32> to vector<1024xf32>
    %broadcast_in_dim3A_45 = vector.shape_cast %reduce_sum3A_44 : vector<1024xf32> to vector<1024x1xf32>
    %iota3A_46 = tpu.iota {dimensions = array<i32: 0>} : vector<1024x1xi32>
    %lt3A = vector.broadcast %reduce_sum3A_27 : f32 to vector<1024x1xf32>
    %lt3A_47 = arith.cmpf olt, %broadcast_in_dim3A_37, %lt3A : vector<1024x1xf32>
    %jit3A_48 = arith.constant 1024 : i32
    %broadcast_in_dim3A_49 = vector.broadcast %jit3A_48 : i32 to vector<1024x1xi32>
    %select_n3A_50 = arith.select %lt3A_47, %iota3A_46, %broadcast_in_dim3A_49 : vector<1024x1xi1>, vector<1024x1xi32>
    %reduce_min3A = vector.shape_cast %select_n3A_50 : vector<1024x1xi32> to vector<1x1024x1xi32>
    %reduce_min3A_51 = arith.constant dense<2147483647> : vector<1xi32>
    %reduce_min3A_52 = vector.multi_reduction <minsi>, %reduce_min3A, %reduce_min3A_51 [1, 2] : vector<1x1024x1xi32> to vector<1xi32>
    %reduce_min3A_53 = vector.shape_cast %reduce_min3A_52 : vector<1xi32> to vector<1x1x1xi32>
    %reduce_min3A_54 = vector.extract %reduce_min3A_53[0, 0, 0] : i32 from vector<1x1x1xi32>
    %eq3A_55 = vector.broadcast %reduce_min3A_54 : i32 to vector<1024x1xi32>
    %eq3A_56 = arith.cmpi eq, %iota3A_46, %eq3A_55 : vector<1024x1xi32>
    %jit3A_57 = arith.constant 0.000000e+00 : f32
    %broadcast_in_dim3A_58 = vector.broadcast %jit3A_57 : f32 to vector<1024x1xf32>
    %select_n3A_59 = arith.select %eq3A_56, %broadcast_in_dim3A_37, %broadcast_in_dim3A_58 : vector<1024x1xi1>, vector<1024x1xf32>
    %reduce_sum3A_60 = vector.shape_cast %select_n3A_59 : vector<1024x1xf32> to vector<1x1024x1xf32>
    %reduce_sum3A_61 = arith.constant dense<0.000000e+00> : vector<1xf32>
    %reduce_sum3A_62 = vector.multi_reduction <add>, %reduce_sum3A_60, %reduce_sum3A_61 [1, 2] : vector<1x1024x1xf32> to vector<1xf32>
    %reduce_sum3A_63 = vector.shape_cast %reduce_sum3A_62 : vector<1xf32> to vector<1x1x1xf32>
    %reduce_sum3A_64 = vector.extract %reduce_sum3A_63[0, 0, 0] : f32 from vector<1x1x1xf32>
    %sub3A = arith.subf %reduce_sum3A_27, %reduce_sum3A_64 : f32
    %jit3A_65 = arith.constant 0.000000e+00 : f32
    %broadcast_in_dim3A_66 = vector.broadcast %jit3A_65 : f32 to vector<1024x1xf32>
    %select_n3A_67 = arith.select %eq3A_56, %broadcast_in_dim3A_45, %broadcast_in_dim3A_66 : vector<1024x1xi1>, vector<1024x1xf32>
    %reduce_sum3A_68 = vector.shape_cast %select_n3A_67 : vector<1024x1xf32> to vector<1x1024x1xf32>
    %reduce_sum3A_69 = arith.constant dense<0.000000e+00> : vector<1xf32>
    %reduce_sum3A_70 = vector.multi_reduction <add>, %reduce_sum3A_68, %reduce_sum3A_69 [1, 2] : vector<1x1024x1xf32> to vector<1xf32>
    %reduce_sum3A_71 = vector.shape_cast %reduce_sum3A_70 : vector<1xf32> to vector<1x1x1xf32>
    %reduce_sum3A_72 = vector.extract %reduce_sum3A_71[0, 0, 0] : f32 from vector<1x1x1xf32>
    %iota3A_73 = tpu.iota {dimensions = array<i32: 1>} : vector<1x1024xi32>
    %eq3A_74 = vector.broadcast %reduce_min3A_54 : i32 to vector<1x1024xi32>
    %eq3A_75 = arith.cmpi eq, %iota3A_73, %eq3A_74 : vector<1x1024xi32>
    %jit3A_76 = arith.constant 0.000000e+00 : f32
    %broadcast_in_dim3A_77 = vector.broadcast %jit3A_76 : f32 to vector<1x1024xf32>
    %select_n3A_78 = arith.select %eq3A_75, %broadcast_in_dim3A, %broadcast_in_dim3A_77 : vector<1x1024xi1>, vector<1x1024xf32>
    %reduce_sum3A_79 = vector.shape_cast %select_n3A_78 : vector<1x1024xf32> to vector<1x1x1024xf32>
    %reduce_sum3A_80 = arith.constant dense<0.000000e+00> : vector<1xf32>
    %reduce_sum3A_81 = vector.multi_reduction <add>, %reduce_sum3A_79, %reduce_sum3A_80 [1, 2] : vector<1x1x1024xf32> to vector<1xf32>
    %reduce_sum3A_82 = vector.shape_cast %reduce_sum3A_81 : vector<1xf32> to vector<1x1x1xf32>
    %reduce_sum3A_83 = vector.extract %reduce_sum3A_82[0, 0, 0] : f32 from vector<1x1x1xf32>
    %eq3A_84 = vector.broadcast %reduce_min3A_54 : i32 to vector<1x1024xi32>
    %eq3A_85 = arith.cmpi eq, %iota3A_73, %eq3A_84 : vector<1x1024xi32>
    %jit3A_86 = arith.constant 0.000000e+00 : f32
    %broadcast_in_dim3A_87 = vector.broadcast %jit3A_86 : f32 to vector<1x1024xf32>
    %select_n3A_88 = arith.select %eq3A_85, %broadcast_in_dim3A_8, %broadcast_in_dim3A_87 : vector<1x1024xi1>, vector<1x1024xf32>
    %reduce_sum3A_89 = vector.shape_cast %select_n3A_88 : vector<1x1024xf32> to vector<1x1x1024xf32>
    %reduce_sum3A_90 = arith.constant dense<0.000000e+00> : vector<1xf32>
    %reduce_sum3A_91 = vector.multi_reduction <add>, %reduce_sum3A_89, %reduce_sum3A_90 [1, 2] : vector<1x1x1024xf32> to vector<1xf32>
    %reduce_sum3A_92 = vector.shape_cast %reduce_sum3A_91 : vector<1xf32> to vector<1x1x1xf32>
    %reduce_sum3A_93 = vector.extract %reduce_sum3A_92[0, 0, 0] : f32 from vector<1x1x1xf32>
    %max3A = arith.constant 1.000000e+00 : f32
    %max3A_94 = arith.maximumf %reduce_sum3A_83, %max3A : f32
    %div3A = arith.divf %reduce_sum3A_93, %max3A_94 : f32
    %add3A = arith.addf %reduce_sum3A_16, %reduce_sum3A_72 : f32
    %mul3A = arith.mulf %sub3A, %div3A : f32
    %add3A_95 = arith.addf %add3A, %mul3A : f32
    %iota3A_96 = tpu.iota {dimensions = array<i32: 1>} : vector<1x128xi32>
    %eq3A_97 = arith.constant 0 : i32
    %eq3A_98 = vector.broadcast %eq3A_97 : i32 to vector<1x128xi32>
    %eq3A_99 = arith.cmpi eq, %iota3A_96, %eq3A_98 : vector<1x128xi32>
    %div3A_100 = arith.constant 0x49999998 : f32
    %div3A_101 = arith.divf %add3A_95, %div3A_100 : f32
    %jit3A_102 = arith.constant 0.000000e+00 : f32
    %broadcast_in_dim3A_103 = vector.broadcast %div3A_101 : f32 to vector<1x128xf32>
    %broadcast_in_dim3A_104 = vector.broadcast %jit3A_102 : f32 to vector<1x128xf32>
    %select_n3A_105 = arith.select %eq3A_99, %broadcast_in_dim3A_103, %broadcast_in_dim3A_104 : vector<1x128xi1>, vector<1x128xf32>
    %swap3A = arith.constant 0 : index
    %swap3A_106 = arith.constant 0 : index
    %swap3A_107 = vector.load %arg4[%swap3A, %swap3A_106] : memref<1x128xf32, #tpu.memory_space<vmem>>, vector<1x128xf32>
    tpu.vector_store %arg4[%swap3A, %swap3A_106], %select_n3A_105 {strides = array<i32>} : memref<1x128xf32, #tpu.memory_space<vmem>>, vector<1x128xf32>,
    return
  }
}

</mosaic_0001>

<sc_bundles>
// kernel: kernel.10.cloned.1.call-start
scs
__scs_entry_jumppad:
0x0: {  	(pc) =	sbr.rel $0x88, $3  }
0x1: {  	(tag) =	ssettag $0x0;
	lr =	simm.s32 $0x1  }
0x2: {  	[smem:$0x3F9F] =	sst lr;
	_ =	strace $0xD0000000  }
0x3: {  	_ = 	snop  }
0x4: {  	_ = 	snop  }
0x5: {  	_ = 	snop  }
0x6: {  	_ = 	snop  }
0x7: {  	_ = 	snop  }
__scs_overlays_trampoline_lowered:
0x8: {  	[smem:$0x3FAE] =	sst s0  }
0x9: {  	[smem:$0x3FAF] =	sst s1  }
0xa: {  	[smem:$0x3FB0] =	sst s2  }
0xb: {  	[smem:$0x3FB1] =	sst s3  }
0xc: {  	[smem:$0x3FB2] =	sst s4  }
0xd: {  	[smem:$0x3FB3] =	sst s5  }
0xe: {  	[smem:$0x3FB4] =	sst s6  }
0xf: {  	[smem:$0x3FB5] =	sst s7  }
0x10: {  	[smem:$0x3FB6] =	sst s8  }
0x11: {  	[smem:$0x3FB7] =	sst s9;
	s0 =	simm.s32 @!p0 $0x0  }
0x12: {  	s1 =	sld [smem:$0x3F9D];
	s0 =	simm.s32 @p0 $0x1  }
0x13: {  	[smem:$0x3FB8] =	sst s0;
	s0 =	simm.s32 @!p1 $0x0  }
0x14: {  	s2 =	sld [smem:$0x3F9C];
	s0 =	simm.s32 @p1 $0x1  }
0x15: {  	[smem:$0x3FB9] =	sst s0;
	s0 =	simm.s32 @!p2 $0x0  }
0x16: {  	s3 =	sld [smem:$0x3FDB];
	s0 =	simm.s32 @p2 $0x1  }
0x17: {  	s4 =	simm.s32 $0x1BF5;
	[smem:$0x3FBB] =	sst s0  }
0x18: {  	s0 =	sld [smem:$0x3F9E];
	_ =	swait.ge [sflag:s4], $0x0  }
0x19: {  	s7 =	sld [smem:$0x3F9F]  }
0x1a: {  	s8 =	sadd.s32 $0xFFFFE003, lr  }
0x1b: {  	s9 =	sadd.s32 $0xFFFFFEF7, lr;
	s5 =	simm.s32 $0xFFFFFFFF;
	p2 =	slt.u32 s8, $0xFFFFF086  }
0x1c: {  	p1 =	slt.u32 s9, $0xF7A;
	s5 =	simm.s32 @!p2 $0x0  }
0x1d: {  	s5 =	simm.s32 @p1 $0x1;
	p0 =	seq.s32 s7, s2  }
0x1e: {  	s7 =	smul.u32 @!p0 $0xF7A, s2;
	p2 =	seq.s32 @!p0 s5, $0x0  }
0x1f: {  	s9 =	smul.u32 $0xF7A, s1;
	s8 =	simm.s32 @!p0 $0x1BF5;
	p2 =	por !p2, p0  }
0x20: {  	[sflag:s8] =	ssyncset.s32 @!p0 $0xFFFFF086;
	s6 =	sadd.s32 @!p0 s3, s7;
	s7 =	simm.s32 @!p0 $0x108  }
0x21: {  	s3 =	sadd.s32 s3, s9;
	s6 =	sadd.s32 @!p0 $0x88, s6;
	s7 =	simm.s32 @p2 $0x1082  }
0x22: {  	[simem:s7], [sflag:s8] =	dma.local @!p0 [hbm:s6], $0xF7A  }
0x23: {  	s9 =	sor.u32 $0xD0000000, s2;
	s6 =	simm.s32 $0x108;
	_ =	swait.ge @!p0 [sflag:s8], $0x0  }
0x24: {  	s3 =	sadd.s32 $0x88, s3;
	s6 =	simm.s32 @!p1 $0x1082;
	[sflag:s4] =	ssyncset.s32 $0xFFFFF086  }
0x25: {  	[simem:s6], [sflag:s4] =	dma.local [hbm:s3], $0xF7A  }
0x26: {  	[smem:$0x3F9F] =	sst s1;
	(tag) =	ssettag s2;
	_ =	strace s9  }
0x27: {  	s1 =	sld [smem:$0x3FAF]  }
0x28: {  	s2 =	sld [smem:$0x3FB0]  }
0x29: {  	s4 =	sld [smem:$0x3FB2]  }
0x2a: {  	p0 =	seq.s32 s5, $0x0;
	s5 =	sld [smem:$0x3FB3]  }
0x2b: {  	s6 =	sld [smem:$0x3FB4]  }
0x2c: {  	s7 =	sld [smem:$0x3FB5]  }
0x2d: {  	s3 =	simm.s32 $0x108;
	s8 =	sld [smem:$0x3FB6]  }
0x2e: {  	s3 =	simm.s32 @!p0 $0x1082;
	s9 =	sld [smem:$0x3FB7]  }
0x2f: {  	lr =	sadd.s32 s0, s3;
	s0 =	sld [smem:$0x3FAE]  }
0x30: {  	s3 =	sld [smem:$0x3FB1]  }
0x31: {  	[smem:$0x3FBA] =	sst s10  }
0x32: {  	s10 =	sld [smem:$0x3FB8];
	_ =	sdelay $0x3  }
0x33: {  	p0 =	seq.s32 s10, $0x1;
	s10 =	sld [smem:$0x3FBA];
	_ =	sdelay $0x3  }
0x34: {  	[smem:$0x3FBA] =	sst s10  }
0x35: {  	s10 =	sld [smem:$0x3FB9];
	_ =	sdelay $0x3  }
0x36: {  	p1 =	seq.s32 s10, $0x1;
	s10 =	sld [smem:$0x3FBA];
	_ =	sdelay $0x3  }
0x37: {  	[smem:$0x3FBA] =	sst s10  }
0x38: {  	s10 =	sld [smem:$0x3FBB]  }
0x39: {  	_ = 	snop;
	(pc) =	sbr.ind lr, $3  }
0x3a: {  	_ = 	snop  }
0x3b: {  	_ = 	snop  }
0x3c: {  	p2 =	seq.s32 s10, $0x1;
	s10 =	sld [smem:$0x3FBA]  }
0x3d: {  	_ =	shalt  }
0x3e: {  	_ =	shalt  }
0x3f: {  	_ =	shalt  }
0x40: {  	_ =	shalt  }
0x41: {  	_ =	shalt  }
0x42: {  	_ =	shalt  }
0x43: {  	_ =	shalt  }
0x44: {  	_ =	shalt  }
0x45: {  	_ =	shalt  }
0x46: {  	_ =	shalt  }
0x47: {  	_ =	shalt  }
0x48: {  	_ =	shalt  }
0x49: {  	_ =	shalt  }
0x4a: {  	_ =	shalt  }
0x4b: {  	_ =	shalt  }
0x4c: {  	_ =	shalt  }
0x4d: {  	_ =	shalt  }
0x4e: {  	_ =	shalt  }
0x4f: {  	_ =	shalt  }
0x50: {  	_ =	shalt  }
0x51: {  	_ =	shalt  }
0x52: {  	_ =	shalt  }
0x53: {  	_ =	shalt  }
0x54: {  	_ =	shalt  }
0x55: {  	_ =	shalt  }
0x56: {  	_ =	shalt  }
0x57: {  	_ =	shalt  }
0x58: {  	_ =	shalt  }
0x59: {  	_ =	shalt  }
0x5a: {  	_ =	shalt  }
0x5b: {  	_ =	shalt  }
0x5c: {  	_ =	shalt  }
0x5d: {  	_ =	shalt  }
0x5e: {  	_ =	shalt  }
0x5f: {  	_ =	shalt  }
0x60: {  	_ =	shalt  }
0x61: {  	_ =	shalt  }
0x62: {  	_ =	shalt  }
0x63: {  	_ =	shalt  }
0x64: {  	_ =	shalt  }
0x65: {  	_ =	shalt  }
0x66: {  	_ =	shalt  }
0x67: {  	_ =	shalt  }
0x68: {  	_ =	shalt  }
0x69: {  	_ =	shalt  }
0x6a: {  	_ =	shalt  }
0x6b: {  	_ =	shalt  }
0x6c: {  	_ =	shalt  }
0x6d: {  	_ =	shalt  }
0x6e: {  	_ =	shalt  }
0x6f: {  	_ =	shalt  }
0x70: {  	_ =	shalt  }
0x71: {  	_ =	shalt  }
0x72: {  	_ =	shalt  }
0x73: {  	_ =	shalt  }
0x74: {  	_ =	shalt  }
0x75: {  	_ =	shalt  }
0x76: {  	_ =	shalt  }
0x77: {  	_ =	shalt  }
0x78: {  	_ =	shalt  }
0x79: {  	_ =	shalt  }
0x7a: {  	_ =	shalt  }
0x7b: {  	_ =	shalt  }
0x7c: {  	_ =	shalt  }
0x7d: {  	_ =	shalt  }
0x7e: {  	_ =	shalt  }
0x7f: {  	_ =	shalt  }
0x80: {  	_ =	shalt  }
0x81: {  	_ =	shalt  }
0x82: {  	_ =	shalt  }
0x83: {  	_ =	shalt  }
0x84: {  	_ =	shalt  }
0x85: {  	_ =	shalt  }
0x86: {  	_ =	shalt  }
0x87: {  	_ =	shalt  }
.Lfunc_end0:
.L_simem_size_0:
called_computation.1_lowered:
.L_overlay_start_0:
0x88: {  	s2 =	sld [smem:$0x3FD9]  }
0x89: {  	s3 =	sld [smem:$0x3FFE];
	_ =	sdelay $0x1  }
0x8a: {  	s1 =	srdreg.scid  }
0x8b: {  	s0 =	sand.u32 $0x1, s1  }
0x8c: {  	s16 =	sshll.u32 s0, $0xA;
	s2 =	sadd.s32 s3, s2  }
0x8d: {  	s2 =	sadd.s32 s2, s16  }
0x8e: {  	[smem:$0x3FC6] =	sst s2  }
0x8f: {  	_ = 	snop  }
0x90: {  	(tm) =	ssettm $0x1  }
0x91: {  	s17 =	sld [smem:$0x3FFB];
	_ =	sdelay $0x3  }
0x92: {  	_ =	strace s17  }
0x93: {  	s2 =	sld [smem:$0x3FFC];
	_ =	sdelay $0x3  }
0x94: {  	_ =	strace s2  }
0x95: {  	s2 =	sld [smem:$0x3FFD];
	_ =	sdelay $0x3  }
0x96: {  	_ =	strace s2  }
0x97: {  	_ =	strace $0x8FFFFFFF  }
0x98: {  	s18 =	sld [smem:$0x3FDB];
	_ =	sdelay $0x1  }
0x99: {  	s19 =	simm.s32 $_scs_section_size  }
0x9a: {  	s4 =	simm.s32 $_size__tile_overlayer_lowered;
	s5 =	simm.s32 $_tile_overlayer_lowered  }
0x9b: {  	s22 =	simm.s32 $0x1BFF;
	s21 =	sshll.u32 s5, $0x1;
	s2 =	sadd.s32 s19, s18  }
0x9c: {  	s6 =	simm.s32 $0x0;
	s20 =	sshll.u32 s4, $0x1;
	s4 =	sadd.s32 s21, s2  }
0x9d: {  	[timem:s6], [sflag:s22] =	dma.local [hbm:s4], s20  }
0x9e: {  	_ =	swait.ge [sflag:s22], s20  }
0x9f: {  	s3 =	ssub.s32 $0x0, s20;
	[sflag:s22] =	ssyncset.done $0x0  }
0xa0: {  	[sflag:s22] =	ssyncadd.s32 s3;
	_ =	sdelay $0x1  }
0xa1: {  	s23 =	simm.s32 $0x1B8B  }
0xa2: {  	_ =	swait.ge [sflag:s23], $0x1  }
0xa3: {  	[sflag:s23] =	ssyncset.done $0x0  }
0xa4: {  	s25 =	simm.s32 $0x1B8E;
	s24 =	sld [smem:$0x3FFE];
	[sflag:s23] =	ssyncadd.s32 $0xFFFFFFFF  }
0xa5: {  	s26 =	simm.s32 $execute0_lowered;
	[smem:$0x3FD2] =	sst s25  }
0xa6: {  	s4 =	sshll.u32 s26, $0x1;
	_ =	strace $0x80000049;
	[dreg:$0x1] =	wrdreg $0xFFFFFFFF  }
0xa7: {  	s28 =	simm.s32 $_size_execute0_lowered;
	s2 =	sadd.s32 s2, s4;
	[dreg:$0x0] =	wrdreg $0x0  }
0xa8: {  	s4 =	sshll.u32 s28, $0x1;
	[dreg:$0x2] =	wrdreg s2  }
0xa9: {  	[dreg:$0x3] =	wrdreg s4  }
0xaa: {  	[dreg:$0x4] =	wrdreg $0xC0  }
0xab: {  	_ =	task [dreg:s6], $0x5FFFF  }
0xac: {  	[dreg:$0x1] =	wrdreg $0xFFFFFFFF  }
0xad: {  	[dreg:$0x0] =	wrdreg $0x60  }
0xae: {  	[dreg:$0x2] =	wrdreg s24  }
0xaf: {  	[dreg:$0x3] =	wrdreg $0x9  }
0xb0: {  	_ =	task.clear_ibuf [dreg:s6], $0x4FFFF;
	_ =	strace $0x90000049  }
0xb1: {  	s29 =	simm.s32 $0x9;
	_ =	strace $0x8000004B  }
0xb2: {  	_ =	swait.ge [sflag:s29], $0x1  }
0xb3: {  	[sflag:s29] =	ssyncadd.s32 $0xFFFFFFFF  }
0xb4: {  	_ =	strace $0x9000004B  }
0xb5: {  	_ =	sfence  }
0xb6: {  	s30 =	sld [smem:$0x0];
	_ =	sdelay $0x2  }
0xb7: {  	s31 =	sshll.u32 s1, $0xD;
	s1 =	sshrl.u32 s1, $0x2  }
0xb8: {  	s3 =	sand.u32 $0x4000, s31;
	s1 =	sadd.s32 s1, s30  }
0xb9: {  	s0 =	sor.u32 s3, s0;
	s1 =	sshll.u32 s1, $0x11  }
0xba: {  	s0 =	sor.u32 s1, s0  }
0xbb: {  	s0 =	sadd.s32 $0x8F2B, s0  }
0xbc: {  	[sflag:s0] =	ssyncadd.remote.s32 $0x1  }
0xbd: {  	_ =	sfence.sel $0xFFFF  }
0xbe: {  	[dreg:$0x0] =	wrdreg $0xFFFFFFFF;
	(pc) =	sbr.abs _section_cstart, $3  }
0xbf: {  	[dreg:$0x1] =	wrdreg $0xFFFFFFFF  }
0xc0: {  	_ =	task.clear_ibuf [dreg:s6], $0x2FFFF;
	_ =	strace $0x9FFFFFFF  }
0xc1: {  	(tm) =	ssettm $0x7FFFFFFF  }
tec
execute0_lowered:
.L_overlay_start_1:
0x0: {  	(tag) =	ssettag $0x1  }
0x1: {  	s4 =	rddreg [dreg:$0x0]  }
0x2: {  	s0 =	rddreg [dreg:$0x1]  }
0x3: {  	s3 =	srdreg.scid;
	s1 =	stileid.u32;
	s2 =	simm.s32 $0x0  }
0x4: {  	s16 =	simm.s32 $0x10000;
	s17 =	simm.s32 $0x3;
	s18 =	simm.s32 $0x4000  }
0x5: {  	s19 =	simm.s32 $0x1;
	s20 =	simm.s32 $0x8000;
	s21 =	simm.s32 $0xC000  }
0x6: {  	s22 =	simm.s32 $0x2;
	s23 =	simm.s32 $0x80;
	s24 =	simm.s32 $0x400  }
0x7: {  	s25 =	simm.s32 $0x10080;
	s26 =	simm.s32 $0x0;
	s5 =	sand.u32 $0x1, s3  }
0x8: {  	s28 =	sshll.u32 s1, $0x1;
	[smem:$0x7FF] =	sst s2;
	s29 =	sshrl.u32 s1, $0x2  }
0x9: {  	s3 =	sor.u32 s5, s28;
	_ =	strace $0x8000004A;
	s8 =	sshll.u32 s29, $0x11  }
0xa: {  	s5 =	ssub.s32 $0x2, s5;
	s6 =	sshll.u32 s3, $0xE;
	s3 =	sshll.u32 s3, $0x7  }
0xb: {  	s31 =	sshrl.u32 s5, $0x1;
	s11 =	sadd.s32 s6, s4;
	s7 =	sand.u32 $0x380, s3  }
0xc: {  	s6 =	sshll.u32 s29, $0xA;
	s3 =	sadd.s32 $0x81000, s4;
	s15 =	ssub.s32 s5, s31  }
0xd: {  	s8 =	sor.u32 s8, s7;
	s6 =	sor.u32 s6, s7;
	s5 =	sadd.s32 $0x1800, s11  }
0xe: {  	s7 =	sadd.s32 $0x2800, s11;
	s9 =	sadd.s32 $0x3800, s11;
	s10 =	sadd.s32 $0x4000, s11  }
0xf: {  	s15 =	smax.u32 s15, $0x1;
	s30 =	sshrl.u32 s8, $0x3;
	s6 =	sshrl.u32 s6, $0x3  }
0x10: {  	s8 =	sadd.s32 $0x3000, s11;
	s13 =	sadd.s32 s30, s4;
	s14 =	sadd.s32 s6, s4  }
0x11: {  	v1 =	vlaneseq.u32;
	s4 =	sadd.s32 $0x1000, s11;
	s6 =	sadd.s32 $0x2000, s11;
	s11 =	sadd.s32 $0x4800, s11  }
0x12: {  	v0 =	vimm.f32 $0.0e+00;
	v2 =	vimm.f32 $1.000000000e+00;
	v1 =	vmul.u32 $0x400, v1;
	s12 =	sadd.s32 $0x81200, s13;
	s13 =	sadd.s32 $0x91200, s13;
	s14 =	sadd.s32 $0xA1200, s14  }
.LBB2_1:
0x13: {  	s28 =	simm.s32 $0x0;
	s29 =	simm.s32 $0x200  }
.LBB2_2:
0x14: {  	p0 =	sne.s32 s29, $0xFE00;
	[tilespmem:s28+$0xC070] =	vst v0  }
0x15: {  	[tilespmem:s28+$0x8000] =	vst v0  }
0x16: {  	[tilespmem:s28+$0xC000] =	vst v0  }
0x17: {  	[tilespmem:s28+$0x8010] =	vst v0  }
0x18: {  	[tilespmem:s28+$0xC010] =	vst v0  }
0x19: {  	[tilespmem:s28+$0x8020] =	vst v0  }
0x1a: {  	[tilespmem:s28+$0xC020] =	vst v0  }
0x1b: {  	[tilespmem:s28+$0x8030] =	vst v0  }
0x1c: {  	[tilespmem:s28+$0xC030] =	vst v0  }
0x1d: {  	[tilespmem:s28+$0x8040] =	vst v0  }
0x1e: {  	[tilespmem:s28+$0xC040] =	vst v0  }
.Ltmp0:
0x1f: {  	[tilespmem:s28+$0x8050] =	vst v0;
	(pc) =	sbr.rel @p0 .LBB2_2-.Ltmp0, $4  }
0x20: {  	[tilespmem:s28+$0xC050] =	vst v0  }
0x21: {  	[tilespmem:s28+$0x8060] =	vst v0  }
0x22: {  	[tilespmem:s28+$0xC060] =	vst v0  }
0x23: {  	[tilespmem:s28+$0x8070] =	vst v0;
	s28 =	sshra.s32 s29, $0x2;
	s29 =	sadd.s32 $0x200, s29  }
0x24: {  	[tilespmem:s28+$0xC070] =	vst v0  }
0x25: {  	[tilespmem:s28+$0x8000] =	vst v0  }
0x26: {  	[tilespmem:s28+$0xC000] =	vst v0  }
0x27: {  	[tilespmem:s28+$0x8010] =	vst v0  }
0x28: {  	[tilespmem:s28+$0xC010] =	vst v0  }
0x29: {  	[tilespmem:s28+$0x8020] =	vst v0  }
0x2a: {  	[tilespmem:s28+$0xC020] =	vst v0  }
0x2b: {  	[tilespmem:s28+$0x8030] =	vst v0  }
0x2c: {  	[tilespmem:s28+$0xC030] =	vst v0  }
0x2d: {  	[tilespmem:s28+$0x8040] =	vst v0  }
0x2e: {  	[tilespmem:s28+$0xC040] =	vst v0  }
0x2f: {  	[tilespmem:s28+$0x8050] =	vst v0  }
0x30: {  	[tilespmem:s28+$0xC050] =	vst v0  }
0x31: {  	[tilespmem:s28+$0x8060] =	vst v0  }
0x32: {  	[tilespmem:s28+$0xC060] =	vst v0  }
0x33: {  	[tilespmem:s28+$0x8070] =	vst v0;
	s28 =	simm.s32 $0x0  }
0x34: {  	[tilespmem:s16], [sflag:$0x3] =	stream.linear.gather [hbm4b:s3+s28], $0x80, $0x38;
	[tilespmem:$0x10100] =	vst v63  }
0x35: {  	_ =	swait.ge [sflag:s17], $0x80  }
0x36: {  	[sflag:s17] =	ssyncset.done $0x0  }
0x37: {  	[sflag:s17] =	ssyncadd.s32 $0xFFFFFF80  }
0x38: {  	v3 =	vld [tilespmem:$0x10000];
	[tilespmem:s28], [sflag:$0x1] =	stream.linear.gather [hbm4b:s4+s28], $0x4000, $0x38  }
0x39: {  	_ = 	snop  }
0x3a: {  	[tilespmem:s18], [sflag:$0x2] =	stream.linear.gather [hbm4b:s5+s28], $0x4000, $0x38;
	[tilespmem:$0x10100] =	vst v63  }
0x3b: {  	_ =	swait.ge [sflag:s19], $0x4000  }
0x3c: {  	[sflag:s19] =	ssyncset.done $0x0  }
0x3d: {  	v4 =	vimm.f32 $0.0e+00;
	[sflag:s19] =	ssyncadd.s32 $0xFFFFC000  }
.LBB2_4:
0x3e: {  	s29 =	sshra.s32 s28, $0x2  }
0x3f: {  	v5 =	vld [tilespmem:s29+$0x0];
	_ =	sdelay $0x4  }
0x40: {  	v6 =	vshrl.u32 v5, $0x18;
	v7 =	vshrl.u32 v5, $0xE  }
0x41: {  	vm0 =	veq.s32 v6, v3;
	v7 =	vand.u32 $0x3FF, v7  }
0x42: {  	v7 =	vor.u32 v1, v7;
	_ =	sdelay $0x4  }
0x43: {  	[tilespmem:v7+s20+$0x0] =	vst.idx.add.f32.msk vm0, v2  }
0x44: {  	[tilespmem:v7+s21+$0x0] =	vst.idx.add.f32.msk vm0, v5  }
0x45: {  	v7 =	vld [tilespmem:s29+$0x10];
	_ =	sdelay $0x4  }
0x46: {  	v8 =	vshrl.u32 v7, $0x18;
	v9 =	vshrl.u32 v7, $0xE  }
0x47: {  	vm14 =	veq.s32 v8, v3;
	v9 =	vand.u32 $0x3FF, v9  }
0x48: {  	v9 =	vor.u32 v1, v9;
	_ =	sdelay $0x4  }
0x49: {  	[tilespmem:v9+s20+$0x0] =	vst.idx.add.f32.msk vm14, v2  }
0x4a: {  	[tilespmem:v9+s21+$0x0] =	vst.idx.add.f32.msk vm14, v7  }
0x4b: {  	v9 =	vld [tilespmem:s29+$0x20];
	_ =	sdelay $0x4  }
0x4c: {  	v10 =	vshrl.u32 v9, $0x18;
	v11 =	vshrl.u32 v9, $0xE  }
0x4d: {  	vm15 =	veq.s32 v10, v3;
	v11 =	vand.u32 $0x3FF, v11  }
0x4e: {  	v11 =	vor.u32 v1, v11;
	_ =	sdelay $0x4  }
0x4f: {  	[tilespmem:v11+s20+$0x0] =	vst.idx.add.f32.msk vm15, v2  }
0x50: {  	[tilespmem:v11+s21+$0x0] =	vst.idx.add.f32.msk vm15, v9  }
0x51: {  	v11 =	vld [tilespmem:s29+$0x30];
	_ =	sdelay $0x4  }
0x52: {  	v12 =	vshrl.u32 v11, $0x18;
	v13 =	vshrl.u32 v11, $0xE  }
0x53: {  	vm4 =	veq.s32 v12, v3;
	v13 =	vand.u32 $0x3FF, v13  }
0x54: {  	v13 =	vor.u32 v1, v13;
	_ =	sdelay $0x4  }
0x55: {  	[tilespmem:v13+s20+$0x0] =	vst.idx.add.f32.msk vm4, v2  }
0x56: {  	[tilespmem:v13+s21+$0x0] =	vst.idx.add.f32.msk vm4, v11  }
0x57: {  	v13 =	vld [tilespmem:s29+$0x40];
	_ =	sdelay $0x4  }
0x58: {  	v14 =	vshrl.u32 v13, $0x18;
	v15 =	vshrl.u32 v13, $0xE  }
0x59: {  	vm5 =	veq.s32 v14, v3;
	v15 =	vand.u32 $0x3FF, v15  }
0x5a: {  	v15 =	vor.u32 v1, v15;
	_ =	sdelay $0x4  }
0x5b: {  	[tilespmem:v15+s20+$0x0] =	vst.idx.add.f32.msk vm5, v2  }
0x5c: {  	[tilespmem:v15+s21+$0x0] =	vst.idx.add.f32.msk vm5, v13  }
0x5d: {  	v15 =	vld [tilespmem:s29+$0x50];
	_ =	sdelay $0x4  }
0x5e: {  	v16 =	vshrl.u32 v15, $0x18;
	v17 =	vshrl.u32 v15, $0xE  }
0x5f: {  	vm6 =	veq.s32 v16, v3;
	v17 =	vand.u32 $0x3FF, v17  }
0x60: {  	v17 =	vor.u32 v1, v17;
	_ =	sdelay $0x4  }
0x61: {  	[tilespmem:v17+s20+$0x0] =	vst.idx.add.f32.msk vm6, v2  }
0x62: {  	[tilespmem:v17+s21+$0x0] =	vst.idx.add.f32.msk vm6, v15  }
0x63: {  	v17 =	vld [tilespmem:s29+$0x60];
	_ =	sdelay $0x4  }
0x64: {  	v18 =	vshrl.u32 v17, $0x18;
	v19 =	vshrl.u32 v17, $0xE  }
0x65: {  	vm7 =	veq.s32 v18, v3;
	v19 =	vand.u32 $0x3FF, v19  }
0x66: {  	v19 =	vor.u32 v1, v19;
	_ =	sdelay $0x2  }
0x67: {  	vm1 =	vgt.s32 v6, v3  }
0x68: {  	v5 =	vnsel vm1, $0x0, v5  }
0x69: {  	v4 =	vadd.f32 v5, v4;
	vm8 =	vgt.s32 v8, v3;
	[tilespmem:v19+s20+$0x0] =	vst.idx.add.f32.msk vm7, v2  }
0x6a: {  	v5 =	vnsel vm8, $0x0, v7;
	[tilespmem:v19+s21+$0x0] =	vst.idx.add.f32.msk vm7, v17  }
0x6b: {  	v4 =	vadd.f32 v5, v4;
	vm9 =	vgt.s32 v10, v3;
	v5 =	vld [tilespmem:s29+$0x70]  }
0x6c: {  	v6 =	vnsel vm9, $0x0, v9  }
0x6d: {  	v4 =	vadd.f32 v6, v4;
	vm10 =	vgt.s32 v12, v3  }
0x6e: {  	v6 =	vnsel vm10, $0x0, v11  }
0x6f: {  	v4 =	vadd.f32 v6, v4  }
0x70: {  	vm11 =	vgt.s32 v14, v3;
	v6 =	vshrl.u32 v5, $0x18;
	v7 =	vshrl.u32 v5, $0xE  }
0x71: {  	v61 =	vnsel vm11, $0x0, v13;
	vm12 =	veq.s32 v6, v3;
	v7 =	vand.u32 $0x3FF, v7  }
0x72: {  	v4 =	vadd.f32 v61, v4;
	vm13 =	vgt.s32 v16, v3;
	v7 =	vor.u32 v1, v7  }
0x73: {  	p0 =	sne.s32 s28, $0xFE00;
	v62 =	vnsel vm13, $0x0, v15  }
.Ltmp1:
0x74: {  	v4 =	vadd.f32 v62, v4;
	vm14 =	vgt.s32 v18, v3;
	(pc) =	sbr.rel @p0 .LBB2_4-.Ltmp1, $4  }
0x75: {  	v63 =	vnsel vm14, $0x0, v17  }
0x76: {  	v4 =	vadd.f32 v63, v4;
	vm15 =	vgt.s32 v6, v3  }
0x77: {  	v6 =	vnsel vm15, $0x0, v5;
	[tilespmem:v7+s20+$0x0] =	vst.idx.add.f32.msk vm12, v2  }
0x78: {  	s28 =	sadd.s32 $0x200, s28;
	v4 =	vadd.f32 v6, v4;
	[tilespmem:v7+s21+$0x0] =	vst.idx.add.f32.msk vm12, v5  }
0x79: {  	s28 =	simm.s32 $0x0  }
0x7a: {  	[tilespmem:s28], [sflag:$0x1] =	stream.linear.gather [hbm4b:s6+s28], $0x4000, $0x38;
	[tilespmem:$0x10100] =	vst v63  }
0x7b: {  	_ =	swait.ge [sflag:s22], $0x4000  }
0x7c: {  	[sflag:s22] =	ssyncset.done $0x0  }
0x7d: {  	[sflag:s22] =	ssyncadd.s32 $0xFFFFC000  }
.LBB2_6:
0x7e: {  	s29 =	sshra.s32 s28, $0x2  }
0x7f: {  	v5 =	vld [tilespmem:s29+$0x4000];
	_ =	sdelay $0x4  }
0x80: {  	v6 =	vshrl.u32 v5, $0x18;
	v7 =	vshrl.u32 v5, $0xE  }
0x81: {  	vm0 =	veq.s32 v6, v3;
	v7 =	vand.u32 $0x3FF, v7  }
0x82: {  	v7 =	vor.u32 v1, v7;
	_ =	sdelay $0x4  }
0x83: {  	[tilespmem:v7+s20+$0x0] =	vst.idx.add.f32.msk vm0, v2  }
0x84: {  	[tilespmem:v7+s21+$0x0] =	vst.idx.add.f32.msk vm0, v5  }
0x85: {  	v7 =	vld [tilespmem:s29+$0x4010];
	_ =	sdelay $0x4  }
0x86: {  	v8 =	vshrl.u32 v7, $0x18;
	v9 =	vshrl.u32 v7, $0xE  }
0x87: {  	vm14 =	veq.s32 v8, v3;
	v9 =	vand.u32 $0x3FF, v9  }
0x88: {  	v9 =	vor.u32 v1, v9;
	_ =	sdelay $0x4  }
0x89: {  	[tilespmem:v9+s20+$0x0] =	vst.idx.add.f32.msk vm14, v2  }
0x8a: {  	[tilespmem:v9+s21+$0x0] =	vst.idx.add.f32.msk vm14, v7  }
0x8b: {  	v9 =	vld [tilespmem:s29+$0x4020];
	_ =	sdelay $0x4  }
0x8c: {  	v10 =	vshrl.u32 v9, $0x18;
	v11 =	vshrl.u32 v9, $0xE  }
0x8d: {  	vm15 =	veq.s32 v10, v3;
	v11 =	vand.u32 $0x3FF, v11  }
0x8e: {  	v11 =	vor.u32 v1, v11;
	_ =	sdelay $0x4  }
0x8f: {  	[tilespmem:v11+s20+$0x0] =	vst.idx.add.f32.msk vm15, v2  }
0x90: {  	[tilespmem:v11+s21+$0x0] =	vst.idx.add.f32.msk vm15, v9  }
0x91: {  	v11 =	vld [tilespmem:s29+$0x4030];
	_ =	sdelay $0x4  }
0x92: {  	v12 =	vshrl.u32 v11, $0x18;
	v13 =	vshrl.u32 v11, $0xE  }
0x93: {  	vm4 =	veq.s32 v12, v3;
	v13 =	vand.u32 $0x3FF, v13  }
0x94: {  	v13 =	vor.u32 v1, v13;
	_ =	sdelay $0x4  }
0x95: {  	[tilespmem:v13+s20+$0x0] =	vst.idx.add.f32.msk vm4, v2  }
0x96: {  	[tilespmem:v13+s21+$0x0] =	vst.idx.add.f32.msk vm4, v11  }
0x97: {  	v13 =	vld [tilespmem:s29+$0x4040];
	_ =	sdelay $0x4  }
0x98: {  	v14 =	vshrl.u32 v13, $0x18;
	v15 =	vshrl.u32 v13, $0xE  }
0x99: {  	vm5 =	veq.s32 v14, v3;
	v15 =	vand.u32 $0x3FF, v15  }
0x9a: {  	v15 =	vor.u32 v1, v15;
	_ =	sdelay $0x4  }
0x9b: {  	[tilespmem:v15+s20+$0x0] =	vst.idx.add.f32.msk vm5, v2  }
0x9c: {  	[tilespmem:v15+s21+$0x0] =	vst.idx.add.f32.msk vm5, v13  }
0x9d: {  	v15 =	vld [tilespmem:s29+$0x4050];
	_ =	sdelay $0x4  }
0x9e: {  	v16 =	vshrl.u32 v15, $0x18;
	v17 =	vshrl.u32 v15, $0xE  }
0x9f: {  	vm6 =	veq.s32 v16, v3;
	v17 =	vand.u32 $0x3FF, v17  }
0xa0: {  	v17 =	vor.u32 v1, v17;
	_ =	sdelay $0x4  }
0xa1: {  	[tilespmem:v17+s20+$0x0] =	vst.idx.add.f32.msk vm6, v2  }
0xa2: {  	[tilespmem:v17+s21+$0x0] =	vst.idx.add.f32.msk vm6, v15  }
0xa3: {  	v17 =	vld [tilespmem:s29+$0x4060];
	_ =	sdelay $0x4  }
0xa4: {  	v18 =	vshrl.u32 v17, $0x18;
	v19 =	vshrl.u32 v17, $0xE  }
0xa5: {  	vm7 =	veq.s32 v18, v3;
	v19 =	vand.u32 $0x3FF, v19  }
0xa6: {  	v19 =	vor.u32 v1, v19;
	_ =	sdelay $0x2  }
0xa7: {  	vm1 =	vgt.s32 v6, v3  }
0xa8: {  	v5 =	vnsel vm1, $0x0, v5  }
0xa9: {  	v4 =	vadd.f32 v5, v4;
	vm8 =	vgt.s32 v8, v3;
	[tilespmem:v19+s20+$0x0] =	vst.idx.add.f32.msk vm7, v2  }
0xaa: {  	v5 =	vnsel vm8, $0x0, v7;
	[tilespmem:v19+s21+$0x0] =	vst.idx.add.f32.msk vm7, v17  }
0xab: {  	v4 =	vadd.f32 v5, v4;
	vm9 =	vgt.s32 v10, v3;
	v5 =	vld [tilespmem:s29+$0x4070]  }
0xac: {  	v6 =	vnsel vm9, $0x0, v9  }
0xad: {  	v4 =	vadd.f32 v6, v4;
	vm10 =	vgt.s32 v12, v3  }
0xae: {  	v6 =	vnsel vm10, $0x0, v11  }
0xaf: {  	v4 =	vadd.f32 v6, v4  }
0xb0: {  	vm11 =	vgt.s32 v14, v3;
	v6 =	vshrl.u32 v5, $0x18;
	v7 =	vshrl.u32 v5, $0xE  }
0xb1: {  	v61 =	vnsel vm11, $0x0, v13;
	vm12 =	veq.s32 v6, v3;
	v7 =	vand.u32 $0x3FF, v7  }
0xb2: {  	v4 =	vadd.f32 v61, v4;
	vm13 =	vgt.s32 v16, v3;
	v7 =	vor.u32 v1, v7  }
0xb3: {  	p0 =	sne.s32 s28, $0xFE00;
	v62 =	vnsel vm13, $0x0, v15  }
.Ltmp2:
0xb4: {  	v4 =	vadd.f32 v62, v4;
	vm14 =	vgt.s32 v18, v3;
	(pc) =	sbr.rel @p0 .LBB2_6-.Ltmp2, $4  }
0xb5: {  	v63 =	vnsel vm14, $0x0, v17  }
0xb6: {  	v4 =	vadd.f32 v63, v4;
	vm15 =	vgt.s32 v6, v3  }
0xb7: {  	v6 =	vnsel vm15, $0x0, v5;
	[tilespmem:v7+s20+$0x0] =	vst.idx.add.f32.msk vm12, v2  }
0xb8: {  	s28 =	sadd.s32 $0x200, s28;
	v4 =	vadd.f32 v6, v4;
	[tilespmem:v7+s21+$0x0] =	vst.idx.add.f32.msk vm12, v5  }
0xb9: {  	s28 =	simm.s32 $0x0  }
0xba: {  	[tilespmem:s18], [sflag:$0x2] =	stream.linear.gather [hbm4b:s7+s28], $0x4000, $0x38;
	[tilespmem:$0x10100] =	vst v63  }
0xbb: {  	_ =	swait.ge [sflag:s19], $0x4000  }
0xbc: {  	[sflag:s19] =	ssyncset.done $0x0  }
0xbd: {  	[sflag:s19] =	ssyncadd.s32 $0xFFFFC000  }
.LBB2_8:
0xbe: {  	s29 =	sshra.s32 s28, $0x2  }
0xbf: {  	v5 =	vld [tilespmem:s29+$0x0];
	_ =	sdelay $0x4  }
0xc0: {  	v6 =	vshrl.u32 v5, $0x18;
	v7 =	vshrl.u32 v5, $0xE  }
0xc1: {  	vm0 =	veq.s32 v6, v3;
	v7 =	vand.u32 $0x3FF, v7  }
0xc2: {  	v7 =	vor.u32 v1, v7;
	_ =	sdelay $0x4  }
0xc3: {  	[tilespmem:v7+s20+$0x0] =	vst.idx.add.f32.msk vm0, v2  }
0xc4: {  	[tilespmem:v7+s21+$0x0] =	vst.idx.add.f32.msk vm0, v5  }
0xc5: {  	v7 =	vld [tilespmem:s29+$0x10];
	_ =	sdelay $0x4  }
0xc6: {  	v8 =	vshrl.u32 v7, $0x18;
	v9 =	vshrl.u32 v7, $0xE  }
0xc7: {  	vm14 =	veq.s32 v8, v3;
	v9 =	vand.u32 $0x3FF, v9  }
0xc8: {  	v9 =	vor.u32 v1, v9;
	_ =	sdelay $0x4  }
0xc9: {  	[tilespmem:v9+s20+$0x0] =	vst.idx.add.f32.msk vm14, v2  }
0xca: {  	[tilespmem:v9+s21+$0x0] =	vst.idx.add.f32.msk vm14, v7  }
0xcb: {  	v9 =	vld [tilespmem:s29+$0x20];
	_ =	sdelay $0x4  }
0xcc: {  	v10 =	vshrl.u32 v9, $0x18;
	v11 =	vshrl.u32 v9, $0xE  }
0xcd: {  	vm15 =	veq.s32 v10, v3;
	v11 =	vand.u32 $0x3FF, v11  }
0xce: {  	v11 =	vor.u32 v1, v11;
	_ =	sdelay $0x4  }
0xcf: {  	[tilespmem:v11+s20+$0x0] =	vst.idx.add.f32.msk vm15, v2  }
0xd0: {  	[tilespmem:v11+s21+$0x0] =	vst.idx.add.f32.msk vm15, v9  }
0xd1: {  	v11 =	vld [tilespmem:s29+$0x30];
	_ =	sdelay $0x4  }
0xd2: {  	v12 =	vshrl.u32 v11, $0x18;
	v13 =	vshrl.u32 v11, $0xE  }
0xd3: {  	vm4 =	veq.s32 v12, v3;
	v13 =	vand.u32 $0x3FF, v13  }
0xd4: {  	v13 =	vor.u32 v1, v13;
	_ =	sdelay $0x4  }
0xd5: {  	[tilespmem:v13+s20+$0x0] =	vst.idx.add.f32.msk vm4, v2  }
0xd6: {  	[tilespmem:v13+s21+$0x0] =	vst.idx.add.f32.msk vm4, v11  }
0xd7: {  	v13 =	vld [tilespmem:s29+$0x40];
	_ =	sdelay $0x4  }
0xd8: {  	v14 =	vshrl.u32 v13, $0x18;
	v15 =	vshrl.u32 v13, $0xE  }
0xd9: {  	vm5 =	veq.s32 v14, v3;
	v15 =	vand.u32 $0x3FF, v15  }
0xda: {  	v15 =	vor.u32 v1, v15;
	_ =	sdelay $0x4  }
0xdb: {  	[tilespmem:v15+s20+$0x0] =	vst.idx.add.f32.msk vm5, v2  }
0xdc: {  	[tilespmem:v15+s21+$0x0] =	vst.idx.add.f32.msk vm5, v13  }
0xdd: {  	v15 =	vld [tilespmem:s29+$0x50];
	_ =	sdelay $0x4  }
0xde: {  	v16 =	vshrl.u32 v15, $0x18;
	v17 =	vshrl.u32 v15, $0xE  }
0xdf: {  	vm6 =	veq.s32 v16, v3;
	v17 =	vand.u32 $0x3FF, v17  }
0xe0: {  	v17 =	vor.u32 v1, v17;
	_ =	sdelay $0x4  }
0xe1: {  	[tilespmem:v17+s20+$0x0] =	vst.idx.add.f32.msk vm6, v2  }
0xe2: {  	[tilespmem:v17+s21+$0x0] =	vst.idx.add.f32.msk vm6, v15  }
0xe3: {  	v17 =	vld [tilespmem:s29+$0x60];
	_ =	sdelay $0x4  }
0xe4: {  	v18 =	vshrl.u32 v17, $0x18;
	v19 =	vshrl.u32 v17, $0xE  }
0xe5: {  	vm7 =	veq.s32 v18, v3;
	v19 =	vand.u32 $0x3FF, v19  }
0xe6: {  	v19 =	vor.u32 v1, v19;
	_ =	sdelay $0x2  }
0xe7: {  	vm1 =	vgt.s32 v6, v3  }
0xe8: {  	v5 =	vnsel vm1, $0x0, v5  }
0xe9: {  	v4 =	vadd.f32 v5, v4;
	vm8 =	vgt.s32 v8, v3;
	[tilespmem:v19+s20+$0x0] =	vst.idx.add.f32.msk vm7, v2  }
0xea: {  	v5 =	vnsel vm8, $0x0, v7;
	[tilespmem:v19+s21+$0x0] =	vst.idx.add.f32.msk vm7, v17  }
0xeb: {  	v4 =	vadd.f32 v5, v4;
	vm9 =	vgt.s32 v10, v3;
	v5 =	vld [tilespmem:s29+$0x70]  }
0xec: {  	v6 =	vnsel vm9, $0x0, v9  }
0xed: {  	v4 =	vadd.f32 v6, v4;
	vm10 =	vgt.s32 v12, v3  }
0xee: {  	v6 =	vnsel vm10, $0x0, v11  }
0xef: {  	v4 =	vadd.f32 v6, v4  }
0xf0: {  	vm11 =	vgt.s32 v14, v3;
	v6 =	vshrl.u32 v5, $0x18;
	v7 =	vshrl.u32 v5, $0xE  }
0xf1: {  	v61 =	vnsel vm11, $0x0, v13;
	vm12 =	veq.s32 v6, v3;
	v7 =	vand.u32 $0x3FF, v7  }
0xf2: {  	v4 =	vadd.f32 v61, v4;
	vm13 =	vgt.s32 v16, v3;
	v7 =	vor.u32 v1, v7  }
0xf3: {  	p0 =	sne.s32 s28, $0xFE00;
	v62 =	vnsel vm13, $0x0, v15  }
.Ltmp3:
0xf4: {  	v4 =	vadd.f32 v62, v4;
	vm14 =	vgt.s32 v18, v3;
	(pc) =	sbr.rel @p0 .LBB2_8-.Ltmp3, $4  }
0xf5: {  	v63 =	vnsel vm14, $0x0, v17  }
0xf6: {  	v4 =	vadd.f32 v63, v4;
	vm15 =	vgt.s32 v6, v3  }
0xf7: {  	v6 =	vnsel vm15, $0x0, v5;
	[tilespmem:v7+s20+$0x0] =	vst.idx.add.f32.msk vm12, v2  }
0xf8: {  	s28 =	sadd.s32 $0x200, s28;
	v4 =	vadd.f32 v6, v4;
	[tilespmem:v7+s21+$0x0] =	vst.idx.add.f32.msk vm12, v5  }
0xf9: {  	s28 =	simm.s32 $0x0  }
0xfa: {  	[tilespmem:s28], [sflag:$0x1] =	stream.linear.gather [hbm4b:s8+s28], $0x4000, $0x38;
	[tilespmem:$0x10100] =	vst v63  }
0xfb: {  	_ =	swait.ge [sflag:s22], $0x4000  }
0xfc: {  	[sflag:s22] =	ssyncset.done $0x0  }
0xfd: {  	[sflag:s22] =	ssyncadd.s32 $0xFFFFC000  }
.LBB2_10:
0xfe: {  	s29 =	sshra.s32 s28, $0x2  }
0xff: {  	v5 =	vld [tilespmem:s29+$0x4000];
	_ =	sdelay $0x4  }
0x100: {  	v6 =	vshrl.u32 v5, $0x18;
	v7 =	vshrl.u32 v5, $0xE  }
0x101: {  	vm0 =	veq.s32 v6, v3;
	v7 =	vand.u32 $0x3FF, v7  }
0x102: {  	v7 =	vor.u32 v1, v7;
	_ =	sdelay $0x4  }
0x103: {  	[tilespmem:v7+s20+$0x0] =	vst.idx.add.f32.msk vm0, v2  }
0x104: {  	[tilespmem:v7+s21+$0x0] =	vst.idx.add.f32.msk vm0, v5  }
0x105: {  	v7 =	vld [tilespmem:s29+$0x4010];
	_ =	sdelay $0x4  }
0x106: {  	v8 =	vshrl.u32 v7, $0x18;
	v9 =	vshrl.u32 v7, $0xE  }
0x107: {  	vm14 =	veq.s32 v8, v3;
	v9 =	vand.u32 $0x3FF, v9  }
0x108: {  	v9 =	vor.u32 v1, v9;
	_ =	sdelay $0x4  }
0x109: {  	[tilespmem:v9+s20+$0x0] =	vst.idx.add.f32.msk vm14, v2  }
0x10a: {  	[tilespmem:v9+s21+$0x0] =	vst.idx.add.f32.msk vm14, v7  }
0x10b: {  	v9 =	vld [tilespmem:s29+$0x4020];
	_ =	sdelay $0x4  }
0x10c: {  	v10 =	vshrl.u32 v9, $0x18;
	v11 =	vshrl.u32 v9, $0xE  }
0x10d: {  	vm15 =	veq.s32 v10, v3;
	v11 =	vand.u32 $0x3FF, v11  }
0x10e: {  	v11 =	vor.u32 v1, v11;
	_ =	sdelay $0x4  }
0x10f: {  	[tilespmem:v11+s20+$0x0] =	vst.idx.add.f32.msk vm15, v2  }
0x110: {  	[tilespmem:v11+s21+$0x0] =	vst.idx.add.f32.msk vm15, v9  }
0x111: {  	v11 =	vld [tilespmem:s29+$0x4030];
	_ =	sdelay $0x4  }
0x112: {  	v12 =	vshrl.u32 v11, $0x18;
	v13 =	vshrl.u32 v11, $0xE  }
0x113: {  	vm4 =	veq.s32 v12, v3;
	v13 =	vand.u32 $0x3FF, v13  }
0x114: {  	v13 =	vor.u32 v1, v13;
	_ =	sdelay $0x4  }
0x115: {  	[tilespmem:v13+s20+$0x0] =	vst.idx.add.f32.msk vm4, v2  }
0x116: {  	[tilespmem:v13+s21+$0x0] =	vst.idx.add.f32.msk vm4, v11  }
0x117: {  	v13 =	vld [tilespmem:s29+$0x4040];
	_ =	sdelay $0x4  }
0x118: {  	v14 =	vshrl.u32 v13, $0x18;
	v15 =	vshrl.u32 v13, $0xE  }
0x119: {  	vm5 =	veq.s32 v14, v3;
	v15 =	vand.u32 $0x3FF, v15  }
0x11a: {  	v15 =	vor.u32 v1, v15;
	_ =	sdelay $0x4  }
0x11b: {  	[tilespmem:v15+s20+$0x0] =	vst.idx.add.f32.msk vm5, v2  }
0x11c: {  	[tilespmem:v15+s21+$0x0] =	vst.idx.add.f32.msk vm5, v13  }
0x11d: {  	v15 =	vld [tilespmem:s29+$0x4050];
	_ =	sdelay $0x4  }
0x11e: {  	v16 =	vshrl.u32 v15, $0x18;
	v17 =	vshrl.u32 v15, $0xE  }
0x11f: {  	vm6 =	veq.s32 v16, v3;
	v17 =	vand.u32 $0x3FF, v17  }
0x120: {  	v17 =	vor.u32 v1, v17;
	_ =	sdelay $0x4  }
0x121: {  	[tilespmem:v17+s20+$0x0] =	vst.idx.add.f32.msk vm6, v2  }
0x122: {  	[tilespmem:v17+s21+$0x0] =	vst.idx.add.f32.msk vm6, v15  }
0x123: {  	v17 =	vld [tilespmem:s29+$0x4060];
	_ =	sdelay $0x4  }
0x124: {  	v18 =	vshrl.u32 v17, $0x18;
	v19 =	vshrl.u32 v17, $0xE  }
0x125: {  	vm7 =	veq.s32 v18, v3;
	v19 =	vand.u32 $0x3FF, v19  }
0x126: {  	v19 =	vor.u32 v1, v19;
	_ =	sdelay $0x2  }
0x127: {  	vm1 =	vgt.s32 v6, v3  }
0x128: {  	v5 =	vnsel vm1, $0x0, v5  }
0x129: {  	v4 =	vadd.f32 v5, v4;
	vm8 =	vgt.s32 v8, v3;
	[tilespmem:v19+s20+$0x0] =	vst.idx.add.f32.msk vm7, v2  }
0x12a: {  	v5 =	vnsel vm8, $0x0, v7;
	[tilespmem:v19+s21+$0x0] =	vst.idx.add.f32.msk vm7, v17  }
0x12b: {  	v4 =	vadd.f32 v5, v4;
	vm9 =	vgt.s32 v10, v3;
	v5 =	vld [tilespmem:s29+$0x4070]  }
0x12c: {  	v6 =	vnsel vm9, $0x0, v9  }
0x12d: {  	v4 =	vadd.f32 v6, v4;
	vm10 =	vgt.s32 v12, v3  }
0x12e: {  	v6 =	vnsel vm10, $0x0, v11  }
0x12f: {  	v4 =	vadd.f32 v6, v4  }
0x130: {  	vm11 =	vgt.s32 v14, v3;
	v6 =	vshrl.u32 v5, $0x18;
	v7 =	vshrl.u32 v5, $0xE  }
0x131: {  	v61 =	vnsel vm11, $0x0, v13;
	vm12 =	veq.s32 v6, v3;
	v7 =	vand.u32 $0x3FF, v7  }
0x132: {  	v4 =	vadd.f32 v61, v4;
	vm13 =	vgt.s32 v16, v3;
	v7 =	vor.u32 v1, v7  }
0x133: {  	p0 =	sne.s32 s28, $0xFE00;
	v62 =	vnsel vm13, $0x0, v15  }
.Ltmp4:
0x134: {  	v4 =	vadd.f32 v62, v4;
	vm14 =	vgt.s32 v18, v3;
	(pc) =	sbr.rel @p0 .LBB2_10-.Ltmp4, $4  }
0x135: {  	v63 =	vnsel vm14, $0x0, v17  }
0x136: {  	v4 =	vadd.f32 v63, v4;
	vm15 =	vgt.s32 v6, v3  }
0x137: {  	v6 =	vnsel vm15, $0x0, v5;
	[tilespmem:v7+s20+$0x0] =	vst.idx.add.f32.msk vm12, v2  }
0x138: {  	s28 =	sadd.s32 $0x200, s28;
	v4 =	vadd.f32 v6, v4;
	[tilespmem:v7+s21+$0x0] =	vst.idx.add.f32.msk vm12, v5  }
0x139: {  	s28 =	simm.s32 $0x0  }
0x13a: {  	[tilespmem:s18], [sflag:$0x2] =	stream.linear.gather [hbm4b:s9+s28], $0x4000, $0x38;
	[tilespmem:$0x10100] =	vst v63  }
0x13b: {  	_ =	swait.ge [sflag:s19], $0x4000  }
0x13c: {  	[sflag:s19] =	ssyncset.done $0x0  }
0x13d: {  	[sflag:s19] =	ssyncadd.s32 $0xFFFFC000  }
.LBB2_12:
0x13e: {  	s29 =	sshra.s32 s28, $0x2  }
0x13f: {  	v5 =	vld [tilespmem:s29+$0x0];
	_ =	sdelay $0x4  }
0x140: {  	v6 =	vshrl.u32 v5, $0x18;
	v7 =	vshrl.u32 v5, $0xE  }
0x141: {  	vm0 =	veq.s32 v6, v3;
	v7 =	vand.u32 $0x3FF, v7  }
0x142: {  	v7 =	vor.u32 v1, v7;
	_ =	sdelay $0x4  }
0x143: {  	[tilespmem:v7+s20+$0x0] =	vst.idx.add.f32.msk vm0, v2  }
0x144: {  	[tilespmem:v7+s21+$0x0] =	vst.idx.add.f32.msk vm0, v5  }
0x145: {  	v7 =	vld [tilespmem:s29+$0x10];
	_ =	sdelay $0x4  }
0x146: {  	v8 =	vshrl.u32 v7, $0x18;
	v9 =	vshrl.u32 v7, $0xE  }
0x147: {  	vm14 =	veq.s32 v8, v3;
	v9 =	vand.u32 $0x3FF, v9  }
0x148: {  	v9 =	vor.u32 v1, v9;
	_ =	sdelay $0x4  }
0x149: {  	[tilespmem:v9+s20+$0x0] =	vst.idx.add.f32.msk vm14, v2  }
0x14a: {  	[tilespmem:v9+s21+$0x0] =	vst.idx.add.f32.msk vm14, v7  }
0x14b: {  	v9 =	vld [tilespmem:s29+$0x20];
	_ =	sdelay $0x4  }
0x14c: {  	v10 =	vshrl.u32 v9, $0x18;
	v11 =	vshrl.u32 v9, $0xE  }
0x14d: {  	vm15 =	veq.s32 v10, v3;
	v11 =	vand.u32 $0x3FF, v11  }
0x14e: {  	v11 =	vor.u32 v1, v11;
	_ =	sdelay $0x4  }
0x14f: {  	[tilespmem:v11+s20+$0x0] =	vst.idx.add.f32.msk vm15, v2  }
0x150: {  	[tilespmem:v11+s21+$0x0] =	vst.idx.add.f32.msk vm15, v9  }
0x151: {  	v11 =	vld [tilespmem:s29+$0x30];
	_ =	sdelay $0x4  }
0x152: {  	v12 =	vshrl.u32 v11, $0x18;
	v13 =	vshrl.u32 v11, $0xE  }
0x153: {  	vm4 =	veq.s32 v12, v3;
	v13 =	vand.u32 $0x3FF, v13  }
0x154: {  	v13 =	vor.u32 v1, v13;
	_ =	sdelay $0x4  }
0x155: {  	[tilespmem:v13+s20+$0x0] =	vst.idx.add.f32.msk vm4, v2  }
0x156: {  	[tilespmem:v13+s21+$0x0] =	vst.idx.add.f32.msk vm4, v11  }
0x157: {  	v13 =	vld [tilespmem:s29+$0x40];
	_ =	sdelay $0x4  }
0x158: {  	v14 =	vshrl.u32 v13, $0x18;
	v15 =	vshrl.u32 v13, $0xE  }
0x159: {  	vm5 =	veq.s32 v14, v3;
	v15 =	vand.u32 $0x3FF, v15  }
0x15a: {  	v15 =	vor.u32 v1, v15;
	_ =	sdelay $0x4  }
0x15b: {  	[tilespmem:v15+s20+$0x0] =	vst.idx.add.f32.msk vm5, v2  }
0x15c: {  	[tilespmem:v15+s21+$0x0] =	vst.idx.add.f32.msk vm5, v13  }
0x15d: {  	v15 =	vld [tilespmem:s29+$0x50];
	_ =	sdelay $0x4  }
0x15e: {  	v16 =	vshrl.u32 v15, $0x18;
	v17 =	vshrl.u32 v15, $0xE  }
0x15f: {  	vm6 =	veq.s32 v16, v3;
	v17 =	vand.u32 $0x3FF, v17  }
0x160: {  	v17 =	vor.u32 v1, v17;
	_ =	sdelay $0x4  }
0x161: {  	[tilespmem:v17+s20+$0x0] =	vst.idx.add.f32.msk vm6, v2  }
0x162: {  	[tilespmem:v17+s21+$0x0] =	vst.idx.add.f32.msk vm6, v15  }
0x163: {  	v17 =	vld [tilespmem:s29+$0x60];
	_ =	sdelay $0x4  }
0x164: {  	v18 =	vshrl.u32 v17, $0x18;
	v19 =	vshrl.u32 v17, $0xE  }
0x165: {  	vm7 =	veq.s32 v18, v3;
	v19 =	vand.u32 $0x3FF, v19  }
0x166: {  	v19 =	vor.u32 v1, v19;
	_ =	sdelay $0x2  }
0x167: {  	vm1 =	vgt.s32 v6, v3  }
0x168: {  	v5 =	vnsel vm1, $0x0, v5  }
0x169: {  	v4 =	vadd.f32 v5, v4;
	vm8 =	vgt.s32 v8, v3;
	[tilespmem:v19+s20+$0x0] =	vst.idx.add.f32.msk vm7, v2  }
0x16a: {  	v5 =	vnsel vm8, $0x0, v7;
	[tilespmem:v19+s21+$0x0] =	vst.idx.add.f32.msk vm7, v17  }
0x16b: {  	v4 =	vadd.f32 v5, v4;
	vm9 =	vgt.s32 v10, v3;
	v5 =	vld [tilespmem:s29+$0x70]  }
0x16c: {  	v6 =	vnsel vm9, $0x0, v9  }
0x16d: {  	v4 =	vadd.f32 v6, v4;
	vm10 =	vgt.s32 v12, v3  }
0x16e: {  	v6 =	vnsel vm10, $0x0, v11  }
0x16f: {  	v4 =	vadd.f32 v6, v4  }
0x170: {  	vm11 =	vgt.s32 v14, v3;
	v6 =	vshrl.u32 v5, $0x18;
	v7 =	vshrl.u32 v5, $0xE  }
0x171: {  	v61 =	vnsel vm11, $0x0, v13;
	vm12 =	veq.s32 v6, v3;
	v7 =	vand.u32 $0x3FF, v7  }
0x172: {  	v4 =	vadd.f32 v61, v4;
	vm13 =	vgt.s32 v16, v3;
	v7 =	vor.u32 v1, v7  }
0x173: {  	p0 =	sne.s32 s28, $0xFE00;
	v62 =	vnsel vm13, $0x0, v15  }
.Ltmp5:
0x174: {  	v4 =	vadd.f32 v62, v4;
	vm14 =	vgt.s32 v18, v3;
	(pc) =	sbr.rel @p0 .LBB2_12-.Ltmp5, $4  }
0x175: {  	v63 =	vnsel vm14, $0x0, v17  }
0x176: {  	v4 =	vadd.f32 v63, v4;
	vm15 =	vgt.s32 v6, v3  }
0x177: {  	v6 =	vnsel vm15, $0x0, v5;
	[tilespmem:v7+s20+$0x0] =	vst.idx.add.f32.msk vm12, v2  }
0x178: {  	s28 =	sadd.s32 $0x200, s28;
	v4 =	vadd.f32 v6, v4;
	[tilespmem:v7+s21+$0x0] =	vst.idx.add.f32.msk vm12, v5  }
0x179: {  	s28 =	simm.s32 $0x0  }
0x17a: {  	[tilespmem:s28], [sflag:$0x1] =	stream.linear.gather [hbm4b:s10+s28], $0x4000, $0x38;
	[tilespmem:$0x10100] =	vst v63  }
0x17b: {  	_ =	swait.ge [sflag:s22], $0x4000  }
0x17c: {  	[sflag:s22] =	ssyncset.done $0x0  }
0x17d: {  	[sflag:s22] =	ssyncadd.s32 $0xFFFFC000  }
.LBB2_14:
0x17e: {  	s29 =	sshra.s32 s28, $0x2  }
0x17f: {  	v5 =	vld [tilespmem:s29+$0x4000];
	_ =	sdelay $0x4  }
0x180: {  	v6 =	vshrl.u32 v5, $0x18;
	v7 =	vshrl.u32 v5, $0xE  }
0x181: {  	vm0 =	veq.s32 v6, v3;
	v7 =	vand.u32 $0x3FF, v7  }
0x182: {  	v7 =	vor.u32 v1, v7;
	_ =	sdelay $0x4  }
0x183: {  	[tilespmem:v7+s20+$0x0] =	vst.idx.add.f32.msk vm0, v2  }
0x184: {  	[tilespmem:v7+s21+$0x0] =	vst.idx.add.f32.msk vm0, v5  }
0x185: {  	v7 =	vld [tilespmem:s29+$0x4010];
	_ =	sdelay $0x4  }
0x186: {  	v8 =	vshrl.u32 v7, $0x18;
	v9 =	vshrl.u32 v7, $0xE  }
0x187: {  	vm14 =	veq.s32 v8, v3;
	v9 =	vand.u32 $0x3FF, v9  }
0x188: {  	v9 =	vor.u32 v1, v9;
	_ =	sdelay $0x4  }
0x189: {  	[tilespmem:v9+s20+$0x0] =	vst.idx.add.f32.msk vm14, v2  }
0x18a: {  	[tilespmem:v9+s21+$0x0] =	vst.idx.add.f32.msk vm14, v7  }
0x18b: {  	v9 =	vld [tilespmem:s29+$0x4020];
	_ =	sdelay $0x4  }
0x18c: {  	v10 =	vshrl.u32 v9, $0x18;
	v11 =	vshrl.u32 v9, $0xE  }
0x18d: {  	vm15 =	veq.s32 v10, v3;
	v11 =	vand.u32 $0x3FF, v11  }
0x18e: {  	v11 =	vor.u32 v1, v11;
	_ =	sdelay $0x4  }
0x18f: {  	[tilespmem:v11+s20+$0x0] =	vst.idx.add.f32.msk vm15, v2  }
0x190: {  	[tilespmem:v11+s21+$0x0] =	vst.idx.add.f32.msk vm15, v9  }
0x191: {  	v11 =	vld [tilespmem:s29+$0x4030];
	_ =	sdelay $0x4  }
0x192: {  	v12 =	vshrl.u32 v11, $0x18;
	v13 =	vshrl.u32 v11, $0xE  }
0x193: {  	vm4 =	veq.s32 v12, v3;
	v13 =	vand.u32 $0x3FF, v13  }
0x194: {  	v13 =	vor.u32 v1, v13;
	_ =	sdelay $0x4  }
0x195: {  	[tilespmem:v13+s20+$0x0] =	vst.idx.add.f32.msk vm4, v2  }
0x196: {  	[tilespmem:v13+s21+$0x0] =	vst.idx.add.f32.msk vm4, v11  }
0x197: {  	v13 =	vld [tilespmem:s29+$0x4040];
	_ =	sdelay $0x4  }
0x198: {  	v14 =	vshrl.u32 v13, $0x18;
	v15 =	vshrl.u32 v13, $0xE  }
0x199: {  	vm5 =	veq.s32 v14, v3;
	v15 =	vand.u32 $0x3FF, v15  }
0x19a: {  	v15 =	vor.u32 v1, v15;
	_ =	sdelay $0x4  }
0x19b: {  	[tilespmem:v15+s20+$0x0] =	vst.idx.add.f32.msk vm5, v2  }
0x19c: {  	[tilespmem:v15+s21+$0x0] =	vst.idx.add.f32.msk vm5, v13  }
0x19d: {  	v15 =	vld [tilespmem:s29+$0x4050];
	_ =	sdelay $0x4  }
0x19e: {  	v16 =	vshrl.u32 v15, $0x18;
	v17 =	vshrl.u32 v15, $0xE  }
0x19f: {  	vm6 =	veq.s32 v16, v3;
	v17 =	vand.u32 $0x3FF, v17  }
0x1a0: {  	v17 =	vor.u32 v1, v17;
	_ =	sdelay $0x4  }
0x1a1: {  	[tilespmem:v17+s20+$0x0] =	vst.idx.add.f32.msk vm6, v2  }
0x1a2: {  	[tilespmem:v17+s21+$0x0] =	vst.idx.add.f32.msk vm6, v15  }
0x1a3: {  	v17 =	vld [tilespmem:s29+$0x4060];
	_ =	sdelay $0x4  }
0x1a4: {  	v18 =	vshrl.u32 v17, $0x18;
	v19 =	vshrl.u32 v17, $0xE  }
0x1a5: {  	vm7 =	veq.s32 v18, v3;
	v19 =	vand.u32 $0x3FF, v19  }
0x1a6: {  	v19 =	vor.u32 v1, v19;
	_ =	sdelay $0x2  }
0x1a7: {  	vm1 =	vgt.s32 v6, v3  }
0x1a8: {  	v5 =	vnsel vm1, $0x0, v5  }
0x1a9: {  	v4 =	vadd.f32 v5, v4;
	vm8 =	vgt.s32 v8, v3;
	[tilespmem:v19+s20+$0x0] =	vst.idx.add.f32.msk vm7, v2  }
0x1aa: {  	v5 =	vnsel vm8, $0x0, v7;
	[tilespmem:v19+s21+$0x0] =	vst.idx.add.f32.msk vm7, v17  }
0x1ab: {  	v4 =	vadd.f32 v5, v4;
	vm9 =	vgt.s32 v10, v3;
	v5 =	vld [tilespmem:s29+$0x4070]  }
0x1ac: {  	v6 =	vnsel vm9, $0x0, v9  }
0x1ad: {  	v4 =	vadd.f32 v6, v4;
	vm10 =	vgt.s32 v12, v3  }
0x1ae: {  	v6 =	vnsel vm10, $0x0, v11  }
0x1af: {  	v4 =	vadd.f32 v6, v4  }
0x1b0: {  	vm11 =	vgt.s32 v14, v3;
	v6 =	vshrl.u32 v5, $0x18;
	v7 =	vshrl.u32 v5, $0xE  }
0x1b1: {  	v61 =	vnsel vm11, $0x0, v13;
	vm12 =	veq.s32 v6, v3;
	v7 =	vand.u32 $0x3FF, v7  }
0x1b2: {  	v4 =	vadd.f32 v61, v4;
	vm13 =	vgt.s32 v16, v3;
	v7 =	vor.u32 v1, v7  }
0x1b3: {  	p0 =	sne.s32 s28, $0xFE00;
	v62 =	vnsel vm13, $0x0, v15  }
.Ltmp6:
0x1b4: {  	v4 =	vadd.f32 v62, v4;
	vm14 =	vgt.s32 v18, v3;
	(pc) =	sbr.rel @p0 .LBB2_14-.Ltmp6, $4  }
0x1b5: {  	v63 =	vnsel vm14, $0x0, v17  }
0x1b6: {  	v4 =	vadd.f32 v63, v4;
	vm15 =	vgt.s32 v6, v3  }
0x1b7: {  	v6 =	vnsel vm15, $0x0, v5;
	[tilespmem:v7+s20+$0x0] =	vst.idx.add.f32.msk vm12, v2  }
0x1b8: {  	s28 =	sadd.s32 $0x200, s28;
	v4 =	vadd.f32 v6, v4;
	[tilespmem:v7+s21+$0x0] =	vst.idx.add.f32.msk vm12, v5  }
0x1b9: {  	s28 =	simm.s32 $0x0  }
0x1ba: {  	[tilespmem:s18], [sflag:$0x2] =	stream.linear.gather [hbm4b:s11+s28], $0x4000, $0x38;
	[tilespmem:$0x10100] =	vst v63  }
0x1bb: {  	_ =	swait.ge [sflag:s19], $0x4000  }
0x1bc: {  	[sflag:s19] =	ssyncset.done $0x0  }
0x1bd: {  	[sflag:s19] =	ssyncadd.s32 $0xFFFFC000  }
.LBB2_16:
0x1be: {  	s29 =	sshra.s32 s28, $0x2  }
0x1bf: {  	v5 =	vld [tilespmem:s29+$0x0];
	_ =	sdelay $0x4  }
0x1c0: {  	v6 =	vshrl.u32 v5, $0x18;
	v7 =	vshrl.u32 v5, $0xE  }
0x1c1: {  	vm0 =	veq.s32 v6, v3;
	v7 =	vand.u32 $0x3FF, v7  }
0x1c2: {  	v7 =	vor.u32 v1, v7;
	_ =	sdelay $0x4  }
0x1c3: {  	[tilespmem:v7+s20+$0x0] =	vst.idx.add.f32.msk vm0, v2  }
0x1c4: {  	[tilespmem:v7+s21+$0x0] =	vst.idx.add.f32.msk vm0, v5  }
0x1c5: {  	v7 =	vld [tilespmem:s29+$0x10];
	_ =	sdelay $0x4  }
0x1c6: {  	v8 =	vshrl.u32 v7, $0x18;
	v9 =	vshrl.u32 v7, $0xE  }
0x1c7: {  	vm14 =	veq.s32 v8, v3;
	v9 =	vand.u32 $0x3FF, v9  }
0x1c8: {  	v9 =	vor.u32 v1, v9;
	_ =	sdelay $0x4  }
0x1c9: {  	[tilespmem:v9+s20+$0x0] =	vst.idx.add.f32.msk vm14, v2  }
0x1ca: {  	[tilespmem:v9+s21+$0x0] =	vst.idx.add.f32.msk vm14, v7  }
0x1cb: {  	v9 =	vld [tilespmem:s29+$0x20];
	_ =	sdelay $0x4  }
0x1cc: {  	v10 =	vshrl.u32 v9, $0x18;
	v11 =	vshrl.u32 v9, $0xE  }
0x1cd: {  	vm15 =	veq.s32 v10, v3;
	v11 =	vand.u32 $0x3FF, v11  }
0x1ce: {  	v11 =	vor.u32 v1, v11;
	_ =	sdelay $0x4  }
0x1cf: {  	[tilespmem:v11+s20+$0x0] =	vst.idx.add.f32.msk vm15, v2  }
0x1d0: {  	[tilespmem:v11+s21+$0x0] =	vst.idx.add.f32.msk vm15, v9  }
0x1d1: {  	v11 =	vld [tilespmem:s29+$0x30];
	_ =	sdelay $0x4  }
0x1d2: {  	v12 =	vshrl.u32 v11, $0x18;
	v13 =	vshrl.u32 v11, $0xE  }
0x1d3: {  	vm4 =	veq.s32 v12, v3;
	v13 =	vand.u32 $0x3FF, v13  }
0x1d4: {  	v13 =	vor.u32 v1, v13;
	_ =	sdelay $0x4  }
0x1d5: {  	[tilespmem:v13+s20+$0x0] =	vst.idx.add.f32.msk vm4, v2  }
0x1d6: {  	[tilespmem:v13+s21+$0x0] =	vst.idx.add.f32.msk vm4, v11  }
0x1d7: {  	v13 =	vld [tilespmem:s29+$0x40];
	_ =	sdelay $0x4  }
0x1d8: {  	v14 =	vshrl.u32 v13, $0x18;
	v15 =	vshrl.u32 v13, $0xE  }
0x1d9: {  	vm5 =	veq.s32 v14, v3;
	v15 =	vand.u32 $0x3FF, v15  }
0x1da: {  	v15 =	vor.u32 v1, v15;
	_ =	sdelay $0x4  }
0x1db: {  	[tilespmem:v15+s20+$0x0] =	vst.idx.add.f32.msk vm5, v2  }
0x1dc: {  	[tilespmem:v15+s21+$0x0] =	vst.idx.add.f32.msk vm5, v13  }
0x1dd: {  	v15 =	vld [tilespmem:s29+$0x50];
	_ =	sdelay $0x4  }
0x1de: {  	v16 =	vshrl.u32 v15, $0x18;
	v17 =	vshrl.u32 v15, $0xE  }
0x1df: {  	vm6 =	veq.s32 v16, v3;
	v17 =	vand.u32 $0x3FF, v17  }
0x1e0: {  	v17 =	vor.u32 v1, v17;
	_ =	sdelay $0x4  }
0x1e1: {  	[tilespmem:v17+s20+$0x0] =	vst.idx.add.f32.msk vm6, v2  }
0x1e2: {  	[tilespmem:v17+s21+$0x0] =	vst.idx.add.f32.msk vm6, v15  }
0x1e3: {  	v17 =	vld [tilespmem:s29+$0x60];
	_ =	sdelay $0x4  }
0x1e4: {  	v18 =	vshrl.u32 v17, $0x18;
	v19 =	vshrl.u32 v17, $0xE  }
0x1e5: {  	vm7 =	veq.s32 v18, v3;
	v19 =	vand.u32 $0x3FF, v19  }
0x1e6: {  	v19 =	vor.u32 v1, v19;
	_ =	sdelay $0x2  }
0x1e7: {  	vm1 =	vgt.s32 v6, v3  }
0x1e8: {  	v5 =	vnsel vm1, $0x0, v5  }
0x1e9: {  	v4 =	vadd.f32 v5, v4;
	vm8 =	vgt.s32 v8, v3;
	[tilespmem:v19+s20+$0x0] =	vst.idx.add.f32.msk vm7, v2  }
0x1ea: {  	v5 =	vnsel vm8, $0x0, v7;
	[tilespmem:v19+s21+$0x0] =	vst.idx.add.f32.msk vm7, v17  }
0x1eb: {  	v4 =	vadd.f32 v5, v4;
	vm9 =	vgt.s32 v10, v3;
	v5 =	vld [tilespmem:s29+$0x70]  }
0x1ec: {  	v6 =	vnsel vm9, $0x0, v9  }
0x1ed: {  	v4 =	vadd.f32 v6, v4;
	vm10 =	vgt.s32 v12, v3  }
0x1ee: {  	v6 =	vnsel vm10, $0x0, v11  }
0x1ef: {  	v4 =	vadd.f32 v6, v4  }
0x1f0: {  	vm11 =	vgt.s32 v14, v3;
	v6 =	vshrl.u32 v5, $0x18;
	v7 =	vshrl.u32 v5, $0xE  }
0x1f1: {  	v61 =	vnsel vm11, $0x0, v13;
	vm12 =	veq.s32 v6, v3;
	v7 =	vand.u32 $0x3FF, v7  }
0x1f2: {  	v4 =	vadd.f32 v61, v4;
	vm13 =	vgt.s32 v16, v3;
	v7 =	vor.u32 v1, v7  }
0x1f3: {  	p0 =	sne.s32 s28, $0xFE00;
	v62 =	vnsel vm13, $0x0, v15  }
.Ltmp7:
0x1f4: {  	v4 =	vadd.f32 v62, v4;
	vm14 =	vgt.s32 v18, v3;
	(pc) =	sbr.rel @p0 .LBB2_16-.Ltmp7, $4  }
0x1f5: {  	v63 =	vnsel vm14, $0x0, v17  }
0x1f6: {  	v4 =	vadd.f32 v63, v4;
	vm15 =	vgt.s32 v6, v3  }
0x1f7: {  	v6 =	vnsel vm15, $0x0, v5;
	[tilespmem:v7+s20+$0x0] =	vst.idx.add.f32.msk vm12, v2  }
0x1f8: {  	s28 =	sadd.s32 $0x200, s28;
	v4 =	vadd.f32 v6, v4;
	[tilespmem:v7+s21+$0x0] =	vst.idx.add.f32.msk vm12, v5  }
0x1f9: {  	_ =	swait.ge [sflag:s22], $0x4000  }
0x1fa: {  	[sflag:s22] =	ssyncset.done $0x0  }
0x1fb: {  	s28 =	simm.s32 $0x0;
	[sflag:s22] =	ssyncadd.s32 $0xFFFFC000  }
.LBB2_18:
0x1fc: {  	s29 =	sshra.s32 s28, $0x2  }
0x1fd: {  	v5 =	vld [tilespmem:s29+$0x4000];
	_ =	sdelay $0x4  }
0x1fe: {  	v6 =	vshrl.u32 v5, $0x18;
	v7 =	vshrl.u32 v5, $0xE  }
0x1ff: {  	vm0 =	veq.s32 v6, v3;
	v7 =	vand.u32 $0x3FF, v7  }
0x200: {  	v7 =	vor.u32 v1, v7;
	_ =	sdelay $0x4  }
0x201: {  	[tilespmem:v7+s20+$0x0] =	vst.idx.add.f32.msk vm0, v2  }
0x202: {  	[tilespmem:v7+s21+$0x0] =	vst.idx.add.f32.msk vm0, v5  }
0x203: {  	v7 =	vld [tilespmem:s29+$0x4010];
	_ =	sdelay $0x4  }
0x204: {  	v8 =	vshrl.u32 v7, $0x18;
	v9 =	vshrl.u32 v7, $0xE  }
0x205: {  	vm14 =	veq.s32 v8, v3;
	v9 =	vand.u32 $0x3FF, v9  }
0x206: {  	v9 =	vor.u32 v1, v9;
	_ =	sdelay $0x4  }
0x207: {  	[tilespmem:v9+s20+$0x0] =	vst.idx.add.f32.msk vm14, v2  }
0x208: {  	[tilespmem:v9+s21+$0x0] =	vst.idx.add.f32.msk vm14, v7  }
0x209: {  	v9 =	vld [tilespmem:s29+$0x4020];
	_ =	sdelay $0x4  }
0x20a: {  	v10 =	vshrl.u32 v9, $0x18;
	v11 =	vshrl.u32 v9, $0xE  }
0x20b: {  	vm15 =	veq.s32 v10, v3;
	v11 =	vand.u32 $0x3FF, v11  }
0x20c: {  	v11 =	vor.u32 v1, v11;
	_ =	sdelay $0x4  }
0x20d: {  	[tilespmem:v11+s20+$0x0] =	vst.idx.add.f32.msk vm15, v2  }
0x20e: {  	[tilespmem:v11+s21+$0x0] =	vst.idx.add.f32.msk vm15, v9  }
0x20f: {  	v11 =	vld [tilespmem:s29+$0x4030];
	_ =	sdelay $0x4  }
0x210: {  	v12 =	vshrl.u32 v11, $0x18;
	v13 =	vshrl.u32 v11, $0xE  }
0x211: {  	vm4 =	veq.s32 v12, v3;
	v13 =	vand.u32 $0x3FF, v13  }
0x212: {  	v13 =	vor.u32 v1, v13;
	_ =	sdelay $0x4  }
0x213: {  	[tilespmem:v13+s20+$0x0] =	vst.idx.add.f32.msk vm4, v2  }
0x214: {  	[tilespmem:v13+s21+$0x0] =	vst.idx.add.f32.msk vm4, v11  }
0x215: {  	v13 =	vld [tilespmem:s29+$0x4040];
	_ =	sdelay $0x4  }
0x216: {  	v14 =	vshrl.u32 v13, $0x18;
	v15 =	vshrl.u32 v13, $0xE  }
0x217: {  	vm5 =	veq.s32 v14, v3;
	v15 =	vand.u32 $0x3FF, v15  }
0x218: {  	v15 =	vor.u32 v1, v15;
	_ =	sdelay $0x4  }
0x219: {  	[tilespmem:v15+s20+$0x0] =	vst.idx.add.f32.msk vm5, v2  }
0x21a: {  	[tilespmem:v15+s21+$0x0] =	vst.idx.add.f32.msk vm5, v13  }
0x21b: {  	v15 =	vld [tilespmem:s29+$0x4050];
	_ =	sdelay $0x4  }
0x21c: {  	v16 =	vshrl.u32 v15, $0x18;
	v17 =	vshrl.u32 v15, $0xE  }
0x21d: {  	vm6 =	veq.s32 v16, v3;
	v17 =	vand.u32 $0x3FF, v17  }
0x21e: {  	v17 =	vor.u32 v1, v17;
	_ =	sdelay $0x4  }
0x21f: {  	[tilespmem:v17+s20+$0x0] =	vst.idx.add.f32.msk vm6, v2  }
0x220: {  	[tilespmem:v17+s21+$0x0] =	vst.idx.add.f32.msk vm6, v15  }
0x221: {  	v17 =	vld [tilespmem:s29+$0x4060];
	_ =	sdelay $0x4  }
0x222: {  	v18 =	vshrl.u32 v17, $0x18;
	v19 =	vshrl.u32 v17, $0xE  }
0x223: {  	vm7 =	veq.s32 v18, v3;
	v19 =	vand.u32 $0x3FF, v19  }
0x224: {  	v19 =	vor.u32 v1, v19;
	_ =	sdelay $0x2  }
0x225: {  	vm1 =	vgt.s32 v6, v3  }
0x226: {  	v5 =	vnsel vm1, $0x0, v5  }
0x227: {  	v4 =	vadd.f32 v5, v4;
	vm8 =	vgt.s32 v8, v3;
	[tilespmem:v19+s20+$0x0] =	vst.idx.add.f32.msk vm7, v2  }
0x228: {  	v5 =	vnsel vm8, $0x0, v7;
	[tilespmem:v19+s21+$0x0] =	vst.idx.add.f32.msk vm7, v17  }
0x229: {  	v4 =	vadd.f32 v5, v4;
	vm9 =	vgt.s32 v10, v3;
	v5 =	vld [tilespmem:s29+$0x4070]  }
0x22a: {  	v6 =	vnsel vm9, $0x0, v9  }
0x22b: {  	v4 =	vadd.f32 v6, v4;
	vm10 =	vgt.s32 v12, v3  }
0x22c: {  	v6 =	vnsel vm10, $0x0, v11  }
0x22d: {  	v4 =	vadd.f32 v6, v4  }
0x22e: {  	vm11 =	vgt.s32 v14, v3;
	v6 =	vshrl.u32 v5, $0x18;
	v7 =	vshrl.u32 v5, $0xE  }
0x22f: {  	v61 =	vnsel vm11, $0x0, v13;
	vm12 =	veq.s32 v6, v3;
	v7 =	vand.u32 $0x3FF, v7  }
0x230: {  	v4 =	vadd.f32 v61, v4;
	vm13 =	vgt.s32 v16, v3;
	v7 =	vor.u32 v1, v7  }
0x231: {  	p0 =	sne.s32 s28, $0xFE00;
	v62 =	vnsel vm13, $0x0, v15  }
.Ltmp8:
0x232: {  	v4 =	vadd.f32 v62, v4;
	vm14 =	vgt.s32 v18, v3;
	(pc) =	sbr.rel @p0 .LBB2_18-.Ltmp8, $4  }
0x233: {  	v63 =	vnsel vm14, $0x0, v17  }
0x234: {  	v4 =	vadd.f32 v63, v4;
	vm15 =	vgt.s32 v6, v3  }
0x235: {  	v6 =	vnsel vm15, $0x0, v5;
	[tilespmem:v7+s20+$0x0] =	vst.idx.add.f32.msk vm12, v2  }
0x236: {  	s28 =	sadd.s32 $0x200, s28;
	v4 =	vadd.f32 v6, v4;
	[tilespmem:v7+s21+$0x0] =	vst.idx.add.f32.msk vm12, v5  }
0x237: {  	_ = 	snop  }
0x238: {  	[tilespmem:$0x10080] =	vst v4  }
0x239: {  	[hbm4b:s12+s23] =	stream.strided.scatter [tilespmem:s20], [sflag:$0x3], $0x4000, s24, s23, $0x38;
	[tilespmem:$0x10100] =	vst v63  }
0x23a: {  	_ =	swait.ge [sflag:s17], $0x4000  }
0x23b: {  	[sflag:s17] =	ssyncset.done $0x0  }
0x23c: {  	[sflag:s17] =	ssyncadd.s32 $0xFFFFC000  }
0x23d: {  	[hbm4b:s13+s23] =	stream.strided.scatter [tilespmem:s21], [sflag:$0x3], $0x4000, s24, s23, $0x38;
	[tilespmem:$0x10100] =	vst v63  }
0x23e: {  	s26 =	sadd.s32 $0x1, s26;
	_ =	swait.ge [sflag:s17], $0x4000  }
0x23f: {  	p0 =	sne.s32 s26, s15;
	[sflag:s17] =	ssyncset.done $0x0  }
.Ltmp9:
0x240: {  	[sflag:s17] =	ssyncadd.s32 $0xFFFFC000;
	(pc) =	sbr.rel @p0 .LBB2_1-.Ltmp9, $4  }
0x241: {  	[hbm4b:s14+s2] =	stream.linear.scatter [tilespmem:s25], [sflag:$0x3], $0x80, $0x38;
	[tilespmem:$0x10100] =	vst v63  }
0x242: {  	_ =	swait.ge [sflag:s17], $0x80  }
0x243: {  	[sflag:s17] =	ssyncset.done $0x0  }
0x244: {  	[sflag:s17] =	ssyncadd.s32 $0xFFFFFF80  }
0x245: {  	_ =	sfence.sel $0x180000  }
0x246: {  	[bflag:$0x0] =	sbarrier.arrive $0xFFFF  }
0x247: {  	p0 =	sne.s32 s1, $0x0;
	_ =	strace $0x9000004A  }
0x248: {  	s0 =	sadd.s32 @!p0 $0x100000, s0;
	[bflag:$0x2] =	sbarrier.arrive $0xFFFF  }
0x249: {  	[sflag:s0] =	ssyncadd.tile.s32 @!p0 $0x1;
	_ =	shalt  }
.Lfunc_end2:
_tile_overlayer_lowered:
.L_overlay_start_2:
0x24a: {  	(tag) =	ssettag $0x2  }
0x24b: {  	s0 =	rddreg [dreg:$0x0];
	s2 =	stileid.u32  }
0x24c: {  	s1 =	rddreg [dreg:$0x1];
	p0 =	sne.s32 s2, $0x0  }
0x24d: {  	s3 =	rddreg [dreg:$0x2];
	[bflag:$0x3] =	sbarrier.arrive $0xFFFF;
	s2 =	simm.s32 @!p0 $0x1C03  }
0x24e: {  	[timem:s3], [sflag:s2] =	dma.local @!p0 [hbm:s0], s1  }
0x24f: {  	s0 =	simm.s32 @!p0 $0x3  }
0x250: {  	_ =	swait.ge @!p0 [sflag:s0], s1  }
0x251: {  	s1 =	ssub.s32 @!p0 $0x0, s1;
	[sflag:s0] =	ssyncset.done @!p0 $0x0  }
0x252: {  	[sflag:s0] =	ssyncadd.s32 @!p0 s1  }
0x253: {  	[bflag:$0x3] =	sbarrier.arrive $0xFFFF  }
0x254: {  	_ =	shalt  }

// kernel: kernel.7.cloned.1.call-start
scs
__scs_entry_jumppad:
0x0: {  	(pc) =	sbr.rel $0x88, $3  }
0x1: {  	(tag) =	ssettag $0x0;
	lr =	simm.s32 $0x1  }
0x2: {  	[smem:$0x3F9F] =	sst lr;
	_ =	strace $0xD0000000  }
0x3: {  	_ = 	snop  }
0x4: {  	_ = 	snop  }
0x5: {  	_ = 	snop  }
0x6: {  	_ = 	snop  }
0x7: {  	_ = 	snop  }
__scs_overlays_trampoline_lowered:
0x8: {  	[smem:$0x3FAE] =	sst s0  }
0x9: {  	[smem:$0x3FAF] =	sst s1  }
0xa: {  	[smem:$0x3FB0] =	sst s2  }
0xb: {  	[smem:$0x3FB1] =	sst s3  }
0xc: {  	[smem:$0x3FB2] =	sst s4  }
0xd: {  	[smem:$0x3FB3] =	sst s5  }
0xe: {  	[smem:$0x3FB4] =	sst s6  }
0xf: {  	[smem:$0x3FB5] =	sst s7  }
0x10: {  	[smem:$0x3FB6] =	sst s8  }
0x11: {  	[smem:$0x3FB7] =	sst s9;
	s0 =	simm.s32 @!p0 $0x0  }
0x12: {  	s1 =	sld [smem:$0x3F9D];
	s0 =	simm.s32 @p0 $0x1  }
0x13: {  	[smem:$0x3FB8] =	sst s0;
	s0 =	simm.s32 @!p1 $0x0  }
0x14: {  	s2 =	sld [smem:$0x3F9C];
	s0 =	simm.s32 @p1 $0x1  }
0x15: {  	[smem:$0x3FB9] =	sst s0;
	s0 =	simm.s32 @!p2 $0x0  }
0x16: {  	s3 =	sld [smem:$0x3FDB];
	s0 =	simm.s32 @p2 $0x1  }
0x17: {  	s4 =	simm.s32 $0x1BF5;
	[smem:$0x3FBB] =	sst s0  }
0x18: {  	s0 =	sld [smem:$0x3F9E];
	_ =	swait.ge [sflag:s4], $0x0  }
0x19: {  	s7 =	sld [smem:$0x3F9F]  }
0x1a: {  	s8 =	sadd.s32 $0xFFFFE003, lr  }
0x1b: {  	s9 =	sadd.s32 $0xFFFFFEF7, lr;
	s5 =	simm.s32 $0xFFFFFFFF;
	p2 =	slt.u32 s8, $0xFFFFF086  }
0x1c: {  	p1 =	slt.u32 s9, $0xF7A;
	s5 =	simm.s32 @!p2 $0x0  }
0x1d: {  	s5 =	simm.s32 @p1 $0x1;
	p0 =	seq.s32 s7, s2  }
0x1e: {  	s7 =	smul.u32 @!p0 $0xF7A, s2;
	p2 =	seq.s32 @!p0 s5, $0x0  }
0x1f: {  	s9 =	smul.u32 $0xF7A, s1;
	s8 =	simm.s32 @!p0 $0x1BF5;
	p2 =	por !p2, p0  }
0x20: {  	[sflag:s8] =	ssyncset.s32 @!p0 $0xFFFFF086;
	s6 =	sadd.s32 @!p0 s3, s7;
	s7 =	simm.s32 @!p0 $0x108  }
0x21: {  	s3 =	sadd.s32 s3, s9;
	s6 =	sadd.s32 @!p0 $0x88, s6;
	s7 =	simm.s32 @p2 $0x1082  }
0x22: {  	[simem:s7], [sflag:s8] =	dma.local @!p0 [hbm:s6], $0xF7A  }
0x23: {  	s9 =	sor.u32 $0xD0000000, s2;
	s6 =	simm.s32 $0x108;
	_ =	swait.ge @!p0 [sflag:s8], $0x0  }
0x24: {  	s3 =	sadd.s32 $0x88, s3;
	s6 =	simm.s32 @!p1 $0x1082;
	[sflag:s4] =	ssyncset.s32 $0xFFFFF086  }
0x25: {  	[simem:s6], [sflag:s4] =	dma.local [hbm:s3], $0xF7A  }
0x26: {  	[smem:$0x3F9F] =	sst s1;
	(tag) =	ssettag s2;
	_ =	strace s9  }
0x27: {  	s1 =	sld [smem:$0x3FAF]  }
0x28: {  	s2 =	sld [smem:$0x3FB0]  }
0x29: {  	s4 =	sld [smem:$0x3FB2]  }
0x2a: {  	p0 =	seq.s32 s5, $0x0;
	s5 =	sld [smem:$0x3FB3]  }
0x2b: {  	s6 =	sld [smem:$0x3FB4]  }
0x2c: {  	s7 =	sld [smem:$0x3FB5]  }
0x2d: {  	s3 =	simm.s32 $0x108;
	s8 =	sld [smem:$0x3FB6]  }
0x2e: {  	s3 =	simm.s32 @!p0 $0x1082;
	s9 =	sld [smem:$0x3FB7]  }
0x2f: {  	lr =	sadd.s32 s0, s3;
	s0 =	sld [smem:$0x3FAE]  }
0x30: {  	s3 =	sld [smem:$0x3FB1]  }
0x31: {  	[smem:$0x3FBA] =	sst s10  }
0x32: {  	s10 =	sld [smem:$0x3FB8];
	_ =	sdelay $0x3  }
0x33: {  	p0 =	seq.s32 s10, $0x1;
	s10 =	sld [smem:$0x3FBA];
	_ =	sdelay $0x3  }
0x34: {  	[smem:$0x3FBA] =	sst s10  }
0x35: {  	s10 =	sld [smem:$0x3FB9];
	_ =	sdelay $0x3  }
0x36: {  	p1 =	seq.s32 s10, $0x1;
	s10 =	sld [smem:$0x3FBA];
	_ =	sdelay $0x3  }
0x37: {  	[smem:$0x3FBA] =	sst s10  }
0x38: {  	s10 =	sld [smem:$0x3FBB]  }
0x39: {  	_ = 	snop;
	(pc) =	sbr.ind lr, $3  }
0x3a: {  	_ = 	snop  }
0x3b: {  	_ = 	snop  }
0x3c: {  	p2 =	seq.s32 s10, $0x1;
	s10 =	sld [smem:$0x3FBA]  }
0x3d: {  	_ =	shalt  }
0x3e: {  	_ =	shalt  }
0x3f: {  	_ =	shalt  }
0x40: {  	_ =	shalt  }
0x41: {  	_ =	shalt  }
0x42: {  	_ =	shalt  }
0x43: {  	_ =	shalt  }
0x44: {  	_ =	shalt  }
0x45: {  	_ =	shalt  }
0x46: {  	_ =	shalt  }
0x47: {  	_ =	shalt  }
0x48: {  	_ =	shalt  }
0x49: {  	_ =	shalt  }
0x4a: {  	_ =	shalt  }
0x4b: {  	_ =	shalt  }
0x4c: {  	_ =	shalt  }
0x4d: {  	_ =	shalt  }
0x4e: {  	_ =	shalt  }
0x4f: {  	_ =	shalt  }
0x50: {  	_ =	shalt  }
0x51: {  	_ =	shalt  }
0x52: {  	_ =	shalt  }
0x53: {  	_ =	shalt  }
0x54: {  	_ =	shalt  }
0x55: {  	_ =	shalt  }
0x56: {  	_ =	shalt  }
0x57: {  	_ =	shalt  }
0x58: {  	_ =	shalt  }
0x59: {  	_ =	shalt  }
0x5a: {  	_ =	shalt  }
0x5b: {  	_ =	shalt  }
0x5c: {  	_ =	shalt  }
0x5d: {  	_ =	shalt  }
0x5e: {  	_ =	shalt  }
0x5f: {  	_ =	shalt  }
0x60: {  	_ =	shalt  }
0x61: {  	_ =	shalt  }
0x62: {  	_ =	shalt  }
0x63: {  	_ =	shalt  }
0x64: {  	_ =	shalt  }
0x65: {  	_ =	shalt  }
0x66: {  	_ =	shalt  }
0x67: {  	_ =	shalt  }
0x68: {  	_ =	shalt  }
0x69: {  	_ =	shalt  }
0x6a: {  	_ =	shalt  }
0x6b: {  	_ =	shalt  }
0x6c: {  	_ =	shalt  }
0x6d: {  	_ =	shalt  }
0x6e: {  	_ =	shalt  }
0x6f: {  	_ =	shalt  }
0x70: {  	_ =	shalt  }
0x71: {  	_ =	shalt  }
0x72: {  	_ =	shalt  }
0x73: {  	_ =	shalt  }
0x74: {  	_ =	shalt  }
0x75: {  	_ =	shalt  }
0x76: {  	_ =	shalt  }
0x77: {  	_ =	shalt  }
0x78: {  	_ =	shalt  }
0x79: {  	_ =	shalt  }
0x7a: {  	_ =	shalt  }
0x7b: {  	_ =	shalt  }
0x7c: {  	_ =	shalt  }
0x7d: {  	_ =	shalt  }
0x7e: {  	_ =	shalt  }
0x7f: {  	_ =	shalt  }
0x80: {  	_ =	shalt  }
0x81: {  	_ =	shalt  }
0x82: {  	_ =	shalt  }
0x83: {  	_ =	shalt  }
0x84: {  	_ =	shalt  }
0x85: {  	_ =	shalt  }
0x86: {  	_ =	shalt  }
0x87: {  	_ =	shalt  }
.Lfunc_end0:
.L_simem_size_0:
called_computation_lowered:
.L_overlay_start_0:
0x88: {  	s2 =	sld [smem:$0x3FD9]  }
0x89: {  	s3 =	sld [smem:$0x3FFE];
	_ =	sdelay $0x1  }
0x8a: {  	s1 =	srdreg.scid  }
0x8b: {  	s0 =	sand.u32 $0x1, s1  }
0x8c: {  	s16 =	sshll.u32 s0, $0xA;
	s2 =	sadd.s32 s3, s2  }
0x8d: {  	s2 =	sadd.s32 s2, s16  }
0x8e: {  	[smem:$0x3FC6] =	sst s2  }
0x8f: {  	_ = 	snop  }
0x90: {  	(tm) =	ssettm $0x1  }
0x91: {  	s17 =	sld [smem:$0x3FFB];
	_ =	sdelay $0x3  }
0x92: {  	_ =	strace s17  }
0x93: {  	s2 =	sld [smem:$0x3FFC];
	_ =	sdelay $0x3  }
0x94: {  	_ =	strace s2  }
0x95: {  	s2 =	sld [smem:$0x3FFD];
	_ =	sdelay $0x3  }
0x96: {  	_ =	strace s2  }
0x97: {  	_ =	strace $0x8FFFFFFF  }
0x98: {  	s18 =	sld [smem:$0x3FDB];
	_ =	sdelay $0x1  }
0x99: {  	s19 =	simm.s32 $_scs_section_size  }
0x9a: {  	s4 =	simm.s32 $_size__tile_overlayer_lowered;
	s5 =	simm.s32 $_tile_overlayer_lowered  }
0x9b: {  	s22 =	simm.s32 $0x1BFF;
	s21 =	sshll.u32 s5, $0x1;
	s2 =	sadd.s32 s19, s18  }
0x9c: {  	s6 =	simm.s32 $0x0;
	s20 =	sshll.u32 s4, $0x1;
	s4 =	sadd.s32 s21, s2  }
0x9d: {  	[timem:s6], [sflag:s22] =	dma.local [hbm:s4], s20  }
0x9e: {  	_ =	swait.ge [sflag:s22], s20  }
0x9f: {  	s3 =	ssub.s32 $0x0, s20;
	[sflag:s22] =	ssyncset.done $0x0  }
0xa0: {  	[sflag:s22] =	ssyncadd.s32 s3;
	_ =	sdelay $0x1  }
0xa1: {  	s23 =	simm.s32 $0x1B8B  }
0xa2: {  	_ =	swait.ge [sflag:s23], $0x1  }
0xa3: {  	[sflag:s23] =	ssyncset.done $0x0  }
0xa4: {  	s25 =	simm.s32 $0x1B8E;
	s24 =	sld [smem:$0x3FFE];
	[sflag:s23] =	ssyncadd.s32 $0xFFFFFFFF  }
0xa5: {  	s26 =	simm.s32 $execute0_lowered;
	[smem:$0x3FD2] =	sst s25  }
0xa6: {  	s4 =	sshll.u32 s26, $0x1;
	_ =	strace $0x80000046;
	[dreg:$0x1] =	wrdreg $0xFFFFFFFF  }
0xa7: {  	s28 =	simm.s32 $_size_execute0_lowered;
	s2 =	sadd.s32 s2, s4;
	[dreg:$0x0] =	wrdreg $0x0  }
0xa8: {  	s4 =	sshll.u32 s28, $0x1;
	[dreg:$0x2] =	wrdreg s2  }
0xa9: {  	[dreg:$0x3] =	wrdreg s4  }
0xaa: {  	[dreg:$0x4] =	wrdreg $0xC0  }
0xab: {  	_ =	task [dreg:s6], $0x5FFFF  }
0xac: {  	[dreg:$0x1] =	wrdreg $0xFFFFFFFF  }
0xad: {  	[dreg:$0x0] =	wrdreg $0x60  }
0xae: {  	[dreg:$0x2] =	wrdreg s24  }
0xaf: {  	[dreg:$0x3] =	wrdreg $0x9  }
0xb0: {  	_ =	task.clear_ibuf [dreg:s6], $0x4FFFF;
	_ =	strace $0x90000046  }
0xb1: {  	s29 =	simm.s32 $0x9;
	_ =	strace $0x80000048  }
0xb2: {  	_ =	swait.ge [sflag:s29], $0x1  }
0xb3: {  	[sflag:s29] =	ssyncadd.s32 $0xFFFFFFFF  }
0xb4: {  	_ =	strace $0x90000048  }
0xb5: {  	_ =	sfence  }
0xb6: {  	s30 =	sld [smem:$0x0];
	_ =	sdelay $0x2  }
0xb7: {  	s31 =	sshll.u32 s1, $0xD;
	s1 =	sshrl.u32 s1, $0x2  }
0xb8: {  	s3 =	sand.u32 $0x4000, s31;
	s1 =	sadd.s32 s1, s30  }
0xb9: {  	s0 =	sor.u32 s3, s0;
	s1 =	sshll.u32 s1, $0x11  }
0xba: {  	s0 =	sor.u32 s1, s0  }
0xbb: {  	s0 =	sadd.s32 $0x8F2B, s0  }
0xbc: {  	[sflag:s0] =	ssyncadd.remote.s32 $0x1  }
0xbd: {  	_ =	sfence.sel $0xFFFF  }
0xbe: {  	[dreg:$0x0] =	wrdreg $0xFFFFFFFF;
	(pc) =	sbr.abs _section_cstart, $3  }
0xbf: {  	[dreg:$0x1] =	wrdreg $0xFFFFFFFF  }
0xc0: {  	_ =	task.clear_ibuf [dreg:s6], $0x2FFFF;
	_ =	strace $0x9FFFFFFF  }
0xc1: {  	(tm) =	ssettm $0x7FFFFFFF  }
tec
execute0_lowered:
.L_overlay_start_1:
0x0: {  	(tag) =	ssettag $0x1  }
0x1: {  	s3 =	rddreg [dreg:$0x0]  }
0x2: {  	s0 =	rddreg [dreg:$0x1]  }
0x3: {  	s2 =	simm.s32 $0x0;
	s4 =	srdreg.scid;
	s1 =	stileid.u32  }
0x4: {  	s14 =	simm.s32 $0x1;
	s15 =	simm.s32 $0x8000;
	s16 =	simm.s32 $0x2  }
0x5: {  	s17 =	simm.s32 $0x80;
	s18 =	simm.s32 $0x400;
	s19 =	simm.s32 $0x3  }
0x6: {  	[smem:$0x7FF] =	sst s2;
	s4 =	sand.u32 $0x1, s4;
	s5 =	sshll.u32 s1, $0x1  }
0x7: {  	s30 =	sshll.u32 s1, $0xA;
	_ =	strace $0x80000047;
	s7 =	sor.u32 s4, s5  }
0x8: {  	s5 =	sand.u32 $0x3000, s30;
	s4 =	ssub.s32 $0x2, s4;
	s6 =	sshll.u32 s7, $0xE  }
0x9: {  	s11 =	sadd.s32 s5, s3;
	s31 =	sshrl.u32 s4, $0x1;
	s9 =	sshll.u32 s7, $0x4  }
0xa: {  	s10 =	sadd.s32 s6, s3;
	s12 =	ssub.s32 s4, s31;
	s13 =	sand.u32 $0x70, s9  }
0xb: {  	s3 =	sadd.s32 $0x1000, s10;
	s4 =	sadd.s32 $0x1800, s10;
	s5 =	sadd.s32 $0x2000, s10  }
0xc: {  	s6 =	sadd.s32 $0x2800, s10;
	s7 =	sadd.s32 $0x3000, s10;
	s8 =	sadd.s32 $0x3800, s10  }
0xd: {  	v1 =	vlaneseq.u32;
	s9 =	sadd.s32 $0x4000, s10;
	s10 =	sadd.s32 $0x4800, s10;
	s11 =	sadd.s32 s13, s11  }
0xe: {  	v0 =	vimm.f32 $0.0e+00;
	v2 =	vimm.f32 $1.000000000e+00;
	v1 =	vmul.u32 $0x100, v1;
	s12 =	smax.u32 s12, $0x1;
	s13 =	simm.s32 $0x4000;
	s11 =	sadd.s32 $0x81000, s11  }
.LBB2_1:
0xf: {  	s20 =	simm.s32 $0x0;
	s21 =	simm.s32 $0x200  }
.LBB2_2:
0x10: {  	p0 =	sne.s32 s21, $0x3E00;
	[tilespmem:s20+$0x8070] =	vst v0  }
0x11: {  	[tilespmem:s20+$0x8000] =	vst v0  }
0x12: {  	[tilespmem:s20+$0x8010] =	vst v0  }
.Ltmp0:
0x13: {  	[tilespmem:s20+$0x8020] =	vst v0;
	(pc) =	sbr.rel @p0 .LBB2_2-.Ltmp0, $4  }
0x14: {  	[tilespmem:s20+$0x8030] =	vst v0  }
0x15: {  	[tilespmem:s20+$0x8040] =	vst v0  }
0x16: {  	[tilespmem:s20+$0x8050] =	vst v0  }
0x17: {  	[tilespmem:s20+$0x8060] =	vst v0;
	s20 =	sshra.s32 s21, $0x2;
	s21 =	sadd.s32 $0x200, s21  }
0x18: {  	[tilespmem:s20+$0x8070] =	vst v0  }
0x19: {  	[tilespmem:s20+$0x8000] =	vst v0  }
0x1a: {  	[tilespmem:s20+$0x8010] =	vst v0  }
0x1b: {  	[tilespmem:s20+$0x8020] =	vst v0  }
0x1c: {  	[tilespmem:s20+$0x8030] =	vst v0  }
0x1d: {  	[tilespmem:s20+$0x8040] =	vst v0  }
0x1e: {  	[tilespmem:s20+$0x8050] =	vst v0  }
0x1f: {  	[tilespmem:s20+$0x8060] =	vst v0;
	s20 =	simm.s32 $0x0  }
0x20: {  	[tilespmem:s20], [sflag:$0x1] =	stream.linear.gather [hbm4b:s3+s20], $0x4000, $0x38;
	[tilespmem:$0x9000] =	vst v63  }
0x21: {  	_ = 	snop  }
0x22: {  	[tilespmem:s13], [sflag:$0x2] =	stream.linear.gather [hbm4b:s4+s20], $0x4000, $0x38;
	[tilespmem:$0x9000] =	vst v63  }
0x23: {  	_ =	swait.ge [sflag:s14], $0x4000  }
0x24: {  	[sflag:s14] =	ssyncset.done $0x0  }
0x25: {  	[sflag:s14] =	ssyncadd.s32 $0xFFFFC000  }
.LBB2_4:
0x26: {  	s21 =	sshra.s32 s20, $0x2  }
0x27: {  	v3 =	vld [tilespmem:s21+$0x0];
	_ =	sdelay $0x4  }
0x28: {  	v3 =	vshrl.u32 v3, $0x18  }
0x29: {  	v4 =	vand.u32 $0x80, v3  }
0x2a: {  	v3 =	vand.u32 $0x7F, v3;
	v4 =	vor.u32 v1, v4  }
0x2b: {  	v3 =	vor.u32 v3, v4;
	_ =	sdelay $0x4  }
0x2c: {  	[tilespmem:v3+s15+$0x0] =	vst.idx.add.f32.msk $0xffff, v2  }
0x2d: {  	v3 =	vld [tilespmem:s21+$0x10];
	_ =	sdelay $0x4  }
0x2e: {  	v3 =	vshrl.u32 v3, $0x18  }
0x2f: {  	v57 =	vand.u32 $0x80, v3  }
0x30: {  	v3 =	vand.u32 $0x7F, v3;
	v4 =	vor.u32 v1, v57  }
0x31: {  	v3 =	vor.u32 v3, v4;
	_ =	sdelay $0x4  }
0x32: {  	[tilespmem:v3+s15+$0x0] =	vst.idx.add.f32.msk $0xffff, v2  }
0x33: {  	v3 =	vld [tilespmem:s21+$0x20];
	_ =	sdelay $0x4  }
0x34: {  	v3 =	vshrl.u32 v3, $0x18  }
0x35: {  	v58 =	vand.u32 $0x80, v3  }
0x36: {  	v3 =	vand.u32 $0x7F, v3;
	v4 =	vor.u32 v1, v58  }
0x37: {  	v3 =	vor.u32 v3, v4;
	_ =	sdelay $0x4  }
0x38: {  	[tilespmem:v3+s15+$0x0] =	vst.idx.add.f32.msk $0xffff, v2  }
0x39: {  	v3 =	vld [tilespmem:s21+$0x30];
	_ =	sdelay $0x4  }
0x3a: {  	v3 =	vshrl.u32 v3, $0x18  }
0x3b: {  	v59 =	vand.u32 $0x80, v3  }
0x3c: {  	v3 =	vand.u32 $0x7F, v3;
	v4 =	vor.u32 v1, v59  }
0x3d: {  	v3 =	vor.u32 v3, v4;
	_ =	sdelay $0x4  }
0x3e: {  	[tilespmem:v3+s15+$0x0] =	vst.idx.add.f32.msk $0xffff, v2  }
0x3f: {  	v3 =	vld [tilespmem:s21+$0x40];
	_ =	sdelay $0x4  }
0x40: {  	v3 =	vshrl.u32 v3, $0x18  }
0x41: {  	v60 =	vand.u32 $0x80, v3  }
0x42: {  	v3 =	vand.u32 $0x7F, v3;
	v4 =	vor.u32 v1, v60  }
0x43: {  	v3 =	vor.u32 v3, v4;
	_ =	sdelay $0x4  }
0x44: {  	[tilespmem:v3+s15+$0x0] =	vst.idx.add.f32.msk $0xffff, v2  }
0x45: {  	v3 =	vld [tilespmem:s21+$0x50];
	_ =	sdelay $0x4  }
0x46: {  	v3 =	vshrl.u32 v3, $0x18  }
0x47: {  	v61 =	vand.u32 $0x80, v3  }
0x48: {  	v3 =	vand.u32 $0x7F, v3;
	v4 =	vor.u32 v1, v61  }
0x49: {  	v3 =	vor.u32 v3, v4;
	_ =	sdelay $0x4  }
0x4a: {  	[tilespmem:v3+s15+$0x0] =	vst.idx.add.f32.msk $0xffff, v2  }
0x4b: {  	v3 =	vld [tilespmem:s21+$0x60];
	_ =	sdelay $0x4  }
0x4c: {  	v3 =	vshrl.u32 v3, $0x18  }
0x4d: {  	v62 =	vand.u32 $0x80, v3  }
0x4e: {  	v3 =	vand.u32 $0x7F, v3;
	v4 =	vor.u32 v1, v62  }
0x4f: {  	v3 =	vor.u32 v3, v4;
	_ =	sdelay $0x4  }
0x50: {  	[tilespmem:v3+s15+$0x0] =	vst.idx.add.f32.msk $0xffff, v2  }
0x51: {  	v3 =	vld [tilespmem:s21+$0x70];
	_ =	sdelay $0x4  }
0x52: {  	v3 =	vshrl.u32 v3, $0x18  }
0x53: {  	v63 =	vand.u32 $0x80, v3  }
0x54: {  	v3 =	vand.u32 $0x7F, v3;
	v4 =	vor.u32 v1, v63  }
0x55: {  	p0 =	sne.s32 s20, $0xFE00;
	v3 =	vor.u32 v3, v4  }
.Ltmp1:
0x56: {  	_ = 	snop;
	(pc) =	sbr.rel @p0 .LBB2_4-.Ltmp1, $2  }
0x57: {  	_ =	sdelay $0x2  }
0x58: {  	s20 =	sadd.s32 $0x200, s20;
	[tilespmem:v3+s15+$0x0] =	vst.idx.add.f32.msk $0xffff, v2  }
0x59: {  	s20 =	simm.s32 $0x0  }
0x5a: {  	[tilespmem:s20], [sflag:$0x1] =	stream.linear.gather [hbm4b:s5+s20], $0x4000, $0x38;
	[tilespmem:$0x9000] =	vst v63  }
0x5b: {  	_ =	swait.ge [sflag:s16], $0x4000  }
0x5c: {  	[sflag:s16] =	ssyncset.done $0x0  }
0x5d: {  	[sflag:s16] =	ssyncadd.s32 $0xFFFFC000  }
.LBB2_6:
0x5e: {  	s21 =	sshra.s32 s20, $0x2  }
0x5f: {  	v3 =	vld [tilespmem:s21+$0x4000];
	_ =	sdelay $0x4  }
0x60: {  	v3 =	vshrl.u32 v3, $0x18  }
0x61: {  	v4 =	vand.u32 $0x80, v3  }
0x62: {  	v3 =	vand.u32 $0x7F, v3;
	v4 =	vor.u32 v1, v4  }
0x63: {  	v3 =	vor.u32 v3, v4;
	_ =	sdelay $0x4  }
0x64: {  	[tilespmem:v3+s15+$0x0] =	vst.idx.add.f32.msk $0xffff, v2  }
0x65: {  	v3 =	vld [tilespmem:s21+$0x4010];
	_ =	sdelay $0x4  }
0x66: {  	v3 =	vshrl.u32 v3, $0x18  }
0x67: {  	v57 =	vand.u32 $0x80, v3  }
0x68: {  	v3 =	vand.u32 $0x7F, v3;
	v4 =	vor.u32 v1, v57  }
0x69: {  	v3 =	vor.u32 v3, v4;
	_ =	sdelay $0x4  }
0x6a: {  	[tilespmem:v3+s15+$0x0] =	vst.idx.add.f32.msk $0xffff, v2  }
0x6b: {  	v3 =	vld [tilespmem:s21+$0x4020];
	_ =	sdelay $0x4  }
0x6c: {  	v3 =	vshrl.u32 v3, $0x18  }
0x6d: {  	v58 =	vand.u32 $0x80, v3  }
0x6e: {  	v3 =	vand.u32 $0x7F, v3;
	v4 =	vor.u32 v1, v58  }
0x6f: {  	v3 =	vor.u32 v3, v4;
	_ =	sdelay $0x4  }
0x70: {  	[tilespmem:v3+s15+$0x0] =	vst.idx.add.f32.msk $0xffff, v2  }
0x71: {  	v3 =	vld [tilespmem:s21+$0x4030];
	_ =	sdelay $0x4  }
0x72: {  	v3 =	vshrl.u32 v3, $0x18  }
0x73: {  	v59 =	vand.u32 $0x80, v3  }
0x74: {  	v3 =	vand.u32 $0x7F, v3;
	v4 =	vor.u32 v1, v59  }
0x75: {  	v3 =	vor.u32 v3, v4;
	_ =	sdelay $0x4  }
0x76: {  	[tilespmem:v3+s15+$0x0] =	vst.idx.add.f32.msk $0xffff, v2  }
0x77: {  	v3 =	vld [tilespmem:s21+$0x4040];
	_ =	sdelay $0x4  }
0x78: {  	v3 =	vshrl.u32 v3, $0x18  }
0x79: {  	v60 =	vand.u32 $0x80, v3  }
0x7a: {  	v3 =	vand.u32 $0x7F, v3;
	v4 =	vor.u32 v1, v60  }
0x7b: {  	v3 =	vor.u32 v3, v4;
	_ =	sdelay $0x4  }
0x7c: {  	[tilespmem:v3+s15+$0x0] =	vst.idx.add.f32.msk $0xffff, v2  }
0x7d: {  	v3 =	vld [tilespmem:s21+$0x4050];
	_ =	sdelay $0x4  }
0x7e: {  	v3 =	vshrl.u32 v3, $0x18  }
0x7f: {  	v61 =	vand.u32 $0x80, v3  }
0x80: {  	v3 =	vand.u32 $0x7F, v3;
	v4 =	vor.u32 v1, v61  }
0x81: {  	v3 =	vor.u32 v3, v4;
	_ =	sdelay $0x4  }
0x82: {  	[tilespmem:v3+s15+$0x0] =	vst.idx.add.f32.msk $0xffff, v2  }
0x83: {  	v3 =	vld [tilespmem:s21+$0x4060];
	_ =	sdelay $0x4  }
0x84: {  	v3 =	vshrl.u32 v3, $0x18  }
0x85: {  	v62 =	vand.u32 $0x80, v3  }
0x86: {  	v3 =	vand.u32 $0x7F, v3;
	v4 =	vor.u32 v1, v62  }
0x87: {  	v3 =	vor.u32 v3, v4;
	_ =	sdelay $0x4  }
0x88: {  	[tilespmem:v3+s15+$0x0] =	vst.idx.add.f32.msk $0xffff, v2  }
0x89: {  	v3 =	vld [tilespmem:s21+$0x4070];
	_ =	sdelay $0x4  }
0x8a: {  	v3 =	vshrl.u32 v3, $0x18  }
0x8b: {  	v63 =	vand.u32 $0x80, v3  }
0x8c: {  	v3 =	vand.u32 $0x7F, v3;
	v4 =	vor.u32 v1, v63  }
0x8d: {  	p0 =	sne.s32 s20, $0xFE00;
	v3 =	vor.u32 v3, v4  }
.Ltmp2:
0x8e: {  	_ = 	snop;
	(pc) =	sbr.rel @p0 .LBB2_6-.Ltmp2, $2  }
0x8f: {  	_ =	sdelay $0x2  }
0x90: {  	s20 =	sadd.s32 $0x200, s20;
	[tilespmem:v3+s15+$0x0] =	vst.idx.add.f32.msk $0xffff, v2  }
0x91: {  	s20 =	simm.s32 $0x0  }
0x92: {  	[tilespmem:s13], [sflag:$0x2] =	stream.linear.gather [hbm4b:s6+s20], $0x4000, $0x38;
	[tilespmem:$0x9000] =	vst v63  }
0x93: {  	_ =	swait.ge [sflag:s14], $0x4000  }
0x94: {  	[sflag:s14] =	ssyncset.done $0x0  }
0x95: {  	[sflag:s14] =	ssyncadd.s32 $0xFFFFC000  }
.LBB2_8:
0x96: {  	s21 =	sshra.s32 s20, $0x2  }
0x97: {  	v3 =	vld [tilespmem:s21+$0x0];
	_ =	sdelay $0x4  }
0x98: {  	v3 =	vshrl.u32 v3, $0x18  }
0x99: {  	v4 =	vand.u32 $0x80, v3  }
0x9a: {  	v3 =	vand.u32 $0x7F, v3;
	v4 =	vor.u32 v1, v4  }
0x9b: {  	v3 =	vor.u32 v3, v4;
	_ =	sdelay $0x4  }
0x9c: {  	[tilespmem:v3+s15+$0x0] =	vst.idx.add.f32.msk $0xffff, v2  }
0x9d: {  	v3 =	vld [tilespmem:s21+$0x10];
	_ =	sdelay $0x4  }
0x9e: {  	v3 =	vshrl.u32 v3, $0x18  }
0x9f: {  	v57 =	vand.u32 $0x80, v3  }
0xa0: {  	v3 =	vand.u32 $0x7F, v3;
	v4 =	vor.u32 v1, v57  }
0xa1: {  	v3 =	vor.u32 v3, v4;
	_ =	sdelay $0x4  }
0xa2: {  	[tilespmem:v3+s15+$0x0] =	vst.idx.add.f32.msk $0xffff, v2  }
0xa3: {  	v3 =	vld [tilespmem:s21+$0x20];
	_ =	sdelay $0x4  }
0xa4: {  	v3 =	vshrl.u32 v3, $0x18  }
0xa5: {  	v58 =	vand.u32 $0x80, v3  }
0xa6: {  	v3 =	vand.u32 $0x7F, v3;
	v4 =	vor.u32 v1, v58  }
0xa7: {  	v3 =	vor.u32 v3, v4;
	_ =	sdelay $0x4  }
0xa8: {  	[tilespmem:v3+s15+$0x0] =	vst.idx.add.f32.msk $0xffff, v2  }
0xa9: {  	v3 =	vld [tilespmem:s21+$0x30];
	_ =	sdelay $0x4  }
0xaa: {  	v3 =	vshrl.u32 v3, $0x18  }
0xab: {  	v59 =	vand.u32 $0x80, v3  }
0xac: {  	v3 =	vand.u32 $0x7F, v3;
	v4 =	vor.u32 v1, v59  }
0xad: {  	v3 =	vor.u32 v3, v4;
	_ =	sdelay $0x4  }
0xae: {  	[tilespmem:v3+s15+$0x0] =	vst.idx.add.f32.msk $0xffff, v2  }
0xaf: {  	v3 =	vld [tilespmem:s21+$0x40];
	_ =	sdelay $0x4  }
0xb0: {  	v3 =	vshrl.u32 v3, $0x18  }
0xb1: {  	v60 =	vand.u32 $0x80, v3  }
0xb2: {  	v3 =	vand.u32 $0x7F, v3;
	v4 =	vor.u32 v1, v60  }
0xb3: {  	v3 =	vor.u32 v3, v4;
	_ =	sdelay $0x4  }
0xb4: {  	[tilespmem:v3+s15+$0x0] =	vst.idx.add.f32.msk $0xffff, v2  }
0xb5: {  	v3 =	vld [tilespmem:s21+$0x50];
	_ =	sdelay $0x4  }
0xb6: {  	v3 =	vshrl.u32 v3, $0x18  }
0xb7: {  	v61 =	vand.u32 $0x80, v3  }
0xb8: {  	v3 =	vand.u32 $0x7F, v3;
	v4 =	vor.u32 v1, v61  }
0xb9: {  	v3 =	vor.u32 v3, v4;
	_ =	sdelay $0x4  }
0xba: {  	[tilespmem:v3+s15+$0x0] =	vst.idx.add.f32.msk $0xffff, v2  }
0xbb: {  	v3 =	vld [tilespmem:s21+$0x60];
	_ =	sdelay $0x4  }
0xbc: {  	v3 =	vshrl.u32 v3, $0x18  }
0xbd: {  	v62 =	vand.u32 $0x80, v3  }
0xbe: {  	v3 =	vand.u32 $0x7F, v3;
	v4 =	vor.u32 v1, v62  }
0xbf: {  	v3 =	vor.u32 v3, v4;
	_ =	sdelay $0x4  }
0xc0: {  	[tilespmem:v3+s15+$0x0] =	vst.idx.add.f32.msk $0xffff, v2  }
0xc1: {  	v3 =	vld [tilespmem:s21+$0x70];
	_ =	sdelay $0x4  }
0xc2: {  	v3 =	vshrl.u32 v3, $0x18  }
0xc3: {  	v63 =	vand.u32 $0x80, v3  }
0xc4: {  	v3 =	vand.u32 $0x7F, v3;
	v4 =	vor.u32 v1, v63  }
0xc5: {  	p0 =	sne.s32 s20, $0xFE00;
	v3 =	vor.u32 v3, v4  }
.Ltmp3:
0xc6: {  	_ = 	snop;
	(pc) =	sbr.rel @p0 .LBB2_8-.Ltmp3, $2  }
0xc7: {  	_ =	sdelay $0x2  }
0xc8: {  	s20 =	sadd.s32 $0x200, s20;
	[tilespmem:v3+s15+$0x0] =	vst.idx.add.f32.msk $0xffff, v2  }
0xc9: {  	s20 =	simm.s32 $0x0  }
0xca: {  	[tilespmem:s20], [sflag:$0x1] =	stream.linear.gather [hbm4b:s7+s20], $0x4000, $0x38;
	[tilespmem:$0x9000] =	vst v63  }
0xcb: {  	_ =	swait.ge [sflag:s16], $0x4000  }
0xcc: {  	[sflag:s16] =	ssyncset.done $0x0  }
0xcd: {  	[sflag:s16] =	ssyncadd.s32 $0xFFFFC000  }
.LBB2_10:
0xce: {  	s21 =	sshra.s32 s20, $0x2  }
0xcf: {  	v3 =	vld [tilespmem:s21+$0x4000];
	_ =	sdelay $0x4  }
0xd0: {  	v3 =	vshrl.u32 v3, $0x18  }
0xd1: {  	v4 =	vand.u32 $0x80, v3  }
0xd2: {  	v3 =	vand.u32 $0x7F, v3;
	v4 =	vor.u32 v1, v4  }
0xd3: {  	v3 =	vor.u32 v3, v4;
	_ =	sdelay $0x4  }
0xd4: {  	[tilespmem:v3+s15+$0x0] =	vst.idx.add.f32.msk $0xffff, v2  }
0xd5: {  	v3 =	vld [tilespmem:s21+$0x4010];
	_ =	sdelay $0x4  }
0xd6: {  	v3 =	vshrl.u32 v3, $0x18  }
0xd7: {  	v57 =	vand.u32 $0x80, v3  }
0xd8: {  	v3 =	vand.u32 $0x7F, v3;
	v4 =	vor.u32 v1, v57  }
0xd9: {  	v3 =	vor.u32 v3, v4;
	_ =	sdelay $0x4  }
0xda: {  	[tilespmem:v3+s15+$0x0] =	vst.idx.add.f32.msk $0xffff, v2  }
0xdb: {  	v3 =	vld [tilespmem:s21+$0x4020];
	_ =	sdelay $0x4  }
0xdc: {  	v3 =	vshrl.u32 v3, $0x18  }
0xdd: {  	v58 =	vand.u32 $0x80, v3  }
0xde: {  	v3 =	vand.u32 $0x7F, v3;
	v4 =	vor.u32 v1, v58  }
0xdf: {  	v3 =	vor.u32 v3, v4;
	_ =	sdelay $0x4  }
0xe0: {  	[tilespmem:v3+s15+$0x0] =	vst.idx.add.f32.msk $0xffff, v2  }
0xe1: {  	v3 =	vld [tilespmem:s21+$0x4030];
	_ =	sdelay $0x4  }
0xe2: {  	v3 =	vshrl.u32 v3, $0x18  }
0xe3: {  	v59 =	vand.u32 $0x80, v3  }
0xe4: {  	v3 =	vand.u32 $0x7F, v3;
	v4 =	vor.u32 v1, v59  }
0xe5: {  	v3 =	vor.u32 v3, v4;
	_ =	sdelay $0x4  }
0xe6: {  	[tilespmem:v3+s15+$0x0] =	vst.idx.add.f32.msk $0xffff, v2  }
0xe7: {  	v3 =	vld [tilespmem:s21+$0x4040];
	_ =	sdelay $0x4  }
0xe8: {  	v3 =	vshrl.u32 v3, $0x18  }
0xe9: {  	v60 =	vand.u32 $0x80, v3  }
0xea: {  	v3 =	vand.u32 $0x7F, v3;
	v4 =	vor.u32 v1, v60  }
0xeb: {  	v3 =	vor.u32 v3, v4;
	_ =	sdelay $0x4  }
0xec: {  	[tilespmem:v3+s15+$0x0] =	vst.idx.add.f32.msk $0xffff, v2  }
0xed: {  	v3 =	vld [tilespmem:s21+$0x4050];
	_ =	sdelay $0x4  }
0xee: {  	v3 =	vshrl.u32 v3, $0x18  }
0xef: {  	v61 =	vand.u32 $0x80, v3  }
0xf0: {  	v3 =	vand.u32 $0x7F, v3;
	v4 =	vor.u32 v1, v61  }
0xf1: {  	v3 =	vor.u32 v3, v4;
	_ =	sdelay $0x4  }
0xf2: {  	[tilespmem:v3+s15+$0x0] =	vst.idx.add.f32.msk $0xffff, v2  }
0xf3: {  	v3 =	vld [tilespmem:s21+$0x4060];
	_ =	sdelay $0x4  }
0xf4: {  	v3 =	vshrl.u32 v3, $0x18  }
0xf5: {  	v62 =	vand.u32 $0x80, v3  }
0xf6: {  	v3 =	vand.u32 $0x7F, v3;
	v4 =	vor.u32 v1, v62  }
0xf7: {  	v3 =	vor.u32 v3, v4;
	_ =	sdelay $0x4  }
0xf8: {  	[tilespmem:v3+s15+$0x0] =	vst.idx.add.f32.msk $0xffff, v2  }
0xf9: {  	v3 =	vld [tilespmem:s21+$0x4070];
	_ =	sdelay $0x4  }
0xfa: {  	v3 =	vshrl.u32 v3, $0x18  }
0xfb: {  	v63 =	vand.u32 $0x80, v3  }
0xfc: {  	v3 =	vand.u32 $0x7F, v3;
	v4 =	vor.u32 v1, v63  }
0xfd: {  	p0 =	sne.s32 s20, $0xFE00;
	v3 =	vor.u32 v3, v4  }
.Ltmp4:
0xfe: {  	_ = 	snop;
	(pc) =	sbr.rel @p0 .LBB2_10-.Ltmp4, $2  }
0xff: {  	_ =	sdelay $0x2  }
0x100: {  	s20 =	sadd.s32 $0x200, s20;
	[tilespmem:v3+s15+$0x0] =	vst.idx.add.f32.msk $0xffff, v2  }
0x101: {  	s20 =	simm.s32 $0x0  }
0x102: {  	[tilespmem:s13], [sflag:$0x2] =	stream.linear.gather [hbm4b:s8+s20], $0x4000, $0x38;
	[tilespmem:$0x9000] =	vst v63  }
0x103: {  	_ =	swait.ge [sflag:s14], $0x4000  }
0x104: {  	[sflag:s14] =	ssyncset.done $0x0  }
0x105: {  	[sflag:s14] =	ssyncadd.s32 $0xFFFFC000  }
.LBB2_12:
0x106: {  	s21 =	sshra.s32 s20, $0x2  }
0x107: {  	v3 =	vld [tilespmem:s21+$0x0];
	_ =	sdelay $0x4  }
0x108: {  	v3 =	vshrl.u32 v3, $0x18  }
0x109: {  	v4 =	vand.u32 $0x80, v3  }
0x10a: {  	v3 =	vand.u32 $0x7F, v3;
	v4 =	vor.u32 v1, v4  }
0x10b: {  	v3 =	vor.u32 v3, v4;
	_ =	sdelay $0x4  }
0x10c: {  	[tilespmem:v3+s15+$0x0] =	vst.idx.add.f32.msk $0xffff, v2  }
0x10d: {  	v3 =	vld [tilespmem:s21+$0x10];
	_ =	sdelay $0x4  }
0x10e: {  	v3 =	vshrl.u32 v3, $0x18  }
0x10f: {  	v57 =	vand.u32 $0x80, v3  }
0x110: {  	v3 =	vand.u32 $0x7F, v3;
	v4 =	vor.u32 v1, v57  }
0x111: {  	v3 =	vor.u32 v3, v4;
	_ =	sdelay $0x4  }
0x112: {  	[tilespmem:v3+s15+$0x0] =	vst.idx.add.f32.msk $0xffff, v2  }
0x113: {  	v3 =	vld [tilespmem:s21+$0x20];
	_ =	sdelay $0x4  }
0x114: {  	v3 =	vshrl.u32 v3, $0x18  }
0x115: {  	v58 =	vand.u32 $0x80, v3  }
0x116: {  	v3 =	vand.u32 $0x7F, v3;
	v4 =	vor.u32 v1, v58  }
0x117: {  	v3 =	vor.u32 v3, v4;
	_ =	sdelay $0x4  }
0x118: {  	[tilespmem:v3+s15+$0x0] =	vst.idx.add.f32.msk $0xffff, v2  }
0x119: {  	v3 =	vld [tilespmem:s21+$0x30];
	_ =	sdelay $0x4  }
0x11a: {  	v3 =	vshrl.u32 v3, $0x18  }
0x11b: {  	v59 =	vand.u32 $0x80, v3  }
0x11c: {  	v3 =	vand.u32 $0x7F, v3;
	v4 =	vor.u32 v1, v59  }
0x11d: {  	v3 =	vor.u32 v3, v4;
	_ =	sdelay $0x4  }
0x11e: {  	[tilespmem:v3+s15+$0x0] =	vst.idx.add.f32.msk $0xffff, v2  }
0x11f: {  	v3 =	vld [tilespmem:s21+$0x40];
	_ =	sdelay $0x4  }
0x120: {  	v3 =	vshrl.u32 v3, $0x18  }
0x121: {  	v60 =	vand.u32 $0x80, v3  }
0x122: {  	v3 =	vand.u32 $0x7F, v3;
	v4 =	vor.u32 v1, v60  }
0x123: {  	v3 =	vor.u32 v3, v4;
	_ =	sdelay $0x4  }
0x124: {  	[tilespmem:v3+s15+$0x0] =	vst.idx.add.f32.msk $0xffff, v2  }
0x125: {  	v3 =	vld [tilespmem:s21+$0x50];
	_ =	sdelay $0x4  }
0x126: {  	v3 =	vshrl.u32 v3, $0x18  }
0x127: {  	v61 =	vand.u32 $0x80, v3  }
0x128: {  	v3 =	vand.u32 $0x7F, v3;
	v4 =	vor.u32 v1, v61  }
0x129: {  	v3 =	vor.u32 v3, v4;
	_ =	sdelay $0x4  }
0x12a: {  	[tilespmem:v3+s15+$0x0] =	vst.idx.add.f32.msk $0xffff, v2  }
0x12b: {  	v3 =	vld [tilespmem:s21+$0x60];
	_ =	sdelay $0x4  }
0x12c: {  	v3 =	vshrl.u32 v3, $0x18  }
0x12d: {  	v62 =	vand.u32 $0x80, v3  }
0x12e: {  	v3 =	vand.u32 $0x7F, v3;
	v4 =	vor.u32 v1, v62  }
0x12f: {  	v3 =	vor.u32 v3, v4;
	_ =	sdelay $0x4  }
0x130: {  	[tilespmem:v3+s15+$0x0] =	vst.idx.add.f32.msk $0xffff, v2  }
0x131: {  	v3 =	vld [tilespmem:s21+$0x70];
	_ =	sdelay $0x4  }
0x132: {  	v3 =	vshrl.u32 v3, $0x18  }
0x133: {  	v63 =	vand.u32 $0x80, v3  }
0x134: {  	v3 =	vand.u32 $0x7F, v3;
	v4 =	vor.u32 v1, v63  }
0x135: {  	p0 =	sne.s32 s20, $0xFE00;
	v3 =	vor.u32 v3, v4  }
.Ltmp5:
0x136: {  	_ = 	snop;
	(pc) =	sbr.rel @p0 .LBB2_12-.Ltmp5, $2  }
0x137: {  	_ =	sdelay $0x2  }
0x138: {  	s20 =	sadd.s32 $0x200, s20;
	[tilespmem:v3+s15+$0x0] =	vst.idx.add.f32.msk $0xffff, v2  }
0x139: {  	s20 =	simm.s32 $0x0  }
0x13a: {  	[tilespmem:s20], [sflag:$0x1] =	stream.linear.gather [hbm4b:s9+s20], $0x4000, $0x38;
	[tilespmem:$0x9000] =	vst v63  }
0x13b: {  	_ =	swait.ge [sflag:s16], $0x4000  }
0x13c: {  	[sflag:s16] =	ssyncset.done $0x0  }
0x13d: {  	[sflag:s16] =	ssyncadd.s32 $0xFFFFC000  }
.LBB2_14:
0x13e: {  	s21 =	sshra.s32 s20, $0x2  }
0x13f: {  	v3 =	vld [tilespmem:s21+$0x4000];
	_ =	sdelay $0x4  }
0x140: {  	v3 =	vshrl.u32 v3, $0x18  }
0x141: {  	v4 =	vand.u32 $0x80, v3  }
0x142: {  	v3 =	vand.u32 $0x7F, v3;
	v4 =	vor.u32 v1, v4  }
0x143: {  	v3 =	vor.u32 v3, v4;
	_ =	sdelay $0x4  }
0x144: {  	[tilespmem:v3+s15+$0x0] =	vst.idx.add.f32.msk $0xffff, v2  }
0x145: {  	v3 =	vld [tilespmem:s21+$0x4010];
	_ =	sdelay $0x4  }
0x146: {  	v3 =	vshrl.u32 v3, $0x18  }
0x147: {  	v57 =	vand.u32 $0x80, v3  }
0x148: {  	v3 =	vand.u32 $0x7F, v3;
	v4 =	vor.u32 v1, v57  }
0x149: {  	v3 =	vor.u32 v3, v4;
	_ =	sdelay $0x4  }
0x14a: {  	[tilespmem:v3+s15+$0x0] =	vst.idx.add.f32.msk $0xffff, v2  }
0x14b: {  	v3 =	vld [tilespmem:s21+$0x4020];
	_ =	sdelay $0x4  }
0x14c: {  	v3 =	vshrl.u32 v3, $0x18  }
0x14d: {  	v58 =	vand.u32 $0x80, v3  }
0x14e: {  	v3 =	vand.u32 $0x7F, v3;
	v4 =	vor.u32 v1, v58  }
0x14f: {  	v3 =	vor.u32 v3, v4;
	_ =	sdelay $0x4  }
0x150: {  	[tilespmem:v3+s15+$0x0] =	vst.idx.add.f32.msk $0xffff, v2  }
0x151: {  	v3 =	vld [tilespmem:s21+$0x4030];
	_ =	sdelay $0x4  }
0x152: {  	v3 =	vshrl.u32 v3, $0x18  }
0x153: {  	v59 =	vand.u32 $0x80, v3  }
0x154: {  	v3 =	vand.u32 $0x7F, v3;
	v4 =	vor.u32 v1, v59  }
0x155: {  	v3 =	vor.u32 v3, v4;
	_ =	sdelay $0x4  }
0x156: {  	[tilespmem:v3+s15+$0x0] =	vst.idx.add.f32.msk $0xffff, v2  }
0x157: {  	v3 =	vld [tilespmem:s21+$0x4040];
	_ =	sdelay $0x4  }
0x158: {  	v3 =	vshrl.u32 v3, $0x18  }
0x159: {  	v60 =	vand.u32 $0x80, v3  }
0x15a: {  	v3 =	vand.u32 $0x7F, v3;
	v4 =	vor.u32 v1, v60  }
0x15b: {  	v3 =	vor.u32 v3, v4;
	_ =	sdelay $0x4  }
0x15c: {  	[tilespmem:v3+s15+$0x0] =	vst.idx.add.f32.msk $0xffff, v2  }
0x15d: {  	v3 =	vld [tilespmem:s21+$0x4050];
	_ =	sdelay $0x4  }
0x15e: {  	v3 =	vshrl.u32 v3, $0x18  }
0x15f: {  	v61 =	vand.u32 $0x80, v3  }
0x160: {  	v3 =	vand.u32 $0x7F, v3;
	v4 =	vor.u32 v1, v61  }
0x161: {  	v3 =	vor.u32 v3, v4;
	_ =	sdelay $0x4  }
0x162: {  	[tilespmem:v3+s15+$0x0] =	vst.idx.add.f32.msk $0xffff, v2  }
0x163: {  	v3 =	vld [tilespmem:s21+$0x4060];
	_ =	sdelay $0x4  }
0x164: {  	v3 =	vshrl.u32 v3, $0x18  }
0x165: {  	v62 =	vand.u32 $0x80, v3  }
0x166: {  	v3 =	vand.u32 $0x7F, v3;
	v4 =	vor.u32 v1, v62  }
0x167: {  	v3 =	vor.u32 v3, v4;
	_ =	sdelay $0x4  }
0x168: {  	[tilespmem:v3+s15+$0x0] =	vst.idx.add.f32.msk $0xffff, v2  }
0x169: {  	v3 =	vld [tilespmem:s21+$0x4070];
	_ =	sdelay $0x4  }
0x16a: {  	v3 =	vshrl.u32 v3, $0x18  }
0x16b: {  	v63 =	vand.u32 $0x80, v3  }
0x16c: {  	v3 =	vand.u32 $0x7F, v3;
	v4 =	vor.u32 v1, v63  }
0x16d: {  	p0 =	sne.s32 s20, $0xFE00;
	v3 =	vor.u32 v3, v4  }
.Ltmp6:
0x16e: {  	_ = 	snop;
	(pc) =	sbr.rel @p0 .LBB2_14-.Ltmp6, $2  }
0x16f: {  	_ =	sdelay $0x2  }
0x170: {  	s20 =	sadd.s32 $0x200, s20;
	[tilespmem:v3+s15+$0x0] =	vst.idx.add.f32.msk $0xffff, v2  }
0x171: {  	s20 =	simm.s32 $0x0  }
0x172: {  	[tilespmem:s13], [sflag:$0x2] =	stream.linear.gather [hbm4b:s10+s20], $0x4000, $0x38;
	[tilespmem:$0x9000] =	vst v63  }
0x173: {  	_ =	swait.ge [sflag:s14], $0x4000  }
0x174: {  	[sflag:s14] =	ssyncset.done $0x0  }
0x175: {  	[sflag:s14] =	ssyncadd.s32 $0xFFFFC000  }
.LBB2_16:
0x176: {  	s21 =	sshra.s32 s20, $0x2  }
0x177: {  	v3 =	vld [tilespmem:s21+$0x0];
	_ =	sdelay $0x4  }
0x178: {  	v3 =	vshrl.u32 v3, $0x18  }
0x179: {  	v4 =	vand.u32 $0x80, v3  }
0x17a: {  	v3 =	vand.u32 $0x7F, v3;
	v4 =	vor.u32 v1, v4  }
0x17b: {  	v3 =	vor.u32 v3, v4;
	_ =	sdelay $0x4  }
0x17c: {  	[tilespmem:v3+s15+$0x0] =	vst.idx.add.f32.msk $0xffff, v2  }
0x17d: {  	v3 =	vld [tilespmem:s21+$0x10];
	_ =	sdelay $0x4  }
0x17e: {  	v3 =	vshrl.u32 v3, $0x18  }
0x17f: {  	v57 =	vand.u32 $0x80, v3  }
0x180: {  	v3 =	vand.u32 $0x7F, v3;
	v4 =	vor.u32 v1, v57  }
0x181: {  	v3 =	vor.u32 v3, v4;
	_ =	sdelay $0x4  }
0x182: {  	[tilespmem:v3+s15+$0x0] =	vst.idx.add.f32.msk $0xffff, v2  }
0x183: {  	v3 =	vld [tilespmem:s21+$0x20];
	_ =	sdelay $0x4  }
0x184: {  	v3 =	vshrl.u32 v3, $0x18  }
0x185: {  	v58 =	vand.u32 $0x80, v3  }
0x186: {  	v3 =	vand.u32 $0x7F, v3;
	v4 =	vor.u32 v1, v58  }
0x187: {  	v3 =	vor.u32 v3, v4;
	_ =	sdelay $0x4  }
0x188: {  	[tilespmem:v3+s15+$0x0] =	vst.idx.add.f32.msk $0xffff, v2  }
0x189: {  	v3 =	vld [tilespmem:s21+$0x30];
	_ =	sdelay $0x4  }
0x18a: {  	v3 =	vshrl.u32 v3, $0x18  }
0x18b: {  	v59 =	vand.u32 $0x80, v3  }
0x18c: {  	v3 =	vand.u32 $0x7F, v3;
	v4 =	vor.u32 v1, v59  }
0x18d: {  	v3 =	vor.u32 v3, v4;
	_ =	sdelay $0x4  }
0x18e: {  	[tilespmem:v3+s15+$0x0] =	vst.idx.add.f32.msk $0xffff, v2  }
0x18f: {  	v3 =	vld [tilespmem:s21+$0x40];
	_ =	sdelay $0x4  }
0x190: {  	v3 =	vshrl.u32 v3, $0x18  }
0x191: {  	v60 =	vand.u32 $0x80, v3  }
0x192: {  	v3 =	vand.u32 $0x7F, v3;
	v4 =	vor.u32 v1, v60  }
0x193: {  	v3 =	vor.u32 v3, v4;
	_ =	sdelay $0x4  }
0x194: {  	[tilespmem:v3+s15+$0x0] =	vst.idx.add.f32.msk $0xffff, v2  }
0x195: {  	v3 =	vld [tilespmem:s21+$0x50];
	_ =	sdelay $0x4  }
0x196: {  	v3 =	vshrl.u32 v3, $0x18  }
0x197: {  	v61 =	vand.u32 $0x80, v3  }
0x198: {  	v3 =	vand.u32 $0x7F, v3;
	v4 =	vor.u32 v1, v61  }
0x199: {  	v3 =	vor.u32 v3, v4;
	_ =	sdelay $0x4  }
0x19a: {  	[tilespmem:v3+s15+$0x0] =	vst.idx.add.f32.msk $0xffff, v2  }
0x19b: {  	v3 =	vld [tilespmem:s21+$0x60];
	_ =	sdelay $0x4  }
0x19c: {  	v3 =	vshrl.u32 v3, $0x18  }
0x19d: {  	v62 =	vand.u32 $0x80, v3  }
0x19e: {  	v3 =	vand.u32 $0x7F, v3;
	v4 =	vor.u32 v1, v62  }
0x19f: {  	v3 =	vor.u32 v3, v4;
	_ =	sdelay $0x4  }
0x1a0: {  	[tilespmem:v3+s15+$0x0] =	vst.idx.add.f32.msk $0xffff, v2  }
0x1a1: {  	v3 =	vld [tilespmem:s21+$0x70];
	_ =	sdelay $0x4  }
0x1a2: {  	v3 =	vshrl.u32 v3, $0x18  }
0x1a3: {  	v63 =	vand.u32 $0x80, v3  }
0x1a4: {  	v3 =	vand.u32 $0x7F, v3;
	v4 =	vor.u32 v1, v63  }
0x1a5: {  	p0 =	sne.s32 s20, $0xFE00;
	v3 =	vor.u32 v3, v4  }
.Ltmp7:
0x1a6: {  	_ = 	snop;
	(pc) =	sbr.rel @p0 .LBB2_16-.Ltmp7, $2  }
0x1a7: {  	_ =	sdelay $0x2  }
0x1a8: {  	s20 =	sadd.s32 $0x200, s20;
	[tilespmem:v3+s15+$0x0] =	vst.idx.add.f32.msk $0xffff, v2  }
0x1a9: {  	_ =	swait.ge [sflag:s16], $0x4000  }
0x1aa: {  	[sflag:s16] =	ssyncset.done $0x0  }
0x1ab: {  	s20 =	simm.s32 $0x0;
	[sflag:s16] =	ssyncadd.s32 $0xFFFFC000  }
.LBB2_18:
0x1ac: {  	s21 =	sshra.s32 s20, $0x2  }
0x1ad: {  	v3 =	vld [tilespmem:s21+$0x4000];
	_ =	sdelay $0x4  }
0x1ae: {  	v3 =	vshrl.u32 v3, $0x18  }
0x1af: {  	v4 =	vand.u32 $0x80, v3  }
0x1b0: {  	v3 =	vand.u32 $0x7F, v3;
	v4 =	vor.u32 v1, v4  }
0x1b1: {  	v3 =	vor.u32 v3, v4;
	_ =	sdelay $0x4  }
0x1b2: {  	[tilespmem:v3+s15+$0x0] =	vst.idx.add.f32.msk $0xffff, v2  }
0x1b3: {  	v3 =	vld [tilespmem:s21+$0x4010];
	_ =	sdelay $0x4  }
0x1b4: {  	v3 =	vshrl.u32 v3, $0x18  }
0x1b5: {  	v57 =	vand.u32 $0x80, v3  }
0x1b6: {  	v3 =	vand.u32 $0x7F, v3;
	v4 =	vor.u32 v1, v57  }
0x1b7: {  	v3 =	vor.u32 v3, v4;
	_ =	sdelay $0x4  }
0x1b8: {  	[tilespmem:v3+s15+$0x0] =	vst.idx.add.f32.msk $0xffff, v2  }
0x1b9: {  	v3 =	vld [tilespmem:s21+$0x4020];
	_ =	sdelay $0x4  }
0x1ba: {  	v3 =	vshrl.u32 v3, $0x18  }
0x1bb: {  	v58 =	vand.u32 $0x80, v3  }
0x1bc: {  	v3 =	vand.u32 $0x7F, v3;
	v4 =	vor.u32 v1, v58  }
0x1bd: {  	v3 =	vor.u32 v3, v4;
	_ =	sdelay $0x4  }
0x1be: {  	[tilespmem:v3+s15+$0x0] =	vst.idx.add.f32.msk $0xffff, v2  }
0x1bf: {  	v3 =	vld [tilespmem:s21+$0x4030];
	_ =	sdelay $0x4  }
0x1c0: {  	v3 =	vshrl.u32 v3, $0x18  }
0x1c1: {  	v59 =	vand.u32 $0x80, v3  }
0x1c2: {  	v3 =	vand.u32 $0x7F, v3;
	v4 =	vor.u32 v1, v59  }
0x1c3: {  	v3 =	vor.u32 v3, v4;
	_ =	sdelay $0x4  }
0x1c4: {  	[tilespmem:v3+s15+$0x0] =	vst.idx.add.f32.msk $0xffff, v2  }
0x1c5: {  	v3 =	vld [tilespmem:s21+$0x4040];
	_ =	sdelay $0x4  }
0x1c6: {  	v3 =	vshrl.u32 v3, $0x18  }
0x1c7: {  	v60 =	vand.u32 $0x80, v3  }
0x1c8: {  	v3 =	vand.u32 $0x7F, v3;
	v4 =	vor.u32 v1, v60  }
0x1c9: {  	v3 =	vor.u32 v3, v4;
	_ =	sdelay $0x4  }
0x1ca: {  	[tilespmem:v3+s15+$0x0] =	vst.idx.add.f32.msk $0xffff, v2  }
0x1cb: {  	v3 =	vld [tilespmem:s21+$0x4050];
	_ =	sdelay $0x4  }
0x1cc: {  	v3 =	vshrl.u32 v3, $0x18  }
0x1cd: {  	v61 =	vand.u32 $0x80, v3  }
0x1ce: {  	v3 =	vand.u32 $0x7F, v3;
	v4 =	vor.u32 v1, v61  }
0x1cf: {  	v3 =	vor.u32 v3, v4;
	_ =	sdelay $0x4  }
0x1d0: {  	[tilespmem:v3+s15+$0x0] =	vst.idx.add.f32.msk $0xffff, v2  }
0x1d1: {  	v3 =	vld [tilespmem:s21+$0x4060];
	_ =	sdelay $0x4  }
0x1d2: {  	v3 =	vshrl.u32 v3, $0x18  }
0x1d3: {  	v62 =	vand.u32 $0x80, v3  }
0x1d4: {  	v3 =	vand.u32 $0x7F, v3;
	v4 =	vor.u32 v1, v62  }
0x1d5: {  	v3 =	vor.u32 v3, v4;
	_ =	sdelay $0x4  }
0x1d6: {  	[tilespmem:v3+s15+$0x0] =	vst.idx.add.f32.msk $0xffff, v2  }
0x1d7: {  	v3 =	vld [tilespmem:s21+$0x4070];
	_ =	sdelay $0x4  }
0x1d8: {  	v3 =	vshrl.u32 v3, $0x18  }
0x1d9: {  	v63 =	vand.u32 $0x80, v3  }
0x1da: {  	v3 =	vand.u32 $0x7F, v3;
	v4 =	vor.u32 v1, v63  }
0x1db: {  	p0 =	sne.s32 s20, $0xFE00;
	v3 =	vor.u32 v3, v4  }
.Ltmp8:
0x1dc: {  	_ = 	snop;
	(pc) =	sbr.rel @p0 .LBB2_18-.Ltmp8, $2  }
0x1dd: {  	_ =	sdelay $0x2  }
0x1de: {  	s20 =	sadd.s32 $0x200, s20;
	[tilespmem:v3+s15+$0x0] =	vst.idx.add.f32.msk $0xffff, v2  }
0x1df: {  	s2 =	sadd.s32 $0x1, s2  }
0x1e0: {  	p0 =	sne.s32 s2, s12  }
.Ltmp9:
0x1e1: {  	_ = 	snop;
	(pc) =	sbr.rel @p0 .LBB2_1-.Ltmp9, $4  }
0x1e2: {  	[hbm4b:s11+s17] =	stream.strided.scatter [tilespmem:s15], [sflag:$0x3], $0x1000, s18, s17, $0x38;
	[tilespmem:$0x9000] =	vst v63  }
0x1e3: {  	_ =	swait.ge [sflag:s19], $0x1000  }
0x1e4: {  	[sflag:s19] =	ssyncset.done $0x0  }
0x1e5: {  	[sflag:s19] =	ssyncadd.s32 $0xFFFFF000  }
0x1e6: {  	_ =	sfence.sel $0x180000  }
0x1e7: {  	[bflag:$0x0] =	sbarrier.arrive $0xFFFF  }
0x1e8: {  	p0 =	sne.s32 s1, $0x0;
	_ =	strace $0x90000047  }
0x1e9: {  	s0 =	sadd.s32 @!p0 $0x100000, s0;
	[bflag:$0x2] =	sbarrier.arrive $0xFFFF  }
0x1ea: {  	[sflag:s0] =	ssyncadd.tile.s32 @!p0 $0x1;
	_ =	shalt  }
.Lfunc_end2:
_tile_overlayer_lowered:
.L_overlay_start_2:
0x1eb: {  	(tag) =	ssettag $0x2  }
0x1ec: {  	s0 =	rddreg [dreg:$0x0];
	s2 =	stileid.u32  }
0x1ed: {  	s1 =	rddreg [dreg:$0x1];
	p0 =	sne.s32 s2, $0x0  }
0x1ee: {  	s3 =	rddreg [dreg:$0x2];
	[bflag:$0x3] =	sbarrier.arrive $0xFFFF;
	s2 =	simm.s32 @!p0 $0x1C03  }
0x1ef: {  	[timem:s3], [sflag:s2] =	dma.local @!p0 [hbm:s0], s1  }
0x1f0: {  	s0 =	simm.s32 @!p0 $0x3  }
0x1f1: {  	_ =	swait.ge @!p0 [sflag:s0], s1  }
0x1f2: {  	s1 =	ssub.s32 @!p0 $0x0, s1;
	[sflag:s0] =	ssyncset.done @!p0 $0x0  }
0x1f3: {  	[sflag:s0] =	ssyncadd.s32 @!p0 s1  }
0x1f4: {  	[bflag:$0x3] =	sbarrier.arrive $0xFFFF  }
0x1f5: {  	_ =	shalt  }

</sc_bundles>
